<compile_context>
chip_gen: v7x
topology: tpu7x:2x2x1
jax: 0.10.2.dev20260603
libtpu: 0.0.44.dev20260713+nightly
codegen_flags: <defaults>
</compile_context>

<pallas_src>
import jax
import jax.numpy as jnp
from jax import lax
from jax.experimental import pallas as pl
from jax.experimental.pallas import tpu as pltpu
from jax.experimental.pallas import tpu_sc as plsc

N = 10000
DIM = 128
H = 4
C = 32
E = 320000
E_TOT = E + N
N_PAD = 10240
HALF = N_PAD // 2
NW = 32
BE = 128
NB = 81
EPW = NB * BE
E_PAD = NW * EPW
SRC_PAD = N_PAD - 1
ROWS_PER_TILE = HALF // 16
DEN_PER_TILE = HALF * H // 16

_f32 = jnp.float32
_i32 = jnp.int32


def _pre_body(x_ref, wg_ref, as_ref, ad_ref, wr_ref, br_ref,
              xl_ref, asrc_ref, adst_ref, res_ref):
    xb = x_ref[...]
    xl = jnp.dot(xb, wg_ref[...], preferred_element_type=_f32)
    xl_ref[...] = xl
    ts = xl * as_ref[...]
    td = xl * ad_ref[...]
    for h in range(H):
        asrc_ref[:, pl.ds(h, 1)] = jnp.sum(ts[:, h * C:(h + 1) * C], axis=1,
                                           keepdims=True)
        adst_ref[:, pl.ds(h, 1)] = jnp.sum(td[:, h * C:(h + 1) * C], axis=1,
                                           keepdims=True)
    res_ref[...] = jnp.dot(xb, wr_ref[...], preferred_element_type=_f32) + br_ref[...]


def _pre_call(xp, W_gat, As, Ad, W_res, b_res):
    blk = N_PAD // 8
    return pl.pallas_call(
        _pre_body,
        grid=(8,),
        in_specs=[
            pl.BlockSpec((blk, DIM), lambda i: (i, 0)),
            pl.BlockSpec((DIM, DIM), lambda i: (0, 0)),
            pl.BlockSpec((DIM,), lambda i: (0,)),
            pl.BlockSpec((DIM,), lambda i: (0,)),
            pl.BlockSpec((DIM, DIM), lambda i: (0, 0)),
            pl.BlockSpec((DIM,), lambda i: (0,)),
        ],
        out_specs=[
            pl.BlockSpec((blk, DIM), lambda i: (i, 0)),
            pl.BlockSpec((blk, H), lambda i: (i, 0)),
            pl.BlockSpec((blk, H), lambda i: (i, 0)),
            pl.BlockSpec((blk, DIM), lambda i: (i, 0)),
        ],
        out_shape=[
            jax.ShapeDtypeStruct((N_PAD, DIM), _f32),
            jax.ShapeDtypeStruct((N_PAD, H), _f32),
            jax.ShapeDtypeStruct((N_PAD, H), _f32),
            jax.ShapeDtypeStruct((N_PAD, DIM), _f32),
        ],
    )(xp, W_gat, As, Ad, W_res, b_res)


def _sc_body(xl_hbm, asrc_hbm, adst_hbm, src_hbm, dst_hbm, zrow_hbm, zden_hbm,
             outp_hbm, denp_hbm,
             src_blk4, dst_blk, wflat, idxden, rows_v, asrc_t, adst_t,
             out_acc, den_acc, sem):
    c = lax.axis_index("c")
    s = lax.axis_index("s")
    wid = s * 2 + c
    rb = s * ROWS_PER_TILE
    db = s * DEN_PER_TILE

    pltpu.sync_copy(asrc_hbm, asrc_t)
    iota16 = lax.iota(_i32, 16)

    for p in range(2):
        pltpu.sync_copy(zrow_hbm.at[pl.ds(rb, ROWS_PER_TILE)],
                        out_acc.at[pl.ds(rb, ROWS_PER_TILE)])
        pltpu.sync_copy(zden_hbm.at[pl.ds(db, DEN_PER_TILE)],
                        den_acc.at[pl.ds(db, DEN_PER_TILE)])
        pltpu.sync_copy(adst_hbm.at[pl.ds(p * HALF * H, HALF * H)], adst_t)

        plsc.subcore_barrier()

        def block(b, carry):
            pltpu.sync_copy(src_hbm.at[p, wid, b], src_blk4)
            pltpu.sync_copy(dst_hbm.at[p, wid, b], dst_blk)
            for half in range(BE // 16):
                srch = src_blk4[half // 2, pl.ds((half % 2) * 16, 16)]
                valid = srch < N
                srch4 = srch * 4
                dsth4 = dst_blk[0, pl.ds(half * 16, 16)] * 4
                pos = iota16 + half * 16
                for h in range(H):
                    hs = jnp.full((16,), h, _i32)
                    al = (plsc.load_gather(asrc_t, [srch4 + h])
                          + plsc.load_gather(adst_t, [dsth4 + h]))
                    al = jnp.maximum(al, al * 0.2)
                    wh = jnp.where(valid, jnp.exp(al), 0.0)
                    plsc.store_scatter(wflat, [hs, pos], wh)
                    plsc.store_scatter(idxden, [hs, pos], dsth4 + h)
            for h in range(H):
                pltpu.sync_copy(wflat.at[h], den_acc.at[idxden.at[h]],
                                add=True)
            descs = [
                pltpu.async_copy(
                    xl_hbm.at[src_blk4.at[q]],
                    rows_v.at[pl.ds(q * 32, 32)], sem)
                for q in range(4)
            ]
            for dd in descs:
                dd.wait()
            def scale_one(j, carry):
                js = jnp.full((16,), 0, _i32) + j
                for h in range(H):
                    hs = jnp.full((16,), h, _i32)
                    wjh = plsc.load_gather(wflat, [hs, js])
                    for k2 in range(2):
                        col = h * C + k2 * 16
                        rows_v[j, pl.ds(col, 16)] = (
                            rows_v[j, pl.ds(col, 16)] * wjh)
                return carry

            lax.fori_loop(0, BE, scale_one, 0)
            pltpu.sync_copy(rows_v, out_acc.at[dst_blk.at[0]], add=True)
            return carry

        lax.fori_loop(0, NB, block, 0)

        plsc.subcore_barrier()

        pltpu.sync_copy(out_acc.at[pl.ds(rb, ROWS_PER_TILE)],
                        outp_hbm.at[c, p, pl.ds(rb, ROWS_PER_TILE)])
        pltpu.sync_copy(den_acc.at[pl.ds(db, DEN_PER_TILE)],
                        denp_hbm.at[c, p, pl.ds(db, DEN_PER_TILE)])


def _sc_call(xl, asrc_flat, adst_flat, src5, dst5, zrow, zden_flat):
    mesh = plsc.VectorSubcoreMesh(core_axis_name="c", subcore_axis_name="s",
                                  num_cores=2, num_subcores=16)
    fn = pl.kernel(
        _sc_body,
        out_type=[
            jax.ShapeDtypeStruct((2, 2, HALF, DIM), _f32),
            jax.ShapeDtypeStruct((2, 2, HALF * H), _f32),
        ],
        mesh=mesh,
        compiler_params=pltpu.CompilerParams(needs_layout_passes=False),
        scratch_types=[
            pltpu.VMEM((4, BE // 4), _i32),
            pltpu.VMEM((1, BE), _i32),
            pltpu.VMEM((H, BE), _f32),
            pltpu.VMEM((H, BE), _i32),
            pltpu.VMEM((BE, DIM), _f32),
            pltpu.VMEM((N_PAD * H,), _f32),
            pltpu.VMEM((HALF * H,), _f32),
            pltpu.VMEM_SHARED((HALF, DIM), _f32),
            pltpu.VMEM_SHARED((HALF * H,), _f32),
            pltpu.SemaphoreType.DMA,
        ],
    )
    return fn(xl, asrc_flat, adst_flat, src5, dst5, zrow, zden_flat)


def _post_body(outp_ref, denp_ref, res_ref, bias_ref, g_ref, b_ref,
               o_ref):
    out = outp_ref[0] + outp_ref[1]
    den = denp_ref[0] + denp_ref[1]
    blk = out.shape[0]
    dexp = jnp.concatenate(
        [jnp.broadcast_to(den[:, h:h + 1], (blk, C)) for h in range(H)],
        axis=1)
    hh = out / dexp + bias_ref[...] + res_ref[...]
    mu = jnp.mean(hh, axis=1, keepdims=True)
    dd = hh - mu
    var = jnp.mean(dd * dd, axis=1, keepdims=True)
    o_ref[...] = g_ref[...] * dd * lax.rsqrt(var + 1e-5) + b_ref[...]


def _post_call(outp, denp, res, bias_gat, gamma, beta):
    blk = 1000
    return pl.pallas_call(
        _post_body,
        grid=(N // blk,),
        in_specs=[
            pl.BlockSpec((2, blk, DIM), lambda i: (0, i, 0)),
            pl.BlockSpec((2, blk, H), lambda i: (0, i, 0)),
            pl.BlockSpec((blk, DIM), lambda i: (i, 0)),
            pl.BlockSpec((DIM,), lambda i: (0,)),
            pl.BlockSpec((DIM,), lambda i: (0,)),
            pl.BlockSpec((DIM,), lambda i: (0,)),
        ],
        out_specs=pl.BlockSpec((blk, DIM), lambda i: (i, 0)),
        out_shape=jax.ShapeDtypeStruct((N, DIM), _f32),
    )(outp, denp, res, bias_gat, gamma, beta)


def kernel(x, edge_index, W_gat, att_src, att_dst, bias_gat, W_res, b_res,
           gamma, beta):
    loop = jnp.arange(N, dtype=_i32)
    src = jnp.concatenate([edge_index[0].astype(_i32), loop])
    dst = jnp.concatenate([edge_index[1].astype(_i32), loop])
    hsel = (dst >= HALF).astype(_i32)
    cs1 = jnp.cumsum(hsel)
    idx_all = jnp.arange(E_TOT)
    cs0 = idx_all + 1 - cs1
    pos = jnp.where(hsel == 0, cs0 - 1, E_PAD + cs1 - 1)
    srcb = jnp.full((2 * E_PAD,), SRC_PAD, _i32).at[pos].set(src)
    dstb = jnp.zeros((2 * E_PAD,), _i32).at[pos].set(dst - hsel * HALF)
    src5 = srcb.reshape(2, NW, NB, 4, BE // 4)
    dst5 = dstb.reshape(2, NW, NB, 1, BE)

    xp = jnp.pad(x, ((0, N_PAD - N), (0, 0)))
    zrow = jnp.zeros((HALF, DIM), _f32)
    zden = jnp.zeros((HALF * H,), _f32)

    xl, asrc, adst, res = _pre_call(xp, W_gat, att_src.reshape(-1),
                                    att_dst.reshape(-1), W_res, b_res)
    outp, denp = _sc_call(xl, asrc.reshape(-1), adst.reshape(-1),
                          src5, dst5, zrow, zden)
    return _post_call(outp.reshape(2, N_PAD, DIM),
                      denp.reshape(2, N_PAD, H), res,
                      bias_gat, gamma, beta)

# --- scband reference (transcript-rebuilt; emitter-appended) ---
"""Pipeline reference for scband-optimized-graph-attention-layer-81123342287406 (READ-ONLY COPY).

The authoritative reference and input builder live on the scoring server;
editing this copy changes nothing except your own understanding.
"""

import jax, jax.numpy as jnp
import numpy as np

N_NODES = 10000
N_EDGES = 320000
DIM = 128
HEADS = 4
OUT_CH = DIM // 4  # 32

def setup_inputs(seed: int = 0) -> dict:
    key = jax.random.key(seed)
    ks = jax.random.split(key, 12)
    x = jax.random.normal(ks[0], (N_NODES, DIM), dtype=jnp.float32)
    edge_index = jax.random.randint(ks[1], (2, N_EDGES), 0, N_NODES, dtype=jnp.int64)
    # GATConv params: lin weight [DIM, HEADS*OUT_CH], att_src/att_dst [HEADS, OUT_CH], bias [HEADS*OUT_CH]
    W_gat = jax.random.normal(ks[2], (DIM, HEADS * OUT_CH), dtype=jnp.float32) * (1.0 / np.sqrt(DIM))
    att_src = jax.random.normal(ks[3], (HEADS, OUT_CH), dtype=jnp.float32) * (1.0 / np.sqrt(OUT_CH))
    att_dst = jax.random.normal(ks[4], (HEADS, OUT_CH), dtype=jnp.float32) * (1.0 / np.sqrt(OUT_CH))
    bias_gat = jnp.zeros((HEADS * OUT_CH,), dtype=jnp.float32)
    # residual Linear(dim, dim)
    W_res = jax.random.normal(ks[5], (DIM, DIM), dtype=jnp.float32) * (1.0 / np.sqrt(DIM))
    b_res = jnp.zeros((DIM,), dtype=jnp.float32)
    # LayerNorm params
    gamma = jnp.ones((DIM,), dtype=jnp.float32)
    beta = jnp.zeros((DIM,), dtype=jnp.float32)
    return {"x": x, "edge_index": edge_index, "W_gat": W_gat, "att_src": att_src,
            "att_dst": att_dst, "bias_gat": bias_gat, "W_res": W_res, "b_res": b_res,
            "gamma": gamma, "beta": beta}

def reference(x, edge_index, W_gat, att_src, att_dst, bias_gat, W_res, b_res, gamma, beta):
    N = x.shape[0]
    H, C = HEADS, OUT_CH
    # add self loops (PyG GATConv default add_self_loops=True)
    loop = jnp.arange(N, dtype=edge_index.dtype)
    src = jnp.concatenate([edge_index[0], loop])
    dst = jnp.concatenate([edge_index[1], loop])
    # linear projection
    xl = (x @ W_gat).reshape(N, H, C)
    # per-node attention logits
    a_src = (xl * att_src[None, :, :]).sum(-1)  # [N, H]
    a_dst = (xl * att_dst[None, :, :]).sum(-1)  # [N, H]
    # per-edge attention (gather)
    alpha = a_src[src] + a_dst[dst]             # [E+N, H]
    alpha = jax.nn.leaky_relu(alpha, negative_slope=0.2)
    # softmax over incoming edges per destination node (segment softmax)
    amax = jax.ops.segment_max(alpha, dst, num_segments=N)
    alpha = jnp.exp(alpha - amax[dst])
    denom = jax.ops.segment_sum(alpha, dst, num_segments=N)
    alpha = alpha / (denom[dst] + 1e-16)
    # message passing: scatter-add weighted source features
    msg = alpha[:, :, None] * xl[src]           # [E+N, H, C]
    out = jax.ops.segment_sum(msg, dst, num_segments=N).reshape(N, H * C)
    out = out + bias_gat
    # dropout is identity at inference; residual + layernorm
    h = out + (x @ W_res + b_res)
    mu = h.mean(-1, keepdims=True)
    var = ((h - mu) ** 2).mean(-1, keepdims=True)
    return gamma * (h - mu) / jnp.sqrt(var + 1e-5) + beta

if __name__ == "__main__":
    import jax
    _d = setup_inputs()
    print(jax.jit(kernel)(*tuple(_d.values())))

</pallas_src>

<mosaic_0001>
#map = affine_map<(d0, d1) -> (0, 0)>
#map1 = affine_map<(d0, d1) -> (0)>
#map2 = affine_map<(d0, d1) -> (0, 0, 0, 0, 0)>
#map3 = affine_map<(d0, d1) -> (0, 0, 0, 0)>
#map4 = affine_map<(d0, d1) -> (0, 0, 0)>
module attributes {stable_mosaic.version = 14 : i64} {
  func.func @_sc_body(%arg0: i32, %arg1: i32, %arg2: memref<10240x128xf32, #tpu.memory_space<hbm>>, %arg3: memref<40960xf32, #tpu.memory_space<hbm>>, %arg4: memref<40960xf32, #tpu.memory_space<hbm>>, %arg5: memref<2x32x81x4x32xi32, #tpu.memory_space<hbm>>, %arg6: memref<2x32x81x1x128xi32, #tpu.memory_space<hbm>>, %arg7: memref<5120x128xf32, #tpu.memory_space<hbm>>, %arg8: memref<20480xf32, #tpu.memory_space<hbm>>, %arg9: memref<2x2x5120x128xf32, #tpu.memory_space<hbm>>, %arg10: memref<2x2x20480xf32, #tpu.memory_space<hbm>>, %arg11: memref<4x32xi32, #tpu.memory_space<vmem>>, %arg12: memref<1x128xi32, #tpu.memory_space<vmem>>, %arg13: memref<4x128xf32, #tpu.memory_space<vmem>>, %arg14: memref<4x128xi32, #tpu.memory_space<vmem>>, %arg15: memref<128x128xf32, #tpu.memory_space<vmem>>, %arg16: memref<40960xf32, #tpu.memory_space<vmem>>, %arg17: memref<20480xf32, #tpu.memory_space<vmem>>, %arg18: memref<5120x128xf32, #tpu.memory_space<vmem_shared>>, %arg19: memref<20480xf32, #tpu.memory_space<vmem_shared>>, %arg20: memref<!tpu.dma_semaphore, #tpu.memory_space<semaphore_mem>>) attributes {dimension_semantics = [#tpu.dimension_semantics<core_parallel>, #tpu.dimension_semantics<subcore_parallel>], iteration_bounds = array<i64: 2, 16>, scalar_prefetch = 0 : i64, scratch_operands = 10 : i64, tpu.core_type = #tpu.core_type<sc_vector_subcore>, window_params = [{transform_indices = #map}, {transform_indices = #map1}, {transform_indices = #map1}, {transform_indices = #map2}, {transform_indices = #map2}, {transform_indices = #map}, {transform_indices = #map1}, {transform_indices = #map3}, {transform_indices = #map4}]} {
    %mul3A = arith.constant 2 : i32
    %mul3A_0 = arith.muli %arg1, %mul3A : i32
    %add3A = arith.addi %mul3A_0, %arg0 : i32
    %mul3A_1 = arith.constant 320 : i32
    %mul3A_2 = arith.muli %arg1, %mul3A_1 : i32
    %mul3A_3 = arith.constant 1280 : i32
    %mul3A_4 = arith.muli %arg1, %mul3A_3 : i32
    "tpu.region"() ({
      %run_scoped3A_22 = tpu.sem_alloc : memref<!tpu.dma_semaphore, #tpu.memory_space<semaphore_mem>>
      tpu.enqueue_dma source(%arg3 : memref<40960xf32, #tpu.memory_space<hbm>>) target(%arg16 : memref<40960xf32, #tpu.memory_space<vmem>>) target_semaphore(%run_scoped3A_22 : memref<!tpu.dma_semaphore, #tpu.memory_space<semaphore_mem>>)
      tpu.wait_dma2 semaphore(%run_scoped3A_22 : memref<!tpu.dma_semaphore, #tpu.memory_space<semaphore_mem>>) src(%arg3 : memref<40960xf32, #tpu.memory_space<hbm>>) dst(%arg16 : memref<40960xf32, #tpu.memory_space<vmem>>)
      tpu.yield
    }) : () -> ()
    %iota3A = tpu.iota {dimensions = array<i32: 0>} : vector<16xi32>
    "tpu.region"() ({
      %run_scoped3A_22 = tpu.sem_alloc : memref<!tpu.dma_semaphore, #tpu.memory_space<semaphore_mem>>
      %dma_start3A = arith.constant 0 : i32
      %dma_start3A_23 = tpu.memref_slice %arg18[%mul3A_2, %dma_start3A] : memref<5120x128xf32, #tpu.memory_space<vmem_shared>> -> memref<320x128xf32, #tpu.memory_space<vmem_shared>>
      %dma_start3A_24 = arith.constant 0 : i32
      %dma_start3A_25 = tpu.memref_slice %arg7[%mul3A_2, %dma_start3A_24] : memref<5120x128xf32, #tpu.memory_space<hbm>> -> memref<320x128xf32, #tpu.memory_space<hbm>>
      tpu.enqueue_dma source(%dma_start3A_25 : memref<320x128xf32, #tpu.memory_space<hbm>>) target(%dma_start3A_23 : memref<320x128xf32, #tpu.memory_space<vmem_shared>>) target_semaphore(%run_scoped3A_22 : memref<!tpu.dma_semaphore, #tpu.memory_space<semaphore_mem>>)
      %dma_wait3A = arith.constant 0 : i32
      %dma_wait3A_26 = tpu.memref_slice %arg18[%mul3A_2, %dma_wait3A] : memref<5120x128xf32, #tpu.memory_space<vmem_shared>> -> memref<320x128xf32, #tpu.memory_space<vmem_shared>>
      %dma_wait3A_27 = arith.constant 0 : i32
      %dma_wait3A_28 = tpu.memref_slice %arg7[%mul3A_2, %dma_wait3A_27] : memref<5120x128xf32, #tpu.memory_space<hbm>> -> memref<320x128xf32, #tpu.memory_space<hbm>>
      tpu.wait_dma2 semaphore(%run_scoped3A_22 : memref<!tpu.dma_semaphore, #tpu.memory_space<semaphore_mem>>) src(%dma_wait3A_28 : memref<320x128xf32, #tpu.memory_space<hbm>>) dst(%dma_wait3A_26 : memref<320x128xf32, #tpu.memory_space<vmem_shared>>)
      tpu.yield
    }) : () -> ()
    "tpu.region"() ({
      %run_scoped3A_22 = tpu.sem_alloc : memref<!tpu.dma_semaphore, #tpu.memory_space<semaphore_mem>>
      %dma_start3A = tpu.memref_slice %arg19[%mul3A_4] : memref<20480xf32, #tpu.memory_space<vmem_shared>> -> memref<1280xf32, #tpu.memory_space<vmem_shared>>
      %dma_start3A_23 = tpu.memref_slice %arg8[%mul3A_4] : memref<20480xf32, #tpu.memory_space<hbm>> -> memref<1280xf32, #tpu.memory_space<hbm>>
      tpu.enqueue_dma source(%dma_start3A_23 : memref<1280xf32, #tpu.memory_space<hbm>>) target(%dma_start3A : memref<1280xf32, #tpu.memory_space<vmem_shared>>) target_semaphore(%run_scoped3A_22 : memref<!tpu.dma_semaphore, #tpu.memory_space<semaphore_mem>>)
      %dma_wait3A = tpu.memref_slice %arg19[%mul3A_4] : memref<20480xf32, #tpu.memory_space<vmem_shared>> -> memref<1280xf32, #tpu.memory_space<vmem_shared>>
      %dma_wait3A_24 = tpu.memref_slice %arg8[%mul3A_4] : memref<20480xf32, #tpu.memory_space<hbm>> -> memref<1280xf32, #tpu.memory_space<hbm>>
      tpu.wait_dma2 semaphore(%run_scoped3A_22 : memref<!tpu.dma_semaphore, #tpu.memory_space<semaphore_mem>>) src(%dma_wait3A_24 : memref<1280xf32, #tpu.memory_space<hbm>>) dst(%dma_wait3A : memref<1280xf32, #tpu.memory_space<vmem_shared>>)
      tpu.yield
    }) : () -> ()
    "tpu.region"() ({
      %run_scoped3A_22 = tpu.sem_alloc : memref<!tpu.dma_semaphore, #tpu.memory_space<semaphore_mem>>
      %dma_start3A = arith.constant 0 : i32
      %dma_start3A_23 = tpu.memref_slice %arg4[%dma_start3A] : memref<40960xf32, #tpu.memory_space<hbm>> -> memref<20480xf32, #tpu.memory_space<hbm>>
      %dma_start3A_24 = arith.constant 0 : i32
      %dma_start3A_25 = tpu.memref_slice %arg4[%dma_start3A_24] : memref<40960xf32, #tpu.memory_space<hbm>> -> memref<20480xf32, #tpu.memory_space<hbm>>
      tpu.enqueue_dma source(%dma_start3A_25 : memref<20480xf32, #tpu.memory_space<hbm>>) target(%arg17 : memref<20480xf32, #tpu.memory_space<vmem>>) target_semaphore(%run_scoped3A_22 : memref<!tpu.dma_semaphore, #tpu.memory_space<semaphore_mem>>)
      %dma_wait3A = arith.constant 0 : i32
      %dma_wait3A_26 = tpu.memref_slice %arg4[%dma_wait3A] : memref<40960xf32, #tpu.memory_space<hbm>> -> memref<20480xf32, #tpu.memory_space<hbm>>
      %dma_wait3A_27 = arith.constant 0 : i32
      %dma_wait3A_28 = tpu.memref_slice %arg4[%dma_wait3A_27] : memref<40960xf32, #tpu.memory_space<hbm>> -> memref<20480xf32, #tpu.memory_space<hbm>>
      tpu.wait_dma2 semaphore(%run_scoped3A_22 : memref<!tpu.dma_semaphore, #tpu.memory_space<semaphore_mem>>) src(%dma_wait3A_28 : memref<20480xf32, #tpu.memory_space<hbm>>) dst(%arg17 : memref<20480xf32, #tpu.memory_space<vmem>>)
      tpu.yield
    }) : () -> ()
    %barrier3A = arith.constant 0 : index
    tpu.barrier barrier_id(%barrier3A)
    %scan3A = arith.constant 0 : i32
    %scan3A_5 = arith.constant 0 : i32
    %scan3A_6 = arith.constant 81 : i32
    %scan3A_7 = arith.addi %scan3A_5, %scan3A_6 : i32
    %scan3A_8 = arith.constant 1 : i32
    scf.for %scan3A_22 = %scan3A_5 to %scan3A_7 step %scan3A_8  : i32 {
      %run_scoped3A_23 = arith.constant 0 : i32
      "tpu.region"() ({
        %run_scoped3A_974 = tpu.sem_alloc : memref<!tpu.dma_semaphore, #tpu.memory_space<semaphore_mem>>
        %dma_start3A_975 = arith.constant 0 : i32
        %dma_start3A_976 = arith.constant 0 : i32
        %dma_start3A_977 = tpu.memref_slice %arg5[%run_scoped3A_23, %add3A, %scan3A_22, %dma_start3A_975, %dma_start3A_976] : memref<2x32x81x4x32xi32, #tpu.memory_space<hbm>> -> memref<1x1x1x4x32xi32, #tpu.memory_space<hbm>>
        %dma_start3A_978 = tpu.memref_squeeze %dma_start3A_977 : memref<1x1x1x4x32xi32, #tpu.memory_space<hbm>> -> memref<4x32xi32, #tpu.memory_space<hbm>>
        %dma_start3A_979 = arith.constant 0 : i32
        %dma_start3A_980 = arith.constant 0 : i32
        %dma_start3A_981 = tpu.memref_slice %arg5[%run_scoped3A_23, %add3A, %scan3A_22, %dma_start3A_979, %dma_start3A_980] : memref<2x32x81x4x32xi32, #tpu.memory_space<hbm>> -> memref<1x1x1x4x32xi32, #tpu.memory_space<hbm>>
        %dma_start3A_982 = tpu.memref_squeeze %dma_start3A_981 : memref<1x1x1x4x32xi32, #tpu.memory_space<hbm>> -> memref<4x32xi32, #tpu.memory_space<hbm>>
        tpu.enqueue_dma source(%dma_start3A_982 : memref<4x32xi32, #tpu.memory_space<hbm>>) target(%arg11 : memref<4x32xi32, #tpu.memory_space<vmem>>) target_semaphore(%run_scoped3A_974 : memref<!tpu.dma_semaphore, #tpu.memory_space<semaphore_mem>>)
        %dma_wait3A_983 = arith.constant 0 : i32
        %dma_wait3A_984 = arith.constant 0 : i32
        %dma_wait3A_985 = tpu.memref_slice %arg5[%run_scoped3A_23, %add3A, %scan3A_22, %dma_wait3A_983, %dma_wait3A_984] : memref<2x32x81x4x32xi32, #tpu.memory_space<hbm>> -> memref<1x1x1x4x32xi32, #tpu.memory_space<hbm>>
        %dma_wait3A_986 = tpu.memref_squeeze %dma_wait3A_985 : memref<1x1x1x4x32xi32, #tpu.memory_space<hbm>> -> memref<4x32xi32, #tpu.memory_space<hbm>>
        %dma_wait3A_987 = arith.constant 0 : i32
        %dma_wait3A_988 = arith.constant 0 : i32
        %dma_wait3A_989 = tpu.memref_slice %arg5[%run_scoped3A_23, %add3A, %scan3A_22, %dma_wait3A_987, %dma_wait3A_988] : memref<2x32x81x4x32xi32, #tpu.memory_space<hbm>> -> memref<1x1x1x4x32xi32, #tpu.memory_space<hbm>>
        %dma_wait3A_990 = tpu.memref_squeeze %dma_wait3A_989 : memref<1x1x1x4x32xi32, #tpu.memory_space<hbm>> -> memref<4x32xi32, #tpu.memory_space<hbm>>
        tpu.wait_dma2 semaphore(%run_scoped3A_974 : memref<!tpu.dma_semaphore, #tpu.memory_space<semaphore_mem>>) src(%dma_wait3A_990 : memref<4x32xi32, #tpu.memory_space<hbm>>) dst(%arg11 : memref<4x32xi32, #tpu.memory_space<vmem>>)
        tpu.yield
      }) : () -> ()
      %run_scoped3A_24 = arith.constant 0 : i32
      "tpu.region"() ({
        %run_scoped3A_974 = tpu.sem_alloc : memref<!tpu.dma_semaphore, #tpu.memory_space<semaphore_mem>>
        %dma_start3A_975 = arith.constant 0 : i32
        %dma_start3A_976 = arith.constant 0 : i32
        %dma_start3A_977 = tpu.memref_slice %arg6[%run_scoped3A_24, %add3A, %scan3A_22, %dma_start3A_975, %dma_start3A_976] : memref<2x32x81x1x128xi32, #tpu.memory_space<hbm>> -> memref<1x1x1x1x128xi32, #tpu.memory_space<hbm>>
        %dma_start3A_978 = tpu.memref_squeeze %dma_start3A_977 : memref<1x1x1x1x128xi32, #tpu.memory_space<hbm>> -> memref<1x128xi32, #tpu.memory_space<hbm>>
        %dma_start3A_979 = arith.constant 0 : i32
        %dma_start3A_980 = arith.constant 0 : i32
        %dma_start3A_981 = tpu.memref_slice %arg6[%run_scoped3A_24, %add3A, %scan3A_22, %dma_start3A_979, %dma_start3A_980] : memref<2x32x81x1x128xi32, #tpu.memory_space<hbm>> -> memref<1x1x1x1x128xi32, #tpu.memory_space<hbm>>
        %dma_start3A_982 = tpu.memref_squeeze %dma_start3A_981 : memref<1x1x1x1x128xi32, #tpu.memory_space<hbm>> -> memref<1x128xi32, #tpu.memory_space<hbm>>
        tpu.enqueue_dma source(%dma_start3A_982 : memref<1x128xi32, #tpu.memory_space<hbm>>) target(%arg12 : memref<1x128xi32, #tpu.memory_space<vmem>>) target_semaphore(%run_scoped3A_974 : memref<!tpu.dma_semaphore, #tpu.memory_space<semaphore_mem>>)
        %dma_wait3A_983 = arith.constant 0 : i32
        %dma_wait3A_984 = arith.constant 0 : i32
        %dma_wait3A_985 = tpu.memref_slice %arg6[%run_scoped3A_24, %add3A, %scan3A_22, %dma_wait3A_983, %dma_wait3A_984] : memref<2x32x81x1x128xi32, #tpu.memory_space<hbm>> -> memref<1x1x1x1x128xi32, #tpu.memory_space<hbm>>
        %dma_wait3A_986 = tpu.memref_squeeze %dma_wait3A_985 : memref<1x1x1x1x128xi32, #tpu.memory_space<hbm>> -> memref<1x128xi32, #tpu.memory_space<hbm>>
        %dma_wait3A_987 = arith.constant 0 : i32
        %dma_wait3A_988 = arith.constant 0 : i32
        %dma_wait3A_989 = tpu.memref_slice %arg6[%run_scoped3A_24, %add3A, %scan3A_22, %dma_wait3A_987, %dma_wait3A_988] : memref<2x32x81x1x128xi32, #tpu.memory_space<hbm>> -> memref<1x1x1x1x128xi32, #tpu.memory_space<hbm>>
        %dma_wait3A_990 = tpu.memref_squeeze %dma_wait3A_989 : memref<1x1x1x1x128xi32, #tpu.memory_space<hbm>> -> memref<1x128xi32, #tpu.memory_space<hbm>>
        tpu.wait_dma2 semaphore(%run_scoped3A_974 : memref<!tpu.dma_semaphore, #tpu.memory_space<semaphore_mem>>) src(%dma_wait3A_990 : memref<1x128xi32, #tpu.memory_space<hbm>>) dst(%arg12 : memref<1x128xi32, #tpu.memory_space<vmem>>)
        tpu.yield
      }) : () -> ()
      %get3A = arith.constant 0 : i32
      %get3A_25 = arith.index_cast %get3A : i32 to index
      %get3A_26 = arith.constant 0 : index
      %get3A_27 = tpu.vector_load %arg11[%get3A_25, %get3A_26] {strides = array<i32>} : memref<4x32xi32, #tpu.memory_space<vmem>>, vector<16xi32>,
      %lt3A = arith.constant 10000 : i32
      %lt3A_28 = vector.broadcast %lt3A : i32 to vector<16xi32>
      %lt3A_29 = arith.cmpi slt, %get3A_27, %lt3A_28 : vector<16xi32>
      %mul3A_30 = arith.constant 4 : i32
      %mul3A_31 = vector.broadcast %mul3A_30 : i32 to vector<16xi32>
      %mul3A_32 = arith.muli %get3A_27, %mul3A_31 : vector<16xi32>
      %get3A_33 = arith.constant 0 : i32
      %get3A_34 = arith.index_cast %get3A_33 : i32 to index
      %get3A_35 = arith.constant 0 : index
      %get3A_36 = tpu.vector_load %arg12[%get3A_34, %get3A_35] {strides = array<i32>} : memref<1x128xi32, #tpu.memory_space<vmem>>, vector<16xi32>,
      %mul3A_37 = arith.constant 4 : i32
      %mul3A_38 = vector.broadcast %mul3A_37 : i32 to vector<16xi32>
      %mul3A_39 = arith.muli %get3A_36, %mul3A_38 : vector<16xi32>
      %add3A_40 = arith.constant 0 : i32
      %add3A_41 = vector.broadcast %add3A_40 : i32 to vector<16xi32>
      %add3A_42 = arith.addi %iota3A, %add3A_41 : vector<16xi32>
      %broadcast_in_dim3A = arith.constant 0 : i32
      %broadcast_in_dim3A_43 = vector.broadcast %broadcast_in_dim3A : i32 to vector<16xi32>
      %add3A_44 = arith.constant 0 : i32
      %add3A_45 = vector.broadcast %add3A_44 : i32 to vector<16xi32>
      %add3A_46 = arith.addi %mul3A_32, %add3A_45 : vector<16xi32>
      %gather3A = tpu.vector_load_idx %arg16[%add3A_46] : memref<40960xf32, #tpu.memory_space<vmem>>[vector<16xi32>], vector<16xf32>,
      %add3A_47 = arith.constant 0 : i32
      %add3A_48 = vector.broadcast %add3A_47 : i32 to vector<16xi32>
      %add3A_49 = arith.addi %mul3A_39, %add3A_48 : vector<16xi32>
      %gather3A_50 = tpu.vector_load_idx %arg17[%add3A_49] : memref<20480xf32, #tpu.memory_space<vmem>>[vector<16xi32>], vector<16xf32>,
      %add3A_51 = arith.addf %gather3A, %gather3A_50 : vector<16xf32>
      %mul3A_52 = arith.constant 2.000000e-01 : f32
      %mul3A_53 = vector.broadcast %mul3A_52 : f32 to vector<16xf32>
      %mul3A_54 = arith.mulf %add3A_51, %mul3A_53 : vector<16xf32>
      %max3A = arith.maximumf %add3A_51, %mul3A_54 : vector<16xf32>
      %exp3A = math.exp %max3A : vector<16xf32>
      %jit3A = arith.constant 0.000000e+00 : f32
      %broadcast_in_dim3A_55 = vector.broadcast %jit3A : f32 to vector<16xf32>
      %select_n3A = arith.select %lt3A_29, %exp3A, %broadcast_in_dim3A_55 : vector<16xi1>, vector<16xf32>
      tpu.vector_store_idx %arg13[%broadcast_in_dim3A_43, %add3A_42], %select_n3A : memref<4x128xf32, #tpu.memory_space<vmem>>[vector<16xi32>, vector<16xi32>], vector<16xf32>,
      %add3A_56 = arith.constant 0 : i32
      %add3A_57 = vector.broadcast %add3A_56 : i32 to vector<16xi32>
      %add3A_58 = arith.addi %mul3A_39, %add3A_57 : vector<16xi32>
      tpu.vector_store_idx %arg14[%broadcast_in_dim3A_43, %add3A_42], %add3A_58 : memref<4x128xi32, #tpu.memory_space<vmem>>[vector<16xi32>, vector<16xi32>], vector<16xi32>,
      %broadcast_in_dim3A_59 = arith.constant 1 : i32
      %broadcast_in_dim3A_60 = vector.broadcast %broadcast_in_dim3A_59 : i32 to vector<16xi32>
      %add3A_61 = arith.constant 1 : i32
      %add3A_62 = vector.broadcast %add3A_61 : i32 to vector<16xi32>
      %add3A_63 = arith.addi %mul3A_32, %add3A_62 : vector<16xi32>
      %gather3A_64 = tpu.vector_load_idx %arg16[%add3A_63] : memref<40960xf32, #tpu.memory_space<vmem>>[vector<16xi32>], vector<16xf32>,
      %add3A_65 = arith.constant 1 : i32
      %add3A_66 = vector.broadcast %add3A_65 : i32 to vector<16xi32>
      %add3A_67 = arith.addi %mul3A_39, %add3A_66 : vector<16xi32>
      %gather3A_68 = tpu.vector_load_idx %arg17[%add3A_67] : memref<20480xf32, #tpu.memory_space<vmem>>[vector<16xi32>], vector<16xf32>,
      %add3A_69 = arith.addf %gather3A_64, %gather3A_68 : vector<16xf32>
      %mul3A_70 = arith.constant 2.000000e-01 : f32
      %mul3A_71 = vector.broadcast %mul3A_70 : f32 to vector<16xf32>
      %mul3A_72 = arith.mulf %add3A_69, %mul3A_71 : vector<16xf32>
      %max3A_73 = arith.maximumf %add3A_69, %mul3A_72 : vector<16xf32>
      %exp3A_74 = math.exp %max3A_73 : vector<16xf32>
      %jit3A_75 = arith.constant 0.000000e+00 : f32
      %broadcast_in_dim3A_76 = vector.broadcast %jit3A_75 : f32 to vector<16xf32>
      %select_n3A_77 = arith.select %lt3A_29, %exp3A_74, %broadcast_in_dim3A_76 : vector<16xi1>, vector<16xf32>
      tpu.vector_store_idx %arg13[%broadcast_in_dim3A_60, %add3A_42], %select_n3A_77 : memref<4x128xf32, #tpu.memory_space<vmem>>[vector<16xi32>, vector<16xi32>], vector<16xf32>,
      %add3A_78 = arith.constant 1 : i32
      %add3A_79 = vector.broadcast %add3A_78 : i32 to vector<16xi32>
      %add3A_80 = arith.addi %mul3A_39, %add3A_79 : vector<16xi32>
      tpu.vector_store_idx %arg14[%broadcast_in_dim3A_60, %add3A_42], %add3A_80 : memref<4x128xi32, #tpu.memory_space<vmem>>[vector<16xi32>, vector<16xi32>], vector<16xi32>,
      %broadcast_in_dim3A_81 = arith.constant 2 : i32
      %broadcast_in_dim3A_82 = vector.broadcast %broadcast_in_dim3A_81 : i32 to vector<16xi32>
      %add3A_83 = arith.constant 2 : i32
      %add3A_84 = vector.broadcast %add3A_83 : i32 to vector<16xi32>
      %add3A_85 = arith.addi %mul3A_32, %add3A_84 : vector<16xi32>
      %gather3A_86 = tpu.vector_load_idx %arg16[%add3A_85] : memref<40960xf32, #tpu.memory_space<vmem>>[vector<16xi32>], vector<16xf32>,
      %add3A_87 = arith.constant 2 : i32
      %add3A_88 = vector.broadcast %add3A_87 : i32 to vector<16xi32>
      %add3A_89 = arith.addi %mul3A_39, %add3A_88 : vector<16xi32>
      %gather3A_90 = tpu.vector_load_idx %arg17[%add3A_89] : memref<20480xf32, #tpu.memory_space<vmem>>[vector<16xi32>], vector<16xf32>,
      %add3A_91 = arith.addf %gather3A_86, %gather3A_90 : vector<16xf32>
      %mul3A_92 = arith.constant 2.000000e-01 : f32
      %mul3A_93 = vector.broadcast %mul3A_92 : f32 to vector<16xf32>
      %mul3A_94 = arith.mulf %add3A_91, %mul3A_93 : vector<16xf32>
      %max3A_95 = arith.maximumf %add3A_91, %mul3A_94 : vector<16xf32>
      %exp3A_96 = math.exp %max3A_95 : vector<16xf32>
      %jit3A_97 = arith.constant 0.000000e+00 : f32
      %broadcast_in_dim3A_98 = vector.broadcast %jit3A_97 : f32 to vector<16xf32>
      %select_n3A_99 = arith.select %lt3A_29, %exp3A_96, %broadcast_in_dim3A_98 : vector<16xi1>, vector<16xf32>
      tpu.vector_store_idx %arg13[%broadcast_in_dim3A_82, %add3A_42], %select_n3A_99 : memref<4x128xf32, #tpu.memory_space<vmem>>[vector<16xi32>, vector<16xi32>], vector<16xf32>,
      %add3A_100 = arith.constant 2 : i32
      %add3A_101 = vector.broadcast %add3A_100 : i32 to vector<16xi32>
      %add3A_102 = arith.addi %mul3A_39, %add3A_101 : vector<16xi32>
      tpu.vector_store_idx %arg14[%broadcast_in_dim3A_82, %add3A_42], %add3A_102 : memref<4x128xi32, #tpu.memory_space<vmem>>[vector<16xi32>, vector<16xi32>], vector<16xi32>,
      %broadcast_in_dim3A_103 = arith.constant 3 : i32
      %broadcast_in_dim3A_104 = vector.broadcast %broadcast_in_dim3A_103 : i32 to vector<16xi32>
      %add3A_105 = arith.constant 3 : i32
      %add3A_106 = vector.broadcast %add3A_105 : i32 to vector<16xi32>
      %add3A_107 = arith.addi %mul3A_32, %add3A_106 : vector<16xi32>
      %gather3A_108 = tpu.vector_load_idx %arg16[%add3A_107] : memref<40960xf32, #tpu.memory_space<vmem>>[vector<16xi32>], vector<16xf32>,
      %add3A_109 = arith.constant 3 : i32
      %add3A_110 = vector.broadcast %add3A_109 : i32 to vector<16xi32>
      %add3A_111 = arith.addi %mul3A_39, %add3A_110 : vector<16xi32>
      %gather3A_112 = tpu.vector_load_idx %arg17[%add3A_111] : memref<20480xf32, #tpu.memory_space<vmem>>[vector<16xi32>], vector<16xf32>,
      %add3A_113 = arith.addf %gather3A_108, %gather3A_112 : vector<16xf32>
      %mul3A_114 = arith.constant 2.000000e-01 : f32
      %mul3A_115 = vector.broadcast %mul3A_114 : f32 to vector<16xf32>
      %mul3A_116 = arith.mulf %add3A_113, %mul3A_115 : vector<16xf32>
      %max3A_117 = arith.maximumf %add3A_113, %mul3A_116 : vector<16xf32>
      %exp3A_118 = math.exp %max3A_117 : vector<16xf32>
      %jit3A_119 = arith.constant 0.000000e+00 : f32
      %broadcast_in_dim3A_120 = vector.broadcast %jit3A_119 : f32 to vector<16xf32>
      %select_n3A_121 = arith.select %lt3A_29, %exp3A_118, %broadcast_in_dim3A_120 : vector<16xi1>, vector<16xf32>
      tpu.vector_store_idx %arg13[%broadcast_in_dim3A_104, %add3A_42], %select_n3A_121 : memref<4x128xf32, #tpu.memory_space<vmem>>[vector<16xi32>, vector<16xi32>], vector<16xf32>,
      %add3A_122 = arith.constant 3 : i32
      %add3A_123 = vector.broadcast %add3A_122 : i32 to vector<16xi32>
      %add3A_124 = arith.addi %mul3A_39, %add3A_123 : vector<16xi32>
      tpu.vector_store_idx %arg14[%broadcast_in_dim3A_104, %add3A_42], %add3A_124 : memref<4x128xi32, #tpu.memory_space<vmem>>[vector<16xi32>, vector<16xi32>], vector<16xi32>,
      %get3A_125 = arith.constant 0 : i32
      %get3A_126 = arith.index_cast %get3A_125 : i32 to index
      %get3A_127 = arith.constant 16 : index
      %get3A_128 = tpu.vector_load %arg11[%get3A_126, %get3A_127] {strides = array<i32>} : memref<4x32xi32, #tpu.memory_space<vmem>>, vector<16xi32>,
      %lt3A_129 = arith.constant 10000 : i32
      %lt3A_130 = vector.broadcast %lt3A_129 : i32 to vector<16xi32>
      %lt3A_131 = arith.cmpi slt, %get3A_128, %lt3A_130 : vector<16xi32>
      %mul3A_132 = arith.constant 4 : i32
      %mul3A_133 = vector.broadcast %mul3A_132 : i32 to vector<16xi32>
      %mul3A_134 = arith.muli %get3A_128, %mul3A_133 : vector<16xi32>
      %get3A_135 = arith.constant 0 : i32
      %get3A_136 = arith.index_cast %get3A_135 : i32 to index
      %get3A_137 = arith.constant 16 : index
      %get3A_138 = tpu.vector_load %arg12[%get3A_136, %get3A_137] {strides = array<i32>} : memref<1x128xi32, #tpu.memory_space<vmem>>, vector<16xi32>,
      %mul3A_139 = arith.constant 4 : i32
      %mul3A_140 = vector.broadcast %mul3A_139 : i32 to vector<16xi32>
      %mul3A_141 = arith.muli %get3A_138, %mul3A_140 : vector<16xi32>
      %add3A_142 = arith.constant 16 : i32
      %add3A_143 = vector.broadcast %add3A_142 : i32 to vector<16xi32>
      %add3A_144 = arith.addi %iota3A, %add3A_143 : vector<16xi32>
      %broadcast_in_dim3A_145 = arith.constant 0 : i32
      %broadcast_in_dim3A_146 = vector.broadcast %broadcast_in_dim3A_145 : i32 to vector<16xi32>
      %add3A_147 = arith.constant 0 : i32
      %add3A_148 = vector.broadcast %add3A_147 : i32 to vector<16xi32>
      %add3A_149 = arith.addi %mul3A_134, %add3A_148 : vector<16xi32>
      %gather3A_150 = tpu.vector_load_idx %arg16[%add3A_149] : memref<40960xf32, #tpu.memory_space<vmem>>[vector<16xi32>], vector<16xf32>,
      %add3A_151 = arith.constant 0 : i32
      %add3A_152 = vector.broadcast %add3A_151 : i32 to vector<16xi32>
      %add3A_153 = arith.addi %mul3A_141, %add3A_152 : vector<16xi32>
      %gather3A_154 = tpu.vector_load_idx %arg17[%add3A_153] : memref<20480xf32, #tpu.memory_space<vmem>>[vector<16xi32>], vector<16xf32>,
      %add3A_155 = arith.addf %gather3A_150, %gather3A_154 : vector<16xf32>
      %mul3A_156 = arith.constant 2.000000e-01 : f32
      %mul3A_157 = vector.broadcast %mul3A_156 : f32 to vector<16xf32>
      %mul3A_158 = arith.mulf %add3A_155, %mul3A_157 : vector<16xf32>
      %max3A_159 = arith.maximumf %add3A_155, %mul3A_158 : vector<16xf32>
      %exp3A_160 = math.exp %max3A_159 : vector<16xf32>
      %jit3A_161 = arith.constant 0.000000e+00 : f32
      %broadcast_in_dim3A_162 = vector.broadcast %jit3A_161 : f32 to vector<16xf32>
      %select_n3A_163 = arith.select %lt3A_131, %exp3A_160, %broadcast_in_dim3A_162 : vector<16xi1>, vector<16xf32>
      tpu.vector_store_idx %arg13[%broadcast_in_dim3A_146, %add3A_144], %select_n3A_163 : memref<4x128xf32, #tpu.memory_space<vmem>>[vector<16xi32>, vector<16xi32>], vector<16xf32>,
      %add3A_164 = arith.constant 0 : i32
      %add3A_165 = vector.broadcast %add3A_164 : i32 to vector<16xi32>
      %add3A_166 = arith.addi %mul3A_141, %add3A_165 : vector<16xi32>
      tpu.vector_store_idx %arg14[%broadcast_in_dim3A_146, %add3A_144], %add3A_166 : memref<4x128xi32, #tpu.memory_space<vmem>>[vector<16xi32>, vector<16xi32>], vector<16xi32>,
      %broadcast_in_dim3A_167 = arith.constant 1 : i32
      %broadcast_in_dim3A_168 = vector.broadcast %broadcast_in_dim3A_167 : i32 to vector<16xi32>
      %add3A_169 = arith.constant 1 : i32
      %add3A_170 = vector.broadcast %add3A_169 : i32 to vector<16xi32>
      %add3A_171 = arith.addi %mul3A_134, %add3A_170 : vector<16xi32>
      %gather3A_172 = tpu.vector_load_idx %arg16[%add3A_171] : memref<40960xf32, #tpu.memory_space<vmem>>[vector<16xi32>], vector<16xf32>,
      %add3A_173 = arith.constant 1 : i32
      %add3A_174 = vector.broadcast %add3A_173 : i32 to vector<16xi32>
      %add3A_175 = arith.addi %mul3A_141, %add3A_174 : vector<16xi32>
      %gather3A_176 = tpu.vector_load_idx %arg17[%add3A_175] : memref<20480xf32, #tpu.memory_space<vmem>>[vector<16xi32>], vector<16xf32>,
      %add3A_177 = arith.addf %gather3A_172, %gather3A_176 : vector<16xf32>
      %mul3A_178 = arith.constant 2.000000e-01 : f32
      %mul3A_179 = vector.broadcast %mul3A_178 : f32 to vector<16xf32>
      %mul3A_180 = arith.mulf %add3A_177, %mul3A_179 : vector<16xf32>
      %max3A_181 = arith.maximumf %add3A_177, %mul3A_180 : vector<16xf32>
      %exp3A_182 = math.exp %max3A_181 : vector<16xf32>
      %jit3A_183 = arith.constant 0.000000e+00 : f32
      %broadcast_in_dim3A_184 = vector.broadcast %jit3A_183 : f32 to vector<16xf32>
      %select_n3A_185 = arith.select %lt3A_131, %exp3A_182, %broadcast_in_dim3A_184 : vector<16xi1>, vector<16xf32>
      tpu.vector_store_idx %arg13[%broadcast_in_dim3A_168, %add3A_144], %select_n3A_185 : memref<4x128xf32, #tpu.memory_space<vmem>>[vector<16xi32>, vector<16xi32>], vector<16xf32>,
      %add3A_186 = arith.constant 1 : i32
      %add3A_187 = vector.broadcast %add3A_186 : i32 to vector<16xi32>
      %add3A_188 = arith.addi %mul3A_141, %add3A_187 : vector<16xi32>
      tpu.vector_store_idx %arg14[%broadcast_in_dim3A_168, %add3A_144], %add3A_188 : memref<4x128xi32, #tpu.memory_space<vmem>>[vector<16xi32>, vector<16xi32>], vector<16xi32>,
      %broadcast_in_dim3A_189 = arith.constant 2 : i32
      %broadcast_in_dim3A_190 = vector.broadcast %broadcast_in_dim3A_189 : i32 to vector<16xi32>
      %add3A_191 = arith.constant 2 : i32
      %add3A_192 = vector.broadcast %add3A_191 : i32 to vector<16xi32>
      %add3A_193 = arith.addi %mul3A_134, %add3A_192 : vector<16xi32>
      %gather3A_194 = tpu.vector_load_idx %arg16[%add3A_193] : memref<40960xf32, #tpu.memory_space<vmem>>[vector<16xi32>], vector<16xf32>,
      %add3A_195 = arith.constant 2 : i32
      %add3A_196 = vector.broadcast %add3A_195 : i32 to vector<16xi32>
      %add3A_197 = arith.addi %mul3A_141, %add3A_196 : vector<16xi32>
      %gather3A_198 = tpu.vector_load_idx %arg17[%add3A_197] : memref<20480xf32, #tpu.memory_space<vmem>>[vector<16xi32>], vector<16xf32>,
      %add3A_199 = arith.addf %gather3A_194, %gather3A_198 : vector<16xf32>
      %mul3A_200 = arith.constant 2.000000e-01 : f32
      %mul3A_201 = vector.broadcast %mul3A_200 : f32 to vector<16xf32>
      %mul3A_202 = arith.mulf %add3A_199, %mul3A_201 : vector<16xf32>
      %max3A_203 = arith.maximumf %add3A_199, %mul3A_202 : vector<16xf32>
      %exp3A_204 = math.exp %max3A_203 : vector<16xf32>
      %jit3A_205 = arith.constant 0.000000e+00 : f32
      %broadcast_in_dim3A_206 = vector.broadcast %jit3A_205 : f32 to vector<16xf32>
      %select_n3A_207 = arith.select %lt3A_131, %exp3A_204, %broadcast_in_dim3A_206 : vector<16xi1>, vector<16xf32>
      tpu.vector_store_idx %arg13[%broadcast_in_dim3A_190, %add3A_144], %select_n3A_207 : memref<4x128xf32, #tpu.memory_space<vmem>>[vector<16xi32>, vector<16xi32>], vector<16xf32>,
      %add3A_208 = arith.constant 2 : i32
      %add3A_209 = vector.broadcast %add3A_208 : i32 to vector<16xi32>
      %add3A_210 = arith.addi %mul3A_141, %add3A_209 : vector<16xi32>
      tpu.vector_store_idx %arg14[%broadcast_in_dim3A_190, %add3A_144], %add3A_210 : memref<4x128xi32, #tpu.memory_space<vmem>>[vector<16xi32>, vector<16xi32>], vector<16xi32>,
      %broadcast_in_dim3A_211 = arith.constant 3 : i32
      %broadcast_in_dim3A_212 = vector.broadcast %broadcast_in_dim3A_211 : i32 to vector<16xi32>
      %add3A_213 = arith.constant 3 : i32
      %add3A_214 = vector.broadcast %add3A_213 : i32 to vector<16xi32>
      %add3A_215 = arith.addi %mul3A_134, %add3A_214 : vector<16xi32>
      %gather3A_216 = tpu.vector_load_idx %arg16[%add3A_215] : memref<40960xf32, #tpu.memory_space<vmem>>[vector<16xi32>], vector<16xf32>,
      %add3A_217 = arith.constant 3 : i32
      %add3A_218 = vector.broadcast %add3A_217 : i32 to vector<16xi32>
      %add3A_219 = arith.addi %mul3A_141, %add3A_218 : vector<16xi32>
      %gather3A_220 = tpu.vector_load_idx %arg17[%add3A_219] : memref<20480xf32, #tpu.memory_space<vmem>>[vector<16xi32>], vector<16xf32>,
      %add3A_221 = arith.addf %gather3A_216, %gather3A_220 : vector<16xf32>
      %mul3A_222 = arith.constant 2.000000e-01 : f32
      %mul3A_223 = vector.broadcast %mul3A_222 : f32 to vector<16xf32>
      %mul3A_224 = arith.mulf %add3A_221, %mul3A_223 : vector<16xf32>
      %max3A_225 = arith.maximumf %add3A_221, %mul3A_224 : vector<16xf32>
      %exp3A_226 = math.exp %max3A_225 : vector<16xf32>
      %jit3A_227 = arith.constant 0.000000e+00 : f32
      %broadcast_in_dim3A_228 = vector.broadcast %jit3A_227 : f32 to vector<16xf32>
      %select_n3A_229 = arith.select %lt3A_131, %exp3A_226, %broadcast_in_dim3A_228 : vector<16xi1>, vector<16xf32>
      tpu.vector_store_idx %arg13[%broadcast_in_dim3A_212, %add3A_144], %select_n3A_229 : memref<4x128xf32, #tpu.memory_space<vmem>>[vector<16xi32>, vector<16xi32>], vector<16xf32>,
      %add3A_230 = arith.constant 3 : i32
      %add3A_231 = vector.broadcast %add3A_230 : i32 to vector<16xi32>
      %add3A_232 = arith.addi %mul3A_141, %add3A_231 : vector<16xi32>
      tpu.vector_store_idx %arg14[%broadcast_in_dim3A_212, %add3A_144], %add3A_232 : memref<4x128xi32, #tpu.memory_space<vmem>>[vector<16xi32>, vector<16xi32>], vector<16xi32>,
      %get3A_233 = arith.constant 1 : i32
      %get3A_234 = arith.index_cast %get3A_233 : i32 to index
      %get3A_235 = arith.constant 0 : index
      %get3A_236 = tpu.vector_load %arg11[%get3A_234, %get3A_235] {strides = array<i32>} : memref<4x32xi32, #tpu.memory_space<vmem>>, vector<16xi32>,
      %lt3A_237 = arith.constant 10000 : i32
      %lt3A_238 = vector.broadcast %lt3A_237 : i32 to vector<16xi32>
      %lt3A_239 = arith.cmpi slt, %get3A_236, %lt3A_238 : vector<16xi32>
      %mul3A_240 = arith.constant 4 : i32
      %mul3A_241 = vector.broadcast %mul3A_240 : i32 to vector<16xi32>
      %mul3A_242 = arith.muli %get3A_236, %mul3A_241 : vector<16xi32>
      %get3A_243 = arith.constant 0 : i32
      %get3A_244 = arith.index_cast %get3A_243 : i32 to index
      %get3A_245 = arith.constant 32 : index
      %get3A_246 = tpu.vector_load %arg12[%get3A_244, %get3A_245] {strides = array<i32>} : memref<1x128xi32, #tpu.memory_space<vmem>>, vector<16xi32>,
      %mul3A_247 = arith.constant 4 : i32
      %mul3A_248 = vector.broadcast %mul3A_247 : i32 to vector<16xi32>
      %mul3A_249 = arith.muli %get3A_246, %mul3A_248 : vector<16xi32>
      %add3A_250 = arith.constant 32 : i32
      %add3A_251 = vector.broadcast %add3A_250 : i32 to vector<16xi32>
      %add3A_252 = arith.addi %iota3A, %add3A_251 : vector<16xi32>
      %broadcast_in_dim3A_253 = arith.constant 0 : i32
      %broadcast_in_dim3A_254 = vector.broadcast %broadcast_in_dim3A_253 : i32 to vector<16xi32>
      %add3A_255 = arith.constant 0 : i32
      %add3A_256 = vector.broadcast %add3A_255 : i32 to vector<16xi32>
      %add3A_257 = arith.addi %mul3A_242, %add3A_256 : vector<16xi32>
      %gather3A_258 = tpu.vector_load_idx %arg16[%add3A_257] : memref<40960xf32, #tpu.memory_space<vmem>>[vector<16xi32>], vector<16xf32>,
      %add3A_259 = arith.constant 0 : i32
      %add3A_260 = vector.broadcast %add3A_259 : i32 to vector<16xi32>
      %add3A_261 = arith.addi %mul3A_249, %add3A_260 : vector<16xi32>
      %gather3A_262 = tpu.vector_load_idx %arg17[%add3A_261] : memref<20480xf32, #tpu.memory_space<vmem>>[vector<16xi32>], vector<16xf32>,
      %add3A_263 = arith.addf %gather3A_258, %gather3A_262 : vector<16xf32>
      %mul3A_264 = arith.constant 2.000000e-01 : f32
      %mul3A_265 = vector.broadcast %mul3A_264 : f32 to vector<16xf32>
      %mul3A_266 = arith.mulf %add3A_263, %mul3A_265 : vector<16xf32>
      %max3A_267 = arith.maximumf %add3A_263, %mul3A_266 : vector<16xf32>
      %exp3A_268 = math.exp %max3A_267 : vector<16xf32>
      %jit3A_269 = arith.constant 0.000000e+00 : f32
      %broadcast_in_dim3A_270 = vector.broadcast %jit3A_269 : f32 to vector<16xf32>
      %select_n3A_271 = arith.select %lt3A_239, %exp3A_268, %broadcast_in_dim3A_270 : vector<16xi1>, vector<16xf32>
      tpu.vector_store_idx %arg13[%broadcast_in_dim3A_254, %add3A_252], %select_n3A_271 : memref<4x128xf32, #tpu.memory_space<vmem>>[vector<16xi32>, vector<16xi32>], vector<16xf32>,
      %add3A_272 = arith.constant 0 : i32
      %add3A_273 = vector.broadcast %add3A_272 : i32 to vector<16xi32>
      %add3A_274 = arith.addi %mul3A_249, %add3A_273 : vector<16xi32>
      tpu.vector_store_idx %arg14[%broadcast_in_dim3A_254, %add3A_252], %add3A_274 : memref<4x128xi32, #tpu.memory_space<vmem>>[vector<16xi32>, vector<16xi32>], vector<16xi32>,
      %broadcast_in_dim3A_275 = arith.constant 1 : i32
      %broadcast_in_dim3A_276 = vector.broadcast %broadcast_in_dim3A_275 : i32 to vector<16xi32>
      %add3A_277 = arith.constant 1 : i32
      %add3A_278 = vector.broadcast %add3A_277 : i32 to vector<16xi32>
      %add3A_279 = arith.addi %mul3A_242, %add3A_278 : vector<16xi32>
      %gather3A_280 = tpu.vector_load_idx %arg16[%add3A_279] : memref<40960xf32, #tpu.memory_space<vmem>>[vector<16xi32>], vector<16xf32>,
      %add3A_281 = arith.constant 1 : i32
      %add3A_282 = vector.broadcast %add3A_281 : i32 to vector<16xi32>
      %add3A_283 = arith.addi %mul3A_249, %add3A_282 : vector<16xi32>
      %gather3A_284 = tpu.vector_load_idx %arg17[%add3A_283] : memref<20480xf32, #tpu.memory_space<vmem>>[vector<16xi32>], vector<16xf32>,
      %add3A_285 = arith.addf %gather3A_280, %gather3A_284 : vector<16xf32>
      %mul3A_286 = arith.constant 2.000000e-01 : f32
      %mul3A_287 = vector.broadcast %mul3A_286 : f32 to vector<16xf32>
      %mul3A_288 = arith.mulf %add3A_285, %mul3A_287 : vector<16xf32>
      %max3A_289 = arith.maximumf %add3A_285, %mul3A_288 : vector<16xf32>
      %exp3A_290 = math.exp %max3A_289 : vector<16xf32>
      %jit3A_291 = arith.constant 0.000000e+00 : f32
      %broadcast_in_dim3A_292 = vector.broadcast %jit3A_291 : f32 to vector<16xf32>
      %select_n3A_293 = arith.select %lt3A_239, %exp3A_290, %broadcast_in_dim3A_292 : vector<16xi1>, vector<16xf32>
      tpu.vector_store_idx %arg13[%broadcast_in_dim3A_276, %add3A_252], %select_n3A_293 : memref<4x128xf32, #tpu.memory_space<vmem>>[vector<16xi32>, vector<16xi32>], vector<16xf32>,
      %add3A_294 = arith.constant 1 : i32
      %add3A_295 = vector.broadcast %add3A_294 : i32 to vector<16xi32>
      %add3A_296 = arith.addi %mul3A_249, %add3A_295 : vector<16xi32>
      tpu.vector_store_idx %arg14[%broadcast_in_dim3A_276, %add3A_252], %add3A_296 : memref<4x128xi32, #tpu.memory_space<vmem>>[vector<16xi32>, vector<16xi32>], vector<16xi32>,
      %broadcast_in_dim3A_297 = arith.constant 2 : i32
      %broadcast_in_dim3A_298 = vector.broadcast %broadcast_in_dim3A_297 : i32 to vector<16xi32>
      %add3A_299 = arith.constant 2 : i32
      %add3A_300 = vector.broadcast %add3A_299 : i32 to vector<16xi32>
      %add3A_301 = arith.addi %mul3A_242, %add3A_300 : vector<16xi32>
      %gather3A_302 = tpu.vector_load_idx %arg16[%add3A_301] : memref<40960xf32, #tpu.memory_space<vmem>>[vector<16xi32>], vector<16xf32>,
      %add3A_303 = arith.constant 2 : i32
      %add3A_304 = vector.broadcast %add3A_303 : i32 to vector<16xi32>
      %add3A_305 = arith.addi %mul3A_249, %add3A_304 : vector<16xi32>
      %gather3A_306 = tpu.vector_load_idx %arg17[%add3A_305] : memref<20480xf32, #tpu.memory_space<vmem>>[vector<16xi32>], vector<16xf32>,
      %add3A_307 = arith.addf %gather3A_302, %gather3A_306 : vector<16xf32>
      %mul3A_308 = arith.constant 2.000000e-01 : f32
      %mul3A_309 = vector.broadcast %mul3A_308 : f32 to vector<16xf32>
      %mul3A_310 = arith.mulf %add3A_307, %mul3A_309 : vector<16xf32>
      %max3A_311 = arith.maximumf %add3A_307, %mul3A_310 : vector<16xf32>
      %exp3A_312 = math.exp %max3A_311 : vector<16xf32>
      %jit3A_313 = arith.constant 0.000000e+00 : f32
      %broadcast_in_dim3A_314 = vector.broadcast %jit3A_313 : f32 to vector<16xf32>
      %select_n3A_315 = arith.select %lt3A_239, %exp3A_312, %broadcast_in_dim3A_314 : vector<16xi1>, vector<16xf32>
      tpu.vector_store_idx %arg13[%broadcast_in_dim3A_298, %add3A_252], %select_n3A_315 : memref<4x128xf32, #tpu.memory_space<vmem>>[vector<16xi32>, vector<16xi32>], vector<16xf32>,
      %add3A_316 = arith.constant 2 : i32
      %add3A_317 = vector.broadcast %add3A_316 : i32 to vector<16xi32>
      %add3A_318 = arith.addi %mul3A_249, %add3A_317 : vector<16xi32>
      tpu.vector_store_idx %arg14[%broadcast_in_dim3A_298, %add3A_252], %add3A_318 : memref<4x128xi32, #tpu.memory_space<vmem>>[vector<16xi32>, vector<16xi32>], vector<16xi32>,
      %broadcast_in_dim3A_319 = arith.constant 3 : i32
      %broadcast_in_dim3A_320 = vector.broadcast %broadcast_in_dim3A_319 : i32 to vector<16xi32>
      %add3A_321 = arith.constant 3 : i32
      %add3A_322 = vector.broadcast %add3A_321 : i32 to vector<16xi32>
      %add3A_323 = arith.addi %mul3A_242, %add3A_322 : vector<16xi32>
      %gather3A_324 = tpu.vector_load_idx %arg16[%add3A_323] : memref<40960xf32, #tpu.memory_space<vmem>>[vector<16xi32>], vector<16xf32>,
      %add3A_325 = arith.constant 3 : i32
      %add3A_326 = vector.broadcast %add3A_325 : i32 to vector<16xi32>
      %add3A_327 = arith.addi %mul3A_249, %add3A_326 : vector<16xi32>
      %gather3A_328 = tpu.vector_load_idx %arg17[%add3A_327] : memref<20480xf32, #tpu.memory_space<vmem>>[vector<16xi32>], vector<16xf32>,
      %add3A_329 = arith.addf %gather3A_324, %gather3A_328 : vector<16xf32>
      %mul3A_330 = arith.constant 2.000000e-01 : f32
      %mul3A_331 = vector.broadcast %mul3A_330 : f32 to vector<16xf32>
      %mul3A_332 = arith.mulf %add3A_329, %mul3A_331 : vector<16xf32>
      %max3A_333 = arith.maximumf %add3A_329, %mul3A_332 : vector<16xf32>
      %exp3A_334 = math.exp %max3A_333 : vector<16xf32>
      %jit3A_335 = arith.constant 0.000000e+00 : f32
      %broadcast_in_dim3A_336 = vector.broadcast %jit3A_335 : f32 to vector<16xf32>
      %select_n3A_337 = arith.select %lt3A_239, %exp3A_334, %broadcast_in_dim3A_336 : vector<16xi1>, vector<16xf32>
      tpu.vector_store_idx %arg13[%broadcast_in_dim3A_320, %add3A_252], %select_n3A_337 : memref<4x128xf32, #tpu.memory_space<vmem>>[vector<16xi32>, vector<16xi32>], vector<16xf32>,
      %add3A_338 = arith.constant 3 : i32
      %add3A_339 = vector.broadcast %add3A_338 : i32 to vector<16xi32>
      %add3A_340 = arith.addi %mul3A_249, %add3A_339 : vector<16xi32>
      tpu.vector_store_idx %arg14[%broadcast_in_dim3A_320, %add3A_252], %add3A_340 : memref<4x128xi32, #tpu.memory_space<vmem>>[vector<16xi32>, vector<16xi32>], vector<16xi32>,
      %get3A_341 = arith.constant 1 : i32
      %get3A_342 = arith.index_cast %get3A_341 : i32 to index
      %get3A_343 = arith.constant 16 : index
      %get3A_344 = tpu.vector_load %arg11[%get3A_342, %get3A_343] {strides = array<i32>} : memref<4x32xi32, #tpu.memory_space<vmem>>, vector<16xi32>,
      %lt3A_345 = arith.constant 10000 : i32
      %lt3A_346 = vector.broadcast %lt3A_345 : i32 to vector<16xi32>
      %lt3A_347 = arith.cmpi slt, %get3A_344, %lt3A_346 : vector<16xi32>
      %mul3A_348 = arith.constant 4 : i32
      %mul3A_349 = vector.broadcast %mul3A_348 : i32 to vector<16xi32>
      %mul3A_350 = arith.muli %get3A_344, %mul3A_349 : vector<16xi32>
      %get3A_351 = arith.constant 0 : i32
      %get3A_352 = arith.index_cast %get3A_351 : i32 to index
      %get3A_353 = arith.constant 48 : index
      %get3A_354 = tpu.vector_load %arg12[%get3A_352, %get3A_353] {strides = array<i32>} : memref<1x128xi32, #tpu.memory_space<vmem>>, vector<16xi32>,
      %mul3A_355 = arith.constant 4 : i32
      %mul3A_356 = vector.broadcast %mul3A_355 : i32 to vector<16xi32>
      %mul3A_357 = arith.muli %get3A_354, %mul3A_356 : vector<16xi32>
      %add3A_358 = arith.constant 48 : i32
      %add3A_359 = vector.broadcast %add3A_358 : i32 to vector<16xi32>
      %add3A_360 = arith.addi %iota3A, %add3A_359 : vector<16xi32>
      %broadcast_in_dim3A_361 = arith.constant 0 : i32
      %broadcast_in_dim3A_362 = vector.broadcast %broadcast_in_dim3A_361 : i32 to vector<16xi32>
      %add3A_363 = arith.constant 0 : i32
      %add3A_364 = vector.broadcast %add3A_363 : i32 to vector<16xi32>
      %add3A_365 = arith.addi %mul3A_350, %add3A_364 : vector<16xi32>
      %gather3A_366 = tpu.vector_load_idx %arg16[%add3A_365] : memref<40960xf32, #tpu.memory_space<vmem>>[vector<16xi32>], vector<16xf32>,
      %add3A_367 = arith.constant 0 : i32
      %add3A_368 = vector.broadcast %add3A_367 : i32 to vector<16xi32>
      %add3A_369 = arith.addi %mul3A_357, %add3A_368 : vector<16xi32>
      %gather3A_370 = tpu.vector_load_idx %arg17[%add3A_369] : memref<20480xf32, #tpu.memory_space<vmem>>[vector<16xi32>], vector<16xf32>,
      %add3A_371 = arith.addf %gather3A_366, %gather3A_370 : vector<16xf32>
      %mul3A_372 = arith.constant 2.000000e-01 : f32
      %mul3A_373 = vector.broadcast %mul3A_372 : f32 to vector<16xf32>
      %mul3A_374 = arith.mulf %add3A_371, %mul3A_373 : vector<16xf32>
      %max3A_375 = arith.maximumf %add3A_371, %mul3A_374 : vector<16xf32>
      %exp3A_376 = math.exp %max3A_375 : vector<16xf32>
      %jit3A_377 = arith.constant 0.000000e+00 : f32
      %broadcast_in_dim3A_378 = vector.broadcast %jit3A_377 : f32 to vector<16xf32>
      %select_n3A_379 = arith.select %lt3A_347, %exp3A_376, %broadcast_in_dim3A_378 : vector<16xi1>, vector<16xf32>
      tpu.vector_store_idx %arg13[%broadcast_in_dim3A_362, %add3A_360], %select_n3A_379 : memref<4x128xf32, #tpu.memory_space<vmem>>[vector<16xi32>, vector<16xi32>], vector<16xf32>,
      %add3A_380 = arith.constant 0 : i32
      %add3A_381 = vector.broadcast %add3A_380 : i32 to vector<16xi32>
      %add3A_382 = arith.addi %mul3A_357, %add3A_381 : vector<16xi32>
      tpu.vector_store_idx %arg14[%broadcast_in_dim3A_362, %add3A_360], %add3A_382 : memref<4x128xi32, #tpu.memory_space<vmem>>[vector<16xi32>, vector<16xi32>], vector<16xi32>,
      %broadcast_in_dim3A_383 = arith.constant 1 : i32
      %broadcast_in_dim3A_384 = vector.broadcast %broadcast_in_dim3A_383 : i32 to vector<16xi32>
      %add3A_385 = arith.constant 1 : i32
      %add3A_386 = vector.broadcast %add3A_385 : i32 to vector<16xi32>
      %add3A_387 = arith.addi %mul3A_350, %add3A_386 : vector<16xi32>
      %gather3A_388 = tpu.vector_load_idx %arg16[%add3A_387] : memref<40960xf32, #tpu.memory_space<vmem>>[vector<16xi32>], vector<16xf32>,
      %add3A_389 = arith.constant 1 : i32
      %add3A_390 = vector.broadcast %add3A_389 : i32 to vector<16xi32>
      %add3A_391 = arith.addi %mul3A_357, %add3A_390 : vector<16xi32>
      %gather3A_392 = tpu.vector_load_idx %arg17[%add3A_391] : memref<20480xf32, #tpu.memory_space<vmem>>[vector<16xi32>], vector<16xf32>,
      %add3A_393 = arith.addf %gather3A_388, %gather3A_392 : vector<16xf32>
      %mul3A_394 = arith.constant 2.000000e-01 : f32
      %mul3A_395 = vector.broadcast %mul3A_394 : f32 to vector<16xf32>
      %mul3A_396 = arith.mulf %add3A_393, %mul3A_395 : vector<16xf32>
      %max3A_397 = arith.maximumf %add3A_393, %mul3A_396 : vector<16xf32>
      %exp3A_398 = math.exp %max3A_397 : vector<16xf32>
      %jit3A_399 = arith.constant 0.000000e+00 : f32
      %broadcast_in_dim3A_400 = vector.broadcast %jit3A_399 : f32 to vector<16xf32>
      %select_n3A_401 = arith.select %lt3A_347, %exp3A_398, %broadcast_in_dim3A_400 : vector<16xi1>, vector<16xf32>
      tpu.vector_store_idx %arg13[%broadcast_in_dim3A_384, %add3A_360], %select_n3A_401 : memref<4x128xf32, #tpu.memory_space<vmem>>[vector<16xi32>, vector<16xi32>], vector<16xf32>,
      %add3A_402 = arith.constant 1 : i32
      %add3A_403 = vector.broadcast %add3A_402 : i32 to vector<16xi32>
      %add3A_404 = arith.addi %mul3A_357, %add3A_403 : vector<16xi32>
      tpu.vector_store_idx %arg14[%broadcast_in_dim3A_384, %add3A_360], %add3A_404 : memref<4x128xi32, #tpu.memory_space<vmem>>[vector<16xi32>, vector<16xi32>], vector<16xi32>,
      %broadcast_in_dim3A_405 = arith.constant 2 : i32
      %broadcast_in_dim3A_406 = vector.broadcast %broadcast_in_dim3A_405 : i32 to vector<16xi32>
      %add3A_407 = arith.constant 2 : i32
      %add3A_408 = vector.broadcast %add3A_407 : i32 to vector<16xi32>
      %add3A_409 = arith.addi %mul3A_350, %add3A_408 : vector<16xi32>
      %gather3A_410 = tpu.vector_load_idx %arg16[%add3A_409] : memref<40960xf32, #tpu.memory_space<vmem>>[vector<16xi32>], vector<16xf32>,
      %add3A_411 = arith.constant 2 : i32
      %add3A_412 = vector.broadcast %add3A_411 : i32 to vector<16xi32>
      %add3A_413 = arith.addi %mul3A_357, %add3A_412 : vector<16xi32>
      %gather3A_414 = tpu.vector_load_idx %arg17[%add3A_413] : memref<20480xf32, #tpu.memory_space<vmem>>[vector<16xi32>], vector<16xf32>,
      %add3A_415 = arith.addf %gather3A_410, %gather3A_414 : vector<16xf32>
      %mul3A_416 = arith.constant 2.000000e-01 : f32
      %mul3A_417 = vector.broadcast %mul3A_416 : f32 to vector<16xf32>
      %mul3A_418 = arith.mulf %add3A_415, %mul3A_417 : vector<16xf32>
      %max3A_419 = arith.maximumf %add3A_415, %mul3A_418 : vector<16xf32>
      %exp3A_420 = math.exp %max3A_419 : vector<16xf32>
      %jit3A_421 = arith.constant 0.000000e+00 : f32
      %broadcast_in_dim3A_422 = vector.broadcast %jit3A_421 : f32 to vector<16xf32>
      %select_n3A_423 = arith.select %lt3A_347, %exp3A_420, %broadcast_in_dim3A_422 : vector<16xi1>, vector<16xf32>
      tpu.vector_store_idx %arg13[%broadcast_in_dim3A_406, %add3A_360], %select_n3A_423 : memref<4x128xf32, #tpu.memory_space<vmem>>[vector<16xi32>, vector<16xi32>], vector<16xf32>,
      %add3A_424 = arith.constant 2 : i32
      %add3A_425 = vector.broadcast %add3A_424 : i32 to vector<16xi32>
      %add3A_426 = arith.addi %mul3A_357, %add3A_425 : vector<16xi32>
      tpu.vector_store_idx %arg14[%broadcast_in_dim3A_406, %add3A_360], %add3A_426 : memref<4x128xi32, #tpu.memory_space<vmem>>[vector<16xi32>, vector<16xi32>], vector<16xi32>,
      %broadcast_in_dim3A_427 = arith.constant 3 : i32
      %broadcast_in_dim3A_428 = vector.broadcast %broadcast_in_dim3A_427 : i32 to vector<16xi32>
      %add3A_429 = arith.constant 3 : i32
      %add3A_430 = vector.broadcast %add3A_429 : i32 to vector<16xi32>
      %add3A_431 = arith.addi %mul3A_350, %add3A_430 : vector<16xi32>
      %gather3A_432 = tpu.vector_load_idx %arg16[%add3A_431] : memref<40960xf32, #tpu.memory_space<vmem>>[vector<16xi32>], vector<16xf32>,
      %add3A_433 = arith.constant 3 : i32
      %add3A_434 = vector.broadcast %add3A_433 : i32 to vector<16xi32>
      %add3A_435 = arith.addi %mul3A_357, %add3A_434 : vector<16xi32>
      %gather3A_436 = tpu.vector_load_idx %arg17[%add3A_435] : memref<20480xf32, #tpu.memory_space<vmem>>[vector<16xi32>], vector<16xf32>,
      %add3A_437 = arith.addf %gather3A_432, %gather3A_436 : vector<16xf32>
      %mul3A_438 = arith.constant 2.000000e-01 : f32
      %mul3A_439 = vector.broadcast %mul3A_438 : f32 to vector<16xf32>
      %mul3A_440 = arith.mulf %add3A_437, %mul3A_439 : vector<16xf32>
      %max3A_441 = arith.maximumf %add3A_437, %mul3A_440 : vector<16xf32>
      %exp3A_442 = math.exp %max3A_441 : vector<16xf32>
      %jit3A_443 = arith.constant 0.000000e+00 : f32
      %broadcast_in_dim3A_444 = vector.broadcast %jit3A_443 : f32 to vector<16xf32>
      %select_n3A_445 = arith.select %lt3A_347, %exp3A_442, %broadcast_in_dim3A_444 : vector<16xi1>, vector<16xf32>
      tpu.vector_store_idx %arg13[%broadcast_in_dim3A_428, %add3A_360], %select_n3A_445 : memref<4x128xf32, #tpu.memory_space<vmem>>[vector<16xi32>, vector<16xi32>], vector<16xf32>,
      %add3A_446 = arith.constant 3 : i32
      %add3A_447 = vector.broadcast %add3A_446 : i32 to vector<16xi32>
      %add3A_448 = arith.addi %mul3A_357, %add3A_447 : vector<16xi32>
      tpu.vector_store_idx %arg14[%broadcast_in_dim3A_428, %add3A_360], %add3A_448 : memref<4x128xi32, #tpu.memory_space<vmem>>[vector<16xi32>, vector<16xi32>], vector<16xi32>,
      %get3A_449 = arith.constant 2 : i32
      %get3A_450 = arith.index_cast %get3A_449 : i32 to index
      %get3A_451 = arith.constant 0 : index
      %get3A_452 = tpu.vector_load %arg11[%get3A_450, %get3A_451] {strides = array<i32>} : memref<4x32xi32, #tpu.memory_space<vmem>>, vector<16xi32>,
      %lt3A_453 = arith.constant 10000 : i32
      %lt3A_454 = vector.broadcast %lt3A_453 : i32 to vector<16xi32>
      %lt3A_455 = arith.cmpi slt, %get3A_452, %lt3A_454 : vector<16xi32>
      %mul3A_456 = arith.constant 4 : i32
      %mul3A_457 = vector.broadcast %mul3A_456 : i32 to vector<16xi32>
      %mul3A_458 = arith.muli %get3A_452, %mul3A_457 : vector<16xi32>
      %get3A_459 = arith.constant 0 : i32
      %get3A_460 = arith.index_cast %get3A_459 : i32 to index
      %get3A_461 = arith.constant 64 : index
      %get3A_462 = tpu.vector_load %arg12[%get3A_460, %get3A_461] {strides = array<i32>} : memref<1x128xi32, #tpu.memory_space<vmem>>, vector<16xi32>,
      %mul3A_463 = arith.constant 4 : i32
      %mul3A_464 = vector.broadcast %mul3A_463 : i32 to vector<16xi32>
      %mul3A_465 = arith.muli %get3A_462, %mul3A_464 : vector<16xi32>
      %add3A_466 = arith.constant 64 : i32
      %add3A_467 = vector.broadcast %add3A_466 : i32 to vector<16xi32>
      %add3A_468 = arith.addi %iota3A, %add3A_467 : vector<16xi32>
      %broadcast_in_dim3A_469 = arith.constant 0 : i32
      %broadcast_in_dim3A_470 = vector.broadcast %broadcast_in_dim3A_469 : i32 to vector<16xi32>
      %add3A_471 = arith.constant 0 : i32
      %add3A_472 = vector.broadcast %add3A_471 : i32 to vector<16xi32>
      %add3A_473 = arith.addi %mul3A_458, %add3A_472 : vector<16xi32>
      %gather3A_474 = tpu.vector_load_idx %arg16[%add3A_473] : memref<40960xf32, #tpu.memory_space<vmem>>[vector<16xi32>], vector<16xf32>,
      %add3A_475 = arith.constant 0 : i32
      %add3A_476 = vector.broadcast %add3A_475 : i32 to vector<16xi32>
      %add3A_477 = arith.addi %mul3A_465, %add3A_476 : vector<16xi32>
      %gather3A_478 = tpu.vector_load_idx %arg17[%add3A_477] : memref<20480xf32, #tpu.memory_space<vmem>>[vector<16xi32>], vector<16xf32>,
      %add3A_479 = arith.addf %gather3A_474, %gather3A_478 : vector<16xf32>
      %mul3A_480 = arith.constant 2.000000e-01 : f32
      %mul3A_481 = vector.broadcast %mul3A_480 : f32 to vector<16xf32>
      %mul3A_482 = arith.mulf %add3A_479, %mul3A_481 : vector<16xf32>
      %max3A_483 = arith.maximumf %add3A_479, %mul3A_482 : vector<16xf32>
      %exp3A_484 = math.exp %max3A_483 : vector<16xf32>
      %jit3A_485 = arith.constant 0.000000e+00 : f32
      %broadcast_in_dim3A_486 = vector.broadcast %jit3A_485 : f32 to vector<16xf32>
      %select_n3A_487 = arith.select %lt3A_455, %exp3A_484, %broadcast_in_dim3A_486 : vector<16xi1>, vector<16xf32>
      tpu.vector_store_idx %arg13[%broadcast_in_dim3A_470, %add3A_468], %select_n3A_487 : memref<4x128xf32, #tpu.memory_space<vmem>>[vector<16xi32>, vector<16xi32>], vector<16xf32>,
      %add3A_488 = arith.constant 0 : i32
      %add3A_489 = vector.broadcast %add3A_488 : i32 to vector<16xi32>
      %add3A_490 = arith.addi %mul3A_465, %add3A_489 : vector<16xi32>
      tpu.vector_store_idx %arg14[%broadcast_in_dim3A_470, %add3A_468], %add3A_490 : memref<4x128xi32, #tpu.memory_space<vmem>>[vector<16xi32>, vector<16xi32>], vector<16xi32>,
      %broadcast_in_dim3A_491 = arith.constant 1 : i32
      %broadcast_in_dim3A_492 = vector.broadcast %broadcast_in_dim3A_491 : i32 to vector<16xi32>
      %add3A_493 = arith.constant 1 : i32
      %add3A_494 = vector.broadcast %add3A_493 : i32 to vector<16xi32>
      %add3A_495 = arith.addi %mul3A_458, %add3A_494 : vector<16xi32>
      %gather3A_496 = tpu.vector_load_idx %arg16[%add3A_495] : memref<40960xf32, #tpu.memory_space<vmem>>[vector<16xi32>], vector<16xf32>,
      %add3A_497 = arith.constant 1 : i32
      %add3A_498 = vector.broadcast %add3A_497 : i32 to vector<16xi32>
      %add3A_499 = arith.addi %mul3A_465, %add3A_498 : vector<16xi32>
      %gather3A_500 = tpu.vector_load_idx %arg17[%add3A_499] : memref<20480xf32, #tpu.memory_space<vmem>>[vector<16xi32>], vector<16xf32>,
      %add3A_501 = arith.addf %gather3A_496, %gather3A_500 : vector<16xf32>
      %mul3A_502 = arith.constant 2.000000e-01 : f32
      %mul3A_503 = vector.broadcast %mul3A_502 : f32 to vector<16xf32>
      %mul3A_504 = arith.mulf %add3A_501, %mul3A_503 : vector<16xf32>
      %max3A_505 = arith.maximumf %add3A_501, %mul3A_504 : vector<16xf32>
      %exp3A_506 = math.exp %max3A_505 : vector<16xf32>
      %jit3A_507 = arith.constant 0.000000e+00 : f32
      %broadcast_in_dim3A_508 = vector.broadcast %jit3A_507 : f32 to vector<16xf32>
      %select_n3A_509 = arith.select %lt3A_455, %exp3A_506, %broadcast_in_dim3A_508 : vector<16xi1>, vector<16xf32>
      tpu.vector_store_idx %arg13[%broadcast_in_dim3A_492, %add3A_468], %select_n3A_509 : memref<4x128xf32, #tpu.memory_space<vmem>>[vector<16xi32>, vector<16xi32>], vector<16xf32>,
      %add3A_510 = arith.constant 1 : i32
      %add3A_511 = vector.broadcast %add3A_510 : i32 to vector<16xi32>
      %add3A_512 = arith.addi %mul3A_465, %add3A_511 : vector<16xi32>
      tpu.vector_store_idx %arg14[%broadcast_in_dim3A_492, %add3A_468], %add3A_512 : memref<4x128xi32, #tpu.memory_space<vmem>>[vector<16xi32>, vector<16xi32>], vector<16xi32>,
      %broadcast_in_dim3A_513 = arith.constant 2 : i32
      %broadcast_in_dim3A_514 = vector.broadcast %broadcast_in_dim3A_513 : i32 to vector<16xi32>
      %add3A_515 = arith.constant 2 : i32
      %add3A_516 = vector.broadcast %add3A_515 : i32 to vector<16xi32>
      %add3A_517 = arith.addi %mul3A_458, %add3A_516 : vector<16xi32>
      %gather3A_518 = tpu.vector_load_idx %arg16[%add3A_517] : memref<40960xf32, #tpu.memory_space<vmem>>[vector<16xi32>], vector<16xf32>,
      %add3A_519 = arith.constant 2 : i32
      %add3A_520 = vector.broadcast %add3A_519 : i32 to vector<16xi32>
      %add3A_521 = arith.addi %mul3A_465, %add3A_520 : vector<16xi32>
      %gather3A_522 = tpu.vector_load_idx %arg17[%add3A_521] : memref<20480xf32, #tpu.memory_space<vmem>>[vector<16xi32>], vector<16xf32>,
      %add3A_523 = arith.addf %gather3A_518, %gather3A_522 : vector<16xf32>
      %mul3A_524 = arith.constant 2.000000e-01 : f32
      %mul3A_525 = vector.broadcast %mul3A_524 : f32 to vector<16xf32>
      %mul3A_526 = arith.mulf %add3A_523, %mul3A_525 : vector<16xf32>
      %max3A_527 = arith.maximumf %add3A_523, %mul3A_526 : vector<16xf32>
      %exp3A_528 = math.exp %max3A_527 : vector<16xf32>
      %jit3A_529 = arith.constant 0.000000e+00 : f32
      %broadcast_in_dim3A_530 = vector.broadcast %jit3A_529 : f32 to vector<16xf32>
      %select_n3A_531 = arith.select %lt3A_455, %exp3A_528, %broadcast_in_dim3A_530 : vector<16xi1>, vector<16xf32>
      tpu.vector_store_idx %arg13[%broadcast_in_dim3A_514, %add3A_468], %select_n3A_531 : memref<4x128xf32, #tpu.memory_space<vmem>>[vector<16xi32>, vector<16xi32>], vector<16xf32>,
      %add3A_532 = arith.constant 2 : i32
      %add3A_533 = vector.broadcast %add3A_532 : i32 to vector<16xi32>
      %add3A_534 = arith.addi %mul3A_465, %add3A_533 : vector<16xi32>
      tpu.vector_store_idx %arg14[%broadcast_in_dim3A_514, %add3A_468], %add3A_534 : memref<4x128xi32, #tpu.memory_space<vmem>>[vector<16xi32>, vector<16xi32>], vector<16xi32>,
      %broadcast_in_dim3A_535 = arith.constant 3 : i32
      %broadcast_in_dim3A_536 = vector.broadcast %broadcast_in_dim3A_535 : i32 to vector<16xi32>
      %add3A_537 = arith.constant 3 : i32
      %add3A_538 = vector.broadcast %add3A_537 : i32 to vector<16xi32>
      %add3A_539 = arith.addi %mul3A_458, %add3A_538 : vector<16xi32>
      %gather3A_540 = tpu.vector_load_idx %arg16[%add3A_539] : memref<40960xf32, #tpu.memory_space<vmem>>[vector<16xi32>], vector<16xf32>,
      %add3A_541 = arith.constant 3 : i32
      %add3A_542 = vector.broadcast %add3A_541 : i32 to vector<16xi32>
      %add3A_543 = arith.addi %mul3A_465, %add3A_542 : vector<16xi32>
      %gather3A_544 = tpu.vector_load_idx %arg17[%add3A_543] : memref<20480xf32, #tpu.memory_space<vmem>>[vector<16xi32>], vector<16xf32>,
      %add3A_545 = arith.addf %gather3A_540, %gather3A_544 : vector<16xf32>
      %mul3A_546 = arith.constant 2.000000e-01 : f32
      %mul3A_547 = vector.broadcast %mul3A_546 : f32 to vector<16xf32>
      %mul3A_548 = arith.mulf %add3A_545, %mul3A_547 : vector<16xf32>
      %max3A_549 = arith.maximumf %add3A_545, %mul3A_548 : vector<16xf32>
      %exp3A_550 = math.exp %max3A_549 : vector<16xf32>
      %jit3A_551 = arith.constant 0.000000e+00 : f32
      %broadcast_in_dim3A_552 = vector.broadcast %jit3A_551 : f32 to vector<16xf32>
      %select_n3A_553 = arith.select %lt3A_455, %exp3A_550, %broadcast_in_dim3A_552 : vector<16xi1>, vector<16xf32>
      tpu.vector_store_idx %arg13[%broadcast_in_dim3A_536, %add3A_468], %select_n3A_553 : memref<4x128xf32, #tpu.memory_space<vmem>>[vector<16xi32>, vector<16xi32>], vector<16xf32>,
      %add3A_554 = arith.constant 3 : i32
      %add3A_555 = vector.broadcast %add3A_554 : i32 to vector<16xi32>
      %add3A_556 = arith.addi %mul3A_465, %add3A_555 : vector<16xi32>
      tpu.vector_store_idx %arg14[%broadcast_in_dim3A_536, %add3A_468], %add3A_556 : memref<4x128xi32, #tpu.memory_space<vmem>>[vector<16xi32>, vector<16xi32>], vector<16xi32>,
      %get3A_557 = arith.constant 2 : i32
      %get3A_558 = arith.index_cast %get3A_557 : i32 to index
      %get3A_559 = arith.constant 16 : index
      %get3A_560 = tpu.vector_load %arg11[%get3A_558, %get3A_559] {strides = array<i32>} : memref<4x32xi32, #tpu.memory_space<vmem>>, vector<16xi32>,
      %lt3A_561 = arith.constant 10000 : i32
      %lt3A_562 = vector.broadcast %lt3A_561 : i32 to vector<16xi32>
      %lt3A_563 = arith.cmpi slt, %get3A_560, %lt3A_562 : vector<16xi32>
      %mul3A_564 = arith.constant 4 : i32
      %mul3A_565 = vector.broadcast %mul3A_564 : i32 to vector<16xi32>
      %mul3A_566 = arith.muli %get3A_560, %mul3A_565 : vector<16xi32>
      %get3A_567 = arith.constant 0 : i32
      %get3A_568 = arith.index_cast %get3A_567 : i32 to index
      %get3A_569 = arith.constant 80 : index
      %get3A_570 = tpu.vector_load %arg12[%get3A_568, %get3A_569] {strides = array<i32>} : memref<1x128xi32, #tpu.memory_space<vmem>>, vector<16xi32>,
      %mul3A_571 = arith.constant 4 : i32
      %mul3A_572 = vector.broadcast %mul3A_571 : i32 to vector<16xi32>
      %mul3A_573 = arith.muli %get3A_570, %mul3A_572 : vector<16xi32>
      %add3A_574 = arith.constant 80 : i32
      %add3A_575 = vector.broadcast %add3A_574 : i32 to vector<16xi32>
      %add3A_576 = arith.addi %iota3A, %add3A_575 : vector<16xi32>
      %broadcast_in_dim3A_577 = arith.constant 0 : i32
      %broadcast_in_dim3A_578 = vector.broadcast %broadcast_in_dim3A_577 : i32 to vector<16xi32>
      %add3A_579 = arith.constant 0 : i32
      %add3A_580 = vector.broadcast %add3A_579 : i32 to vector<16xi32>
      %add3A_581 = arith.addi %mul3A_566, %add3A_580 : vector<16xi32>
      %gather3A_582 = tpu.vector_load_idx %arg16[%add3A_581] : memref<40960xf32, #tpu.memory_space<vmem>>[vector<16xi32>], vector<16xf32>,
      %add3A_583 = arith.constant 0 : i32
      %add3A_584 = vector.broadcast %add3A_583 : i32 to vector<16xi32>
      %add3A_585 = arith.addi %mul3A_573, %add3A_584 : vector<16xi32>
      %gather3A_586 = tpu.vector_load_idx %arg17[%add3A_585] : memref<20480xf32, #tpu.memory_space<vmem>>[vector<16xi32>], vector<16xf32>,
      %add3A_587 = arith.addf %gather3A_582, %gather3A_586 : vector<16xf32>
      %mul3A_588 = arith.constant 2.000000e-01 : f32
      %mul3A_589 = vector.broadcast %mul3A_588 : f32 to vector<16xf32>
      %mul3A_590 = arith.mulf %add3A_587, %mul3A_589 : vector<16xf32>
      %max3A_591 = arith.maximumf %add3A_587, %mul3A_590 : vector<16xf32>
      %exp3A_592 = math.exp %max3A_591 : vector<16xf32>
      %jit3A_593 = arith.constant 0.000000e+00 : f32
      %broadcast_in_dim3A_594 = vector.broadcast %jit3A_593 : f32 to vector<16xf32>
      %select_n3A_595 = arith.select %lt3A_563, %exp3A_592, %broadcast_in_dim3A_594 : vector<16xi1>, vector<16xf32>
      tpu.vector_store_idx %arg13[%broadcast_in_dim3A_578, %add3A_576], %select_n3A_595 : memref<4x128xf32, #tpu.memory_space<vmem>>[vector<16xi32>, vector<16xi32>], vector<16xf32>,
      %add3A_596 = arith.constant 0 : i32
      %add3A_597 = vector.broadcast %add3A_596 : i32 to vector<16xi32>
      %add3A_598 = arith.addi %mul3A_573, %add3A_597 : vector<16xi32>
      tpu.vector_store_idx %arg14[%broadcast_in_dim3A_578, %add3A_576], %add3A_598 : memref<4x128xi32, #tpu.memory_space<vmem>>[vector<16xi32>, vector<16xi32>], vector<16xi32>,
      %broadcast_in_dim3A_599 = arith.constant 1 : i32
      %broadcast_in_dim3A_600 = vector.broadcast %broadcast_in_dim3A_599 : i32 to vector<16xi32>
      %add3A_601 = arith.constant 1 : i32
      %add3A_602 = vector.broadcast %add3A_601 : i32 to vector<16xi32>
      %add3A_603 = arith.addi %mul3A_566, %add3A_602 : vector<16xi32>
      %gather3A_604 = tpu.vector_load_idx %arg16[%add3A_603] : memref<40960xf32, #tpu.memory_space<vmem>>[vector<16xi32>], vector<16xf32>,
      %add3A_605 = arith.constant 1 : i32
      %add3A_606 = vector.broadcast %add3A_605 : i32 to vector<16xi32>
      %add3A_607 = arith.addi %mul3A_573, %add3A_606 : vector<16xi32>
      %gather3A_608 = tpu.vector_load_idx %arg17[%add3A_607] : memref<20480xf32, #tpu.memory_space<vmem>>[vector<16xi32>], vector<16xf32>,
      %add3A_609 = arith.addf %gather3A_604, %gather3A_608 : vector<16xf32>
      %mul3A_610 = arith.constant 2.000000e-01 : f32
      %mul3A_611 = vector.broadcast %mul3A_610 : f32 to vector<16xf32>
      %mul3A_612 = arith.mulf %add3A_609, %mul3A_611 : vector<16xf32>
      %max3A_613 = arith.maximumf %add3A_609, %mul3A_612 : vector<16xf32>
      %exp3A_614 = math.exp %max3A_613 : vector<16xf32>
      %jit3A_615 = arith.constant 0.000000e+00 : f32
      %broadcast_in_dim3A_616 = vector.broadcast %jit3A_615 : f32 to vector<16xf32>
      %select_n3A_617 = arith.select %lt3A_563, %exp3A_614, %broadcast_in_dim3A_616 : vector<16xi1>, vector<16xf32>
      tpu.vector_store_idx %arg13[%broadcast_in_dim3A_600, %add3A_576], %select_n3A_617 : memref<4x128xf32, #tpu.memory_space<vmem>>[vector<16xi32>, vector<16xi32>], vector<16xf32>,
      %add3A_618 = arith.constant 1 : i32
      %add3A_619 = vector.broadcast %add3A_618 : i32 to vector<16xi32>
      %add3A_620 = arith.addi %mul3A_573, %add3A_619 : vector<16xi32>
      tpu.vector_store_idx %arg14[%broadcast_in_dim3A_600, %add3A_576], %add3A_620 : memref<4x128xi32, #tpu.memory_space<vmem>>[vector<16xi32>, vector<16xi32>], vector<16xi32>,
      %broadcast_in_dim3A_621 = arith.constant 2 : i32
      %broadcast_in_dim3A_622 = vector.broadcast %broadcast_in_dim3A_621 : i32 to vector<16xi32>
      %add3A_623 = arith.constant 2 : i32
      %add3A_624 = vector.broadcast %add3A_623 : i32 to vector<16xi32>
      %add3A_625 = arith.addi %mul3A_566, %add3A_624 : vector<16xi32>
      %gather3A_626 = tpu.vector_load_idx %arg16[%add3A_625] : memref<40960xf32, #tpu.memory_space<vmem>>[vector<16xi32>], vector<16xf32>,
      %add3A_627 = arith.constant 2 : i32
      %add3A_628 = vector.broadcast %add3A_627 : i32 to vector<16xi32>
      %add3A_629 = arith.addi %mul3A_573, %add3A_628 : vector<16xi32>
      %gather3A_630 = tpu.vector_load_idx %arg17[%add3A_629] : memref<20480xf32, #tpu.memory_space<vmem>>[vector<16xi32>], vector<16xf32>,
      %add3A_631 = arith.addf %gather3A_626, %gather3A_630 : vector<16xf32>
      %mul3A_632 = arith.constant 2.000000e-01 : f32
      %mul3A_633 = vector.broadcast %mul3A_632 : f32 to vector<16xf32>
      %mul3A_634 = arith.mulf %add3A_631, %mul3A_633 : vector<16xf32>
      %max3A_635 = arith.maximumf %add3A_631, %mul3A_634 : vector<16xf32>
      %exp3A_636 = math.exp %max3A_635 : vector<16xf32>
      %jit3A_637 = arith.constant 0.000000e+00 : f32
      %broadcast_in_dim3A_638 = vector.broadcast %jit3A_637 : f32 to vector<16xf32>
      %select_n3A_639 = arith.select %lt3A_563, %exp3A_636, %broadcast_in_dim3A_638 : vector<16xi1>, vector<16xf32>
      tpu.vector_store_idx %arg13[%broadcast_in_dim3A_622, %add3A_576], %select_n3A_639 : memref<4x128xf32, #tpu.memory_space<vmem>>[vector<16xi32>, vector<16xi32>], vector<16xf32>,
      %add3A_640 = arith.constant 2 : i32
      %add3A_641 = vector.broadcast %add3A_640 : i32 to vector<16xi32>
      %add3A_642 = arith.addi %mul3A_573, %add3A_641 : vector<16xi32>
      tpu.vector_store_idx %arg14[%broadcast_in_dim3A_622, %add3A_576], %add3A_642 : memref<4x128xi32, #tpu.memory_space<vmem>>[vector<16xi32>, vector<16xi32>], vector<16xi32>,
      %broadcast_in_dim3A_643 = arith.constant 3 : i32
      %broadcast_in_dim3A_644 = vector.broadcast %broadcast_in_dim3A_643 : i32 to vector<16xi32>
      %add3A_645 = arith.constant 3 : i32
      %add3A_646 = vector.broadcast %add3A_645 : i32 to vector<16xi32>
      %add3A_647 = arith.addi %mul3A_566, %add3A_646 : vector<16xi32>
      %gather3A_648 = tpu.vector_load_idx %arg16[%add3A_647] : memref<40960xf32, #tpu.memory_space<vmem>>[vector<16xi32>], vector<16xf32>,
      %add3A_649 = arith.constant 3 : i32
      %add3A_650 = vector.broadcast %add3A_649 : i32 to vector<16xi32>
      %add3A_651 = arith.addi %mul3A_573, %add3A_650 : vector<16xi32>
      %gather3A_652 = tpu.vector_load_idx %arg17[%add3A_651] : memref<20480xf32, #tpu.memory_space<vmem>>[vector<16xi32>], vector<16xf32>,
      %add3A_653 = arith.addf %gather3A_648, %gather3A_652 : vector<16xf32>
      %mul3A_654 = arith.constant 2.000000e-01 : f32
      %mul3A_655 = vector.broadcast %mul3A_654 : f32 to vector<16xf32>
      %mul3A_656 = arith.mulf %add3A_653, %mul3A_655 : vector<16xf32>
      %max3A_657 = arith.maximumf %add3A_653, %mul3A_656 : vector<16xf32>
      %exp3A_658 = math.exp %max3A_657 : vector<16xf32>
      %jit3A_659 = arith.constant 0.000000e+00 : f32
      %broadcast_in_dim3A_660 = vector.broadcast %jit3A_659 : f32 to vector<16xf32>
      %select_n3A_661 = arith.select %lt3A_563, %exp3A_658, %broadcast_in_dim3A_660 : vector<16xi1>, vector<16xf32>
      tpu.vector_store_idx %arg13[%broadcast_in_dim3A_644, %add3A_576], %select_n3A_661 : memref<4x128xf32, #tpu.memory_space<vmem>>[vector<16xi32>, vector<16xi32>], vector<16xf32>,
      %add3A_662 = arith.constant 3 : i32
      %add3A_663 = vector.broadcast %add3A_662 : i32 to vector<16xi32>
      %add3A_664 = arith.addi %mul3A_573, %add3A_663 : vector<16xi32>
      tpu.vector_store_idx %arg14[%broadcast_in_dim3A_644, %add3A_576], %add3A_664 : memref<4x128xi32, #tpu.memory_space<vmem>>[vector<16xi32>, vector<16xi32>], vector<16xi32>,
      %get3A_665 = arith.constant 3 : i32
      %get3A_666 = arith.index_cast %get3A_665 : i32 to index
      %get3A_667 = arith.constant 0 : index
      %get3A_668 = tpu.vector_load %arg11[%get3A_666, %get3A_667] {strides = array<i32>} : memref<4x32xi32, #tpu.memory_space<vmem>>, vector<16xi32>,
      %lt3A_669 = arith.constant 10000 : i32
      %lt3A_670 = vector.broadcast %lt3A_669 : i32 to vector<16xi32>
      %lt3A_671 = arith.cmpi slt, %get3A_668, %lt3A_670 : vector<16xi32>
      %mul3A_672 = arith.constant 4 : i32
      %mul3A_673 = vector.broadcast %mul3A_672 : i32 to vector<16xi32>
      %mul3A_674 = arith.muli %get3A_668, %mul3A_673 : vector<16xi32>
      %get3A_675 = arith.constant 0 : i32
      %get3A_676 = arith.index_cast %get3A_675 : i32 to index
      %get3A_677 = arith.constant 96 : index
      %get3A_678 = tpu.vector_load %arg12[%get3A_676, %get3A_677] {strides = array<i32>} : memref<1x128xi32, #tpu.memory_space<vmem>>, vector<16xi32>,
      %mul3A_679 = arith.constant 4 : i32
      %mul3A_680 = vector.broadcast %mul3A_679 : i32 to vector<16xi32>
      %mul3A_681 = arith.muli %get3A_678, %mul3A_680 : vector<16xi32>
      %add3A_682 = arith.constant 96 : i32
      %add3A_683 = vector.broadcast %add3A_682 : i32 to vector<16xi32>
      %add3A_684 = arith.addi %iota3A, %add3A_683 : vector<16xi32>
      %broadcast_in_dim3A_685 = arith.constant 0 : i32
      %broadcast_in_dim3A_686 = vector.broadcast %broadcast_in_dim3A_685 : i32 to vector<16xi32>
      %add3A_687 = arith.constant 0 : i32
      %add3A_688 = vector.broadcast %add3A_687 : i32 to vector<16xi32>
      %add3A_689 = arith.addi %mul3A_674, %add3A_688 : vector<16xi32>
      %gather3A_690 = tpu.vector_load_idx %arg16[%add3A_689] : memref<40960xf32, #tpu.memory_space<vmem>>[vector<16xi32>], vector<16xf32>,
      %add3A_691 = arith.constant 0 : i32
      %add3A_692 = vector.broadcast %add3A_691 : i32 to vector<16xi32>
      %add3A_693 = arith.addi %mul3A_681, %add3A_692 : vector<16xi32>
      %gather3A_694 = tpu.vector_load_idx %arg17[%add3A_693] : memref<20480xf32, #tpu.memory_space<vmem>>[vector<16xi32>], vector<16xf32>,
      %add3A_695 = arith.addf %gather3A_690, %gather3A_694 : vector<16xf32>
      %mul3A_696 = arith.constant 2.000000e-01 : f32
      %mul3A_697 = vector.broadcast %mul3A_696 : f32 to vector<16xf32>
      %mul3A_698 = arith.mulf %add3A_695, %mul3A_697 : vector<16xf32>
      %max3A_699 = arith.maximumf %add3A_695, %mul3A_698 : vector<16xf32>
      %exp3A_700 = math.exp %max3A_699 : vector<16xf32>
      %jit3A_701 = arith.constant 0.000000e+00 : f32
      %broadcast_in_dim3A_702 = vector.broadcast %jit3A_701 : f32 to vector<16xf32>
      %select_n3A_703 = arith.select %lt3A_671, %exp3A_700, %broadcast_in_dim3A_702 : vector<16xi1>, vector<16xf32>
      tpu.vector_store_idx %arg13[%broadcast_in_dim3A_686, %add3A_684], %select_n3A_703 : memref<4x128xf32, #tpu.memory_space<vmem>>[vector<16xi32>, vector<16xi32>], vector<16xf32>,
      %add3A_704 = arith.constant 0 : i32
      %add3A_705 = vector.broadcast %add3A_704 : i32 to vector<16xi32>
      %add3A_706 = arith.addi %mul3A_681, %add3A_705 : vector<16xi32>
      tpu.vector_store_idx %arg14[%broadcast_in_dim3A_686, %add3A_684], %add3A_706 : memref<4x128xi32, #tpu.memory_space<vmem>>[vector<16xi32>, vector<16xi32>], vector<16xi32>,
      %broadcast_in_dim3A_707 = arith.constant 1 : i32
      %broadcast_in_dim3A_708 = vector.broadcast %broadcast_in_dim3A_707 : i32 to vector<16xi32>
      %add3A_709 = arith.constant 1 : i32
      %add3A_710 = vector.broadcast %add3A_709 : i32 to vector<16xi32>
      %add3A_711 = arith.addi %mul3A_674, %add3A_710 : vector<16xi32>
      %gather3A_712 = tpu.vector_load_idx %arg16[%add3A_711] : memref<40960xf32, #tpu.memory_space<vmem>>[vector<16xi32>], vector<16xf32>,
      %add3A_713 = arith.constant 1 : i32
      %add3A_714 = vector.broadcast %add3A_713 : i32 to vector<16xi32>
      %add3A_715 = arith.addi %mul3A_681, %add3A_714 : vector<16xi32>
      %gather3A_716 = tpu.vector_load_idx %arg17[%add3A_715] : memref<20480xf32, #tpu.memory_space<vmem>>[vector<16xi32>], vector<16xf32>,
      %add3A_717 = arith.addf %gather3A_712, %gather3A_716 : vector<16xf32>
      %mul3A_718 = arith.constant 2.000000e-01 : f32
      %mul3A_719 = vector.broadcast %mul3A_718 : f32 to vector<16xf32>
      %mul3A_720 = arith.mulf %add3A_717, %mul3A_719 : vector<16xf32>
      %max3A_721 = arith.maximumf %add3A_717, %mul3A_720 : vector<16xf32>
      %exp3A_722 = math.exp %max3A_721 : vector<16xf32>
      %jit3A_723 = arith.constant 0.000000e+00 : f32
      %broadcast_in_dim3A_724 = vector.broadcast %jit3A_723 : f32 to vector<16xf32>
      %select_n3A_725 = arith.select %lt3A_671, %exp3A_722, %broadcast_in_dim3A_724 : vector<16xi1>, vector<16xf32>
      tpu.vector_store_idx %arg13[%broadcast_in_dim3A_708, %add3A_684], %select_n3A_725 : memref<4x128xf32, #tpu.memory_space<vmem>>[vector<16xi32>, vector<16xi32>], vector<16xf32>,
      %add3A_726 = arith.constant 1 : i32
      %add3A_727 = vector.broadcast %add3A_726 : i32 to vector<16xi32>
      %add3A_728 = arith.addi %mul3A_681, %add3A_727 : vector<16xi32>
      tpu.vector_store_idx %arg14[%broadcast_in_dim3A_708, %add3A_684], %add3A_728 : memref<4x128xi32, #tpu.memory_space<vmem>>[vector<16xi32>, vector<16xi32>], vector<16xi32>,
      %broadcast_in_dim3A_729 = arith.constant 2 : i32
      %broadcast_in_dim3A_730 = vector.broadcast %broadcast_in_dim3A_729 : i32 to vector<16xi32>
      %add3A_731 = arith.constant 2 : i32
      %add3A_732 = vector.broadcast %add3A_731 : i32 to vector<16xi32>
      %add3A_733 = arith.addi %mul3A_674, %add3A_732 : vector<16xi32>
      %gather3A_734 = tpu.vector_load_idx %arg16[%add3A_733] : memref<40960xf32, #tpu.memory_space<vmem>>[vector<16xi32>], vector<16xf32>,
      %add3A_735 = arith.constant 2 : i32
      %add3A_736 = vector.broadcast %add3A_735 : i32 to vector<16xi32>
      %add3A_737 = arith.addi %mul3A_681, %add3A_736 : vector<16xi32>
      %gather3A_738 = tpu.vector_load_idx %arg17[%add3A_737] : memref<20480xf32, #tpu.memory_space<vmem>>[vector<16xi32>], vector<16xf32>,
      %add3A_739 = arith.addf %gather3A_734, %gather3A_738 : vector<16xf32>
      %mul3A_740 = arith.constant 2.000000e-01 : f32
      %mul3A_741 = vector.broadcast %mul3A_740 : f32 to vector<16xf32>
      %mul3A_742 = arith.mulf %add3A_739, %mul3A_741 : vector<16xf32>
      %max3A_743 = arith.maximumf %add3A_739, %mul3A_742 : vector<16xf32>
      %exp3A_744 = math.exp %max3A_743 : vector<16xf32>
      %jit3A_745 = arith.constant 0.000000e+00 : f32
      %broadcast_in_dim3A_746 = vector.broadcast %jit3A_745 : f32 to vector<16xf32>
      %select_n3A_747 = arith.select %lt3A_671, %exp3A_744, %broadcast_in_dim3A_746 : vector<16xi1>, vector<16xf32>
      tpu.vector_store_idx %arg13[%broadcast_in_dim3A_730, %add3A_684], %select_n3A_747 : memref<4x128xf32, #tpu.memory_space<vmem>>[vector<16xi32>, vector<16xi32>], vector<16xf32>,
      %add3A_748 = arith.constant 2 : i32
      %add3A_749 = vector.broadcast %add3A_748 : i32 to vector<16xi32>
      %add3A_750 = arith.addi %mul3A_681, %add3A_749 : vector<16xi32>
      tpu.vector_store_idx %arg14[%broadcast_in_dim3A_730, %add3A_684], %add3A_750 : memref<4x128xi32, #tpu.memory_space<vmem>>[vector<16xi32>, vector<16xi32>], vector<16xi32>,
      %broadcast_in_dim3A_751 = arith.constant 3 : i32
      %broadcast_in_dim3A_752 = vector.broadcast %broadcast_in_dim3A_751 : i32 to vector<16xi32>
      %add3A_753 = arith.constant 3 : i32
      %add3A_754 = vector.broadcast %add3A_753 : i32 to vector<16xi32>
      %add3A_755 = arith.addi %mul3A_674, %add3A_754 : vector<16xi32>
      %gather3A_756 = tpu.vector_load_idx %arg16[%add3A_755] : memref<40960xf32, #tpu.memory_space<vmem>>[vector<16xi32>], vector<16xf32>,
      %add3A_757 = arith.constant 3 : i32
      %add3A_758 = vector.broadcast %add3A_757 : i32 to vector<16xi32>
      %add3A_759 = arith.addi %mul3A_681, %add3A_758 : vector<16xi32>
      %gather3A_760 = tpu.vector_load_idx %arg17[%add3A_759] : memref<20480xf32, #tpu.memory_space<vmem>>[vector<16xi32>], vector<16xf32>,
      %add3A_761 = arith.addf %gather3A_756, %gather3A_760 : vector<16xf32>
      %mul3A_762 = arith.constant 2.000000e-01 : f32
      %mul3A_763 = vector.broadcast %mul3A_762 : f32 to vector<16xf32>
      %mul3A_764 = arith.mulf %add3A_761, %mul3A_763 : vector<16xf32>
      %max3A_765 = arith.maximumf %add3A_761, %mul3A_764 : vector<16xf32>
      %exp3A_766 = math.exp %max3A_765 : vector<16xf32>
      %jit3A_767 = arith.constant 0.000000e+00 : f32
      %broadcast_in_dim3A_768 = vector.broadcast %jit3A_767 : f32 to vector<16xf32>
      %select_n3A_769 = arith.select %lt3A_671, %exp3A_766, %broadcast_in_dim3A_768 : vector<16xi1>, vector<16xf32>
      tpu.vector_store_idx %arg13[%broadcast_in_dim3A_752, %add3A_684], %select_n3A_769 : memref<4x128xf32, #tpu.memory_space<vmem>>[vector<16xi32>, vector<16xi32>], vector<16xf32>,
      %add3A_770 = arith.constant 3 : i32
      %add3A_771 = vector.broadcast %add3A_770 : i32 to vector<16xi32>
      %add3A_772 = arith.addi %mul3A_681, %add3A_771 : vector<16xi32>
      tpu.vector_store_idx %arg14[%broadcast_in_dim3A_752, %add3A_684], %add3A_772 : memref<4x128xi32, #tpu.memory_space<vmem>>[vector<16xi32>, vector<16xi32>], vector<16xi32>,
      %get3A_773 = arith.constant 3 : i32
      %get3A_774 = arith.index_cast %get3A_773 : i32 to index
      %get3A_775 = arith.constant 16 : index
      %get3A_776 = tpu.vector_load %arg11[%get3A_774, %get3A_775] {strides = array<i32>} : memref<4x32xi32, #tpu.memory_space<vmem>>, vector<16xi32>,
      %lt3A_777 = arith.constant 10000 : i32
      %lt3A_778 = vector.broadcast %lt3A_777 : i32 to vector<16xi32>
      %lt3A_779 = arith.cmpi slt, %get3A_776, %lt3A_778 : vector<16xi32>
      %mul3A_780 = arith.constant 4 : i32
      %mul3A_781 = vector.broadcast %mul3A_780 : i32 to vector<16xi32>
      %mul3A_782 = arith.muli %get3A_776, %mul3A_781 : vector<16xi32>
      %get3A_783 = arith.constant 0 : i32
      %get3A_784 = arith.index_cast %get3A_783 : i32 to index
      %get3A_785 = arith.constant 112 : index
      %get3A_786 = tpu.vector_load %arg12[%get3A_784, %get3A_785] {strides = array<i32>} : memref<1x128xi32, #tpu.memory_space<vmem>>, vector<16xi32>,
      %mul3A_787 = arith.constant 4 : i32
      %mul3A_788 = vector.broadcast %mul3A_787 : i32 to vector<16xi32>
      %mul3A_789 = arith.muli %get3A_786, %mul3A_788 : vector<16xi32>
      %add3A_790 = arith.constant 112 : i32
      %add3A_791 = vector.broadcast %add3A_790 : i32 to vector<16xi32>
      %add3A_792 = arith.addi %iota3A, %add3A_791 : vector<16xi32>
      %broadcast_in_dim3A_793 = arith.constant 0 : i32
      %broadcast_in_dim3A_794 = vector.broadcast %broadcast_in_dim3A_793 : i32 to vector<16xi32>
      %add3A_795 = arith.constant 0 : i32
      %add3A_796 = vector.broadcast %add3A_795 : i32 to vector<16xi32>
      %add3A_797 = arith.addi %mul3A_782, %add3A_796 : vector<16xi32>
      %gather3A_798 = tpu.vector_load_idx %arg16[%add3A_797] : memref<40960xf32, #tpu.memory_space<vmem>>[vector<16xi32>], vector<16xf32>,
      %add3A_799 = arith.constant 0 : i32
      %add3A_800 = vector.broadcast %add3A_799 : i32 to vector<16xi32>
      %add3A_801 = arith.addi %mul3A_789, %add3A_800 : vector<16xi32>
      %gather3A_802 = tpu.vector_load_idx %arg17[%add3A_801] : memref<20480xf32, #tpu.memory_space<vmem>>[vector<16xi32>], vector<16xf32>,
      %add3A_803 = arith.addf %gather3A_798, %gather3A_802 : vector<16xf32>
      %mul3A_804 = arith.constant 2.000000e-01 : f32
      %mul3A_805 = vector.broadcast %mul3A_804 : f32 to vector<16xf32>
      %mul3A_806 = arith.mulf %add3A_803, %mul3A_805 : vector<16xf32>
      %max3A_807 = arith.maximumf %add3A_803, %mul3A_806 : vector<16xf32>
      %exp3A_808 = math.exp %max3A_807 : vector<16xf32>
      %jit3A_809 = arith.constant 0.000000e+00 : f32
      %broadcast_in_dim3A_810 = vector.broadcast %jit3A_809 : f32 to vector<16xf32>
      %select_n3A_811 = arith.select %lt3A_779, %exp3A_808, %broadcast_in_dim3A_810 : vector<16xi1>, vector<16xf32>
      tpu.vector_store_idx %arg13[%broadcast_in_dim3A_794, %add3A_792], %select_n3A_811 : memref<4x128xf32, #tpu.memory_space<vmem>>[vector<16xi32>, vector<16xi32>], vector<16xf32>,
      %add3A_812 = arith.constant 0 : i32
      %add3A_813 = vector.broadcast %add3A_812 : i32 to vector<16xi32>
      %add3A_814 = arith.addi %mul3A_789, %add3A_813 : vector<16xi32>
      tpu.vector_store_idx %arg14[%broadcast_in_dim3A_794, %add3A_792], %add3A_814 : memref<4x128xi32, #tpu.memory_space<vmem>>[vector<16xi32>, vector<16xi32>], vector<16xi32>,
      %broadcast_in_dim3A_815 = arith.constant 1 : i32
      %broadcast_in_dim3A_816 = vector.broadcast %broadcast_in_dim3A_815 : i32 to vector<16xi32>
      %add3A_817 = arith.constant 1 : i32
      %add3A_818 = vector.broadcast %add3A_817 : i32 to vector<16xi32>
      %add3A_819 = arith.addi %mul3A_782, %add3A_818 : vector<16xi32>
      %gather3A_820 = tpu.vector_load_idx %arg16[%add3A_819] : memref<40960xf32, #tpu.memory_space<vmem>>[vector<16xi32>], vector<16xf32>,
      %add3A_821 = arith.constant 1 : i32
      %add3A_822 = vector.broadcast %add3A_821 : i32 to vector<16xi32>
      %add3A_823 = arith.addi %mul3A_789, %add3A_822 : vector<16xi32>
      %gather3A_824 = tpu.vector_load_idx %arg17[%add3A_823] : memref<20480xf32, #tpu.memory_space<vmem>>[vector<16xi32>], vector<16xf32>,
      %add3A_825 = arith.addf %gather3A_820, %gather3A_824 : vector<16xf32>
      %mul3A_826 = arith.constant 2.000000e-01 : f32
      %mul3A_827 = vector.broadcast %mul3A_826 : f32 to vector<16xf32>
      %mul3A_828 = arith.mulf %add3A_825, %mul3A_827 : vector<16xf32>
      %max3A_829 = arith.maximumf %add3A_825, %mul3A_828 : vector<16xf32>
      %exp3A_830 = math.exp %max3A_829 : vector<16xf32>
      %jit3A_831 = arith.constant 0.000000e+00 : f32
      %broadcast_in_dim3A_832 = vector.broadcast %jit3A_831 : f32 to vector<16xf32>
      %select_n3A_833 = arith.select %lt3A_779, %exp3A_830, %broadcast_in_dim3A_832 : vector<16xi1>, vector<16xf32>
      tpu.vector_store_idx %arg13[%broadcast_in_dim3A_816, %add3A_792], %select_n3A_833 : memref<4x128xf32, #tpu.memory_space<vmem>>[vector<16xi32>, vector<16xi32>], vector<16xf32>,
      %add3A_834 = arith.constant 1 : i32
      %add3A_835 = vector.broadcast %add3A_834 : i32 to vector<16xi32>
      %add3A_836 = arith.addi %mul3A_789, %add3A_835 : vector<16xi32>
      tpu.vector_store_idx %arg14[%broadcast_in_dim3A_816, %add3A_792], %add3A_836 : memref<4x128xi32, #tpu.memory_space<vmem>>[vector<16xi32>, vector<16xi32>], vector<16xi32>,
      %broadcast_in_dim3A_837 = arith.constant 2 : i32
      %broadcast_in_dim3A_838 = vector.broadcast %broadcast_in_dim3A_837 : i32 to vector<16xi32>
      %add3A_839 = arith.constant 2 : i32
      %add3A_840 = vector.broadcast %add3A_839 : i32 to vector<16xi32>
      %add3A_841 = arith.addi %mul3A_782, %add3A_840 : vector<16xi32>
      %gather3A_842 = tpu.vector_load_idx %arg16[%add3A_841] : memref<40960xf32, #tpu.memory_space<vmem>>[vector<16xi32>], vector<16xf32>,
      %add3A_843 = arith.constant 2 : i32
      %add3A_844 = vector.broadcast %add3A_843 : i32 to vector<16xi32>
      %add3A_845 = arith.addi %mul3A_789, %add3A_844 : vector<16xi32>
      %gather3A_846 = tpu.vector_load_idx %arg17[%add3A_845] : memref<20480xf32, #tpu.memory_space<vmem>>[vector<16xi32>], vector<16xf32>,
      %add3A_847 = arith.addf %gather3A_842, %gather3A_846 : vector<16xf32>
      %mul3A_848 = arith.constant 2.000000e-01 : f32
      %mul3A_849 = vector.broadcast %mul3A_848 : f32 to vector<16xf32>
      %mul3A_850 = arith.mulf %add3A_847, %mul3A_849 : vector<16xf32>
      %max3A_851 = arith.maximumf %add3A_847, %mul3A_850 : vector<16xf32>
      %exp3A_852 = math.exp %max3A_851 : vector<16xf32>
      %jit3A_853 = arith.constant 0.000000e+00 : f32
      %broadcast_in_dim3A_854 = vector.broadcast %jit3A_853 : f32 to vector<16xf32>
      %select_n3A_855 = arith.select %lt3A_779, %exp3A_852, %broadcast_in_dim3A_854 : vector<16xi1>, vector<16xf32>
      tpu.vector_store_idx %arg13[%broadcast_in_dim3A_838, %add3A_792], %select_n3A_855 : memref<4x128xf32, #tpu.memory_space<vmem>>[vector<16xi32>, vector<16xi32>], vector<16xf32>,
      %add3A_856 = arith.constant 2 : i32
      %add3A_857 = vector.broadcast %add3A_856 : i32 to vector<16xi32>
      %add3A_858 = arith.addi %mul3A_789, %add3A_857 : vector<16xi32>
      tpu.vector_store_idx %arg14[%broadcast_in_dim3A_838, %add3A_792], %add3A_858 : memref<4x128xi32, #tpu.memory_space<vmem>>[vector<16xi32>, vector<16xi32>], vector<16xi32>,
      %broadcast_in_dim3A_859 = arith.constant 3 : i32
      %broadcast_in_dim3A_860 = vector.broadcast %broadcast_in_dim3A_859 : i32 to vector<16xi32>
      %add3A_861 = arith.constant 3 : i32
      %add3A_862 = vector.broadcast %add3A_861 : i32 to vector<16xi32>
      %add3A_863 = arith.addi %mul3A_782, %add3A_862 : vector<16xi32>
      %gather3A_864 = tpu.vector_load_idx %arg16[%add3A_863] : memref<40960xf32, #tpu.memory_space<vmem>>[vector<16xi32>], vector<16xf32>,
      %add3A_865 = arith.constant 3 : i32
      %add3A_866 = vector.broadcast %add3A_865 : i32 to vector<16xi32>
      %add3A_867 = arith.addi %mul3A_789, %add3A_866 : vector<16xi32>
      %gather3A_868 = tpu.vector_load_idx %arg17[%add3A_867] : memref<20480xf32, #tpu.memory_space<vmem>>[vector<16xi32>], vector<16xf32>,
      %add3A_869 = arith.addf %gather3A_864, %gather3A_868 : vector<16xf32>
      %mul3A_870 = arith.constant 2.000000e-01 : f32
      %mul3A_871 = vector.broadcast %mul3A_870 : f32 to vector<16xf32>
      %mul3A_872 = arith.mulf %add3A_869, %mul3A_871 : vector<16xf32>
      %max3A_873 = arith.maximumf %add3A_869, %mul3A_872 : vector<16xf32>
      %exp3A_874 = math.exp %max3A_873 : vector<16xf32>
      %jit3A_875 = arith.constant 0.000000e+00 : f32
      %broadcast_in_dim3A_876 = vector.broadcast %jit3A_875 : f32 to vector<16xf32>
      %select_n3A_877 = arith.select %lt3A_779, %exp3A_874, %broadcast_in_dim3A_876 : vector<16xi1>, vector<16xf32>
      tpu.vector_store_idx %arg13[%broadcast_in_dim3A_860, %add3A_792], %select_n3A_877 : memref<4x128xf32, #tpu.memory_space<vmem>>[vector<16xi32>, vector<16xi32>], vector<16xf32>,
      %add3A_878 = arith.constant 3 : i32
      %add3A_879 = vector.broadcast %add3A_878 : i32 to vector<16xi32>
      %add3A_880 = arith.addi %mul3A_789, %add3A_879 : vector<16xi32>
      tpu.vector_store_idx %arg14[%broadcast_in_dim3A_860, %add3A_792], %add3A_880 : memref<4x128xi32, #tpu.memory_space<vmem>>[vector<16xi32>, vector<16xi32>], vector<16xi32>,
      %run_scoped3A_881 = arith.constant 0 : i32
      %run_scoped3A_882 = arith.constant 0 : i32
      "tpu.region"() ({
        %run_scoped3A_974 = tpu.sem_alloc : memref<!tpu.dma_semaphore, #tpu.memory_space<semaphore_mem>>
        %dma_start3A_975 = arith.constant 0 : i32
        %dma_start3A_976 = tpu.memref_slice %arg13[%run_scoped3A_881, %dma_start3A_975] : memref<4x128xf32, #tpu.memory_space<vmem>> -> memref<1x128xf32, #tpu.memory_space<vmem>>
        %dma_start3A_977 = tpu.memref_squeeze %dma_start3A_976 : memref<1x128xf32, #tpu.memory_space<vmem>> -> memref<128xf32, #tpu.memory_space<vmem>>
        %dma_start3A_978 = arith.constant 0 : i32
        %dma_start3A_979 = tpu.memref_slice %arg14[%run_scoped3A_882, %dma_start3A_978] : memref<4x128xi32, #tpu.memory_space<vmem>> -> memref<1x128xi32, #tpu.memory_space<vmem>>
        %dma_start3A_980 = tpu.memref_squeeze %dma_start3A_979 : memref<1x128xi32, #tpu.memory_space<vmem>> -> memref<128xi32, #tpu.memory_space<vmem>>
        %dma_start3A_981 = arith.constant 0 : i32
        %dma_start3A_982 = tpu.memref_slice %arg19[%dma_start3A_981] : memref<20480xf32, #tpu.memory_space<vmem_shared>> -> memref<20480xf32, #tpu.memory_space<vmem_shared>>
        tpu.enqueue_indirect_dma source(%dma_start3A_977 : memref<128xf32, #tpu.memory_space<vmem>>) target(%dma_start3A_982 : memref<20480xf32, #tpu.memory_space<vmem_shared>>) offsets(%dma_start3A_980 : memref<128xi32, #tpu.memory_space<vmem>>) semaphore(%run_scoped3A_974 : memref<!tpu.dma_semaphore, #tpu.memory_space<semaphore_mem>>) {add = true}
        %dma_wait3A_983 = arith.constant 0 : i32
        %dma_wait3A_984 = tpu.memref_slice %arg13[%run_scoped3A_881, %dma_wait3A_983] : memref<4x128xf32, #tpu.memory_space<vmem>> -> memref<1x128xf32, #tpu.memory_space<vmem>>
        %dma_wait3A_985 = tpu.memref_squeeze %dma_wait3A_984 : memref<1x128xf32, #tpu.memory_space<vmem>> -> memref<128xf32, #tpu.memory_space<vmem>>
        %dma_wait3A_986 = arith.constant 0 : i32
        %dma_wait3A_987 = tpu.memref_slice %arg14[%run_scoped3A_882, %dma_wait3A_986] : memref<4x128xi32, #tpu.memory_space<vmem>> -> memref<1x128xi32, #tpu.memory_space<vmem>>
        %dma_wait3A_988 = tpu.memref_squeeze %dma_wait3A_987 : memref<1x128xi32, #tpu.memory_space<vmem>> -> memref<128xi32, #tpu.memory_space<vmem>>
        %dma_wait3A_989 = arith.constant 0 : i32
        %dma_wait3A_990 = tpu.memref_slice %arg19[%dma_wait3A_989] : memref<20480xf32, #tpu.memory_space<vmem_shared>> -> memref<20480xf32, #tpu.memory_space<vmem_shared>>
        tpu.wait_indirect_dma semaphore(%run_scoped3A_974 : memref<!tpu.dma_semaphore, #tpu.memory_space<semaphore_mem>>) src(%dma_wait3A_985 : memref<128xf32, #tpu.memory_space<vmem>>) dst(%dma_wait3A_990 : memref<20480xf32, #tpu.memory_space<vmem_shared>>)
        tpu.yield
      }) : () -> ()
      %run_scoped3A_883 = arith.constant 1 : i32
      %run_scoped3A_884 = arith.constant 1 : i32
      "tpu.region"() ({
        %run_scoped3A_974 = tpu.sem_alloc : memref<!tpu.dma_semaphore, #tpu.memory_space<semaphore_mem>>
        %dma_start3A_975 = arith.constant 0 : i32
        %dma_start3A_976 = tpu.memref_slice %arg13[%run_scoped3A_883, %dma_start3A_975] : memref<4x128xf32, #tpu.memory_space<vmem>> -> memref<1x128xf32, #tpu.memory_space<vmem>>
        %dma_start3A_977 = tpu.memref_squeeze %dma_start3A_976 : memref<1x128xf32, #tpu.memory_space<vmem>> -> memref<128xf32, #tpu.memory_space<vmem>>
        %dma_start3A_978 = arith.constant 0 : i32
        %dma_start3A_979 = tpu.memref_slice %arg14[%run_scoped3A_884, %dma_start3A_978] : memref<4x128xi32, #tpu.memory_space<vmem>> -> memref<1x128xi32, #tpu.memory_space<vmem>>
        %dma_start3A_980 = tpu.memref_squeeze %dma_start3A_979 : memref<1x128xi32, #tpu.memory_space<vmem>> -> memref<128xi32, #tpu.memory_space<vmem>>
        %dma_start3A_981 = arith.constant 0 : i32
        %dma_start3A_982 = tpu.memref_slice %arg19[%dma_start3A_981] : memref<20480xf32, #tpu.memory_space<vmem_shared>> -> memref<20480xf32, #tpu.memory_space<vmem_shared>>
        tpu.enqueue_indirect_dma source(%dma_start3A_977 : memref<128xf32, #tpu.memory_space<vmem>>) target(%dma_start3A_982 : memref<20480xf32, #tpu.memory_space<vmem_shared>>) offsets(%dma_start3A_980 : memref<128xi32, #tpu.memory_space<vmem>>) semaphore(%run_scoped3A_974 : memref<!tpu.dma_semaphore, #tpu.memory_space<semaphore_mem>>) {add = true}
        %dma_wait3A_983 = arith.constant 0 : i32
        %dma_wait3A_984 = tpu.memref_slice %arg13[%run_scoped3A_883, %dma_wait3A_983] : memref<4x128xf32, #tpu.memory_space<vmem>> -> memref<1x128xf32, #tpu.memory_space<vmem>>
        %dma_wait3A_985 = tpu.memref_squeeze %dma_wait3A_984 : memref<1x128xf32, #tpu.memory_space<vmem>> -> memref<128xf32, #tpu.memory_space<vmem>>
        %dma_wait3A_986 = arith.constant 0 : i32
        %dma_wait3A_987 = tpu.memref_slice %arg14[%run_scoped3A_884, %dma_wait3A_986] : memref<4x128xi32, #tpu.memory_space<vmem>> -> memref<1x128xi32, #tpu.memory_space<vmem>>
        %dma_wait3A_988 = tpu.memref_squeeze %dma_wait3A_987 : memref<1x128xi32, #tpu.memory_space<vmem>> -> memref<128xi32, #tpu.memory_space<vmem>>
        %dma_wait3A_989 = arith.constant 0 : i32
        %dma_wait3A_990 = tpu.memref_slice %arg19[%dma_wait3A_989] : memref<20480xf32, #tpu.memory_space<vmem_shared>> -> memref<20480xf32, #tpu.memory_space<vmem_shared>>
        tpu.wait_indirect_dma semaphore(%run_scoped3A_974 : memref<!tpu.dma_semaphore, #tpu.memory_space<semaphore_mem>>) src(%dma_wait3A_985 : memref<128xf32, #tpu.memory_space<vmem>>) dst(%dma_wait3A_990 : memref<20480xf32, #tpu.memory_space<vmem_shared>>)
        tpu.yield
      }) : () -> ()
      %run_scoped3A_885 = arith.constant 2 : i32
      %run_scoped3A_886 = arith.constant 2 : i32
      "tpu.region"() ({
        %run_scoped3A_974 = tpu.sem_alloc : memref<!tpu.dma_semaphore, #tpu.memory_space<semaphore_mem>>
        %dma_start3A_975 = arith.constant 0 : i32
        %dma_start3A_976 = tpu.memref_slice %arg13[%run_scoped3A_885, %dma_start3A_975] : memref<4x128xf32, #tpu.memory_space<vmem>> -> memref<1x128xf32, #tpu.memory_space<vmem>>
        %dma_start3A_977 = tpu.memref_squeeze %dma_start3A_976 : memref<1x128xf32, #tpu.memory_space<vmem>> -> memref<128xf32, #tpu.memory_space<vmem>>
        %dma_start3A_978 = arith.constant 0 : i32
        %dma_start3A_979 = tpu.memref_slice %arg14[%run_scoped3A_886, %dma_start3A_978] : memref<4x128xi32, #tpu.memory_space<vmem>> -> memref<1x128xi32, #tpu.memory_space<vmem>>
        %dma_start3A_980 = tpu.memref_squeeze %dma_start3A_979 : memref<1x128xi32, #tpu.memory_space<vmem>> -> memref<128xi32, #tpu.memory_space<vmem>>
        %dma_start3A_981 = arith.constant 0 : i32
        %dma_start3A_982 = tpu.memref_slice %arg19[%dma_start3A_981] : memref<20480xf32, #tpu.memory_space<vmem_shared>> -> memref<20480xf32, #tpu.memory_space<vmem_shared>>
        tpu.enqueue_indirect_dma source(%dma_start3A_977 : memref<128xf32, #tpu.memory_space<vmem>>) target(%dma_start3A_982 : memref<20480xf32, #tpu.memory_space<vmem_shared>>) offsets(%dma_start3A_980 : memref<128xi32, #tpu.memory_space<vmem>>) semaphore(%run_scoped3A_974 : memref<!tpu.dma_semaphore, #tpu.memory_space<semaphore_mem>>) {add = true}
        %dma_wait3A_983 = arith.constant 0 : i32
        %dma_wait3A_984 = tpu.memref_slice %arg13[%run_scoped3A_885, %dma_wait3A_983] : memref<4x128xf32, #tpu.memory_space<vmem>> -> memref<1x128xf32, #tpu.memory_space<vmem>>
        %dma_wait3A_985 = tpu.memref_squeeze %dma_wait3A_984 : memref<1x128xf32, #tpu.memory_space<vmem>> -> memref<128xf32, #tpu.memory_space<vmem>>
        %dma_wait3A_986 = arith.constant 0 : i32
        %dma_wait3A_987 = tpu.memref_slice %arg14[%run_scoped3A_886, %dma_wait3A_986] : memref<4x128xi32, #tpu.memory_space<vmem>> -> memref<1x128xi32, #tpu.memory_space<vmem>>
        %dma_wait3A_988 = tpu.memref_squeeze %dma_wait3A_987 : memref<1x128xi32, #tpu.memory_space<vmem>> -> memref<128xi32, #tpu.memory_space<vmem>>
        %dma_wait3A_989 = arith.constant 0 : i32
        %dma_wait3A_990 = tpu.memref_slice %arg19[%dma_wait3A_989] : memref<20480xf32, #tpu.memory_space<vmem_shared>> -> memref<20480xf32, #tpu.memory_space<vmem_shared>>
        tpu.wait_indirect_dma semaphore(%run_scoped3A_974 : memref<!tpu.dma_semaphore, #tpu.memory_space<semaphore_mem>>) src(%dma_wait3A_985 : memref<128xf32, #tpu.memory_space<vmem>>) dst(%dma_wait3A_990 : memref<20480xf32, #tpu.memory_space<vmem_shared>>)
        tpu.yield
      }) : () -> ()
      %run_scoped3A_887 = arith.constant 3 : i32
      %run_scoped3A_888 = arith.constant 3 : i32
      "tpu.region"() ({
        %run_scoped3A_974 = tpu.sem_alloc : memref<!tpu.dma_semaphore, #tpu.memory_space<semaphore_mem>>
        %dma_start3A_975 = arith.constant 0 : i32
        %dma_start3A_976 = tpu.memref_slice %arg13[%run_scoped3A_887, %dma_start3A_975] : memref<4x128xf32, #tpu.memory_space<vmem>> -> memref<1x128xf32, #tpu.memory_space<vmem>>
        %dma_start3A_977 = tpu.memref_squeeze %dma_start3A_976 : memref<1x128xf32, #tpu.memory_space<vmem>> -> memref<128xf32, #tpu.memory_space<vmem>>
        %dma_start3A_978 = arith.constant 0 : i32
        %dma_start3A_979 = tpu.memref_slice %arg14[%run_scoped3A_888, %dma_start3A_978] : memref<4x128xi32, #tpu.memory_space<vmem>> -> memref<1x128xi32, #tpu.memory_space<vmem>>
        %dma_start3A_980 = tpu.memref_squeeze %dma_start3A_979 : memref<1x128xi32, #tpu.memory_space<vmem>> -> memref<128xi32, #tpu.memory_space<vmem>>
        %dma_start3A_981 = arith.constant 0 : i32
        %dma_start3A_982 = tpu.memref_slice %arg19[%dma_start3A_981] : memref<20480xf32, #tpu.memory_space<vmem_shared>> -> memref<20480xf32, #tpu.memory_space<vmem_shared>>
        tpu.enqueue_indirect_dma source(%dma_start3A_977 : memref<128xf32, #tpu.memory_space<vmem>>) target(%dma_start3A_982 : memref<20480xf32, #tpu.memory_space<vmem_shared>>) offsets(%dma_start3A_980 : memref<128xi32, #tpu.memory_space<vmem>>) semaphore(%run_scoped3A_974 : memref<!tpu.dma_semaphore, #tpu.memory_space<semaphore_mem>>) {add = true}
        %dma_wait3A_983 = arith.constant 0 : i32
        %dma_wait3A_984 = tpu.memref_slice %arg13[%run_scoped3A_887, %dma_wait3A_983] : memref<4x128xf32, #tpu.memory_space<vmem>> -> memref<1x128xf32, #tpu.memory_space<vmem>>
        %dma_wait3A_985 = tpu.memref_squeeze %dma_wait3A_984 : memref<1x128xf32, #tpu.memory_space<vmem>> -> memref<128xf32, #tpu.memory_space<vmem>>
        %dma_wait3A_986 = arith.constant 0 : i32
        %dma_wait3A_987 = tpu.memref_slice %arg14[%run_scoped3A_888, %dma_wait3A_986] : memref<4x128xi32, #tpu.memory_space<vmem>> -> memref<1x128xi32, #tpu.memory_space<vmem>>
        %dma_wait3A_988 = tpu.memref_squeeze %dma_wait3A_987 : memref<1x128xi32, #tpu.memory_space<vmem>> -> memref<128xi32, #tpu.memory_space<vmem>>
        %dma_wait3A_989 = arith.constant 0 : i32
        %dma_wait3A_990 = tpu.memref_slice %arg19[%dma_wait3A_989] : memref<20480xf32, #tpu.memory_space<vmem_shared>> -> memref<20480xf32, #tpu.memory_space<vmem_shared>>
        tpu.wait_indirect_dma semaphore(%run_scoped3A_974 : memref<!tpu.dma_semaphore, #tpu.memory_space<semaphore_mem>>) src(%dma_wait3A_985 : memref<128xf32, #tpu.memory_space<vmem>>) dst(%dma_wait3A_990 : memref<20480xf32, #tpu.memory_space<vmem_shared>>)
        tpu.yield
      }) : () -> ()
      %dma_start3A = arith.constant 0 : i32
      %dma_start3A_889 = arith.constant 0 : i32
      %dma_start3A_890 = arith.constant 0 : i32
      %dma_start3A_891 = tpu.memref_slice %arg15[%dma_start3A_889, %dma_start3A_890] : memref<128x128xf32, #tpu.memory_space<vmem>> -> memref<32x128xf32, #tpu.memory_space<vmem>>
      %dma_start3A_892 = arith.constant 0 : i32
      %dma_start3A_893 = tpu.memref_slice %arg11[%dma_start3A, %dma_start3A_892] : memref<4x32xi32, #tpu.memory_space<vmem>> -> memref<1x32xi32, #tpu.memory_space<vmem>>
      %dma_start3A_894 = tpu.memref_squeeze %dma_start3A_893 : memref<1x32xi32, #tpu.memory_space<vmem>> -> memref<32xi32, #tpu.memory_space<vmem>>
      %dma_start3A_895 = arith.constant 0 : i32
      %dma_start3A_896 = arith.constant 0 : i32
      %dma_start3A_897 = tpu.memref_slice %arg2[%dma_start3A_895, %dma_start3A_896] : memref<10240x128xf32, #tpu.memory_space<hbm>> -> memref<10240x128xf32, #tpu.memory_space<hbm>>
      tpu.enqueue_indirect_dma source(%dma_start3A_897 : memref<10240x128xf32, #tpu.memory_space<hbm>>) target(%dma_start3A_891 : memref<32x128xf32, #tpu.memory_space<vmem>>) offsets(%dma_start3A_894 : memref<32xi32, #tpu.memory_space<vmem>>) semaphore(%arg20 : memref<!tpu.dma_semaphore, #tpu.memory_space<semaphore_mem>>)
      %dma_start3A_898 = arith.constant 1 : i32
      %dma_start3A_899 = arith.constant 32 : i32
      %dma_start3A_900 = arith.constant 0 : i32
      %dma_start3A_901 = tpu.memref_slice %arg15[%dma_start3A_899, %dma_start3A_900] : memref<128x128xf32, #tpu.memory_space<vmem>> -> memref<32x128xf32, #tpu.memory_space<vmem>>
      %dma_start3A_902 = arith.constant 0 : i32
      %dma_start3A_903 = tpu.memref_slice %arg11[%dma_start3A_898, %dma_start3A_902] : memref<4x32xi32, #tpu.memory_space<vmem>> -> memref<1x32xi32, #tpu.memory_space<vmem>>
      %dma_start3A_904 = tpu.memref_squeeze %dma_start3A_903 : memref<1x32xi32, #tpu.memory_space<vmem>> -> memref<32xi32, #tpu.memory_space<vmem>>
      %dma_start3A_905 = arith.constant 0 : i32
      %dma_start3A_906 = arith.constant 0 : i32
      %dma_start3A_907 = tpu.memref_slice %arg2[%dma_start3A_905, %dma_start3A_906] : memref<10240x128xf32, #tpu.memory_space<hbm>> -> memref<10240x128xf32, #tpu.memory_space<hbm>>
      tpu.enqueue_indirect_dma source(%dma_start3A_907 : memref<10240x128xf32, #tpu.memory_space<hbm>>) target(%dma_start3A_901 : memref<32x128xf32, #tpu.memory_space<vmem>>) offsets(%dma_start3A_904 : memref<32xi32, #tpu.memory_space<vmem>>) semaphore(%arg20 : memref<!tpu.dma_semaphore, #tpu.memory_space<semaphore_mem>>)
      %dma_start3A_908 = arith.constant 2 : i32
      %dma_start3A_909 = arith.constant 64 : i32
      %dma_start3A_910 = arith.constant 0 : i32
      %dma_start3A_911 = tpu.memref_slice %arg15[%dma_start3A_909, %dma_start3A_910] : memref<128x128xf32, #tpu.memory_space<vmem>> -> memref<32x128xf32, #tpu.memory_space<vmem>>
      %dma_start3A_912 = arith.constant 0 : i32
      %dma_start3A_913 = tpu.memref_slice %arg11[%dma_start3A_908, %dma_start3A_912] : memref<4x32xi32, #tpu.memory_space<vmem>> -> memref<1x32xi32, #tpu.memory_space<vmem>>
      %dma_start3A_914 = tpu.memref_squeeze %dma_start3A_913 : memref<1x32xi32, #tpu.memory_space<vmem>> -> memref<32xi32, #tpu.memory_space<vmem>>
      %dma_start3A_915 = arith.constant 0 : i32
      %dma_start3A_916 = arith.constant 0 : i32
      %dma_start3A_917 = tpu.memref_slice %arg2[%dma_start3A_915, %dma_start3A_916] : memref<10240x128xf32, #tpu.memory_space<hbm>> -> memref<10240x128xf32, #tpu.memory_space<hbm>>
      tpu.enqueue_indirect_dma source(%dma_start3A_917 : memref<10240x128xf32, #tpu.memory_space<hbm>>) target(%dma_start3A_911 : memref<32x128xf32, #tpu.memory_space<vmem>>) offsets(%dma_start3A_914 : memref<32xi32, #tpu.memory_space<vmem>>) semaphore(%arg20 : memref<!tpu.dma_semaphore, #tpu.memory_space<semaphore_mem>>)
      %dma_start3A_918 = arith.constant 3 : i32
      %dma_start3A_919 = arith.constant 96 : i32
      %dma_start3A_920 = arith.constant 0 : i32
      %dma_start3A_921 = tpu.memref_slice %arg15[%dma_start3A_919, %dma_start3A_920] : memref<128x128xf32, #tpu.memory_space<vmem>> -> memref<32x128xf32, #tpu.memory_space<vmem>>
      %dma_start3A_922 = arith.constant 0 : i32
      %dma_start3A_923 = tpu.memref_slice %arg11[%dma_start3A_918, %dma_start3A_922] : memref<4x32xi32, #tpu.memory_space<vmem>> -> memref<1x32xi32, #tpu.memory_space<vmem>>
      %dma_start3A_924 = tpu.memref_squeeze %dma_start3A_923 : memref<1x32xi32, #tpu.memory_space<vmem>> -> memref<32xi32, #tpu.memory_space<vmem>>
      %dma_start3A_925 = arith.constant 0 : i32
      %dma_start3A_926 = arith.constant 0 : i32
      %dma_start3A_927 = tpu.memref_slice %arg2[%dma_start3A_925, %dma_start3A_926] : memref<10240x128xf32, #tpu.memory_space<hbm>> -> memref<10240x128xf32, #tpu.memory_space<hbm>>
      tpu.enqueue_indirect_dma source(%dma_start3A_927 : memref<10240x128xf32, #tpu.memory_space<hbm>>) target(%dma_start3A_921 : memref<32x128xf32, #tpu.memory_space<vmem>>) offsets(%dma_start3A_924 : memref<32xi32, #tpu.memory_space<vmem>>) semaphore(%arg20 : memref<!tpu.dma_semaphore, #tpu.memory_space<semaphore_mem>>)
      %dma_wait3A = arith.constant 0 : i32
      %dma_wait3A_928 = arith.constant 0 : i32
      %dma_wait3A_929 = arith.constant 0 : i32
      %dma_wait3A_930 = tpu.memref_slice %arg15[%dma_wait3A_928, %dma_wait3A_929] : memref<128x128xf32, #tpu.memory_space<vmem>> -> memref<32x128xf32, #tpu.memory_space<vmem>>
      %dma_wait3A_931 = arith.constant 0 : i32
      %dma_wait3A_932 = tpu.memref_slice %arg11[%dma_wait3A, %dma_wait3A_931] : memref<4x32xi32, #tpu.memory_space<vmem>> -> memref<1x32xi32, #tpu.memory_space<vmem>>
      %dma_wait3A_933 = tpu.memref_squeeze %dma_wait3A_932 : memref<1x32xi32, #tpu.memory_space<vmem>> -> memref<32xi32, #tpu.memory_space<vmem>>
      %dma_wait3A_934 = arith.constant 0 : i32
      %dma_wait3A_935 = arith.constant 0 : i32
      %dma_wait3A_936 = tpu.memref_slice %arg2[%dma_wait3A_934, %dma_wait3A_935] : memref<10240x128xf32, #tpu.memory_space<hbm>> -> memref<10240x128xf32, #tpu.memory_space<hbm>>
      tpu.wait_indirect_dma semaphore(%arg20 : memref<!tpu.dma_semaphore, #tpu.memory_space<semaphore_mem>>) src(%dma_wait3A_936 : memref<10240x128xf32, #tpu.memory_space<hbm>>) dst(%dma_wait3A_930 : memref<32x128xf32, #tpu.memory_space<vmem>>)
      %dma_wait3A_937 = arith.constant 1 : i32
      %dma_wait3A_938 = arith.constant 32 : i32
      %dma_wait3A_939 = arith.constant 0 : i32
      %dma_wait3A_940 = tpu.memref_slice %arg15[%dma_wait3A_938, %dma_wait3A_939] : memref<128x128xf32, #tpu.memory_space<vmem>> -> memref<32x128xf32, #tpu.memory_space<vmem>>
      %dma_wait3A_941 = arith.constant 0 : i32
      %dma_wait3A_942 = tpu.memref_slice %arg11[%dma_wait3A_937, %dma_wait3A_941] : memref<4x32xi32, #tpu.memory_space<vmem>> -> memref<1x32xi32, #tpu.memory_space<vmem>>
      %dma_wait3A_943 = tpu.memref_squeeze %dma_wait3A_942 : memref<1x32xi32, #tpu.memory_space<vmem>> -> memref<32xi32, #tpu.memory_space<vmem>>
      %dma_wait3A_944 = arith.constant 0 : i32
      %dma_wait3A_945 = arith.constant 0 : i32
      %dma_wait3A_946 = tpu.memref_slice %arg2[%dma_wait3A_944, %dma_wait3A_945] : memref<10240x128xf32, #tpu.memory_space<hbm>> -> memref<10240x128xf32, #tpu.memory_space<hbm>>
      tpu.wait_indirect_dma semaphore(%arg20 : memref<!tpu.dma_semaphore, #tpu.memory_space<semaphore_mem>>) src(%dma_wait3A_946 : memref<10240x128xf32, #tpu.memory_space<hbm>>) dst(%dma_wait3A_940 : memref<32x128xf32, #tpu.memory_space<vmem>>)
      %dma_wait3A_947 = arith.constant 2 : i32
      %dma_wait3A_948 = arith.constant 64 : i32
      %dma_wait3A_949 = arith.constant 0 : i32
      %dma_wait3A_950 = tpu.memref_slice %arg15[%dma_wait3A_948, %dma_wait3A_949] : memref<128x128xf32, #tpu.memory_space<vmem>> -> memref<32x128xf32, #tpu.memory_space<vmem>>
      %dma_wait3A_951 = arith.constant 0 : i32
      %dma_wait3A_952 = tpu.memref_slice %arg11[%dma_wait3A_947, %dma_wait3A_951] : memref<4x32xi32, #tpu.memory_space<vmem>> -> memref<1x32xi32, #tpu.memory_space<vmem>>
      %dma_wait3A_953 = tpu.memref_squeeze %dma_wait3A_952 : memref<1x32xi32, #tpu.memory_space<vmem>> -> memref<32xi32, #tpu.memory_space<vmem>>
      %dma_wait3A_954 = arith.constant 0 : i32
      %dma_wait3A_955 = arith.constant 0 : i32
      %dma_wait3A_956 = tpu.memref_slice %arg2[%dma_wait3A_954, %dma_wait3A_955] : memref<10240x128xf32, #tpu.memory_space<hbm>> -> memref<10240x128xf32, #tpu.memory_space<hbm>>
      tpu.wait_indirect_dma semaphore(%arg20 : memref<!tpu.dma_semaphore, #tpu.memory_space<semaphore_mem>>) src(%dma_wait3A_956 : memref<10240x128xf32, #tpu.memory_space<hbm>>) dst(%dma_wait3A_950 : memref<32x128xf32, #tpu.memory_space<vmem>>)
      %dma_wait3A_957 = arith.constant 3 : i32
      %dma_wait3A_958 = arith.constant 96 : i32
      %dma_wait3A_959 = arith.constant 0 : i32
      %dma_wait3A_960 = tpu.memref_slice %arg15[%dma_wait3A_958, %dma_wait3A_959] : memref<128x128xf32, #tpu.memory_space<vmem>> -> memref<32x128xf32, #tpu.memory_space<vmem>>
      %dma_wait3A_961 = arith.constant 0 : i32
      %dma_wait3A_962 = tpu.memref_slice %arg11[%dma_wait3A_957, %dma_wait3A_961] : memref<4x32xi32, #tpu.memory_space<vmem>> -> memref<1x32xi32, #tpu.memory_space<vmem>>
      %dma_wait3A_963 = tpu.memref_squeeze %dma_wait3A_962 : memref<1x32xi32, #tpu.memory_space<vmem>> -> memref<32xi32, #tpu.memory_space<vmem>>
      %dma_wait3A_964 = arith.constant 0 : i32
      %dma_wait3A_965 = arith.constant 0 : i32
      %dma_wait3A_966 = tpu.memref_slice %arg2[%dma_wait3A_964, %dma_wait3A_965] : memref<10240x128xf32, #tpu.memory_space<hbm>> -> memref<10240x128xf32, #tpu.memory_space<hbm>>
      tpu.wait_indirect_dma semaphore(%arg20 : memref<!tpu.dma_semaphore, #tpu.memory_space<semaphore_mem>>) src(%dma_wait3A_966 : memref<10240x128xf32, #tpu.memory_space<hbm>>) dst(%dma_wait3A_960 : memref<32x128xf32, #tpu.memory_space<vmem>>)
      %scan3A_967 = arith.constant 0 : i32
      %scan3A_968 = arith.constant 0 : i32
      %scan3A_969 = arith.constant 128 : i32
      %scan3A_970 = arith.addi %scan3A_968, %scan3A_969 : i32
      %scan3A_971 = arith.constant 1 : i32
      scf.for %scan3A_974 = %scan3A_968 to %scan3A_970 step %scan3A_971  : i32 {
        %broadcast_in_dim3A_975 = arith.constant 0 : i32
        %broadcast_in_dim3A_976 = vector.broadcast %broadcast_in_dim3A_975 : i32 to vector<16xi32>
        %add3A_977 = vector.broadcast %scan3A_974 : i32 to vector<16xi32>
        %add3A_978 = arith.addi %broadcast_in_dim3A_976, %add3A_977 : vector<16xi32>
        %broadcast_in_dim3A_979 = arith.constant 0 : i32
        %broadcast_in_dim3A_980 = vector.broadcast %broadcast_in_dim3A_979 : i32 to vector<16xi32>
        %gather3A_981 = tpu.vector_load_idx %arg13[%broadcast_in_dim3A_980, %add3A_978] : memref<4x128xf32, #tpu.memory_space<vmem>>[vector<16xi32>, vector<16xi32>], vector<16xf32>,
        %get3A_982 = arith.index_cast %scan3A_974 : i32 to index
        %get3A_983 = arith.constant 0 : index
        %get3A_984 = tpu.vector_load %arg15[%get3A_982, %get3A_983] {strides = array<i32>} : memref<128x128xf32, #tpu.memory_space<vmem>>, vector<16xf32>,
        %mul3A_985 = arith.mulf %get3A_984, %gather3A_981 : vector<16xf32>
        %swap3A = arith.index_cast %scan3A_974 : i32 to index
        %swap3A_986 = arith.constant 0 : index
        %swap3A_987 = tpu.vector_load %arg15[%swap3A, %swap3A_986] {strides = array<i32>} : memref<128x128xf32, #tpu.memory_space<vmem>>, vector<16xf32>,
        tpu.vector_store %arg15[%swap3A, %swap3A_986], %mul3A_985 {strides = array<i32>} : memref<128x128xf32, #tpu.memory_space<vmem>>, vector<16xf32>,
        %get3A_988 = arith.index_cast %scan3A_974 : i32 to index
        %get3A_989 = arith.constant 16 : index
        %get3A_990 = tpu.vector_load %arg15[%get3A_988, %get3A_989] {strides = array<i32>} : memref<128x128xf32, #tpu.memory_space<vmem>>, vector<16xf32>,
        %mul3A_991 = arith.mulf %get3A_990, %gather3A_981 : vector<16xf32>
        %swap3A_992 = arith.index_cast %scan3A_974 : i32 to index
        %swap3A_993 = arith.constant 16 : index
        %swap3A_994 = tpu.vector_load %arg15[%swap3A_992, %swap3A_993] {strides = array<i32>} : memref<128x128xf32, #tpu.memory_space<vmem>>, vector<16xf32>,
        tpu.vector_store %arg15[%swap3A_992, %swap3A_993], %mul3A_991 {strides = array<i32>} : memref<128x128xf32, #tpu.memory_space<vmem>>, vector<16xf32>,
        %broadcast_in_dim3A_995 = arith.constant 1 : i32
        %broadcast_in_dim3A_996 = vector.broadcast %broadcast_in_dim3A_995 : i32 to vector<16xi32>
        %gather3A_997 = tpu.vector_load_idx %arg13[%broadcast_in_dim3A_996, %add3A_978] : memref<4x128xf32, #tpu.memory_space<vmem>>[vector<16xi32>, vector<16xi32>], vector<16xf32>,
        %get3A_998 = arith.index_cast %scan3A_974 : i32 to index
        %get3A_999 = arith.constant 32 : index
        %get3A_1000 = tpu.vector_load %arg15[%get3A_998, %get3A_999] {strides = array<i32>} : memref<128x128xf32, #tpu.memory_space<vmem>>, vector<16xf32>,
        %mul3A_1001 = arith.mulf %get3A_1000, %gather3A_997 : vector<16xf32>
        %swap3A_1002 = arith.index_cast %scan3A_974 : i32 to index
        %swap3A_1003 = arith.constant 32 : index
        %swap3A_1004 = tpu.vector_load %arg15[%swap3A_1002, %swap3A_1003] {strides = array<i32>} : memref<128x128xf32, #tpu.memory_space<vmem>>, vector<16xf32>,
        tpu.vector_store %arg15[%swap3A_1002, %swap3A_1003], %mul3A_1001 {strides = array<i32>} : memref<128x128xf32, #tpu.memory_space<vmem>>, vector<16xf32>,
        %get3A_1005 = arith.index_cast %scan3A_974 : i32 to index
        %get3A_1006 = arith.constant 48 : index
        %get3A_1007 = tpu.vector_load %arg15[%get3A_1005, %get3A_1006] {strides = array<i32>} : memref<128x128xf32, #tpu.memory_space<vmem>>, vector<16xf32>,
        %mul3A_1008 = arith.mulf %get3A_1007, %gather3A_997 : vector<16xf32>
        %swap3A_1009 = arith.index_cast %scan3A_974 : i32 to index
        %swap3A_1010 = arith.constant 48 : index
        %swap3A_1011 = tpu.vector_load %arg15[%swap3A_1009, %swap3A_1010] {strides = array<i32>} : memref<128x128xf32, #tpu.memory_space<vmem>>, vector<16xf32>,
        tpu.vector_store %arg15[%swap3A_1009, %swap3A_1010], %mul3A_1008 {strides = array<i32>} : memref<128x128xf32, #tpu.memory_space<vmem>>, vector<16xf32>,
        %broadcast_in_dim3A_1012 = arith.constant 2 : i32
        %broadcast_in_dim3A_1013 = vector.broadcast %broadcast_in_dim3A_1012 : i32 to vector<16xi32>
        %gather3A_1014 = tpu.vector_load_idx %arg13[%broadcast_in_dim3A_1013, %add3A_978] : memref<4x128xf32, #tpu.memory_space<vmem>>[vector<16xi32>, vector<16xi32>], vector<16xf32>,
        %get3A_1015 = arith.index_cast %scan3A_974 : i32 to index
        %get3A_1016 = arith.constant 64 : index
        %get3A_1017 = tpu.vector_load %arg15[%get3A_1015, %get3A_1016] {strides = array<i32>} : memref<128x128xf32, #tpu.memory_space<vmem>>, vector<16xf32>,
        %mul3A_1018 = arith.mulf %get3A_1017, %gather3A_1014 : vector<16xf32>
        %swap3A_1019 = arith.index_cast %scan3A_974 : i32 to index
        %swap3A_1020 = arith.constant 64 : index
        %swap3A_1021 = tpu.vector_load %arg15[%swap3A_1019, %swap3A_1020] {strides = array<i32>} : memref<128x128xf32, #tpu.memory_space<vmem>>, vector<16xf32>,
        tpu.vector_store %arg15[%swap3A_1019, %swap3A_1020], %mul3A_1018 {strides = array<i32>} : memref<128x128xf32, #tpu.memory_space<vmem>>, vector<16xf32>,
        %get3A_1022 = arith.index_cast %scan3A_974 : i32 to index
        %get3A_1023 = arith.constant 80 : index
        %get3A_1024 = tpu.vector_load %arg15[%get3A_1022, %get3A_1023] {strides = array<i32>} : memref<128x128xf32, #tpu.memory_space<vmem>>, vector<16xf32>,
        %mul3A_1025 = arith.mulf %get3A_1024, %gather3A_1014 : vector<16xf32>
        %swap3A_1026 = arith.index_cast %scan3A_974 : i32 to index
        %swap3A_1027 = arith.constant 80 : index
        %swap3A_1028 = tpu.vector_load %arg15[%swap3A_1026, %swap3A_1027] {strides = array<i32>} : memref<128x128xf32, #tpu.memory_space<vmem>>, vector<16xf32>,
        tpu.vector_store %arg15[%swap3A_1026, %swap3A_1027], %mul3A_1025 {strides = array<i32>} : memref<128x128xf32, #tpu.memory_space<vmem>>, vector<16xf32>,
        %broadcast_in_dim3A_1029 = arith.constant 3 : i32
        %broadcast_in_dim3A_1030 = vector.broadcast %broadcast_in_dim3A_1029 : i32 to vector<16xi32>
        %gather3A_1031 = tpu.vector_load_idx %arg13[%broadcast_in_dim3A_1030, %add3A_978] : memref<4x128xf32, #tpu.memory_space<vmem>>[vector<16xi32>, vector<16xi32>], vector<16xf32>,
        %get3A_1032 = arith.index_cast %scan3A_974 : i32 to index
        %get3A_1033 = arith.constant 96 : index
        %get3A_1034 = tpu.vector_load %arg15[%get3A_1032, %get3A_1033] {strides = array<i32>} : memref<128x128xf32, #tpu.memory_space<vmem>>, vector<16xf32>,
        %mul3A_1035 = arith.mulf %get3A_1034, %gather3A_1031 : vector<16xf32>
        %swap3A_1036 = arith.index_cast %scan3A_974 : i32 to index
        %swap3A_1037 = arith.constant 96 : index
        %swap3A_1038 = tpu.vector_load %arg15[%swap3A_1036, %swap3A_1037] {strides = array<i32>} : memref<128x128xf32, #tpu.memory_space<vmem>>, vector<16xf32>,
        tpu.vector_store %arg15[%swap3A_1036, %swap3A_1037], %mul3A_1035 {strides = array<i32>} : memref<128x128xf32, #tpu.memory_space<vmem>>, vector<16xf32>,
        %get3A_1039 = arith.index_cast %scan3A_974 : i32 to index
        %get3A_1040 = arith.constant 112 : index
        %get3A_1041 = tpu.vector_load %arg15[%get3A_1039, %get3A_1040] {strides = array<i32>} : memref<128x128xf32, #tpu.memory_space<vmem>>, vector<16xf32>,
        %mul3A_1042 = arith.mulf %get3A_1041, %gather3A_1031 : vector<16xf32>
        %swap3A_1043 = arith.index_cast %scan3A_974 : i32 to index
        %swap3A_1044 = arith.constant 112 : index
        %swap3A_1045 = tpu.vector_load %arg15[%swap3A_1043, %swap3A_1044] {strides = array<i32>} : memref<128x128xf32, #tpu.memory_space<vmem>>, vector<16xf32>,
        tpu.vector_store %arg15[%swap3A_1043, %swap3A_1044], %mul3A_1042 {strides = array<i32>} : memref<128x128xf32, #tpu.memory_space<vmem>>, vector<16xf32>,
      }
      %scan3A_972 = arith.constant 128 : i32
      %run_scoped3A_973 = arith.constant 0 : i32
      "tpu.region"() ({
        %run_scoped3A_974 = tpu.sem_alloc : memref<!tpu.dma_semaphore, #tpu.memory_space<semaphore_mem>>
        %dma_start3A_975 = arith.constant 0 : i32
        %dma_start3A_976 = tpu.memref_slice %arg12[%run_scoped3A_973, %dma_start3A_975] : memref<1x128xi32, #tpu.memory_space<vmem>> -> memref<1x128xi32, #tpu.memory_space<vmem>>
        %dma_start3A_977 = tpu.memref_squeeze %dma_start3A_976 : memref<1x128xi32, #tpu.memory_space<vmem>> -> memref<128xi32, #tpu.memory_space<vmem>>
        %dma_start3A_978 = arith.constant 0 : i32
        %dma_start3A_979 = arith.constant 0 : i32
        %dma_start3A_980 = tpu.memref_slice %arg18[%dma_start3A_978, %dma_start3A_979] : memref<5120x128xf32, #tpu.memory_space<vmem_shared>> -> memref<5120x128xf32, #tpu.memory_space<vmem_shared>>
        tpu.enqueue_indirect_dma source(%arg15 : memref<128x128xf32, #tpu.memory_space<vmem>>) target(%dma_start3A_980 : memref<5120x128xf32, #tpu.memory_space<vmem_shared>>) offsets(%dma_start3A_977 : memref<128xi32, #tpu.memory_space<vmem>>) semaphore(%run_scoped3A_974 : memref<!tpu.dma_semaphore, #tpu.memory_space<semaphore_mem>>) {add = true}
        %dma_wait3A_981 = arith.constant 0 : i32
        %dma_wait3A_982 = tpu.memref_slice %arg12[%run_scoped3A_973, %dma_wait3A_981] : memref<1x128xi32, #tpu.memory_space<vmem>> -> memref<1x128xi32, #tpu.memory_space<vmem>>
        %dma_wait3A_983 = tpu.memref_squeeze %dma_wait3A_982 : memref<1x128xi32, #tpu.memory_space<vmem>> -> memref<128xi32, #tpu.memory_space<vmem>>
        %dma_wait3A_984 = arith.constant 0 : i32
        %dma_wait3A_985 = arith.constant 0 : i32
        %dma_wait3A_986 = tpu.memref_slice %arg18[%dma_wait3A_984, %dma_wait3A_985] : memref<5120x128xf32, #tpu.memory_space<vmem_shared>> -> memref<5120x128xf32, #tpu.memory_space<vmem_shared>>
        tpu.wait_indirect_dma semaphore(%run_scoped3A_974 : memref<!tpu.dma_semaphore, #tpu.memory_space<semaphore_mem>>) src(%arg15 : memref<128x128xf32, #tpu.memory_space<vmem>>) dst(%dma_wait3A_986 : memref<5120x128xf32, #tpu.memory_space<vmem_shared>>)
        tpu.yield
      }) : () -> ()
    }
    %scan3A_9 = arith.constant 81 : i32
    %barrier3A_10 = arith.constant 0 : index
    tpu.barrier barrier_id(%barrier3A_10)
    %run_scoped3A = arith.constant 0 : i32
    "tpu.region"() ({
      %run_scoped3A_22 = tpu.sem_alloc : memref<!tpu.dma_semaphore, #tpu.memory_space<semaphore_mem>>
      %dma_start3A = arith.constant 0 : i32
      %dma_start3A_23 = tpu.memref_slice %arg9[%arg0, %run_scoped3A, %mul3A_2, %dma_start3A] : memref<2x2x5120x128xf32, #tpu.memory_space<hbm>> -> memref<1x1x320x128xf32, #tpu.memory_space<hbm>>
      %dma_start3A_24 = tpu.memref_squeeze %dma_start3A_23 : memref<1x1x320x128xf32, #tpu.memory_space<hbm>> -> memref<320x128xf32, #tpu.memory_space<hbm>>
      %dma_start3A_25 = arith.constant 0 : i32
      %dma_start3A_26 = tpu.memref_slice %arg18[%mul3A_2, %dma_start3A_25] : memref<5120x128xf32, #tpu.memory_space<vmem_shared>> -> memref<320x128xf32, #tpu.memory_space<vmem_shared>>
      tpu.enqueue_dma source(%dma_start3A_26 : memref<320x128xf32, #tpu.memory_space<vmem_shared>>) target(%dma_start3A_24 : memref<320x128xf32, #tpu.memory_space<hbm>>) target_semaphore(%run_scoped3A_22 : memref<!tpu.dma_semaphore, #tpu.memory_space<semaphore_mem>>)
      %dma_wait3A = arith.constant 0 : i32
      %dma_wait3A_27 = tpu.memref_slice %arg9[%arg0, %run_scoped3A, %mul3A_2, %dma_wait3A] : memref<2x2x5120x128xf32, #tpu.memory_space<hbm>> -> memref<1x1x320x128xf32, #tpu.memory_space<hbm>>
      %dma_wait3A_28 = tpu.memref_squeeze %dma_wait3A_27 : memref<1x1x320x128xf32, #tpu.memory_space<hbm>> -> memref<320x128xf32, #tpu.memory_space<hbm>>
      %dma_wait3A_29 = arith.constant 0 : i32
      %dma_wait3A_30 = tpu.memref_slice %arg18[%mul3A_2, %dma_wait3A_29] : memref<5120x128xf32, #tpu.memory_space<vmem_shared>> -> memref<320x128xf32, #tpu.memory_space<vmem_shared>>
      tpu.wait_dma2 semaphore(%run_scoped3A_22 : memref<!tpu.dma_semaphore, #tpu.memory_space<semaphore_mem>>) src(%dma_wait3A_30 : memref<320x128xf32, #tpu.memory_space<vmem_shared>>) dst(%dma_wait3A_28 : memref<320x128xf32, #tpu.memory_space<hbm>>)
      tpu.yield
    }) : () -> ()
    %run_scoped3A_11 = arith.constant 0 : i32
    "tpu.region"() ({
      %run_scoped3A_22 = tpu.sem_alloc : memref<!tpu.dma_semaphore, #tpu.memory_space<semaphore_mem>>
      %dma_start3A = tpu.memref_slice %arg10[%arg0, %run_scoped3A_11, %mul3A_4] : memref<2x2x20480xf32, #tpu.memory_space<hbm>> -> memref<1x1x1280xf32, #tpu.memory_space<hbm>>
      %dma_start3A_23 = tpu.memref_squeeze %dma_start3A : memref<1x1x1280xf32, #tpu.memory_space<hbm>> -> memref<1280xf32, #tpu.memory_space<hbm>>
      %dma_start3A_24 = tpu.memref_slice %arg19[%mul3A_4] : memref<20480xf32, #tpu.memory_space<vmem_shared>> -> memref<1280xf32, #tpu.memory_space<vmem_shared>>
      tpu.enqueue_dma source(%dma_start3A_24 : memref<1280xf32, #tpu.memory_space<vmem_shared>>) target(%dma_start3A_23 : memref<1280xf32, #tpu.memory_space<hbm>>) target_semaphore(%run_scoped3A_22 : memref<!tpu.dma_semaphore, #tpu.memory_space<semaphore_mem>>)
      %dma_wait3A = tpu.memref_slice %arg10[%arg0, %run_scoped3A_11, %mul3A_4] : memref<2x2x20480xf32, #tpu.memory_space<hbm>> -> memref<1x1x1280xf32, #tpu.memory_space<hbm>>
      %dma_wait3A_25 = tpu.memref_squeeze %dma_wait3A : memref<1x1x1280xf32, #tpu.memory_space<hbm>> -> memref<1280xf32, #tpu.memory_space<hbm>>
      %dma_wait3A_26 = tpu.memref_slice %arg19[%mul3A_4] : memref<20480xf32, #tpu.memory_space<vmem_shared>> -> memref<1280xf32, #tpu.memory_space<vmem_shared>>
      tpu.wait_dma2 semaphore(%run_scoped3A_22 : memref<!tpu.dma_semaphore, #tpu.memory_space<semaphore_mem>>) src(%dma_wait3A_26 : memref<1280xf32, #tpu.memory_space<vmem_shared>>) dst(%dma_wait3A_25 : memref<1280xf32, #tpu.memory_space<hbm>>)
      tpu.yield
    }) : () -> ()
    "tpu.region"() ({
      %run_scoped3A_22 = tpu.sem_alloc : memref<!tpu.dma_semaphore, #tpu.memory_space<semaphore_mem>>
      %dma_start3A = arith.constant 0 : i32
      %dma_start3A_23 = tpu.memref_slice %arg18[%mul3A_2, %dma_start3A] : memref<5120x128xf32, #tpu.memory_space<vmem_shared>> -> memref<320x128xf32, #tpu.memory_space<vmem_shared>>
      %dma_start3A_24 = arith.constant 0 : i32
      %dma_start3A_25 = tpu.memref_slice %arg7[%mul3A_2, %dma_start3A_24] : memref<5120x128xf32, #tpu.memory_space<hbm>> -> memref<320x128xf32, #tpu.memory_space<hbm>>
      tpu.enqueue_dma source(%dma_start3A_25 : memref<320x128xf32, #tpu.memory_space<hbm>>) target(%dma_start3A_23 : memref<320x128xf32, #tpu.memory_space<vmem_shared>>) target_semaphore(%run_scoped3A_22 : memref<!tpu.dma_semaphore, #tpu.memory_space<semaphore_mem>>)
      %dma_wait3A = arith.constant 0 : i32
      %dma_wait3A_26 = tpu.memref_slice %arg18[%mul3A_2, %dma_wait3A] : memref<5120x128xf32, #tpu.memory_space<vmem_shared>> -> memref<320x128xf32, #tpu.memory_space<vmem_shared>>
      %dma_wait3A_27 = arith.constant 0 : i32
      %dma_wait3A_28 = tpu.memref_slice %arg7[%mul3A_2, %dma_wait3A_27] : memref<5120x128xf32, #tpu.memory_space<hbm>> -> memref<320x128xf32, #tpu.memory_space<hbm>>
      tpu.wait_dma2 semaphore(%run_scoped3A_22 : memref<!tpu.dma_semaphore, #tpu.memory_space<semaphore_mem>>) src(%dma_wait3A_28 : memref<320x128xf32, #tpu.memory_space<hbm>>) dst(%dma_wait3A_26 : memref<320x128xf32, #tpu.memory_space<vmem_shared>>)
      tpu.yield
    }) : () -> ()
    "tpu.region"() ({
      %run_scoped3A_22 = tpu.sem_alloc : memref<!tpu.dma_semaphore, #tpu.memory_space<semaphore_mem>>
      %dma_start3A = tpu.memref_slice %arg19[%mul3A_4] : memref<20480xf32, #tpu.memory_space<vmem_shared>> -> memref<1280xf32, #tpu.memory_space<vmem_shared>>
      %dma_start3A_23 = tpu.memref_slice %arg8[%mul3A_4] : memref<20480xf32, #tpu.memory_space<hbm>> -> memref<1280xf32, #tpu.memory_space<hbm>>
      tpu.enqueue_dma source(%dma_start3A_23 : memref<1280xf32, #tpu.memory_space<hbm>>) target(%dma_start3A : memref<1280xf32, #tpu.memory_space<vmem_shared>>) target_semaphore(%run_scoped3A_22 : memref<!tpu.dma_semaphore, #tpu.memory_space<semaphore_mem>>)
      %dma_wait3A = tpu.memref_slice %arg19[%mul3A_4] : memref<20480xf32, #tpu.memory_space<vmem_shared>> -> memref<1280xf32, #tpu.memory_space<vmem_shared>>
      %dma_wait3A_24 = tpu.memref_slice %arg8[%mul3A_4] : memref<20480xf32, #tpu.memory_space<hbm>> -> memref<1280xf32, #tpu.memory_space<hbm>>
      tpu.wait_dma2 semaphore(%run_scoped3A_22 : memref<!tpu.dma_semaphore, #tpu.memory_space<semaphore_mem>>) src(%dma_wait3A_24 : memref<1280xf32, #tpu.memory_space<hbm>>) dst(%dma_wait3A : memref<1280xf32, #tpu.memory_space<vmem_shared>>)
      tpu.yield
    }) : () -> ()
    "tpu.region"() ({
      %run_scoped3A_22 = tpu.sem_alloc : memref<!tpu.dma_semaphore, #tpu.memory_space<semaphore_mem>>
      %dma_start3A = arith.constant 20480 : i32
      %dma_start3A_23 = tpu.memref_slice %arg4[%dma_start3A] : memref<40960xf32, #tpu.memory_space<hbm>> -> memref<20480xf32, #tpu.memory_space<hbm>>
      %dma_start3A_24 = arith.constant 20480 : i32
      %dma_start3A_25 = tpu.memref_slice %arg4[%dma_start3A_24] : memref<40960xf32, #tpu.memory_space<hbm>> -> memref<20480xf32, #tpu.memory_space<hbm>>
      tpu.enqueue_dma source(%dma_start3A_25 : memref<20480xf32, #tpu.memory_space<hbm>>) target(%arg17 : memref<20480xf32, #tpu.memory_space<vmem>>) target_semaphore(%run_scoped3A_22 : memref<!tpu.dma_semaphore, #tpu.memory_space<semaphore_mem>>)
      %dma_wait3A = arith.constant 20480 : i32
      %dma_wait3A_26 = tpu.memref_slice %arg4[%dma_wait3A] : memref<40960xf32, #tpu.memory_space<hbm>> -> memref<20480xf32, #tpu.memory_space<hbm>>
      %dma_wait3A_27 = arith.constant 20480 : i32
      %dma_wait3A_28 = tpu.memref_slice %arg4[%dma_wait3A_27] : memref<40960xf32, #tpu.memory_space<hbm>> -> memref<20480xf32, #tpu.memory_space<hbm>>
      tpu.wait_dma2 semaphore(%run_scoped3A_22 : memref<!tpu.dma_semaphore, #tpu.memory_space<semaphore_mem>>) src(%dma_wait3A_28 : memref<20480xf32, #tpu.memory_space<hbm>>) dst(%arg17 : memref<20480xf32, #tpu.memory_space<vmem>>)
      tpu.yield
    }) : () -> ()
    %barrier3A_12 = arith.constant 0 : index
    tpu.barrier barrier_id(%barrier3A_12)
    %scan3A_13 = arith.constant 0 : i32
    %scan3A_14 = arith.constant 0 : i32
    %scan3A_15 = arith.constant 81 : i32
    %scan3A_16 = arith.addi %scan3A_14, %scan3A_15 : i32
    %scan3A_17 = arith.constant 1 : i32
    scf.for %scan3A_22 = %scan3A_14 to %scan3A_16 step %scan3A_17  : i32 {
      %run_scoped3A_23 = arith.constant 1 : i32
      "tpu.region"() ({
        %run_scoped3A_974 = tpu.sem_alloc : memref<!tpu.dma_semaphore, #tpu.memory_space<semaphore_mem>>
        %dma_start3A_975 = arith.constant 0 : i32
        %dma_start3A_976 = arith.constant 0 : i32
        %dma_start3A_977 = tpu.memref_slice %arg5[%run_scoped3A_23, %add3A, %scan3A_22, %dma_start3A_975, %dma_start3A_976] : memref<2x32x81x4x32xi32, #tpu.memory_space<hbm>> -> memref<1x1x1x4x32xi32, #tpu.memory_space<hbm>>
        %dma_start3A_978 = tpu.memref_squeeze %dma_start3A_977 : memref<1x1x1x4x32xi32, #tpu.memory_space<hbm>> -> memref<4x32xi32, #tpu.memory_space<hbm>>
        %dma_start3A_979 = arith.constant 0 : i32
        %dma_start3A_980 = arith.constant 0 : i32
        %dma_start3A_981 = tpu.memref_slice %arg5[%run_scoped3A_23, %add3A, %scan3A_22, %dma_start3A_979, %dma_start3A_980] : memref<2x32x81x4x32xi32, #tpu.memory_space<hbm>> -> memref<1x1x1x4x32xi32, #tpu.memory_space<hbm>>
        %dma_start3A_982 = tpu.memref_squeeze %dma_start3A_981 : memref<1x1x1x4x32xi32, #tpu.memory_space<hbm>> -> memref<4x32xi32, #tpu.memory_space<hbm>>
        tpu.enqueue_dma source(%dma_start3A_982 : memref<4x32xi32, #tpu.memory_space<hbm>>) target(%arg11 : memref<4x32xi32, #tpu.memory_space<vmem>>) target_semaphore(%run_scoped3A_974 : memref<!tpu.dma_semaphore, #tpu.memory_space<semaphore_mem>>)
        %dma_wait3A_983 = arith.constant 0 : i32
        %dma_wait3A_984 = arith.constant 0 : i32
        %dma_wait3A_985 = tpu.memref_slice %arg5[%run_scoped3A_23, %add3A, %scan3A_22, %dma_wait3A_983, %dma_wait3A_984] : memref<2x32x81x4x32xi32, #tpu.memory_space<hbm>> -> memref<1x1x1x4x32xi32, #tpu.memory_space<hbm>>
        %dma_wait3A_986 = tpu.memref_squeeze %dma_wait3A_985 : memref<1x1x1x4x32xi32, #tpu.memory_space<hbm>> -> memref<4x32xi32, #tpu.memory_space<hbm>>
        %dma_wait3A_987 = arith.constant 0 : i32
        %dma_wait3A_988 = arith.constant 0 : i32
        %dma_wait3A_989 = tpu.memref_slice %arg5[%run_scoped3A_23, %add3A, %scan3A_22, %dma_wait3A_987, %dma_wait3A_988] : memref<2x32x81x4x32xi32, #tpu.memory_space<hbm>> -> memref<1x1x1x4x32xi32, #tpu.memory_space<hbm>>
        %dma_wait3A_990 = tpu.memref_squeeze %dma_wait3A_989 : memref<1x1x1x4x32xi32, #tpu.memory_space<hbm>> -> memref<4x32xi32, #tpu.memory_space<hbm>>
        tpu.wait_dma2 semaphore(%run_scoped3A_974 : memref<!tpu.dma_semaphore, #tpu.memory_space<semaphore_mem>>) src(%dma_wait3A_990 : memref<4x32xi32, #tpu.memory_space<hbm>>) dst(%arg11 : memref<4x32xi32, #tpu.memory_space<vmem>>)
        tpu.yield
      }) : () -> ()
      %run_scoped3A_24 = arith.constant 1 : i32
      "tpu.region"() ({
        %run_scoped3A_974 = tpu.sem_alloc : memref<!tpu.dma_semaphore, #tpu.memory_space<semaphore_mem>>
        %dma_start3A_975 = arith.constant 0 : i32
        %dma_start3A_976 = arith.constant 0 : i32
        %dma_start3A_977 = tpu.memref_slice %arg6[%run_scoped3A_24, %add3A, %scan3A_22, %dma_start3A_975, %dma_start3A_976] : memref<2x32x81x1x128xi32, #tpu.memory_space<hbm>> -> memref<1x1x1x1x128xi32, #tpu.memory_space<hbm>>
        %dma_start3A_978 = tpu.memref_squeeze %dma_start3A_977 : memref<1x1x1x1x128xi32, #tpu.memory_space<hbm>> -> memref<1x128xi32, #tpu.memory_space<hbm>>
        %dma_start3A_979 = arith.constant 0 : i32
        %dma_start3A_980 = arith.constant 0 : i32
        %dma_start3A_981 = tpu.memref_slice %arg6[%run_scoped3A_24, %add3A, %scan3A_22, %dma_start3A_979, %dma_start3A_980] : memref<2x32x81x1x128xi32, #tpu.memory_space<hbm>> -> memref<1x1x1x1x128xi32, #tpu.memory_space<hbm>>
        %dma_start3A_982 = tpu.memref_squeeze %dma_start3A_981 : memref<1x1x1x1x128xi32, #tpu.memory_space<hbm>> -> memref<1x128xi32, #tpu.memory_space<hbm>>
        tpu.enqueue_dma source(%dma_start3A_982 : memref<1x128xi32, #tpu.memory_space<hbm>>) target(%arg12 : memref<1x128xi32, #tpu.memory_space<vmem>>) target_semaphore(%run_scoped3A_974 : memref<!tpu.dma_semaphore, #tpu.memory_space<semaphore_mem>>)
        %dma_wait3A_983 = arith.constant 0 : i32
        %dma_wait3A_984 = arith.constant 0 : i32
        %dma_wait3A_985 = tpu.memref_slice %arg6[%run_scoped3A_24, %add3A, %scan3A_22, %dma_wait3A_983, %dma_wait3A_984] : memref<2x32x81x1x128xi32, #tpu.memory_space<hbm>> -> memref<1x1x1x1x128xi32, #tpu.memory_space<hbm>>
        %dma_wait3A_986 = tpu.memref_squeeze %dma_wait3A_985 : memref<1x1x1x1x128xi32, #tpu.memory_space<hbm>> -> memref<1x128xi32, #tpu.memory_space<hbm>>
        %dma_wait3A_987 = arith.constant 0 : i32
        %dma_wait3A_988 = arith.constant 0 : i32
        %dma_wait3A_989 = tpu.memref_slice %arg6[%run_scoped3A_24, %add3A, %scan3A_22, %dma_wait3A_987, %dma_wait3A_988] : memref<2x32x81x1x128xi32, #tpu.memory_space<hbm>> -> memref<1x1x1x1x128xi32, #tpu.memory_space<hbm>>
        %dma_wait3A_990 = tpu.memref_squeeze %dma_wait3A_989 : memref<1x1x1x1x128xi32, #tpu.memory_space<hbm>> -> memref<1x128xi32, #tpu.memory_space<hbm>>
        tpu.wait_dma2 semaphore(%run_scoped3A_974 : memref<!tpu.dma_semaphore, #tpu.memory_space<semaphore_mem>>) src(%dma_wait3A_990 : memref<1x128xi32, #tpu.memory_space<hbm>>) dst(%arg12 : memref<1x128xi32, #tpu.memory_space<vmem>>)
        tpu.yield
      }) : () -> ()
      %get3A = arith.constant 0 : i32
      %get3A_25 = arith.index_cast %get3A : i32 to index
      %get3A_26 = arith.constant 0 : index
      %get3A_27 = tpu.vector_load %arg11[%get3A_25, %get3A_26] {strides = array<i32>} : memref<4x32xi32, #tpu.memory_space<vmem>>, vector<16xi32>,
      %lt3A = arith.constant 10000 : i32
      %lt3A_28 = vector.broadcast %lt3A : i32 to vector<16xi32>
      %lt3A_29 = arith.cmpi slt, %get3A_27, %lt3A_28 : vector<16xi32>
      %mul3A_30 = arith.constant 4 : i32
      %mul3A_31 = vector.broadcast %mul3A_30 : i32 to vector<16xi32>
      %mul3A_32 = arith.muli %get3A_27, %mul3A_31 : vector<16xi32>
      %get3A_33 = arith.constant 0 : i32
      %get3A_34 = arith.index_cast %get3A_33 : i32 to index
      %get3A_35 = arith.constant 0 : index
      %get3A_36 = tpu.vector_load %arg12[%get3A_34, %get3A_35] {strides = array<i32>} : memref<1x128xi32, #tpu.memory_space<vmem>>, vector<16xi32>,
      %mul3A_37 = arith.constant 4 : i32
      %mul3A_38 = vector.broadcast %mul3A_37 : i32 to vector<16xi32>
      %mul3A_39 = arith.muli %get3A_36, %mul3A_38 : vector<16xi32>
      %add3A_40 = arith.constant 0 : i32
      %add3A_41 = vector.broadcast %add3A_40 : i32 to vector<16xi32>
      %add3A_42 = arith.addi %iota3A, %add3A_41 : vector<16xi32>
      %broadcast_in_dim3A = arith.constant 0 : i32
      %broadcast_in_dim3A_43 = vector.broadcast %broadcast_in_dim3A : i32 to vector<16xi32>
      %add3A_44 = arith.constant 0 : i32
      %add3A_45 = vector.broadcast %add3A_44 : i32 to vector<16xi32>
      %add3A_46 = arith.addi %mul3A_32, %add3A_45 : vector<16xi32>
      %gather3A = tpu.vector_load_idx %arg16[%add3A_46] : memref<40960xf32, #tpu.memory_space<vmem>>[vector<16xi32>], vector<16xf32>,
      %add3A_47 = arith.constant 0 : i32
      %add3A_48 = vector.broadcast %add3A_47 : i32 to vector<16xi32>
      %add3A_49 = arith.addi %mul3A_39, %add3A_48 : vector<16xi32>
      %gather3A_50 = tpu.vector_load_idx %arg17[%add3A_49] : memref<20480xf32, #tpu.memory_space<vmem>>[vector<16xi32>], vector<16xf32>,
      %add3A_51 = arith.addf %gather3A, %gather3A_50 : vector<16xf32>
      %mul3A_52 = arith.constant 2.000000e-01 : f32
      %mul3A_53 = vector.broadcast %mul3A_52 : f32 to vector<16xf32>
      %mul3A_54 = arith.mulf %add3A_51, %mul3A_53 : vector<16xf32>
      %max3A = arith.maximumf %add3A_51, %mul3A_54 : vector<16xf32>
      %exp3A = math.exp %max3A : vector<16xf32>
      %jit3A = arith.constant 0.000000e+00 : f32
      %broadcast_in_dim3A_55 = vector.broadcast %jit3A : f32 to vector<16xf32>
      %select_n3A = arith.select %lt3A_29, %exp3A, %broadcast_in_dim3A_55 : vector<16xi1>, vector<16xf32>
      tpu.vector_store_idx %arg13[%broadcast_in_dim3A_43, %add3A_42], %select_n3A : memref<4x128xf32, #tpu.memory_space<vmem>>[vector<16xi32>, vector<16xi32>], vector<16xf32>,
      %add3A_56 = arith.constant 0 : i32
      %add3A_57 = vector.broadcast %add3A_56 : i32 to vector<16xi32>
      %add3A_58 = arith.addi %mul3A_39, %add3A_57 : vector<16xi32>
      tpu.vector_store_idx %arg14[%broadcast_in_dim3A_43, %add3A_42], %add3A_58 : memref<4x128xi32, #tpu.memory_space<vmem>>[vector<16xi32>, vector<16xi32>], vector<16xi32>,
      %broadcast_in_dim3A_59 = arith.constant 1 : i32
      %broadcast_in_dim3A_60 = vector.broadcast %broadcast_in_dim3A_59 : i32 to vector<16xi32>
      %add3A_61 = arith.constant 1 : i32
      %add3A_62 = vector.broadcast %add3A_61 : i32 to vector<16xi32>
      %add3A_63 = arith.addi %mul3A_32, %add3A_62 : vector<16xi32>
      %gather3A_64 = tpu.vector_load_idx %arg16[%add3A_63] : memref<40960xf32, #tpu.memory_space<vmem>>[vector<16xi32>], vector<16xf32>,
      %add3A_65 = arith.constant 1 : i32
      %add3A_66 = vector.broadcast %add3A_65 : i32 to vector<16xi32>
      %add3A_67 = arith.addi %mul3A_39, %add3A_66 : vector<16xi32>
      %gather3A_68 = tpu.vector_load_idx %arg17[%add3A_67] : memref<20480xf32, #tpu.memory_space<vmem>>[vector<16xi32>], vector<16xf32>,
      %add3A_69 = arith.addf %gather3A_64, %gather3A_68 : vector<16xf32>
      %mul3A_70 = arith.constant 2.000000e-01 : f32
      %mul3A_71 = vector.broadcast %mul3A_70 : f32 to vector<16xf32>
      %mul3A_72 = arith.mulf %add3A_69, %mul3A_71 : vector<16xf32>
      %max3A_73 = arith.maximumf %add3A_69, %mul3A_72 : vector<16xf32>
      %exp3A_74 = math.exp %max3A_73 : vector<16xf32>
      %jit3A_75 = arith.constant 0.000000e+00 : f32
      %broadcast_in_dim3A_76 = vector.broadcast %jit3A_75 : f32 to vector<16xf32>
      %select_n3A_77 = arith.select %lt3A_29, %exp3A_74, %broadcast_in_dim3A_76 : vector<16xi1>, vector<16xf32>
      tpu.vector_store_idx %arg13[%broadcast_in_dim3A_60, %add3A_42], %select_n3A_77 : memref<4x128xf32, #tpu.memory_space<vmem>>[vector<16xi32>, vector<16xi32>], vector<16xf32>,
      %add3A_78 = arith.constant 1 : i32
      %add3A_79 = vector.broadcast %add3A_78 : i32 to vector<16xi32>
      %add3A_80 = arith.addi %mul3A_39, %add3A_79 : vector<16xi32>
      tpu.vector_store_idx %arg14[%broadcast_in_dim3A_60, %add3A_42], %add3A_80 : memref<4x128xi32, #tpu.memory_space<vmem>>[vector<16xi32>, vector<16xi32>], vector<16xi32>,
      %broadcast_in_dim3A_81 = arith.constant 2 : i32
      %broadcast_in_dim3A_82 = vector.broadcast %broadcast_in_dim3A_81 : i32 to vector<16xi32>
      %add3A_83 = arith.constant 2 : i32
      %add3A_84 = vector.broadcast %add3A_83 : i32 to vector<16xi32>
      %add3A_85 = arith.addi %mul3A_32, %add3A_84 : vector<16xi32>
      %gather3A_86 = tpu.vector_load_idx %arg16[%add3A_85] : memref<40960xf32, #tpu.memory_space<vmem>>[vector<16xi32>], vector<16xf32>,
      %add3A_87 = arith.constant 2 : i32
      %add3A_88 = vector.broadcast %add3A_87 : i32 to vector<16xi32>
      %add3A_89 = arith.addi %mul3A_39, %add3A_88 : vector<16xi32>
      %gather3A_90 = tpu.vector_load_idx %arg17[%add3A_89] : memref<20480xf32, #tpu.memory_space<vmem>>[vector<16xi32>], vector<16xf32>,
      %add3A_91 = arith.addf %gather3A_86, %gather3A_90 : vector<16xf32>
      %mul3A_92 = arith.constant 2.000000e-01 : f32
      %mul3A_93 = vector.broadcast %mul3A_92 : f32 to vector<16xf32>
      %mul3A_94 = arith.mulf %add3A_91, %mul3A_93 : vector<16xf32>
      %max3A_95 = arith.maximumf %add3A_91, %mul3A_94 : vector<16xf32>
      %exp3A_96 = math.exp %max3A_95 : vector<16xf32>
      %jit3A_97 = arith.constant 0.000000e+00 : f32
      %broadcast_in_dim3A_98 = vector.broadcast %jit3A_97 : f32 to vector<16xf32>
      %select_n3A_99 = arith.select %lt3A_29, %exp3A_96, %broadcast_in_dim3A_98 : vector<16xi1>, vector<16xf32>
      tpu.vector_store_idx %arg13[%broadcast_in_dim3A_82, %add3A_42], %select_n3A_99 : memref<4x128xf32, #tpu.memory_space<vmem>>[vector<16xi32>, vector<16xi32>], vector<16xf32>,
      %add3A_100 = arith.constant 2 : i32
      %add3A_101 = vector.broadcast %add3A_100 : i32 to vector<16xi32>
      %add3A_102 = arith.addi %mul3A_39, %add3A_101 : vector<16xi32>
      tpu.vector_store_idx %arg14[%broadcast_in_dim3A_82, %add3A_42], %add3A_102 : memref<4x128xi32, #tpu.memory_space<vmem>>[vector<16xi32>, vector<16xi32>], vector<16xi32>,
      %broadcast_in_dim3A_103 = arith.constant 3 : i32
      %broadcast_in_dim3A_104 = vector.broadcast %broadcast_in_dim3A_103 : i32 to vector<16xi32>
      %add3A_105 = arith.constant 3 : i32
      %add3A_106 = vector.broadcast %add3A_105 : i32 to vector<16xi32>
      %add3A_107 = arith.addi %mul3A_32, %add3A_106 : vector<16xi32>
      %gather3A_108 = tpu.vector_load_idx %arg16[%add3A_107] : memref<40960xf32, #tpu.memory_space<vmem>>[vector<16xi32>], vector<16xf32>,
      %add3A_109 = arith.constant 3 : i32
      %add3A_110 = vector.broadcast %add3A_109 : i32 to vector<16xi32>
      %add3A_111 = arith.addi %mul3A_39, %add3A_110 : vector<16xi32>
      %gather3A_112 = tpu.vector_load_idx %arg17[%add3A_111] : memref<20480xf32, #tpu.memory_space<vmem>>[vector<16xi32>], vector<16xf32>,
      %add3A_113 = arith.addf %gather3A_108, %gather3A_112 : vector<16xf32>
      %mul3A_114 = arith.constant 2.000000e-01 : f32
      %mul3A_115 = vector.broadcast %mul3A_114 : f32 to vector<16xf32>
      %mul3A_116 = arith.mulf %add3A_113, %mul3A_115 : vector<16xf32>
      %max3A_117 = arith.maximumf %add3A_113, %mul3A_116 : vector<16xf32>
      %exp3A_118 = math.exp %max3A_117 : vector<16xf32>
      %jit3A_119 = arith.constant 0.000000e+00 : f32
      %broadcast_in_dim3A_120 = vector.broadcast %jit3A_119 : f32 to vector<16xf32>
      %select_n3A_121 = arith.select %lt3A_29, %exp3A_118, %broadcast_in_dim3A_120 : vector<16xi1>, vector<16xf32>
      tpu.vector_store_idx %arg13[%broadcast_in_dim3A_104, %add3A_42], %select_n3A_121 : memref<4x128xf32, #tpu.memory_space<vmem>>[vector<16xi32>, vector<16xi32>], vector<16xf32>,
      %add3A_122 = arith.constant 3 : i32
      %add3A_123 = vector.broadcast %add3A_122 : i32 to vector<16xi32>
      %add3A_124 = arith.addi %mul3A_39, %add3A_123 : vector<16xi32>
      tpu.vector_store_idx %arg14[%broadcast_in_dim3A_104, %add3A_42], %add3A_124 : memref<4x128xi32, #tpu.memory_space<vmem>>[vector<16xi32>, vector<16xi32>], vector<16xi32>,
      %get3A_125 = arith.constant 0 : i32
      %get3A_126 = arith.index_cast %get3A_125 : i32 to index
      %get3A_127 = arith.constant 16 : index
      %get3A_128 = tpu.vector_load %arg11[%get3A_126, %get3A_127] {strides = array<i32>} : memref<4x32xi32, #tpu.memory_space<vmem>>, vector<16xi32>,
      %lt3A_129 = arith.constant 10000 : i32
      %lt3A_130 = vector.broadcast %lt3A_129 : i32 to vector<16xi32>
      %lt3A_131 = arith.cmpi slt, %get3A_128, %lt3A_130 : vector<16xi32>
      %mul3A_132 = arith.constant 4 : i32
      %mul3A_133 = vector.broadcast %mul3A_132 : i32 to vector<16xi32>
      %mul3A_134 = arith.muli %get3A_128, %mul3A_133 : vector<16xi32>
      %get3A_135 = arith.constant 0 : i32
      %get3A_136 = arith.index_cast %get3A_135 : i32 to index
      %get3A_137 = arith.constant 16 : index
      %get3A_138 = tpu.vector_load %arg12[%get3A_136, %get3A_137] {strides = array<i32>} : memref<1x128xi32, #tpu.memory_space<vmem>>, vector<16xi32>,
      %mul3A_139 = arith.constant 4 : i32
      %mul3A_140 = vector.broadcast %mul3A_139 : i32 to vector<16xi32>
      %mul3A_141 = arith.muli %get3A_138, %mul3A_140 : vector<16xi32>
      %add3A_142 = arith.constant 16 : i32
      %add3A_143 = vector.broadcast %add3A_142 : i32 to vector<16xi32>
      %add3A_144 = arith.addi %iota3A, %add3A_143 : vector<16xi32>
      %broadcast_in_dim3A_145 = arith.constant 0 : i32
      %broadcast_in_dim3A_146 = vector.broadcast %broadcast_in_dim3A_145 : i32 to vector<16xi32>
      %add3A_147 = arith.constant 0 : i32
      %add3A_148 = vector.broadcast %add3A_147 : i32 to vector<16xi32>
      %add3A_149 = arith.addi %mul3A_134, %add3A_148 : vector<16xi32>
      %gather3A_150 = tpu.vector_load_idx %arg16[%add3A_149] : memref<40960xf32, #tpu.memory_space<vmem>>[vector<16xi32>], vector<16xf32>,
      %add3A_151 = arith.constant 0 : i32
      %add3A_152 = vector.broadcast %add3A_151 : i32 to vector<16xi32>
      %add3A_153 = arith.addi %mul3A_141, %add3A_152 : vector<16xi32>
      %gather3A_154 = tpu.vector_load_idx %arg17[%add3A_153] : memref<20480xf32, #tpu.memory_space<vmem>>[vector<16xi32>], vector<16xf32>,
      %add3A_155 = arith.addf %gather3A_150, %gather3A_154 : vector<16xf32>
      %mul3A_156 = arith.constant 2.000000e-01 : f32
      %mul3A_157 = vector.broadcast %mul3A_156 : f32 to vector<16xf32>
      %mul3A_158 = arith.mulf %add3A_155, %mul3A_157 : vector<16xf32>
      %max3A_159 = arith.maximumf %add3A_155, %mul3A_158 : vector<16xf32>
      %exp3A_160 = math.exp %max3A_159 : vector<16xf32>
      %jit3A_161 = arith.constant 0.000000e+00 : f32
      %broadcast_in_dim3A_162 = vector.broadcast %jit3A_161 : f32 to vector<16xf32>
      %select_n3A_163 = arith.select %lt3A_131, %exp3A_160, %broadcast_in_dim3A_162 : vector<16xi1>, vector<16xf32>
      tpu.vector_store_idx %arg13[%broadcast_in_dim3A_146, %add3A_144], %select_n3A_163 : memref<4x128xf32, #tpu.memory_space<vmem>>[vector<16xi32>, vector<16xi32>], vector<16xf32>,
      %add3A_164 = arith.constant 0 : i32
      %add3A_165 = vector.broadcast %add3A_164 : i32 to vector<16xi32>
      %add3A_166 = arith.addi %mul3A_141, %add3A_165 : vector<16xi32>
      tpu.vector_store_idx %arg14[%broadcast_in_dim3A_146, %add3A_144], %add3A_166 : memref<4x128xi32, #tpu.memory_space<vmem>>[vector<16xi32>, vector<16xi32>], vector<16xi32>,
      %broadcast_in_dim3A_167 = arith.constant 1 : i32
      %broadcast_in_dim3A_168 = vector.broadcast %broadcast_in_dim3A_167 : i32 to vector<16xi32>
      %add3A_169 = arith.constant 1 : i32
      %add3A_170 = vector.broadcast %add3A_169 : i32 to vector<16xi32>
      %add3A_171 = arith.addi %mul3A_134, %add3A_170 : vector<16xi32>
      %gather3A_172 = tpu.vector_load_idx %arg16[%add3A_171] : memref<40960xf32, #tpu.memory_space<vmem>>[vector<16xi32>], vector<16xf32>,
      %add3A_173 = arith.constant 1 : i32
      %add3A_174 = vector.broadcast %add3A_173 : i32 to vector<16xi32>
      %add3A_175 = arith.addi %mul3A_141, %add3A_174 : vector<16xi32>
      %gather3A_176 = tpu.vector_load_idx %arg17[%add3A_175] : memref<20480xf32, #tpu.memory_space<vmem>>[vector<16xi32>], vector<16xf32>,
      %add3A_177 = arith.addf %gather3A_172, %gather3A_176 : vector<16xf32>
      %mul3A_178 = arith.constant 2.000000e-01 : f32
      %mul3A_179 = vector.broadcast %mul3A_178 : f32 to vector<16xf32>
      %mul3A_180 = arith.mulf %add3A_177, %mul3A_179 : vector<16xf32>
      %max3A_181 = arith.maximumf %add3A_177, %mul3A_180 : vector<16xf32>
      %exp3A_182 = math.exp %max3A_181 : vector<16xf32>
      %jit3A_183 = arith.constant 0.000000e+00 : f32
      %broadcast_in_dim3A_184 = vector.broadcast %jit3A_183 : f32 to vector<16xf32>
      %select_n3A_185 = arith.select %lt3A_131, %exp3A_182, %broadcast_in_dim3A_184 : vector<16xi1>, vector<16xf32>
      tpu.vector_store_idx %arg13[%broadcast_in_dim3A_168, %add3A_144], %select_n3A_185 : memref<4x128xf32, #tpu.memory_space<vmem>>[vector<16xi32>, vector<16xi32>], vector<16xf32>,
      %add3A_186 = arith.constant 1 : i32
      %add3A_187 = vector.broadcast %add3A_186 : i32 to vector<16xi32>
      %add3A_188 = arith.addi %mul3A_141, %add3A_187 : vector<16xi32>
      tpu.vector_store_idx %arg14[%broadcast_in_dim3A_168, %add3A_144], %add3A_188 : memref<4x128xi32, #tpu.memory_space<vmem>>[vector<16xi32>, vector<16xi32>], vector<16xi32>,
      %broadcast_in_dim3A_189 = arith.constant 2 : i32
      %broadcast_in_dim3A_190 = vector.broadcast %broadcast_in_dim3A_189 : i32 to vector<16xi32>
      %add3A_191 = arith.constant 2 : i32
      %add3A_192 = vector.broadcast %add3A_191 : i32 to vector<16xi32>
      %add3A_193 = arith.addi %mul3A_134, %add3A_192 : vector<16xi32>
      %gather3A_194 = tpu.vector_load_idx %arg16[%add3A_193] : memref<40960xf32, #tpu.memory_space<vmem>>[vector<16xi32>], vector<16xf32>,
      %add3A_195 = arith.constant 2 : i32
      %add3A_196 = vector.broadcast %add3A_195 : i32 to vector<16xi32>
      %add3A_197 = arith.addi %mul3A_141, %add3A_196 : vector<16xi32>
      %gather3A_198 = tpu.vector_load_idx %arg17[%add3A_197] : memref<20480xf32, #tpu.memory_space<vmem>>[vector<16xi32>], vector<16xf32>,
      %add3A_199 = arith.addf %gather3A_194, %gather3A_198 : vector<16xf32>
      %mul3A_200 = arith.constant 2.000000e-01 : f32
      %mul3A_201 = vector.broadcast %mul3A_200 : f32 to vector<16xf32>
      %mul3A_202 = arith.mulf %add3A_199, %mul3A_201 : vector<16xf32>
      %max3A_203 = arith.maximumf %add3A_199, %mul3A_202 : vector<16xf32>
      %exp3A_204 = math.exp %max3A_203 : vector<16xf32>
      %jit3A_205 = arith.constant 0.000000e+00 : f32
      %broadcast_in_dim3A_206 = vector.broadcast %jit3A_205 : f32 to vector<16xf32>
      %select_n3A_207 = arith.select %lt3A_131, %exp3A_204, %broadcast_in_dim3A_206 : vector<16xi1>, vector<16xf32>
      tpu.vector_store_idx %arg13[%broadcast_in_dim3A_190, %add3A_144], %select_n3A_207 : memref<4x128xf32, #tpu.memory_space<vmem>>[vector<16xi32>, vector<16xi32>], vector<16xf32>,
      %add3A_208 = arith.constant 2 : i32
      %add3A_209 = vector.broadcast %add3A_208 : i32 to vector<16xi32>
      %add3A_210 = arith.addi %mul3A_141, %add3A_209 : vector<16xi32>
      tpu.vector_store_idx %arg14[%broadcast_in_dim3A_190, %add3A_144], %add3A_210 : memref<4x128xi32, #tpu.memory_space<vmem>>[vector<16xi32>, vector<16xi32>], vector<16xi32>,
      %broadcast_in_dim3A_211 = arith.constant 3 : i32
      %broadcast_in_dim3A_212 = vector.broadcast %broadcast_in_dim3A_211 : i32 to vector<16xi32>
      %add3A_213 = arith.constant 3 : i32
      %add3A_214 = vector.broadcast %add3A_213 : i32 to vector<16xi32>
      %add3A_215 = arith.addi %mul3A_134, %add3A_214 : vector<16xi32>
      %gather3A_216 = tpu.vector_load_idx %arg16[%add3A_215] : memref<40960xf32, #tpu.memory_space<vmem>>[vector<16xi32>], vector<16xf32>,
      %add3A_217 = arith.constant 3 : i32
      %add3A_218 = vector.broadcast %add3A_217 : i32 to vector<16xi32>
      %add3A_219 = arith.addi %mul3A_141, %add3A_218 : vector<16xi32>
      %gather3A_220 = tpu.vector_load_idx %arg17[%add3A_219] : memref<20480xf32, #tpu.memory_space<vmem>>[vector<16xi32>], vector<16xf32>,
      %add3A_221 = arith.addf %gather3A_216, %gather3A_220 : vector<16xf32>
      %mul3A_222 = arith.constant 2.000000e-01 : f32
      %mul3A_223 = vector.broadcast %mul3A_222 : f32 to vector<16xf32>
      %mul3A_224 = arith.mulf %add3A_221, %mul3A_223 : vector<16xf32>
      %max3A_225 = arith.maximumf %add3A_221, %mul3A_224 : vector<16xf32>
      %exp3A_226 = math.exp %max3A_225 : vector<16xf32>
      %jit3A_227 = arith.constant 0.000000e+00 : f32
      %broadcast_in_dim3A_228 = vector.broadcast %jit3A_227 : f32 to vector<16xf32>
      %select_n3A_229 = arith.select %lt3A_131, %exp3A_226, %broadcast_in_dim3A_228 : vector<16xi1>, vector<16xf32>
      tpu.vector_store_idx %arg13[%broadcast_in_dim3A_212, %add3A_144], %select_n3A_229 : memref<4x128xf32, #tpu.memory_space<vmem>>[vector<16xi32>, vector<16xi32>], vector<16xf32>,
      %add3A_230 = arith.constant 3 : i32
      %add3A_231 = vector.broadcast %add3A_230 : i32 to vector<16xi32>
      %add3A_232 = arith.addi %mul3A_141, %add3A_231 : vector<16xi32>
      tpu.vector_store_idx %arg14[%broadcast_in_dim3A_212, %add3A_144], %add3A_232 : memref<4x128xi32, #tpu.memory_space<vmem>>[vector<16xi32>, vector<16xi32>], vector<16xi32>,
      %get3A_233 = arith.constant 1 : i32
      %get3A_234 = arith.index_cast %get3A_233 : i32 to index
      %get3A_235 = arith.constant 0 : index
      %get3A_236 = tpu.vector_load %arg11[%get3A_234, %get3A_235] {strides = array<i32>} : memref<4x32xi32, #tpu.memory_space<vmem>>, vector<16xi32>,
      %lt3A_237 = arith.constant 10000 : i32
      %lt3A_238 = vector.broadcast %lt3A_237 : i32 to vector<16xi32>
      %lt3A_239 = arith.cmpi slt, %get3A_236, %lt3A_238 : vector<16xi32>
      %mul3A_240 = arith.constant 4 : i32
      %mul3A_241 = vector.broadcast %mul3A_240 : i32 to vector<16xi32>
      %mul3A_242 = arith.muli %get3A_236, %mul3A_241 : vector<16xi32>
      %get3A_243 = arith.constant 0 : i32
      %get3A_244 = arith.index_cast %get3A_243 : i32 to index
      %get3A_245 = arith.constant 32 : index
      %get3A_246 = tpu.vector_load %arg12[%get3A_244, %get3A_245] {strides = array<i32>} : memref<1x128xi32, #tpu.memory_space<vmem>>, vector<16xi32>,
      %mul3A_247 = arith.constant 4 : i32
      %mul3A_248 = vector.broadcast %mul3A_247 : i32 to vector<16xi32>
      %mul3A_249 = arith.muli %get3A_246, %mul3A_248 : vector<16xi32>
      %add3A_250 = arith.constant 32 : i32
      %add3A_251 = vector.broadcast %add3A_250 : i32 to vector<16xi32>
      %add3A_252 = arith.addi %iota3A, %add3A_251 : vector<16xi32>
      %broadcast_in_dim3A_253 = arith.constant 0 : i32
      %broadcast_in_dim3A_254 = vector.broadcast %broadcast_in_dim3A_253 : i32 to vector<16xi32>
      %add3A_255 = arith.constant 0 : i32
      %add3A_256 = vector.broadcast %add3A_255 : i32 to vector<16xi32>
      %add3A_257 = arith.addi %mul3A_242, %add3A_256 : vector<16xi32>
      %gather3A_258 = tpu.vector_load_idx %arg16[%add3A_257] : memref<40960xf32, #tpu.memory_space<vmem>>[vector<16xi32>], vector<16xf32>,
      %add3A_259 = arith.constant 0 : i32
      %add3A_260 = vector.broadcast %add3A_259 : i32 to vector<16xi32>
      %add3A_261 = arith.addi %mul3A_249, %add3A_260 : vector<16xi32>
      %gather3A_262 = tpu.vector_load_idx %arg17[%add3A_261] : memref<20480xf32, #tpu.memory_space<vmem>>[vector<16xi32>], vector<16xf32>,
      %add3A_263 = arith.addf %gather3A_258, %gather3A_262 : vector<16xf32>
      %mul3A_264 = arith.constant 2.000000e-01 : f32
      %mul3A_265 = vector.broadcast %mul3A_264 : f32 to vector<16xf32>
      %mul3A_266 = arith.mulf %add3A_263, %mul3A_265 : vector<16xf32>
      %max3A_267 = arith.maximumf %add3A_263, %mul3A_266 : vector<16xf32>
      %exp3A_268 = math.exp %max3A_267 : vector<16xf32>
      %jit3A_269 = arith.constant 0.000000e+00 : f32
      %broadcast_in_dim3A_270 = vector.broadcast %jit3A_269 : f32 to vector<16xf32>
      %select_n3A_271 = arith.select %lt3A_239, %exp3A_268, %broadcast_in_dim3A_270 : vector<16xi1>, vector<16xf32>
      tpu.vector_store_idx %arg13[%broadcast_in_dim3A_254, %add3A_252], %select_n3A_271 : memref<4x128xf32, #tpu.memory_space<vmem>>[vector<16xi32>, vector<16xi32>], vector<16xf32>,
      %add3A_272 = arith.constant 0 : i32
      %add3A_273 = vector.broadcast %add3A_272 : i32 to vector<16xi32>
      %add3A_274 = arith.addi %mul3A_249, %add3A_273 : vector<16xi32>
      tpu.vector_store_idx %arg14[%broadcast_in_dim3A_254, %add3A_252], %add3A_274 : memref<4x128xi32, #tpu.memory_space<vmem>>[vector<16xi32>, vector<16xi32>], vector<16xi32>,
      %broadcast_in_dim3A_275 = arith.constant 1 : i32
      %broadcast_in_dim3A_276 = vector.broadcast %broadcast_in_dim3A_275 : i32 to vector<16xi32>
      %add3A_277 = arith.constant 1 : i32
      %add3A_278 = vector.broadcast %add3A_277 : i32 to vector<16xi32>
      %add3A_279 = arith.addi %mul3A_242, %add3A_278 : vector<16xi32>
      %gather3A_280 = tpu.vector_load_idx %arg16[%add3A_279] : memref<40960xf32, #tpu.memory_space<vmem>>[vector<16xi32>], vector<16xf32>,
      %add3A_281 = arith.constant 1 : i32
      %add3A_282 = vector.broadcast %add3A_281 : i32 to vector<16xi32>
      %add3A_283 = arith.addi %mul3A_249, %add3A_282 : vector<16xi32>
      %gather3A_284 = tpu.vector_load_idx %arg17[%add3A_283] : memref<20480xf32, #tpu.memory_space<vmem>>[vector<16xi32>], vector<16xf32>,
      %add3A_285 = arith.addf %gather3A_280, %gather3A_284 : vector<16xf32>
      %mul3A_286 = arith.constant 2.000000e-01 : f32
      %mul3A_287 = vector.broadcast %mul3A_286 : f32 to vector<16xf32>
      %mul3A_288 = arith.mulf %add3A_285, %mul3A_287 : vector<16xf32>
      %max3A_289 = arith.maximumf %add3A_285, %mul3A_288 : vector<16xf32>
      %exp3A_290 = math.exp %max3A_289 : vector<16xf32>
      %jit3A_291 = arith.constant 0.000000e+00 : f32
      %broadcast_in_dim3A_292 = vector.broadcast %jit3A_291 : f32 to vector<16xf32>
      %select_n3A_293 = arith.select %lt3A_239, %exp3A_290, %broadcast_in_dim3A_292 : vector<16xi1>, vector<16xf32>
      tpu.vector_store_idx %arg13[%broadcast_in_dim3A_276, %add3A_252], %select_n3A_293 : memref<4x128xf32, #tpu.memory_space<vmem>>[vector<16xi32>, vector<16xi32>], vector<16xf32>,
      %add3A_294 = arith.constant 1 : i32
      %add3A_295 = vector.broadcast %add3A_294 : i32 to vector<16xi32>
      %add3A_296 = arith.addi %mul3A_249, %add3A_295 : vector<16xi32>
      tpu.vector_store_idx %arg14[%broadcast_in_dim3A_276, %add3A_252], %add3A_296 : memref<4x128xi32, #tpu.memory_space<vmem>>[vector<16xi32>, vector<16xi32>], vector<16xi32>,
      %broadcast_in_dim3A_297 = arith.constant 2 : i32
      %broadcast_in_dim3A_298 = vector.broadcast %broadcast_in_dim3A_297 : i32 to vector<16xi32>
      %add3A_299 = arith.constant 2 : i32
      %add3A_300 = vector.broadcast %add3A_299 : i32 to vector<16xi32>
      %add3A_301 = arith.addi %mul3A_242, %add3A_300 : vector<16xi32>
      %gather3A_302 = tpu.vector_load_idx %arg16[%add3A_301] : memref<40960xf32, #tpu.memory_space<vmem>>[vector<16xi32>], vector<16xf32>,
      %add3A_303 = arith.constant 2 : i32
      %add3A_304 = vector.broadcast %add3A_303 : i32 to vector<16xi32>
      %add3A_305 = arith.addi %mul3A_249, %add3A_304 : vector<16xi32>
      %gather3A_306 = tpu.vector_load_idx %arg17[%add3A_305] : memref<20480xf32, #tpu.memory_space<vmem>>[vector<16xi32>], vector<16xf32>,
      %add3A_307 = arith.addf %gather3A_302, %gather3A_306 : vector<16xf32>
      %mul3A_308 = arith.constant 2.000000e-01 : f32
      %mul3A_309 = vector.broadcast %mul3A_308 : f32 to vector<16xf32>
      %mul3A_310 = arith.mulf %add3A_307, %mul3A_309 : vector<16xf32>
      %max3A_311 = arith.maximumf %add3A_307, %mul3A_310 : vector<16xf32>
      %exp3A_312 = math.exp %max3A_311 : vector<16xf32>
      %jit3A_313 = arith.constant 0.000000e+00 : f32
      %broadcast_in_dim3A_314 = vector.broadcast %jit3A_313 : f32 to vector<16xf32>
      %select_n3A_315 = arith.select %lt3A_239, %exp3A_312, %broadcast_in_dim3A_314 : vector<16xi1>, vector<16xf32>
      tpu.vector_store_idx %arg13[%broadcast_in_dim3A_298, %add3A_252], %select_n3A_315 : memref<4x128xf32, #tpu.memory_space<vmem>>[vector<16xi32>, vector<16xi32>], vector<16xf32>,
      %add3A_316 = arith.constant 2 : i32
      %add3A_317 = vector.broadcast %add3A_316 : i32 to vector<16xi32>
      %add3A_318 = arith.addi %mul3A_249, %add3A_317 : vector<16xi32>
      tpu.vector_store_idx %arg14[%broadcast_in_dim3A_298, %add3A_252], %add3A_318 : memref<4x128xi32, #tpu.memory_space<vmem>>[vector<16xi32>, vector<16xi32>], vector<16xi32>,
      %broadcast_in_dim3A_319 = arith.constant 3 : i32
      %broadcast_in_dim3A_320 = vector.broadcast %broadcast_in_dim3A_319 : i32 to vector<16xi32>
      %add3A_321 = arith.constant 3 : i32
      %add3A_322 = vector.broadcast %add3A_321 : i32 to vector<16xi32>
      %add3A_323 = arith.addi %mul3A_242, %add3A_322 : vector<16xi32>
      %gather3A_324 = tpu.vector_load_idx %arg16[%add3A_323] : memref<40960xf32, #tpu.memory_space<vmem>>[vector<16xi32>], vector<16xf32>,
      %add3A_325 = arith.constant 3 : i32
      %add3A_326 = vector.broadcast %add3A_325 : i32 to vector<16xi32>
      %add3A_327 = arith.addi %mul3A_249, %add3A_326 : vector<16xi32>
      %gather3A_328 = tpu.vector_load_idx %arg17[%add3A_327] : memref<20480xf32, #tpu.memory_space<vmem>>[vector<16xi32>], vector<16xf32>,
      %add3A_329 = arith.addf %gather3A_324, %gather3A_328 : vector<16xf32>
      %mul3A_330 = arith.constant 2.000000e-01 : f32
      %mul3A_331 = vector.broadcast %mul3A_330 : f32 to vector<16xf32>
      %mul3A_332 = arith.mulf %add3A_329, %mul3A_331 : vector<16xf32>
      %max3A_333 = arith.maximumf %add3A_329, %mul3A_332 : vector<16xf32>
      %exp3A_334 = math.exp %max3A_333 : vector<16xf32>
      %jit3A_335 = arith.constant 0.000000e+00 : f32
      %broadcast_in_dim3A_336 = vector.broadcast %jit3A_335 : f32 to vector<16xf32>
      %select_n3A_337 = arith.select %lt3A_239, %exp3A_334, %broadcast_in_dim3A_336 : vector<16xi1>, vector<16xf32>
      tpu.vector_store_idx %arg13[%broadcast_in_dim3A_320, %add3A_252], %select_n3A_337 : memref<4x128xf32, #tpu.memory_space<vmem>>[vector<16xi32>, vector<16xi32>], vector<16xf32>,
      %add3A_338 = arith.constant 3 : i32
      %add3A_339 = vector.broadcast %add3A_338 : i32 to vector<16xi32>
      %add3A_340 = arith.addi %mul3A_249, %add3A_339 : vector<16xi32>
      tpu.vector_store_idx %arg14[%broadcast_in_dim3A_320, %add3A_252], %add3A_340 : memref<4x128xi32, #tpu.memory_space<vmem>>[vector<16xi32>, vector<16xi32>], vector<16xi32>,
      %get3A_341 = arith.constant 1 : i32
      %get3A_342 = arith.index_cast %get3A_341 : i32 to index
      %get3A_343 = arith.constant 16 : index
      %get3A_344 = tpu.vector_load %arg11[%get3A_342, %get3A_343] {strides = array<i32>} : memref<4x32xi32, #tpu.memory_space<vmem>>, vector<16xi32>,
      %lt3A_345 = arith.constant 10000 : i32
      %lt3A_346 = vector.broadcast %lt3A_345 : i32 to vector<16xi32>
      %lt3A_347 = arith.cmpi slt, %get3A_344, %lt3A_346 : vector<16xi32>
      %mul3A_348 = arith.constant 4 : i32
      %mul3A_349 = vector.broadcast %mul3A_348 : i32 to vector<16xi32>
      %mul3A_350 = arith.muli %get3A_344, %mul3A_349 : vector<16xi32>
      %get3A_351 = arith.constant 0 : i32
      %get3A_352 = arith.index_cast %get3A_351 : i32 to index
      %get3A_353 = arith.constant 48 : index
      %get3A_354 = tpu.vector_load %arg12[%get3A_352, %get3A_353] {strides = array<i32>} : memref<1x128xi32, #tpu.memory_space<vmem>>, vector<16xi32>,
      %mul3A_355 = arith.constant 4 : i32
      %mul3A_356 = vector.broadcast %mul3A_355 : i32 to vector<16xi32>
      %mul3A_357 = arith.muli %get3A_354, %mul3A_356 : vector<16xi32>
      %add3A_358 = arith.constant 48 : i32
      %add3A_359 = vector.broadcast %add3A_358 : i32 to vector<16xi32>
      %add3A_360 = arith.addi %iota3A, %add3A_359 : vector<16xi32>
      %broadcast_in_dim3A_361 = arith.constant 0 : i32
      %broadcast_in_dim3A_362 = vector.broadcast %broadcast_in_dim3A_361 : i32 to vector<16xi32>
      %add3A_363 = arith.constant 0 : i32
      %add3A_364 = vector.broadcast %add3A_363 : i32 to vector<16xi32>
      %add3A_365 = arith.addi %mul3A_350, %add3A_364 : vector<16xi32>
      %gather3A_366 = tpu.vector_load_idx %arg16[%add3A_365] : memref<40960xf32, #tpu.memory_space<vmem>>[vector<16xi32>], vector<16xf32>,
      %add3A_367 = arith.constant 0 : i32
      %add3A_368 = vector.broadcast %add3A_367 : i32 to vector<16xi32>
      %add3A_369 = arith.addi %mul3A_357, %add3A_368 : vector<16xi32>
      %gather3A_370 = tpu.vector_load_idx %arg17[%add3A_369] : memref<20480xf32, #tpu.memory_space<vmem>>[vector<16xi32>], vector<16xf32>,
      %add3A_371 = arith.addf %gather3A_366, %gather3A_370 : vector<16xf32>
      %mul3A_372 = arith.constant 2.000000e-01 : f32
      %mul3A_373 = vector.broadcast %mul3A_372 : f32 to vector<16xf32>
      %mul3A_374 = arith.mulf %add3A_371, %mul3A_373 : vector<16xf32>
      %max3A_375 = arith.maximumf %add3A_371, %mul3A_374 : vector<16xf32>
      %exp3A_376 = math.exp %max3A_375 : vector<16xf32>
      %jit3A_377 = arith.constant 0.000000e+00 : f32
      %broadcast_in_dim3A_378 = vector.broadcast %jit3A_377 : f32 to vector<16xf32>
      %select_n3A_379 = arith.select %lt3A_347, %exp3A_376, %broadcast_in_dim3A_378 : vector<16xi1>, vector<16xf32>
      tpu.vector_store_idx %arg13[%broadcast_in_dim3A_362, %add3A_360], %select_n3A_379 : memref<4x128xf32, #tpu.memory_space<vmem>>[vector<16xi32>, vector<16xi32>], vector<16xf32>,
      %add3A_380 = arith.constant 0 : i32
      %add3A_381 = vector.broadcast %add3A_380 : i32 to vector<16xi32>
      %add3A_382 = arith.addi %mul3A_357, %add3A_381 : vector<16xi32>
      tpu.vector_store_idx %arg14[%broadcast_in_dim3A_362, %add3A_360], %add3A_382 : memref<4x128xi32, #tpu.memory_space<vmem>>[vector<16xi32>, vector<16xi32>], vector<16xi32>,
      %broadcast_in_dim3A_383 = arith.constant 1 : i32
      %broadcast_in_dim3A_384 = vector.broadcast %broadcast_in_dim3A_383 : i32 to vector<16xi32>
      %add3A_385 = arith.constant 1 : i32
      %add3A_386 = vector.broadcast %add3A_385 : i32 to vector<16xi32>
      %add3A_387 = arith.addi %mul3A_350, %add3A_386 : vector<16xi32>
      %gather3A_388 = tpu.vector_load_idx %arg16[%add3A_387] : memref<40960xf32, #tpu.memory_space<vmem>>[vector<16xi32>], vector<16xf32>,
      %add3A_389 = arith.constant 1 : i32
      %add3A_390 = vector.broadcast %add3A_389 : i32 to vector<16xi32>
      %add3A_391 = arith.addi %mul3A_357, %add3A_390 : vector<16xi32>
      %gather3A_392 = tpu.vector_load_idx %arg17[%add3A_391] : memref<20480xf32, #tpu.memory_space<vmem>>[vector<16xi32>], vector<16xf32>,
      %add3A_393 = arith.addf %gather3A_388, %gather3A_392 : vector<16xf32>
      %mul3A_394 = arith.constant 2.000000e-01 : f32
      %mul3A_395 = vector.broadcast %mul3A_394 : f32 to vector<16xf32>
      %mul3A_396 = arith.mulf %add3A_393, %mul3A_395 : vector<16xf32>
      %max3A_397 = arith.maximumf %add3A_393, %mul3A_396 : vector<16xf32>
      %exp3A_398 = math.exp %max3A_397 : vector<16xf32>
      %jit3A_399 = arith.constant 0.000000e+00 : f32
      %broadcast_in_dim3A_400 = vector.broadcast %jit3A_399 : f32 to vector<16xf32>
      %select_n3A_401 = arith.select %lt3A_347, %exp3A_398, %broadcast_in_dim3A_400 : vector<16xi1>, vector<16xf32>
      tpu.vector_store_idx %arg13[%broadcast_in_dim3A_384, %add3A_360], %select_n3A_401 : memref<4x128xf32, #tpu.memory_space<vmem>>[vector<16xi32>, vector<16xi32>], vector<16xf32>,
      %add3A_402 = arith.constant 1 : i32
      %add3A_403 = vector.broadcast %add3A_402 : i32 to vector<16xi32>
      %add3A_404 = arith.addi %mul3A_357, %add3A_403 : vector<16xi32>
      tpu.vector_store_idx %arg14[%broadcast_in_dim3A_384, %add3A_360], %add3A_404 : memref<4x128xi32, #tpu.memory_space<vmem>>[vector<16xi32>, vector<16xi32>], vector<16xi32>,
      %broadcast_in_dim3A_405 = arith.constant 2 : i32
      %broadcast_in_dim3A_406 = vector.broadcast %broadcast_in_dim3A_405 : i32 to vector<16xi32>
      %add3A_407 = arith.constant 2 : i32
      %add3A_408 = vector.broadcast %add3A_407 : i32 to vector<16xi32>
      %add3A_409 = arith.addi %mul3A_350, %add3A_408 : vector<16xi32>
      %gather3A_410 = tpu.vector_load_idx %arg16[%add3A_409] : memref<40960xf32, #tpu.memory_space<vmem>>[vector<16xi32>], vector<16xf32>,
      %add3A_411 = arith.constant 2 : i32
      %add3A_412 = vector.broadcast %add3A_411 : i32 to vector<16xi32>
      %add3A_413 = arith.addi %mul3A_357, %add3A_412 : vector<16xi32>
      %gather3A_414 = tpu.vector_load_idx %arg17[%add3A_413] : memref<20480xf32, #tpu.memory_space<vmem>>[vector<16xi32>], vector<16xf32>,
      %add3A_415 = arith.addf %gather3A_410, %gather3A_414 : vector<16xf32>
      %mul3A_416 = arith.constant 2.000000e-01 : f32
      %mul3A_417 = vector.broadcast %mul3A_416 : f32 to vector<16xf32>
      %mul3A_418 = arith.mulf %add3A_415, %mul3A_417 : vector<16xf32>
      %max3A_419 = arith.maximumf %add3A_415, %mul3A_418 : vector<16xf32>
      %exp3A_420 = math.exp %max3A_419 : vector<16xf32>
      %jit3A_421 = arith.constant 0.000000e+00 : f32
      %broadcast_in_dim3A_422 = vector.broadcast %jit3A_421 : f32 to vector<16xf32>
      %select_n3A_423 = arith.select %lt3A_347, %exp3A_420, %broadcast_in_dim3A_422 : vector<16xi1>, vector<16xf32>
      tpu.vector_store_idx %arg13[%broadcast_in_dim3A_406, %add3A_360], %select_n3A_423 : memref<4x128xf32, #tpu.memory_space<vmem>>[vector<16xi32>, vector<16xi32>], vector<16xf32>,
      %add3A_424 = arith.constant 2 : i32
      %add3A_425 = vector.broadcast %add3A_424 : i32 to vector<16xi32>
      %add3A_426 = arith.addi %mul3A_357, %add3A_425 : vector<16xi32>
      tpu.vector_store_idx %arg14[%broadcast_in_dim3A_406, %add3A_360], %add3A_426 : memref<4x128xi32, #tpu.memory_space<vmem>>[vector<16xi32>, vector<16xi32>], vector<16xi32>,
      %broadcast_in_dim3A_427 = arith.constant 3 : i32
      %broadcast_in_dim3A_428 = vector.broadcast %broadcast_in_dim3A_427 : i32 to vector<16xi32>
      %add3A_429 = arith.constant 3 : i32
      %add3A_430 = vector.broadcast %add3A_429 : i32 to vector<16xi32>
      %add3A_431 = arith.addi %mul3A_350, %add3A_430 : vector<16xi32>
      %gather3A_432 = tpu.vector_load_idx %arg16[%add3A_431] : memref<40960xf32, #tpu.memory_space<vmem>>[vector<16xi32>], vector<16xf32>,
      %add3A_433 = arith.constant 3 : i32
      %add3A_434 = vector.broadcast %add3A_433 : i32 to vector<16xi32>
      %add3A_435 = arith.addi %mul3A_357, %add3A_434 : vector<16xi32>
      %gather3A_436 = tpu.vector_load_idx %arg17[%add3A_435] : memref<20480xf32, #tpu.memory_space<vmem>>[vector<16xi32>], vector<16xf32>,
      %add3A_437 = arith.addf %gather3A_432, %gather3A_436 : vector<16xf32>
      %mul3A_438 = arith.constant 2.000000e-01 : f32
      %mul3A_439 = vector.broadcast %mul3A_438 : f32 to vector<16xf32>
      %mul3A_440 = arith.mulf %add3A_437, %mul3A_439 : vector<16xf32>
      %max3A_441 = arith.maximumf %add3A_437, %mul3A_440 : vector<16xf32>
      %exp3A_442 = math.exp %max3A_441 : vector<16xf32>
      %jit3A_443 = arith.constant 0.000000e+00 : f32
      %broadcast_in_dim3A_444 = vector.broadcast %jit3A_443 : f32 to vector<16xf32>
      %select_n3A_445 = arith.select %lt3A_347, %exp3A_442, %broadcast_in_dim3A_444 : vector<16xi1>, vector<16xf32>
      tpu.vector_store_idx %arg13[%broadcast_in_dim3A_428, %add3A_360], %select_n3A_445 : memref<4x128xf32, #tpu.memory_space<vmem>>[vector<16xi32>, vector<16xi32>], vector<16xf32>,
      %add3A_446 = arith.constant 3 : i32
      %add3A_447 = vector.broadcast %add3A_446 : i32 to vector<16xi32>
      %add3A_448 = arith.addi %mul3A_357, %add3A_447 : vector<16xi32>
      tpu.vector_store_idx %arg14[%broadcast_in_dim3A_428, %add3A_360], %add3A_448 : memref<4x128xi32, #tpu.memory_space<vmem>>[vector<16xi32>, vector<16xi32>], vector<16xi32>,
      %get3A_449 = arith.constant 2 : i32
      %get3A_450 = arith.index_cast %get3A_449 : i32 to index
      %get3A_451 = arith.constant 0 : index
      %get3A_452 = tpu.vector_load %arg11[%get3A_450, %get3A_451] {strides = array<i32>} : memref<4x32xi32, #tpu.memory_space<vmem>>, vector<16xi32>,
      %lt3A_453 = arith.constant 10000 : i32
      %lt3A_454 = vector.broadcast %lt3A_453 : i32 to vector<16xi32>
      %lt3A_455 = arith.cmpi slt, %get3A_452, %lt3A_454 : vector<16xi32>
      %mul3A_456 = arith.constant 4 : i32
      %mul3A_457 = vector.broadcast %mul3A_456 : i32 to vector<16xi32>
      %mul3A_458 = arith.muli %get3A_452, %mul3A_457 : vector<16xi32>
      %get3A_459 = arith.constant 0 : i32
      %get3A_460 = arith.index_cast %get3A_459 : i32 to index
      %get3A_461 = arith.constant 64 : index
      %get3A_462 = tpu.vector_load %arg12[%get3A_460, %get3A_461] {strides = array<i32>} : memref<1x128xi32, #tpu.memory_space<vmem>>, vector<16xi32>,
      %mul3A_463 = arith.constant 4 : i32
      %mul3A_464 = vector.broadcast %mul3A_463 : i32 to vector<16xi32>
      %mul3A_465 = arith.muli %get3A_462, %mul3A_464 : vector<16xi32>
      %add3A_466 = arith.constant 64 : i32
      %add3A_467 = vector.broadcast %add3A_466 : i32 to vector<16xi32>
      %add3A_468 = arith.addi %iota3A, %add3A_467 : vector<16xi32>
      %broadcast_in_dim3A_469 = arith.constant 0 : i32
      %broadcast_in_dim3A_470 = vector.broadcast %broadcast_in_dim3A_469 : i32 to vector<16xi32>
      %add3A_471 = arith.constant 0 : i32
      %add3A_472 = vector.broadcast %add3A_471 : i32 to vector<16xi32>
      %add3A_473 = arith.addi %mul3A_458, %add3A_472 : vector<16xi32>
      %gather3A_474 = tpu.vector_load_idx %arg16[%add3A_473] : memref<40960xf32, #tpu.memory_space<vmem>>[vector<16xi32>], vector<16xf32>,
      %add3A_475 = arith.constant 0 : i32
      %add3A_476 = vector.broadcast %add3A_475 : i32 to vector<16xi32>
      %add3A_477 = arith.addi %mul3A_465, %add3A_476 : vector<16xi32>
      %gather3A_478 = tpu.vector_load_idx %arg17[%add3A_477] : memref<20480xf32, #tpu.memory_space<vmem>>[vector<16xi32>], vector<16xf32>,
      %add3A_479 = arith.addf %gather3A_474, %gather3A_478 : vector<16xf32>
      %mul3A_480 = arith.constant 2.000000e-01 : f32
      %mul3A_481 = vector.broadcast %mul3A_480 : f32 to vector<16xf32>
      %mul3A_482 = arith.mulf %add3A_479, %mul3A_481 : vector<16xf32>
      %max3A_483 = arith.maximumf %add3A_479, %mul3A_482 : vector<16xf32>
      %exp3A_484 = math.exp %max3A_483 : vector<16xf32>
      %jit3A_485 = arith.constant 0.000000e+00 : f32
      %broadcast_in_dim3A_486 = vector.broadcast %jit3A_485 : f32 to vector<16xf32>
      %select_n3A_487 = arith.select %lt3A_455, %exp3A_484, %broadcast_in_dim3A_486 : vector<16xi1>, vector<16xf32>
      tpu.vector_store_idx %arg13[%broadcast_in_dim3A_470, %add3A_468], %select_n3A_487 : memref<4x128xf32, #tpu.memory_space<vmem>>[vector<16xi32>, vector<16xi32>], vector<16xf32>,
      %add3A_488 = arith.constant 0 : i32
      %add3A_489 = vector.broadcast %add3A_488 : i32 to vector<16xi32>
      %add3A_490 = arith.addi %mul3A_465, %add3A_489 : vector<16xi32>
      tpu.vector_store_idx %arg14[%broadcast_in_dim3A_470, %add3A_468], %add3A_490 : memref<4x128xi32, #tpu.memory_space<vmem>>[vector<16xi32>, vector<16xi32>], vector<16xi32>,
      %broadcast_in_dim3A_491 = arith.constant 1 : i32
      %broadcast_in_dim3A_492 = vector.broadcast %broadcast_in_dim3A_491 : i32 to vector<16xi32>
      %add3A_493 = arith.constant 1 : i32
      %add3A_494 = vector.broadcast %add3A_493 : i32 to vector<16xi32>
      %add3A_495 = arith.addi %mul3A_458, %add3A_494 : vector<16xi32>
      %gather3A_496 = tpu.vector_load_idx %arg16[%add3A_495] : memref<40960xf32, #tpu.memory_space<vmem>>[vector<16xi32>], vector<16xf32>,
      %add3A_497 = arith.constant 1 : i32
      %add3A_498 = vector.broadcast %add3A_497 : i32 to vector<16xi32>
      %add3A_499 = arith.addi %mul3A_465, %add3A_498 : vector<16xi32>
      %gather3A_500 = tpu.vector_load_idx %arg17[%add3A_499] : memref<20480xf32, #tpu.memory_space<vmem>>[vector<16xi32>], vector<16xf32>,
      %add3A_501 = arith.addf %gather3A_496, %gather3A_500 : vector<16xf32>
      %mul3A_502 = arith.constant 2.000000e-01 : f32
      %mul3A_503 = vector.broadcast %mul3A_502 : f32 to vector<16xf32>
      %mul3A_504 = arith.mulf %add3A_501, %mul3A_503 : vector<16xf32>
      %max3A_505 = arith.maximumf %add3A_501, %mul3A_504 : vector<16xf32>
      %exp3A_506 = math.exp %max3A_505 : vector<16xf32>
      %jit3A_507 = arith.constant 0.000000e+00 : f32
      %broadcast_in_dim3A_508 = vector.broadcast %jit3A_507 : f32 to vector<16xf32>
      %select_n3A_509 = arith.select %lt3A_455, %exp3A_506, %broadcast_in_dim3A_508 : vector<16xi1>, vector<16xf32>
      tpu.vector_store_idx %arg13[%broadcast_in_dim3A_492, %add3A_468], %select_n3A_509 : memref<4x128xf32, #tpu.memory_space<vmem>>[vector<16xi32>, vector<16xi32>], vector<16xf32>,
      %add3A_510 = arith.constant 1 : i32
      %add3A_511 = vector.broadcast %add3A_510 : i32 to vector<16xi32>
      %add3A_512 = arith.addi %mul3A_465, %add3A_511 : vector<16xi32>
      tpu.vector_store_idx %arg14[%broadcast_in_dim3A_492, %add3A_468], %add3A_512 : memref<4x128xi32, #tpu.memory_space<vmem>>[vector<16xi32>, vector<16xi32>], vector<16xi32>,
      %broadcast_in_dim3A_513 = arith.constant 2 : i32
      %broadcast_in_dim3A_514 = vector.broadcast %broadcast_in_dim3A_513 : i32 to vector<16xi32>
      %add3A_515 = arith.constant 2 : i32
      %add3A_516 = vector.broadcast %add3A_515 : i32 to vector<16xi32>
      %add3A_517 = arith.addi %mul3A_458, %add3A_516 : vector<16xi32>
      %gather3A_518 = tpu.vector_load_idx %arg16[%add3A_517] : memref<40960xf32, #tpu.memory_space<vmem>>[vector<16xi32>], vector<16xf32>,
      %add3A_519 = arith.constant 2 : i32
      %add3A_520 = vector.broadcast %add3A_519 : i32 to vector<16xi32>
      %add3A_521 = arith.addi %mul3A_465, %add3A_520 : vector<16xi32>
      %gather3A_522 = tpu.vector_load_idx %arg17[%add3A_521] : memref<20480xf32, #tpu.memory_space<vmem>>[vector<16xi32>], vector<16xf32>,
      %add3A_523 = arith.addf %gather3A_518, %gather3A_522 : vector<16xf32>
      %mul3A_524 = arith.constant 2.000000e-01 : f32
      %mul3A_525 = vector.broadcast %mul3A_524 : f32 to vector<16xf32>
      %mul3A_526 = arith.mulf %add3A_523, %mul3A_525 : vector<16xf32>
      %max3A_527 = arith.maximumf %add3A_523, %mul3A_526 : vector<16xf32>
      %exp3A_528 = math.exp %max3A_527 : vector<16xf32>
      %jit3A_529 = arith.constant 0.000000e+00 : f32
      %broadcast_in_dim3A_530 = vector.broadcast %jit3A_529 : f32 to vector<16xf32>
      %select_n3A_531 = arith.select %lt3A_455, %exp3A_528, %broadcast_in_dim3A_530 : vector<16xi1>, vector<16xf32>
      tpu.vector_store_idx %arg13[%broadcast_in_dim3A_514, %add3A_468], %select_n3A_531 : memref<4x128xf32, #tpu.memory_space<vmem>>[vector<16xi32>, vector<16xi32>], vector<16xf32>,
      %add3A_532 = arith.constant 2 : i32
      %add3A_533 = vector.broadcast %add3A_532 : i32 to vector<16xi32>
      %add3A_534 = arith.addi %mul3A_465, %add3A_533 : vector<16xi32>
      tpu.vector_store_idx %arg14[%broadcast_in_dim3A_514, %add3A_468], %add3A_534 : memref<4x128xi32, #tpu.memory_space<vmem>>[vector<16xi32>, vector<16xi32>], vector<16xi32>,
      %broadcast_in_dim3A_535 = arith.constant 3 : i32
      %broadcast_in_dim3A_536 = vector.broadcast %broadcast_in_dim3A_535 : i32 to vector<16xi32>
      %add3A_537 = arith.constant 3 : i32
      %add3A_538 = vector.broadcast %add3A_537 : i32 to vector<16xi32>
      %add3A_539 = arith.addi %mul3A_458, %add3A_538 : vector<16xi32>
      %gather3A_540 = tpu.vector_load_idx %arg16[%add3A_539] : memref<40960xf32, #tpu.memory_space<vmem>>[vector<16xi32>], vector<16xf32>,
      %add3A_541 = arith.constant 3 : i32
      %add3A_542 = vector.broadcast %add3A_541 : i32 to vector<16xi32>
      %add3A_543 = arith.addi %mul3A_465, %add3A_542 : vector<16xi32>
      %gather3A_544 = tpu.vector_load_idx %arg17[%add3A_543] : memref<20480xf32, #tpu.memory_space<vmem>>[vector<16xi32>], vector<16xf32>,
      %add3A_545 = arith.addf %gather3A_540, %gather3A_544 : vector<16xf32>
      %mul3A_546 = arith.constant 2.000000e-01 : f32
      %mul3A_547 = vector.broadcast %mul3A_546 : f32 to vector<16xf32>
      %mul3A_548 = arith.mulf %add3A_545, %mul3A_547 : vector<16xf32>
      %max3A_549 = arith.maximumf %add3A_545, %mul3A_548 : vector<16xf32>
      %exp3A_550 = math.exp %max3A_549 : vector<16xf32>
      %jit3A_551 = arith.constant 0.000000e+00 : f32
      %broadcast_in_dim3A_552 = vector.broadcast %jit3A_551 : f32 to vector<16xf32>
      %select_n3A_553 = arith.select %lt3A_455, %exp3A_550, %broadcast_in_dim3A_552 : vector<16xi1>, vector<16xf32>
      tpu.vector_store_idx %arg13[%broadcast_in_dim3A_536, %add3A_468], %select_n3A_553 : memref<4x128xf32, #tpu.memory_space<vmem>>[vector<16xi32>, vector<16xi32>], vector<16xf32>,
      %add3A_554 = arith.constant 3 : i32
      %add3A_555 = vector.broadcast %add3A_554 : i32 to vector<16xi32>
      %add3A_556 = arith.addi %mul3A_465, %add3A_555 : vector<16xi32>
      tpu.vector_store_idx %arg14[%broadcast_in_dim3A_536, %add3A_468], %add3A_556 : memref<4x128xi32, #tpu.memory_space<vmem>>[vector<16xi32>, vector<16xi32>], vector<16xi32>,
      %get3A_557 = arith.constant 2 : i32
      %get3A_558 = arith.index_cast %get3A_557 : i32 to index
      %get3A_559 = arith.constant 16 : index
      %get3A_560 = tpu.vector_load %arg11[%get3A_558, %get3A_559] {strides = array<i32>} : memref<4x32xi32, #tpu.memory_space<vmem>>, vector<16xi32>,
      %lt3A_561 = arith.constant 10000 : i32
      %lt3A_562 = vector.broadcast %lt3A_561 : i32 to vector<16xi32>
      %lt3A_563 = arith.cmpi slt, %get3A_560, %lt3A_562 : vector<16xi32>
      %mul3A_564 = arith.constant 4 : i32
      %mul3A_565 = vector.broadcast %mul3A_564 : i32 to vector<16xi32>
      %mul3A_566 = arith.muli %get3A_560, %mul3A_565 : vector<16xi32>
      %get3A_567 = arith.constant 0 : i32
      %get3A_568 = arith.index_cast %get3A_567 : i32 to index
      %get3A_569 = arith.constant 80 : index
      %get3A_570 = tpu.vector_load %arg12[%get3A_568, %get3A_569] {strides = array<i32>} : memref<1x128xi32, #tpu.memory_space<vmem>>, vector<16xi32>,
      %mul3A_571 = arith.constant 4 : i32
      %mul3A_572 = vector.broadcast %mul3A_571 : i32 to vector<16xi32>
      %mul3A_573 = arith.muli %get3A_570, %mul3A_572 : vector<16xi32>
      %add3A_574 = arith.constant 80 : i32
      %add3A_575 = vector.broadcast %add3A_574 : i32 to vector<16xi32>
      %add3A_576 = arith.addi %iota3A, %add3A_575 : vector<16xi32>
      %broadcast_in_dim3A_577 = arith.constant 0 : i32
      %broadcast_in_dim3A_578 = vector.broadcast %broadcast_in_dim3A_577 : i32 to vector<16xi32>
      %add3A_579 = arith.constant 0 : i32
      %add3A_580 = vector.broadcast %add3A_579 : i32 to vector<16xi32>
      %add3A_581 = arith.addi %mul3A_566, %add3A_580 : vector<16xi32>
      %gather3A_582 = tpu.vector_load_idx %arg16[%add3A_581] : memref<40960xf32, #tpu.memory_space<vmem>>[vector<16xi32>], vector<16xf32>,
      %add3A_583 = arith.constant 0 : i32
      %add3A_584 = vector.broadcast %add3A_583 : i32 to vector<16xi32>
      %add3A_585 = arith.addi %mul3A_573, %add3A_584 : vector<16xi32>
      %gather3A_586 = tpu.vector_load_idx %arg17[%add3A_585] : memref<20480xf32, #tpu.memory_space<vmem>>[vector<16xi32>], vector<16xf32>,
      %add3A_587 = arith.addf %gather3A_582, %gather3A_586 : vector<16xf32>
      %mul3A_588 = arith.constant 2.000000e-01 : f32
      %mul3A_589 = vector.broadcast %mul3A_588 : f32 to vector<16xf32>
      %mul3A_590 = arith.mulf %add3A_587, %mul3A_589 : vector<16xf32>
      %max3A_591 = arith.maximumf %add3A_587, %mul3A_590 : vector<16xf32>
      %exp3A_592 = math.exp %max3A_591 : vector<16xf32>
      %jit3A_593 = arith.constant 0.000000e+00 : f32
      %broadcast_in_dim3A_594 = vector.broadcast %jit3A_593 : f32 to vector<16xf32>
      %select_n3A_595 = arith.select %lt3A_563, %exp3A_592, %broadcast_in_dim3A_594 : vector<16xi1>, vector<16xf32>
      tpu.vector_store_idx %arg13[%broadcast_in_dim3A_578, %add3A_576], %select_n3A_595 : memref<4x128xf32, #tpu.memory_space<vmem>>[vector<16xi32>, vector<16xi32>], vector<16xf32>,
      %add3A_596 = arith.constant 0 : i32
      %add3A_597 = vector.broadcast %add3A_596 : i32 to vector<16xi32>
      %add3A_598 = arith.addi %mul3A_573, %add3A_597 : vector<16xi32>
      tpu.vector_store_idx %arg14[%broadcast_in_dim3A_578, %add3A_576], %add3A_598 : memref<4x128xi32, #tpu.memory_space<vmem>>[vector<16xi32>, vector<16xi32>], vector<16xi32>,
      %broadcast_in_dim3A_599 = arith.constant 1 : i32
      %broadcast_in_dim3A_600 = vector.broadcast %broadcast_in_dim3A_599 : i32 to vector<16xi32>
      %add3A_601 = arith.constant 1 : i32
      %add3A_602 = vector.broadcast %add3A_601 : i32 to vector<16xi32>
      %add3A_603 = arith.addi %mul3A_566, %add3A_602 : vector<16xi32>
      %gather3A_604 = tpu.vector_load_idx %arg16[%add3A_603] : memref<40960xf32, #tpu.memory_space<vmem>>[vector<16xi32>], vector<16xf32>,
      %add3A_605 = arith.constant 1 : i32
      %add3A_606 = vector.broadcast %add3A_605 : i32 to vector<16xi32>
      %add3A_607 = arith.addi %mul3A_573, %add3A_606 : vector<16xi32>
      %gather3A_608 = tpu.vector_load_idx %arg17[%add3A_607] : memref<20480xf32, #tpu.memory_space<vmem>>[vector<16xi32>], vector<16xf32>,
      %add3A_609 = arith.addf %gather3A_604, %gather3A_608 : vector<16xf32>
      %mul3A_610 = arith.constant 2.000000e-01 : f32
      %mul3A_611 = vector.broadcast %mul3A_610 : f32 to vector<16xf32>
      %mul3A_612 = arith.mulf %add3A_609, %mul3A_611 : vector<16xf32>
      %max3A_613 = arith.maximumf %add3A_609, %mul3A_612 : vector<16xf32>
      %exp3A_614 = math.exp %max3A_613 : vector<16xf32>
      %jit3A_615 = arith.constant 0.000000e+00 : f32
      %broadcast_in_dim3A_616 = vector.broadcast %jit3A_615 : f32 to vector<16xf32>
      %select_n3A_617 = arith.select %lt3A_563, %exp3A_614, %broadcast_in_dim3A_616 : vector<16xi1>, vector<16xf32>
      tpu.vector_store_idx %arg13[%broadcast_in_dim3A_600, %add3A_576], %select_n3A_617 : memref<4x128xf32, #tpu.memory_space<vmem>>[vector<16xi32>, vector<16xi32>], vector<16xf32>,
      %add3A_618 = arith.constant 1 : i32
      %add3A_619 = vector.broadcast %add3A_618 : i32 to vector<16xi32>
      %add3A_620 = arith.addi %mul3A_573, %add3A_619 : vector<16xi32>
      tpu.vector_store_idx %arg14[%broadcast_in_dim3A_600, %add3A_576], %add3A_620 : memref<4x128xi32, #tpu.memory_space<vmem>>[vector<16xi32>, vector<16xi32>], vector<16xi32>,
      %broadcast_in_dim3A_621 = arith.constant 2 : i32
      %broadcast_in_dim3A_622 = vector.broadcast %broadcast_in_dim3A_621 : i32 to vector<16xi32>
      %add3A_623 = arith.constant 2 : i32
      %add3A_624 = vector.broadcast %add3A_623 : i32 to vector<16xi32>
      %add3A_625 = arith.addi %mul3A_566, %add3A_624 : vector<16xi32>
      %gather3A_626 = tpu.vector_load_idx %arg16[%add3A_625] : memref<40960xf32, #tpu.memory_space<vmem>>[vector<16xi32>], vector<16xf32>,
      %add3A_627 = arith.constant 2 : i32
      %add3A_628 = vector.broadcast %add3A_627 : i32 to vector<16xi32>
      %add3A_629 = arith.addi %mul3A_573, %add3A_628 : vector<16xi32>
      %gather3A_630 = tpu.vector_load_idx %arg17[%add3A_629] : memref<20480xf32, #tpu.memory_space<vmem>>[vector<16xi32>], vector<16xf32>,
      %add3A_631 = arith.addf %gather3A_626, %gather3A_630 : vector<16xf32>
      %mul3A_632 = arith.constant 2.000000e-01 : f32
      %mul3A_633 = vector.broadcast %mul3A_632 : f32 to vector<16xf32>
      %mul3A_634 = arith.mulf %add3A_631, %mul3A_633 : vector<16xf32>
      %max3A_635 = arith.maximumf %add3A_631, %mul3A_634 : vector<16xf32>
      %exp3A_636 = math.exp %max3A_635 : vector<16xf32>
      %jit3A_637 = arith.constant 0.000000e+00 : f32
      %broadcast_in_dim3A_638 = vector.broadcast %jit3A_637 : f32 to vector<16xf32>
      %select_n3A_639 = arith.select %lt3A_563, %exp3A_636, %broadcast_in_dim3A_638 : vector<16xi1>, vector<16xf32>
      tpu.vector_store_idx %arg13[%broadcast_in_dim3A_622, %add3A_576], %select_n3A_639 : memref<4x128xf32, #tpu.memory_space<vmem>>[vector<16xi32>, vector<16xi32>], vector<16xf32>,
      %add3A_640 = arith.constant 2 : i32
      %add3A_641 = vector.broadcast %add3A_640 : i32 to vector<16xi32>
      %add3A_642 = arith.addi %mul3A_573, %add3A_641 : vector<16xi32>
      tpu.vector_store_idx %arg14[%broadcast_in_dim3A_622, %add3A_576], %add3A_642 : memref<4x128xi32, #tpu.memory_space<vmem>>[vector<16xi32>, vector<16xi32>], vector<16xi32>,
      %broadcast_in_dim3A_643 = arith.constant 3 : i32
      %broadcast_in_dim3A_644 = vector.broadcast %broadcast_in_dim3A_643 : i32 to vector<16xi32>
      %add3A_645 = arith.constant 3 : i32
      %add3A_646 = vector.broadcast %add3A_645 : i32 to vector<16xi32>
      %add3A_647 = arith.addi %mul3A_566, %add3A_646 : vector<16xi32>
      %gather3A_648 = tpu.vector_load_idx %arg16[%add3A_647] : memref<40960xf32, #tpu.memory_space<vmem>>[vector<16xi32>], vector<16xf32>,
      %add3A_649 = arith.constant 3 : i32
      %add3A_650 = vector.broadcast %add3A_649 : i32 to vector<16xi32>
      %add3A_651 = arith.addi %mul3A_573, %add3A_650 : vector<16xi32>
      %gather3A_652 = tpu.vector_load_idx %arg17[%add3A_651] : memref<20480xf32, #tpu.memory_space<vmem>>[vector<16xi32>], vector<16xf32>,
      %add3A_653 = arith.addf %gather3A_648, %gather3A_652 : vector<16xf32>
      %mul3A_654 = arith.constant 2.000000e-01 : f32
      %mul3A_655 = vector.broadcast %mul3A_654 : f32 to vector<16xf32>
      %mul3A_656 = arith.mulf %add3A_653, %mul3A_655 : vector<16xf32>
      %max3A_657 = arith.maximumf %add3A_653, %mul3A_656 : vector<16xf32>
      %exp3A_658 = math.exp %max3A_657 : vector<16xf32>
      %jit3A_659 = arith.constant 0.000000e+00 : f32
      %broadcast_in_dim3A_660 = vector.broadcast %jit3A_659 : f32 to vector<16xf32>
      %select_n3A_661 = arith.select %lt3A_563, %exp3A_658, %broadcast_in_dim3A_660 : vector<16xi1>, vector<16xf32>
      tpu.vector_store_idx %arg13[%broadcast_in_dim3A_644, %add3A_576], %select_n3A_661 : memref<4x128xf32, #tpu.memory_space<vmem>>[vector<16xi32>, vector<16xi32>], vector<16xf32>,
      %add3A_662 = arith.constant 3 : i32
      %add3A_663 = vector.broadcast %add3A_662 : i32 to vector<16xi32>
      %add3A_664 = arith.addi %mul3A_573, %add3A_663 : vector<16xi32>
      tpu.vector_store_idx %arg14[%broadcast_in_dim3A_644, %add3A_576], %add3A_664 : memref<4x128xi32, #tpu.memory_space<vmem>>[vector<16xi32>, vector<16xi32>], vector<16xi32>,
      %get3A_665 = arith.constant 3 : i32
      %get3A_666 = arith.index_cast %get3A_665 : i32 to index
      %get3A_667 = arith.constant 0 : index
      %get3A_668 = tpu.vector_load %arg11[%get3A_666, %get3A_667] {strides = array<i32>} : memref<4x32xi32, #tpu.memory_space<vmem>>, vector<16xi32>,
      %lt3A_669 = arith.constant 10000 : i32
      %lt3A_670 = vector.broadcast %lt3A_669 : i32 to vector<16xi32>
      %lt3A_671 = arith.cmpi slt, %get3A_668, %lt3A_670 : vector<16xi32>
      %mul3A_672 = arith.constant 4 : i32
      %mul3A_673 = vector.broadcast %mul3A_672 : i32 to vector<16xi32>
      %mul3A_674 = arith.muli %get3A_668, %mul3A_673 : vector<16xi32>
      %get3A_675 = arith.constant 0 : i32
      %get3A_676 = arith.index_cast %get3A_675 : i32 to index
      %get3A_677 = arith.constant 96 : index
      %get3A_678 = tpu.vector_load %arg12[%get3A_676, %get3A_677] {strides = array<i32>} : memref<1x128xi32, #tpu.memory_space<vmem>>, vector<16xi32>,
      %mul3A_679 = arith.constant 4 : i32
      %mul3A_680 = vector.broadcast %mul3A_679 : i32 to vector<16xi32>
      %mul3A_681 = arith.muli %get3A_678, %mul3A_680 : vector<16xi32>
      %add3A_682 = arith.constant 96 : i32
      %add3A_683 = vector.broadcast %add3A_682 : i32 to vector<16xi32>
      %add3A_684 = arith.addi %iota3A, %add3A_683 : vector<16xi32>
      %broadcast_in_dim3A_685 = arith.constant 0 : i32
      %broadcast_in_dim3A_686 = vector.broadcast %broadcast_in_dim3A_685 : i32 to vector<16xi32>
      %add3A_687 = arith.constant 0 : i32
      %add3A_688 = vector.broadcast %add3A_687 : i32 to vector<16xi32>
      %add3A_689 = arith.addi %mul3A_674, %add3A_688 : vector<16xi32>
      %gather3A_690 = tpu.vector_load_idx %arg16[%add3A_689] : memref<40960xf32, #tpu.memory_space<vmem>>[vector<16xi32>], vector<16xf32>,
      %add3A_691 = arith.constant 0 : i32
      %add3A_692 = vector.broadcast %add3A_691 : i32 to vector<16xi32>
      %add3A_693 = arith.addi %mul3A_681, %add3A_692 : vector<16xi32>
      %gather3A_694 = tpu.vector_load_idx %arg17[%add3A_693] : memref<20480xf32, #tpu.memory_space<vmem>>[vector<16xi32>], vector<16xf32>,
      %add3A_695 = arith.addf %gather3A_690, %gather3A_694 : vector<16xf32>
      %mul3A_696 = arith.constant 2.000000e-01 : f32
      %mul3A_697 = vector.broadcast %mul3A_696 : f32 to vector<16xf32>
      %mul3A_698 = arith.mulf %add3A_695, %mul3A_697 : vector<16xf32>
      %max3A_699 = arith.maximumf %add3A_695, %mul3A_698 : vector<16xf32>
      %exp3A_700 = math.exp %max3A_699 : vector<16xf32>
      %jit3A_701 = arith.constant 0.000000e+00 : f32
      %broadcast_in_dim3A_702 = vector.broadcast %jit3A_701 : f32 to vector<16xf32>
      %select_n3A_703 = arith.select %lt3A_671, %exp3A_700, %broadcast_in_dim3A_702 : vector<16xi1>, vector<16xf32>
      tpu.vector_store_idx %arg13[%broadcast_in_dim3A_686, %add3A_684], %select_n3A_703 : memref<4x128xf32, #tpu.memory_space<vmem>>[vector<16xi32>, vector<16xi32>], vector<16xf32>,
      %add3A_704 = arith.constant 0 : i32
      %add3A_705 = vector.broadcast %add3A_704 : i32 to vector<16xi32>
      %add3A_706 = arith.addi %mul3A_681, %add3A_705 : vector<16xi32>
      tpu.vector_store_idx %arg14[%broadcast_in_dim3A_686, %add3A_684], %add3A_706 : memref<4x128xi32, #tpu.memory_space<vmem>>[vector<16xi32>, vector<16xi32>], vector<16xi32>,
      %broadcast_in_dim3A_707 = arith.constant 1 : i32
      %broadcast_in_dim3A_708 = vector.broadcast %broadcast_in_dim3A_707 : i32 to vector<16xi32>
      %add3A_709 = arith.constant 1 : i32
      %add3A_710 = vector.broadcast %add3A_709 : i32 to vector<16xi32>
      %add3A_711 = arith.addi %mul3A_674, %add3A_710 : vector<16xi32>
      %gather3A_712 = tpu.vector_load_idx %arg16[%add3A_711] : memref<40960xf32, #tpu.memory_space<vmem>>[vector<16xi32>], vector<16xf32>,
      %add3A_713 = arith.constant 1 : i32
      %add3A_714 = vector.broadcast %add3A_713 : i32 to vector<16xi32>
      %add3A_715 = arith.addi %mul3A_681, %add3A_714 : vector<16xi32>
      %gather3A_716 = tpu.vector_load_idx %arg17[%add3A_715] : memref<20480xf32, #tpu.memory_space<vmem>>[vector<16xi32>], vector<16xf32>,
      %add3A_717 = arith.addf %gather3A_712, %gather3A_716 : vector<16xf32>
      %mul3A_718 = arith.constant 2.000000e-01 : f32
      %mul3A_719 = vector.broadcast %mul3A_718 : f32 to vector<16xf32>
      %mul3A_720 = arith.mulf %add3A_717, %mul3A_719 : vector<16xf32>
      %max3A_721 = arith.maximumf %add3A_717, %mul3A_720 : vector<16xf32>
      %exp3A_722 = math.exp %max3A_721 : vector<16xf32>
      %jit3A_723 = arith.constant 0.000000e+00 : f32
      %broadcast_in_dim3A_724 = vector.broadcast %jit3A_723 : f32 to vector<16xf32>
      %select_n3A_725 = arith.select %lt3A_671, %exp3A_722, %broadcast_in_dim3A_724 : vector<16xi1>, vector<16xf32>
      tpu.vector_store_idx %arg13[%broadcast_in_dim3A_708, %add3A_684], %select_n3A_725 : memref<4x128xf32, #tpu.memory_space<vmem>>[vector<16xi32>, vector<16xi32>], vector<16xf32>,
      %add3A_726 = arith.constant 1 : i32
      %add3A_727 = vector.broadcast %add3A_726 : i32 to vector<16xi32>
      %add3A_728 = arith.addi %mul3A_681, %add3A_727 : vector<16xi32>
      tpu.vector_store_idx %arg14[%broadcast_in_dim3A_708, %add3A_684], %add3A_728 : memref<4x128xi32, #tpu.memory_space<vmem>>[vector<16xi32>, vector<16xi32>], vector<16xi32>,
      %broadcast_in_dim3A_729 = arith.constant 2 : i32
      %broadcast_in_dim3A_730 = vector.broadcast %broadcast_in_dim3A_729 : i32 to vector<16xi32>
      %add3A_731 = arith.constant 2 : i32
      %add3A_732 = vector.broadcast %add3A_731 : i32 to vector<16xi32>
      %add3A_733 = arith.addi %mul3A_674, %add3A_732 : vector<16xi32>
      %gather3A_734 = tpu.vector_load_idx %arg16[%add3A_733] : memref<40960xf32, #tpu.memory_space<vmem>>[vector<16xi32>], vector<16xf32>,
      %add3A_735 = arith.constant 2 : i32
      %add3A_736 = vector.broadcast %add3A_735 : i32 to vector<16xi32>
      %add3A_737 = arith.addi %mul3A_681, %add3A_736 : vector<16xi32>
      %gather3A_738 = tpu.vector_load_idx %arg17[%add3A_737] : memref<20480xf32, #tpu.memory_space<vmem>>[vector<16xi32>], vector<16xf32>,
      %add3A_739 = arith.addf %gather3A_734, %gather3A_738 : vector<16xf32>
      %mul3A_740 = arith.constant 2.000000e-01 : f32
      %mul3A_741 = vector.broadcast %mul3A_740 : f32 to vector<16xf32>
      %mul3A_742 = arith.mulf %add3A_739, %mul3A_741 : vector<16xf32>
      %max3A_743 = arith.maximumf %add3A_739, %mul3A_742 : vector<16xf32>
      %exp3A_744 = math.exp %max3A_743 : vector<16xf32>
      %jit3A_745 = arith.constant 0.000000e+00 : f32
      %broadcast_in_dim3A_746 = vector.broadcast %jit3A_745 : f32 to vector<16xf32>
      %select_n3A_747 = arith.select %lt3A_671, %exp3A_744, %broadcast_in_dim3A_746 : vector<16xi1>, vector<16xf32>
      tpu.vector_store_idx %arg13[%broadcast_in_dim3A_730, %add3A_684], %select_n3A_747 : memref<4x128xf32, #tpu.memory_space<vmem>>[vector<16xi32>, vector<16xi32>], vector<16xf32>,
      %add3A_748 = arith.constant 2 : i32
      %add3A_749 = vector.broadcast %add3A_748 : i32 to vector<16xi32>
      %add3A_750 = arith.addi %mul3A_681, %add3A_749 : vector<16xi32>
      tpu.vector_store_idx %arg14[%broadcast_in_dim3A_730, %add3A_684], %add3A_750 : memref<4x128xi32, #tpu.memory_space<vmem>>[vector<16xi32>, vector<16xi32>], vector<16xi32>,
      %broadcast_in_dim3A_751 = arith.constant 3 : i32
      %broadcast_in_dim3A_752 = vector.broadcast %broadcast_in_dim3A_751 : i32 to vector<16xi32>
      %add3A_753 = arith.constant 3 : i32
      %add3A_754 = vector.broadcast %add3A_753 : i32 to vector<16xi32>
      %add3A_755 = arith.addi %mul3A_674, %add3A_754 : vector<16xi32>
      %gather3A_756 = tpu.vector_load_idx %arg16[%add3A_755] : memref<40960xf32, #tpu.memory_space<vmem>>[vector<16xi32>], vector<16xf32>,
      %add3A_757 = arith.constant 3 : i32
      %add3A_758 = vector.broadcast %add3A_757 : i32 to vector<16xi32>
      %add3A_759 = arith.addi %mul3A_681, %add3A_758 : vector<16xi32>
      %gather3A_760 = tpu.vector_load_idx %arg17[%add3A_759] : memref<20480xf32, #tpu.memory_space<vmem>>[vector<16xi32>], vector<16xf32>,
      %add3A_761 = arith.addf %gather3A_756, %gather3A_760 : vector<16xf32>
      %mul3A_762 = arith.constant 2.000000e-01 : f32
      %mul3A_763 = vector.broadcast %mul3A_762 : f32 to vector<16xf32>
      %mul3A_764 = arith.mulf %add3A_761, %mul3A_763 : vector<16xf32>
      %max3A_765 = arith.maximumf %add3A_761, %mul3A_764 : vector<16xf32>
      %exp3A_766 = math.exp %max3A_765 : vector<16xf32>
      %jit3A_767 = arith.constant 0.000000e+00 : f32
      %broadcast_in_dim3A_768 = vector.broadcast %jit3A_767 : f32 to vector<16xf32>
      %select_n3A_769 = arith.select %lt3A_671, %exp3A_766, %broadcast_in_dim3A_768 : vector<16xi1>, vector<16xf32>
      tpu.vector_store_idx %arg13[%broadcast_in_dim3A_752, %add3A_684], %select_n3A_769 : memref<4x128xf32, #tpu.memory_space<vmem>>[vector<16xi32>, vector<16xi32>], vector<16xf32>,
      %add3A_770 = arith.constant 3 : i32
      %add3A_771 = vector.broadcast %add3A_770 : i32 to vector<16xi32>
      %add3A_772 = arith.addi %mul3A_681, %add3A_771 : vector<16xi32>
      tpu.vector_store_idx %arg14[%broadcast_in_dim3A_752, %add3A_684], %add3A_772 : memref<4x128xi32, #tpu.memory_space<vmem>>[vector<16xi32>, vector<16xi32>], vector<16xi32>,
      %get3A_773 = arith.constant 3 : i32
      %get3A_774 = arith.index_cast %get3A_773 : i32 to index
      %get3A_775 = arith.constant 16 : index
      %get3A_776 = tpu.vector_load %arg11[%get3A_774, %get3A_775] {strides = array<i32>} : memref<4x32xi32, #tpu.memory_space<vmem>>, vector<16xi32>,
      %lt3A_777 = arith.constant 10000 : i32
      %lt3A_778 = vector.broadcast %lt3A_777 : i32 to vector<16xi32>
      %lt3A_779 = arith.cmpi slt, %get3A_776, %lt3A_778 : vector<16xi32>
      %mul3A_780 = arith.constant 4 : i32
      %mul3A_781 = vector.broadcast %mul3A_780 : i32 to vector<16xi32>
      %mul3A_782 = arith.muli %get3A_776, %mul3A_781 : vector<16xi32>
      %get3A_783 = arith.constant 0 : i32
      %get3A_784 = arith.index_cast %get3A_783 : i32 to index
      %get3A_785 = arith.constant 112 : index
      %get3A_786 = tpu.vector_load %arg12[%get3A_784, %get3A_785] {strides = array<i32>} : memref<1x128xi32, #tpu.memory_space<vmem>>, vector<16xi32>,
      %mul3A_787 = arith.constant 4 : i32
      %mul3A_788 = vector.broadcast %mul3A_787 : i32 to vector<16xi32>
      %mul3A_789 = arith.muli %get3A_786, %mul3A_788 : vector<16xi32>
      %add3A_790 = arith.constant 112 : i32
      %add3A_791 = vector.broadcast %add3A_790 : i32 to vector<16xi32>
      %add3A_792 = arith.addi %iota3A, %add3A_791 : vector<16xi32>
      %broadcast_in_dim3A_793 = arith.constant 0 : i32
      %broadcast_in_dim3A_794 = vector.broadcast %broadcast_in_dim3A_793 : i32 to vector<16xi32>
      %add3A_795 = arith.constant 0 : i32
      %add3A_796 = vector.broadcast %add3A_795 : i32 to vector<16xi32>
      %add3A_797 = arith.addi %mul3A_782, %add3A_796 : vector<16xi32>
      %gather3A_798 = tpu.vector_load_idx %arg16[%add3A_797] : memref<40960xf32, #tpu.memory_space<vmem>>[vector<16xi32>], vector<16xf32>,
      %add3A_799 = arith.constant 0 : i32
      %add3A_800 = vector.broadcast %add3A_799 : i32 to vector<16xi32>
      %add3A_801 = arith.addi %mul3A_789, %add3A_800 : vector<16xi32>
      %gather3A_802 = tpu.vector_load_idx %arg17[%add3A_801] : memref<20480xf32, #tpu.memory_space<vmem>>[vector<16xi32>], vector<16xf32>,
      %add3A_803 = arith.addf %gather3A_798, %gather3A_802 : vector<16xf32>
      %mul3A_804 = arith.constant 2.000000e-01 : f32
      %mul3A_805 = vector.broadcast %mul3A_804 : f32 to vector<16xf32>
      %mul3A_806 = arith.mulf %add3A_803, %mul3A_805 : vector<16xf32>
      %max3A_807 = arith.maximumf %add3A_803, %mul3A_806 : vector<16xf32>
      %exp3A_808 = math.exp %max3A_807 : vector<16xf32>
      %jit3A_809 = arith.constant 0.000000e+00 : f32
      %broadcast_in_dim3A_810 = vector.broadcast %jit3A_809 : f32 to vector<16xf32>
      %select_n3A_811 = arith.select %lt3A_779, %exp3A_808, %broadcast_in_dim3A_810 : vector<16xi1>, vector<16xf32>
      tpu.vector_store_idx %arg13[%broadcast_in_dim3A_794, %add3A_792], %select_n3A_811 : memref<4x128xf32, #tpu.memory_space<vmem>>[vector<16xi32>, vector<16xi32>], vector<16xf32>,
      %add3A_812 = arith.constant 0 : i32
      %add3A_813 = vector.broadcast %add3A_812 : i32 to vector<16xi32>
      %add3A_814 = arith.addi %mul3A_789, %add3A_813 : vector<16xi32>
      tpu.vector_store_idx %arg14[%broadcast_in_dim3A_794, %add3A_792], %add3A_814 : memref<4x128xi32, #tpu.memory_space<vmem>>[vector<16xi32>, vector<16xi32>], vector<16xi32>,
      %broadcast_in_dim3A_815 = arith.constant 1 : i32
      %broadcast_in_dim3A_816 = vector.broadcast %broadcast_in_dim3A_815 : i32 to vector<16xi32>
      %add3A_817 = arith.constant 1 : i32
      %add3A_818 = vector.broadcast %add3A_817 : i32 to vector<16xi32>
      %add3A_819 = arith.addi %mul3A_782, %add3A_818 : vector<16xi32>
      %gather3A_820 = tpu.vector_load_idx %arg16[%add3A_819] : memref<40960xf32, #tpu.memory_space<vmem>>[vector<16xi32>], vector<16xf32>,
      %add3A_821 = arith.constant 1 : i32
      %add3A_822 = vector.broadcast %add3A_821 : i32 to vector<16xi32>
      %add3A_823 = arith.addi %mul3A_789, %add3A_822 : vector<16xi32>
      %gather3A_824 = tpu.vector_load_idx %arg17[%add3A_823] : memref<20480xf32, #tpu.memory_space<vmem>>[vector<16xi32>], vector<16xf32>,
      %add3A_825 = arith.addf %gather3A_820, %gather3A_824 : vector<16xf32>
      %mul3A_826 = arith.constant 2.000000e-01 : f32
      %mul3A_827 = vector.broadcast %mul3A_826 : f32 to vector<16xf32>
      %mul3A_828 = arith.mulf %add3A_825, %mul3A_827 : vector<16xf32>
      %max3A_829 = arith.maximumf %add3A_825, %mul3A_828 : vector<16xf32>
      %exp3A_830 = math.exp %max3A_829 : vector<16xf32>
      %jit3A_831 = arith.constant 0.000000e+00 : f32
      %broadcast_in_dim3A_832 = vector.broadcast %jit3A_831 : f32 to vector<16xf32>
      %select_n3A_833 = arith.select %lt3A_779, %exp3A_830, %broadcast_in_dim3A_832 : vector<16xi1>, vector<16xf32>
      tpu.vector_store_idx %arg13[%broadcast_in_dim3A_816, %add3A_792], %select_n3A_833 : memref<4x128xf32, #tpu.memory_space<vmem>>[vector<16xi32>, vector<16xi32>], vector<16xf32>,
      %add3A_834 = arith.constant 1 : i32
      %add3A_835 = vector.broadcast %add3A_834 : i32 to vector<16xi32>
      %add3A_836 = arith.addi %mul3A_789, %add3A_835 : vector<16xi32>
      tpu.vector_store_idx %arg14[%broadcast_in_dim3A_816, %add3A_792], %add3A_836 : memref<4x128xi32, #tpu.memory_space<vmem>>[vector<16xi32>, vector<16xi32>], vector<16xi32>,
      %broadcast_in_dim3A_837 = arith.constant 2 : i32
      %broadcast_in_dim3A_838 = vector.broadcast %broadcast_in_dim3A_837 : i32 to vector<16xi32>
      %add3A_839 = arith.constant 2 : i32
      %add3A_840 = vector.broadcast %add3A_839 : i32 to vector<16xi32>
      %add3A_841 = arith.addi %mul3A_782, %add3A_840 : vector<16xi32>
      %gather3A_842 = tpu.vector_load_idx %arg16[%add3A_841] : memref<40960xf32, #tpu.memory_space<vmem>>[vector<16xi32>], vector<16xf32>,
      %add3A_843 = arith.constant 2 : i32
      %add3A_844 = vector.broadcast %add3A_843 : i32 to vector<16xi32>
      %add3A_845 = arith.addi %mul3A_789, %add3A_844 : vector<16xi32>
      %gather3A_846 = tpu.vector_load_idx %arg17[%add3A_845] : memref<20480xf32, #tpu.memory_space<vmem>>[vector<16xi32>], vector<16xf32>,
      %add3A_847 = arith.addf %gather3A_842, %gather3A_846 : vector<16xf32>
      %mul3A_848 = arith.constant 2.000000e-01 : f32
      %mul3A_849 = vector.broadcast %mul3A_848 : f32 to vector<16xf32>
      %mul3A_850 = arith.mulf %add3A_847, %mul3A_849 : vector<16xf32>
      %max3A_851 = arith.maximumf %add3A_847, %mul3A_850 : vector<16xf32>
      %exp3A_852 = math.exp %max3A_851 : vector<16xf32>
      %jit3A_853 = arith.constant 0.000000e+00 : f32
      %broadcast_in_dim3A_854 = vector.broadcast %jit3A_853 : f32 to vector<16xf32>
      %select_n3A_855 = arith.select %lt3A_779, %exp3A_852, %broadcast_in_dim3A_854 : vector<16xi1>, vector<16xf32>
      tpu.vector_store_idx %arg13[%broadcast_in_dim3A_838, %add3A_792], %select_n3A_855 : memref<4x128xf32, #tpu.memory_space<vmem>>[vector<16xi32>, vector<16xi32>], vector<16xf32>,
      %add3A_856 = arith.constant 2 : i32
      %add3A_857 = vector.broadcast %add3A_856 : i32 to vector<16xi32>
      %add3A_858 = arith.addi %mul3A_789, %add3A_857 : vector<16xi32>
      tpu.vector_store_idx %arg14[%broadcast_in_dim3A_838, %add3A_792], %add3A_858 : memref<4x128xi32, #tpu.memory_space<vmem>>[vector<16xi32>, vector<16xi32>], vector<16xi32>,
      %broadcast_in_dim3A_859 = arith.constant 3 : i32
      %broadcast_in_dim3A_860 = vector.broadcast %broadcast_in_dim3A_859 : i32 to vector<16xi32>
      %add3A_861 = arith.constant 3 : i32
      %add3A_862 = vector.broadcast %add3A_861 : i32 to vector<16xi32>
      %add3A_863 = arith.addi %mul3A_782, %add3A_862 : vector<16xi32>
      %gather3A_864 = tpu.vector_load_idx %arg16[%add3A_863] : memref<40960xf32, #tpu.memory_space<vmem>>[vector<16xi32>], vector<16xf32>,
      %add3A_865 = arith.constant 3 : i32
      %add3A_866 = vector.broadcast %add3A_865 : i32 to vector<16xi32>
      %add3A_867 = arith.addi %mul3A_789, %add3A_866 : vector<16xi32>
      %gather3A_868 = tpu.vector_load_idx %arg17[%add3A_867] : memref<20480xf32, #tpu.memory_space<vmem>>[vector<16xi32>], vector<16xf32>,
      %add3A_869 = arith.addf %gather3A_864, %gather3A_868 : vector<16xf32>
      %mul3A_870 = arith.constant 2.000000e-01 : f32
      %mul3A_871 = vector.broadcast %mul3A_870 : f32 to vector<16xf32>
      %mul3A_872 = arith.mulf %add3A_869, %mul3A_871 : vector<16xf32>
      %max3A_873 = arith.maximumf %add3A_869, %mul3A_872 : vector<16xf32>
      %exp3A_874 = math.exp %max3A_873 : vector<16xf32>
      %jit3A_875 = arith.constant 0.000000e+00 : f32
      %broadcast_in_dim3A_876 = vector.broadcast %jit3A_875 : f32 to vector<16xf32>
      %select_n3A_877 = arith.select %lt3A_779, %exp3A_874, %broadcast_in_dim3A_876 : vector<16xi1>, vector<16xf32>
      tpu.vector_store_idx %arg13[%broadcast_in_dim3A_860, %add3A_792], %select_n3A_877 : memref<4x128xf32, #tpu.memory_space<vmem>>[vector<16xi32>, vector<16xi32>], vector<16xf32>,
      %add3A_878 = arith.constant 3 : i32
      %add3A_879 = vector.broadcast %add3A_878 : i32 to vector<16xi32>
      %add3A_880 = arith.addi %mul3A_789, %add3A_879 : vector<16xi32>
      tpu.vector_store_idx %arg14[%broadcast_in_dim3A_860, %add3A_792], %add3A_880 : memref<4x128xi32, #tpu.memory_space<vmem>>[vector<16xi32>, vector<16xi32>], vector<16xi32>,
      %run_scoped3A_881 = arith.constant 0 : i32
      %run_scoped3A_882 = arith.constant 0 : i32
      "tpu.region"() ({
        %run_scoped3A_974 = tpu.sem_alloc : memref<!tpu.dma_semaphore, #tpu.memory_space<semaphore_mem>>
        %dma_start3A_975 = arith.constant 0 : i32
        %dma_start3A_976 = tpu.memref_slice %arg13[%run_scoped3A_881, %dma_start3A_975] : memref<4x128xf32, #tpu.memory_space<vmem>> -> memref<1x128xf32, #tpu.memory_space<vmem>>
        %dma_start3A_977 = tpu.memref_squeeze %dma_start3A_976 : memref<1x128xf32, #tpu.memory_space<vmem>> -> memref<128xf32, #tpu.memory_space<vmem>>
        %dma_start3A_978 = arith.constant 0 : i32
        %dma_start3A_979 = tpu.memref_slice %arg14[%run_scoped3A_882, %dma_start3A_978] : memref<4x128xi32, #tpu.memory_space<vmem>> -> memref<1x128xi32, #tpu.memory_space<vmem>>
        %dma_start3A_980 = tpu.memref_squeeze %dma_start3A_979 : memref<1x128xi32, #tpu.memory_space<vmem>> -> memref<128xi32, #tpu.memory_space<vmem>>
        %dma_start3A_981 = arith.constant 0 : i32
        %dma_start3A_982 = tpu.memref_slice %arg19[%dma_start3A_981] : memref<20480xf32, #tpu.memory_space<vmem_shared>> -> memref<20480xf32, #tpu.memory_space<vmem_shared>>
        tpu.enqueue_indirect_dma source(%dma_start3A_977 : memref<128xf32, #tpu.memory_space<vmem>>) target(%dma_start3A_982 : memref<20480xf32, #tpu.memory_space<vmem_shared>>) offsets(%dma_start3A_980 : memref<128xi32, #tpu.memory_space<vmem>>) semaphore(%run_scoped3A_974 : memref<!tpu.dma_semaphore, #tpu.memory_space<semaphore_mem>>) {add = true}
        %dma_wait3A_983 = arith.constant 0 : i32
        %dma_wait3A_984 = tpu.memref_slice %arg13[%run_scoped3A_881, %dma_wait3A_983] : memref<4x128xf32, #tpu.memory_space<vmem>> -> memref<1x128xf32, #tpu.memory_space<vmem>>
        %dma_wait3A_985 = tpu.memref_squeeze %dma_wait3A_984 : memref<1x128xf32, #tpu.memory_space<vmem>> -> memref<128xf32, #tpu.memory_space<vmem>>
        %dma_wait3A_986 = arith.constant 0 : i32
        %dma_wait3A_987 = tpu.memref_slice %arg14[%run_scoped3A_882, %dma_wait3A_986] : memref<4x128xi32, #tpu.memory_space<vmem>> -> memref<1x128xi32, #tpu.memory_space<vmem>>
        %dma_wait3A_988 = tpu.memref_squeeze %dma_wait3A_987 : memref<1x128xi32, #tpu.memory_space<vmem>> -> memref<128xi32, #tpu.memory_space<vmem>>
        %dma_wait3A_989 = arith.constant 0 : i32
        %dma_wait3A_990 = tpu.memref_slice %arg19[%dma_wait3A_989] : memref<20480xf32, #tpu.memory_space<vmem_shared>> -> memref<20480xf32, #tpu.memory_space<vmem_shared>>
        tpu.wait_indirect_dma semaphore(%run_scoped3A_974 : memref<!tpu.dma_semaphore, #tpu.memory_space<semaphore_mem>>) src(%dma_wait3A_985 : memref<128xf32, #tpu.memory_space<vmem>>) dst(%dma_wait3A_990 : memref<20480xf32, #tpu.memory_space<vmem_shared>>)
        tpu.yield
      }) : () -> ()
      %run_scoped3A_883 = arith.constant 1 : i32
      %run_scoped3A_884 = arith.constant 1 : i32
      "tpu.region"() ({
        %run_scoped3A_974 = tpu.sem_alloc : memref<!tpu.dma_semaphore, #tpu.memory_space<semaphore_mem>>
        %dma_start3A_975 = arith.constant 0 : i32
        %dma_start3A_976 = tpu.memref_slice %arg13[%run_scoped3A_883, %dma_start3A_975] : memref<4x128xf32, #tpu.memory_space<vmem>> -> memref<1x128xf32, #tpu.memory_space<vmem>>
        %dma_start3A_977 = tpu.memref_squeeze %dma_start3A_976 : memref<1x128xf32, #tpu.memory_space<vmem>> -> memref<128xf32, #tpu.memory_space<vmem>>
        %dma_start3A_978 = arith.constant 0 : i32
        %dma_start3A_979 = tpu.memref_slice %arg14[%run_scoped3A_884, %dma_start3A_978] : memref<4x128xi32, #tpu.memory_space<vmem>> -> memref<1x128xi32, #tpu.memory_space<vmem>>
        %dma_start3A_980 = tpu.memref_squeeze %dma_start3A_979 : memref<1x128xi32, #tpu.memory_space<vmem>> -> memref<128xi32, #tpu.memory_space<vmem>>
        %dma_start3A_981 = arith.constant 0 : i32
        %dma_start3A_982 = tpu.memref_slice %arg19[%dma_start3A_981] : memref<20480xf32, #tpu.memory_space<vmem_shared>> -> memref<20480xf32, #tpu.memory_space<vmem_shared>>
        tpu.enqueue_indirect_dma source(%dma_start3A_977 : memref<128xf32, #tpu.memory_space<vmem>>) target(%dma_start3A_982 : memref<20480xf32, #tpu.memory_space<vmem_shared>>) offsets(%dma_start3A_980 : memref<128xi32, #tpu.memory_space<vmem>>) semaphore(%run_scoped3A_974 : memref<!tpu.dma_semaphore, #tpu.memory_space<semaphore_mem>>) {add = true}
        %dma_wait3A_983 = arith.constant 0 : i32
        %dma_wait3A_984 = tpu.memref_slice %arg13[%run_scoped3A_883, %dma_wait3A_983] : memref<4x128xf32, #tpu.memory_space<vmem>> -> memref<1x128xf32, #tpu.memory_space<vmem>>
        %dma_wait3A_985 = tpu.memref_squeeze %dma_wait3A_984 : memref<1x128xf32, #tpu.memory_space<vmem>> -> memref<128xf32, #tpu.memory_space<vmem>>
        %dma_wait3A_986 = arith.constant 0 : i32
        %dma_wait3A_987 = tpu.memref_slice %arg14[%run_scoped3A_884, %dma_wait3A_986] : memref<4x128xi32, #tpu.memory_space<vmem>> -> memref<1x128xi32, #tpu.memory_space<vmem>>
        %dma_wait3A_988 = tpu.memref_squeeze %dma_wait3A_987 : memref<1x128xi32, #tpu.memory_space<vmem>> -> memref<128xi32, #tpu.memory_space<vmem>>
        %dma_wait3A_989 = arith.constant 0 : i32
        %dma_wait3A_990 = tpu.memref_slice %arg19[%dma_wait3A_989] : memref<20480xf32, #tpu.memory_space<vmem_shared>> -> memref<20480xf32, #tpu.memory_space<vmem_shared>>
        tpu.wait_indirect_dma semaphore(%run_scoped3A_974 : memref<!tpu.dma_semaphore, #tpu.memory_space<semaphore_mem>>) src(%dma_wait3A_985 : memref<128xf32, #tpu.memory_space<vmem>>) dst(%dma_wait3A_990 : memref<20480xf32, #tpu.memory_space<vmem_shared>>)
        tpu.yield
      }) : () -> ()
      %run_scoped3A_885 = arith.constant 2 : i32
      %run_scoped3A_886 = arith.constant 2 : i32
      "tpu.region"() ({
        %run_scoped3A_974 = tpu.sem_alloc : memref<!tpu.dma_semaphore, #tpu.memory_space<semaphore_mem>>
        %dma_start3A_975 = arith.constant 0 : i32
        %dma_start3A_976 = tpu.memref_slice %arg13[%run_scoped3A_885, %dma_start3A_975] : memref<4x128xf32, #tpu.memory_space<vmem>> -> memref<1x128xf32, #tpu.memory_space<vmem>>
        %dma_start3A_977 = tpu.memref_squeeze %dma_start3A_976 : memref<1x128xf32, #tpu.memory_space<vmem>> -> memref<128xf32, #tpu.memory_space<vmem>>
        %dma_start3A_978 = arith.constant 0 : i32
        %dma_start3A_979 = tpu.memref_slice %arg14[%run_scoped3A_886, %dma_start3A_978] : memref<4x128xi32, #tpu.memory_space<vmem>> -> memref<1x128xi32, #tpu.memory_space<vmem>>
        %dma_start3A_980 = tpu.memref_squeeze %dma_start3A_979 : memref<1x128xi32, #tpu.memory_space<vmem>> -> memref<128xi32, #tpu.memory_space<vmem>>
        %dma_start3A_981 = arith.constant 0 : i32
        %dma_start3A_982 = tpu.memref_slice %arg19[%dma_start3A_981] : memref<20480xf32, #tpu.memory_space<vmem_shared>> -> memref<20480xf32, #tpu.memory_space<vmem_shared>>
        tpu.enqueue_indirect_dma source(%dma_start3A_977 : memref<128xf32, #tpu.memory_space<vmem>>) target(%dma_start3A_982 : memref<20480xf32, #tpu.memory_space<vmem_shared>>) offsets(%dma_start3A_980 : memref<128xi32, #tpu.memory_space<vmem>>) semaphore(%run_scoped3A_974 : memref<!tpu.dma_semaphore, #tpu.memory_space<semaphore_mem>>) {add = true}
        %dma_wait3A_983 = arith.constant 0 : i32
        %dma_wait3A_984 = tpu.memref_slice %arg13[%run_scoped3A_885, %dma_wait3A_983] : memref<4x128xf32, #tpu.memory_space<vmem>> -> memref<1x128xf32, #tpu.memory_space<vmem>>
        %dma_wait3A_985 = tpu.memref_squeeze %dma_wait3A_984 : memref<1x128xf32, #tpu.memory_space<vmem>> -> memref<128xf32, #tpu.memory_space<vmem>>
        %dma_wait3A_986 = arith.constant 0 : i32
        %dma_wait3A_987 = tpu.memref_slice %arg14[%run_scoped3A_886, %dma_wait3A_986] : memref<4x128xi32, #tpu.memory_space<vmem>> -> memref<1x128xi32, #tpu.memory_space<vmem>>
        %dma_wait3A_988 = tpu.memref_squeeze %dma_wait3A_987 : memref<1x128xi32, #tpu.memory_space<vmem>> -> memref<128xi32, #tpu.memory_space<vmem>>
        %dma_wait3A_989 = arith.constant 0 : i32
        %dma_wait3A_990 = tpu.memref_slice %arg19[%dma_wait3A_989] : memref<20480xf32, #tpu.memory_space<vmem_shared>> -> memref<20480xf32, #tpu.memory_space<vmem_shared>>
        tpu.wait_indirect_dma semaphore(%run_scoped3A_974 : memref<!tpu.dma_semaphore, #tpu.memory_space<semaphore_mem>>) src(%dma_wait3A_985 : memref<128xf32, #tpu.memory_space<vmem>>) dst(%dma_wait3A_990 : memref<20480xf32, #tpu.memory_space<vmem_shared>>)
        tpu.yield
      }) : () -> ()
      %run_scoped3A_887 = arith.constant 3 : i32
      %run_scoped3A_888 = arith.constant 3 : i32
      "tpu.region"() ({
        %run_scoped3A_974 = tpu.sem_alloc : memref<!tpu.dma_semaphore, #tpu.memory_space<semaphore_mem>>
        %dma_start3A_975 = arith.constant 0 : i32
        %dma_start3A_976 = tpu.memref_slice %arg13[%run_scoped3A_887, %dma_start3A_975] : memref<4x128xf32, #tpu.memory_space<vmem>> -> memref<1x128xf32, #tpu.memory_space<vmem>>
        %dma_start3A_977 = tpu.memref_squeeze %dma_start3A_976 : memref<1x128xf32, #tpu.memory_space<vmem>> -> memref<128xf32, #tpu.memory_space<vmem>>
        %dma_start3A_978 = arith.constant 0 : i32
        %dma_start3A_979 = tpu.memref_slice %arg14[%run_scoped3A_888, %dma_start3A_978] : memref<4x128xi32, #tpu.memory_space<vmem>> -> memref<1x128xi32, #tpu.memory_space<vmem>>
        %dma_start3A_980 = tpu.memref_squeeze %dma_start3A_979 : memref<1x128xi32, #tpu.memory_space<vmem>> -> memref<128xi32, #tpu.memory_space<vmem>>
        %dma_start3A_981 = arith.constant 0 : i32
        %dma_start3A_982 = tpu.memref_slice %arg19[%dma_start3A_981] : memref<20480xf32, #tpu.memory_space<vmem_shared>> -> memref<20480xf32, #tpu.memory_space<vmem_shared>>
        tpu.enqueue_indirect_dma source(%dma_start3A_977 : memref<128xf32, #tpu.memory_space<vmem>>) target(%dma_start3A_982 : memref<20480xf32, #tpu.memory_space<vmem_shared>>) offsets(%dma_start3A_980 : memref<128xi32, #tpu.memory_space<vmem>>) semaphore(%run_scoped3A_974 : memref<!tpu.dma_semaphore, #tpu.memory_space<semaphore_mem>>) {add = true}
        %dma_wait3A_983 = arith.constant 0 : i32
        %dma_wait3A_984 = tpu.memref_slice %arg13[%run_scoped3A_887, %dma_wait3A_983] : memref<4x128xf32, #tpu.memory_space<vmem>> -> memref<1x128xf32, #tpu.memory_space<vmem>>
        %dma_wait3A_985 = tpu.memref_squeeze %dma_wait3A_984 : memref<1x128xf32, #tpu.memory_space<vmem>> -> memref<128xf32, #tpu.memory_space<vmem>>
        %dma_wait3A_986 = arith.constant 0 : i32
        %dma_wait3A_987 = tpu.memref_slice %arg14[%run_scoped3A_888, %dma_wait3A_986] : memref<4x128xi32, #tpu.memory_space<vmem>> -> memref<1x128xi32, #tpu.memory_space<vmem>>
        %dma_wait3A_988 = tpu.memref_squeeze %dma_wait3A_987 : memref<1x128xi32, #tpu.memory_space<vmem>> -> memref<128xi32, #tpu.memory_space<vmem>>
        %dma_wait3A_989 = arith.constant 0 : i32
        %dma_wait3A_990 = tpu.memref_slice %arg19[%dma_wait3A_989] : memref<20480xf32, #tpu.memory_space<vmem_shared>> -> memref<20480xf32, #tpu.memory_space<vmem_shared>>
        tpu.wait_indirect_dma semaphore(%run_scoped3A_974 : memref<!tpu.dma_semaphore, #tpu.memory_space<semaphore_mem>>) src(%dma_wait3A_985 : memref<128xf32, #tpu.memory_space<vmem>>) dst(%dma_wait3A_990 : memref<20480xf32, #tpu.memory_space<vmem_shared>>)
        tpu.yield
      }) : () -> ()
      %dma_start3A = arith.constant 0 : i32
      %dma_start3A_889 = arith.constant 0 : i32
      %dma_start3A_890 = arith.constant 0 : i32
      %dma_start3A_891 = tpu.memref_slice %arg15[%dma_start3A_889, %dma_start3A_890] : memref<128x128xf32, #tpu.memory_space<vmem>> -> memref<32x128xf32, #tpu.memory_space<vmem>>
      %dma_start3A_892 = arith.constant 0 : i32
      %dma_start3A_893 = tpu.memref_slice %arg11[%dma_start3A, %dma_start3A_892] : memref<4x32xi32, #tpu.memory_space<vmem>> -> memref<1x32xi32, #tpu.memory_space<vmem>>
      %dma_start3A_894 = tpu.memref_squeeze %dma_start3A_893 : memref<1x32xi32, #tpu.memory_space<vmem>> -> memref<32xi32, #tpu.memory_space<vmem>>
      %dma_start3A_895 = arith.constant 0 : i32
      %dma_start3A_896 = arith.constant 0 : i32
      %dma_start3A_897 = tpu.memref_slice %arg2[%dma_start3A_895, %dma_start3A_896] : memref<10240x128xf32, #tpu.memory_space<hbm>> -> memref<10240x128xf32, #tpu.memory_space<hbm>>
      tpu.enqueue_indirect_dma source(%dma_start3A_897 : memref<10240x128xf32, #tpu.memory_space<hbm>>) target(%dma_start3A_891 : memref<32x128xf32, #tpu.memory_space<vmem>>) offsets(%dma_start3A_894 : memref<32xi32, #tpu.memory_space<vmem>>) semaphore(%arg20 : memref<!tpu.dma_semaphore, #tpu.memory_space<semaphore_mem>>)
      %dma_start3A_898 = arith.constant 1 : i32
      %dma_start3A_899 = arith.constant 32 : i32
      %dma_start3A_900 = arith.constant 0 : i32
      %dma_start3A_901 = tpu.memref_slice %arg15[%dma_start3A_899, %dma_start3A_900] : memref<128x128xf32, #tpu.memory_space<vmem>> -> memref<32x128xf32, #tpu.memory_space<vmem>>
      %dma_start3A_902 = arith.constant 0 : i32
      %dma_start3A_903 = tpu.memref_slice %arg11[%dma_start3A_898, %dma_start3A_902] : memref<4x32xi32, #tpu.memory_space<vmem>> -> memref<1x32xi32, #tpu.memory_space<vmem>>
      %dma_start3A_904 = tpu.memref_squeeze %dma_start3A_903 : memref<1x32xi32, #tpu.memory_space<vmem>> -> memref<32xi32, #tpu.memory_space<vmem>>
      %dma_start3A_905 = arith.constant 0 : i32
      %dma_start3A_906 = arith.constant 0 : i32
      %dma_start3A_907 = tpu.memref_slice %arg2[%dma_start3A_905, %dma_start3A_906] : memref<10240x128xf32, #tpu.memory_space<hbm>> -> memref<10240x128xf32, #tpu.memory_space<hbm>>
      tpu.enqueue_indirect_dma source(%dma_start3A_907 : memref<10240x128xf32, #tpu.memory_space<hbm>>) target(%dma_start3A_901 : memref<32x128xf32, #tpu.memory_space<vmem>>) offsets(%dma_start3A_904 : memref<32xi32, #tpu.memory_space<vmem>>) semaphore(%arg20 : memref<!tpu.dma_semaphore, #tpu.memory_space<semaphore_mem>>)
      %dma_start3A_908 = arith.constant 2 : i32
      %dma_start3A_909 = arith.constant 64 : i32
      %dma_start3A_910 = arith.constant 0 : i32
      %dma_start3A_911 = tpu.memref_slice %arg15[%dma_start3A_909, %dma_start3A_910] : memref<128x128xf32, #tpu.memory_space<vmem>> -> memref<32x128xf32, #tpu.memory_space<vmem>>
      %dma_start3A_912 = arith.constant 0 : i32
      %dma_start3A_913 = tpu.memref_slice %arg11[%dma_start3A_908, %dma_start3A_912] : memref<4x32xi32, #tpu.memory_space<vmem>> -> memref<1x32xi32, #tpu.memory_space<vmem>>
      %dma_start3A_914 = tpu.memref_squeeze %dma_start3A_913 : memref<1x32xi32, #tpu.memory_space<vmem>> -> memref<32xi32, #tpu.memory_space<vmem>>
      %dma_start3A_915 = arith.constant 0 : i32
      %dma_start3A_916 = arith.constant 0 : i32
      %dma_start3A_917 = tpu.memref_slice %arg2[%dma_start3A_915, %dma_start3A_916] : memref<10240x128xf32, #tpu.memory_space<hbm>> -> memref<10240x128xf32, #tpu.memory_space<hbm>>
      tpu.enqueue_indirect_dma source(%dma_start3A_917 : memref<10240x128xf32, #tpu.memory_space<hbm>>) target(%dma_start3A_911 : memref<32x128xf32, #tpu.memory_space<vmem>>) offsets(%dma_start3A_914 : memref<32xi32, #tpu.memory_space<vmem>>) semaphore(%arg20 : memref<!tpu.dma_semaphore, #tpu.memory_space<semaphore_mem>>)
      %dma_start3A_918 = arith.constant 3 : i32
      %dma_start3A_919 = arith.constant 96 : i32
      %dma_start3A_920 = arith.constant 0 : i32
      %dma_start3A_921 = tpu.memref_slice %arg15[%dma_start3A_919, %dma_start3A_920] : memref<128x128xf32, #tpu.memory_space<vmem>> -> memref<32x128xf32, #tpu.memory_space<vmem>>
      %dma_start3A_922 = arith.constant 0 : i32
      %dma_start3A_923 = tpu.memref_slice %arg11[%dma_start3A_918, %dma_start3A_922] : memref<4x32xi32, #tpu.memory_space<vmem>> -> memref<1x32xi32, #tpu.memory_space<vmem>>
      %dma_start3A_924 = tpu.memref_squeeze %dma_start3A_923 : memref<1x32xi32, #tpu.memory_space<vmem>> -> memref<32xi32, #tpu.memory_space<vmem>>
      %dma_start3A_925 = arith.constant 0 : i32
      %dma_start3A_926 = arith.constant 0 : i32
      %dma_start3A_927 = tpu.memref_slice %arg2[%dma_start3A_925, %dma_start3A_926] : memref<10240x128xf32, #tpu.memory_space<hbm>> -> memref<10240x128xf32, #tpu.memory_space<hbm>>
      tpu.enqueue_indirect_dma source(%dma_start3A_927 : memref<10240x128xf32, #tpu.memory_space<hbm>>) target(%dma_start3A_921 : memref<32x128xf32, #tpu.memory_space<vmem>>) offsets(%dma_start3A_924 : memref<32xi32, #tpu.memory_space<vmem>>) semaphore(%arg20 : memref<!tpu.dma_semaphore, #tpu.memory_space<semaphore_mem>>)
      %dma_wait3A = arith.constant 0 : i32
      %dma_wait3A_928 = arith.constant 0 : i32
      %dma_wait3A_929 = arith.constant 0 : i32
      %dma_wait3A_930 = tpu.memref_slice %arg15[%dma_wait3A_928, %dma_wait3A_929] : memref<128x128xf32, #tpu.memory_space<vmem>> -> memref<32x128xf32, #tpu.memory_space<vmem>>
      %dma_wait3A_931 = arith.constant 0 : i32
      %dma_wait3A_932 = tpu.memref_slice %arg11[%dma_wait3A, %dma_wait3A_931] : memref<4x32xi32, #tpu.memory_space<vmem>> -> memref<1x32xi32, #tpu.memory_space<vmem>>
      %dma_wait3A_933 = tpu.memref_squeeze %dma_wait3A_932 : memref<1x32xi32, #tpu.memory_space<vmem>> -> memref<32xi32, #tpu.memory_space<vmem>>
      %dma_wait3A_934 = arith.constant 0 : i32
      %dma_wait3A_935 = arith.constant 0 : i32
      %dma_wait3A_936 = tpu.memref_slice %arg2[%dma_wait3A_934, %dma_wait3A_935] : memref<10240x128xf32, #tpu.memory_space<hbm>> -> memref<10240x128xf32, #tpu.memory_space<hbm>>
      tpu.wait_indirect_dma semaphore(%arg20 : memref<!tpu.dma_semaphore, #tpu.memory_space<semaphore_mem>>) src(%dma_wait3A_936 : memref<10240x128xf32, #tpu.memory_space<hbm>>) dst(%dma_wait3A_930 : memref<32x128xf32, #tpu.memory_space<vmem>>)
      %dma_wait3A_937 = arith.constant 1 : i32
      %dma_wait3A_938 = arith.constant 32 : i32
      %dma_wait3A_939 = arith.constant 0 : i32
      %dma_wait3A_940 = tpu.memref_slice %arg15[%dma_wait3A_938, %dma_wait3A_939] : memref<128x128xf32, #tpu.memory_space<vmem>> -> memref<32x128xf32, #tpu.memory_space<vmem>>
      %dma_wait3A_941 = arith.constant 0 : i32
      %dma_wait3A_942 = tpu.memref_slice %arg11[%dma_wait3A_937, %dma_wait3A_941] : memref<4x32xi32, #tpu.memory_space<vmem>> -> memref<1x32xi32, #tpu.memory_space<vmem>>
      %dma_wait3A_943 = tpu.memref_squeeze %dma_wait3A_942 : memref<1x32xi32, #tpu.memory_space<vmem>> -> memref<32xi32, #tpu.memory_space<vmem>>
      %dma_wait3A_944 = arith.constant 0 : i32
      %dma_wait3A_945 = arith.constant 0 : i32
      %dma_wait3A_946 = tpu.memref_slice %arg2[%dma_wait3A_944, %dma_wait3A_945] : memref<10240x128xf32, #tpu.memory_space<hbm>> -> memref<10240x128xf32, #tpu.memory_space<hbm>>
      tpu.wait_indirect_dma semaphore(%arg20 : memref<!tpu.dma_semaphore, #tpu.memory_space<semaphore_mem>>) src(%dma_wait3A_946 : memref<10240x128xf32, #tpu.memory_space<hbm>>) dst(%dma_wait3A_940 : memref<32x128xf32, #tpu.memory_space<vmem>>)
      %dma_wait3A_947 = arith.constant 2 : i32
      %dma_wait3A_948 = arith.constant 64 : i32
      %dma_wait3A_949 = arith.constant 0 : i32
      %dma_wait3A_950 = tpu.memref_slice %arg15[%dma_wait3A_948, %dma_wait3A_949] : memref<128x128xf32, #tpu.memory_space<vmem>> -> memref<32x128xf32, #tpu.memory_space<vmem>>
      %dma_wait3A_951 = arith.constant 0 : i32
      %dma_wait3A_952 = tpu.memref_slice %arg11[%dma_wait3A_947, %dma_wait3A_951] : memref<4x32xi32, #tpu.memory_space<vmem>> -> memref<1x32xi32, #tpu.memory_space<vmem>>
      %dma_wait3A_953 = tpu.memref_squeeze %dma_wait3A_952 : memref<1x32xi32, #tpu.memory_space<vmem>> -> memref<32xi32, #tpu.memory_space<vmem>>
      %dma_wait3A_954 = arith.constant 0 : i32
      %dma_wait3A_955 = arith.constant 0 : i32
      %dma_wait3A_956 = tpu.memref_slice %arg2[%dma_wait3A_954, %dma_wait3A_955] : memref<10240x128xf32, #tpu.memory_space<hbm>> -> memref<10240x128xf32, #tpu.memory_space<hbm>>
      tpu.wait_indirect_dma semaphore(%arg20 : memref<!tpu.dma_semaphore, #tpu.memory_space<semaphore_mem>>) src(%dma_wait3A_956 : memref<10240x128xf32, #tpu.memory_space<hbm>>) dst(%dma_wait3A_950 : memref<32x128xf32, #tpu.memory_space<vmem>>)
      %dma_wait3A_957 = arith.constant 3 : i32
      %dma_wait3A_958 = arith.constant 96 : i32
      %dma_wait3A_959 = arith.constant 0 : i32
      %dma_wait3A_960 = tpu.memref_slice %arg15[%dma_wait3A_958, %dma_wait3A_959] : memref<128x128xf32, #tpu.memory_space<vmem>> -> memref<32x128xf32, #tpu.memory_space<vmem>>
      %dma_wait3A_961 = arith.constant 0 : i32
      %dma_wait3A_962 = tpu.memref_slice %arg11[%dma_wait3A_957, %dma_wait3A_961] : memref<4x32xi32, #tpu.memory_space<vmem>> -> memref<1x32xi32, #tpu.memory_space<vmem>>
      %dma_wait3A_963 = tpu.memref_squeeze %dma_wait3A_962 : memref<1x32xi32, #tpu.memory_space<vmem>> -> memref<32xi32, #tpu.memory_space<vmem>>
      %dma_wait3A_964 = arith.constant 0 : i32
      %dma_wait3A_965 = arith.constant 0 : i32
      %dma_wait3A_966 = tpu.memref_slice %arg2[%dma_wait3A_964, %dma_wait3A_965] : memref<10240x128xf32, #tpu.memory_space<hbm>> -> memref<10240x128xf32, #tpu.memory_space<hbm>>
      tpu.wait_indirect_dma semaphore(%arg20 : memref<!tpu.dma_semaphore, #tpu.memory_space<semaphore_mem>>) src(%dma_wait3A_966 : memref<10240x128xf32, #tpu.memory_space<hbm>>) dst(%dma_wait3A_960 : memref<32x128xf32, #tpu.memory_space<vmem>>)
      %scan3A_967 = arith.constant 0 : i32
      %scan3A_968 = arith.constant 0 : i32
      %scan3A_969 = arith.constant 128 : i32
      %scan3A_970 = arith.addi %scan3A_968, %scan3A_969 : i32
      %scan3A_971 = arith.constant 1 : i32
      scf.for %scan3A_974 = %scan3A_968 to %scan3A_970 step %scan3A_971  : i32 {
        %broadcast_in_dim3A_975 = arith.constant 0 : i32
        %broadcast_in_dim3A_976 = vector.broadcast %broadcast_in_dim3A_975 : i32 to vector<16xi32>
        %add3A_977 = vector.broadcast %scan3A_974 : i32 to vector<16xi32>
        %add3A_978 = arith.addi %broadcast_in_dim3A_976, %add3A_977 : vector<16xi32>
        %broadcast_in_dim3A_979 = arith.constant 0 : i32
        %broadcast_in_dim3A_980 = vector.broadcast %broadcast_in_dim3A_979 : i32 to vector<16xi32>
        %gather3A_981 = tpu.vector_load_idx %arg13[%broadcast_in_dim3A_980, %add3A_978] : memref<4x128xf32, #tpu.memory_space<vmem>>[vector<16xi32>, vector<16xi32>], vector<16xf32>,
        %get3A_982 = arith.index_cast %scan3A_974 : i32 to index
        %get3A_983 = arith.constant 0 : index
        %get3A_984 = tpu.vector_load %arg15[%get3A_982, %get3A_983] {strides = array<i32>} : memref<128x128xf32, #tpu.memory_space<vmem>>, vector<16xf32>,
        %mul3A_985 = arith.mulf %get3A_984, %gather3A_981 : vector<16xf32>
        %swap3A = arith.index_cast %scan3A_974 : i32 to index
        %swap3A_986 = arith.constant 0 : index
        %swap3A_987 = tpu.vector_load %arg15[%swap3A, %swap3A_986] {strides = array<i32>} : memref<128x128xf32, #tpu.memory_space<vmem>>, vector<16xf32>,
        tpu.vector_store %arg15[%swap3A, %swap3A_986], %mul3A_985 {strides = array<i32>} : memref<128x128xf32, #tpu.memory_space<vmem>>, vector<16xf32>,
        %get3A_988 = arith.index_cast %scan3A_974 : i32 to index
        %get3A_989 = arith.constant 16 : index
        %get3A_990 = tpu.vector_load %arg15[%get3A_988, %get3A_989] {strides = array<i32>} : memref<128x128xf32, #tpu.memory_space<vmem>>, vector<16xf32>,
        %mul3A_991 = arith.mulf %get3A_990, %gather3A_981 : vector<16xf32>
        %swap3A_992 = arith.index_cast %scan3A_974 : i32 to index
        %swap3A_993 = arith.constant 16 : index
        %swap3A_994 = tpu.vector_load %arg15[%swap3A_992, %swap3A_993] {strides = array<i32>} : memref<128x128xf32, #tpu.memory_space<vmem>>, vector<16xf32>,
        tpu.vector_store %arg15[%swap3A_992, %swap3A_993], %mul3A_991 {strides = array<i32>} : memref<128x128xf32, #tpu.memory_space<vmem>>, vector<16xf32>,
        %broadcast_in_dim3A_995 = arith.constant 1 : i32
        %broadcast_in_dim3A_996 = vector.broadcast %broadcast_in_dim3A_995 : i32 to vector<16xi32>
        %gather3A_997 = tpu.vector_load_idx %arg13[%broadcast_in_dim3A_996, %add3A_978] : memref<4x128xf32, #tpu.memory_space<vmem>>[vector<16xi32>, vector<16xi32>], vector<16xf32>,
        %get3A_998 = arith.index_cast %scan3A_974 : i32 to index
        %get3A_999 = arith.constant 32 : index
        %get3A_1000 = tpu.vector_load %arg15[%get3A_998, %get3A_999] {strides = array<i32>} : memref<128x128xf32, #tpu.memory_space<vmem>>, vector<16xf32>,
        %mul3A_1001 = arith.mulf %get3A_1000, %gather3A_997 : vector<16xf32>
        %swap3A_1002 = arith.index_cast %scan3A_974 : i32 to index
        %swap3A_1003 = arith.constant 32 : index
        %swap3A_1004 = tpu.vector_load %arg15[%swap3A_1002, %swap3A_1003] {strides = array<i32>} : memref<128x128xf32, #tpu.memory_space<vmem>>, vector<16xf32>,
        tpu.vector_store %arg15[%swap3A_1002, %swap3A_1003], %mul3A_1001 {strides = array<i32>} : memref<128x128xf32, #tpu.memory_space<vmem>>, vector<16xf32>,
        %get3A_1005 = arith.index_cast %scan3A_974 : i32 to index
        %get3A_1006 = arith.constant 48 : index
        %get3A_1007 = tpu.vector_load %arg15[%get3A_1005, %get3A_1006] {strides = array<i32>} : memref<128x128xf32, #tpu.memory_space<vmem>>, vector<16xf32>,
        %mul3A_1008 = arith.mulf %get3A_1007, %gather3A_997 : vector<16xf32>
        %swap3A_1009 = arith.index_cast %scan3A_974 : i32 to index
        %swap3A_1010 = arith.constant 48 : index
        %swap3A_1011 = tpu.vector_load %arg15[%swap3A_1009, %swap3A_1010] {strides = array<i32>} : memref<128x128xf32, #tpu.memory_space<vmem>>, vector<16xf32>,
        tpu.vector_store %arg15[%swap3A_1009, %swap3A_1010], %mul3A_1008 {strides = array<i32>} : memref<128x128xf32, #tpu.memory_space<vmem>>, vector<16xf32>,
        %broadcast_in_dim3A_1012 = arith.constant 2 : i32
        %broadcast_in_dim3A_1013 = vector.broadcast %broadcast_in_dim3A_1012 : i32 to vector<16xi32>
        %gather3A_1014 = tpu.vector_load_idx %arg13[%broadcast_in_dim3A_1013, %add3A_978] : memref<4x128xf32, #tpu.memory_space<vmem>>[vector<16xi32>, vector<16xi32>], vector<16xf32>,
        %get3A_1015 = arith.index_cast %scan3A_974 : i32 to index
        %get3A_1016 = arith.constant 64 : index
        %get3A_1017 = tpu.vector_load %arg15[%get3A_1015, %get3A_1016] {strides = array<i32>} : memref<128x128xf32, #tpu.memory_space<vmem>>, vector<16xf32>,
        %mul3A_1018 = arith.mulf %get3A_1017, %gather3A_1014 : vector<16xf32>
        %swap3A_1019 = arith.index_cast %scan3A_974 : i32 to index
        %swap3A_1020 = arith.constant 64 : index
        %swap3A_1021 = tpu.vector_load %arg15[%swap3A_1019, %swap3A_1020] {strides = array<i32>} : memref<128x128xf32, #tpu.memory_space<vmem>>, vector<16xf32>,
        tpu.vector_store %arg15[%swap3A_1019, %swap3A_1020], %mul3A_1018 {strides = array<i32>} : memref<128x128xf32, #tpu.memory_space<vmem>>, vector<16xf32>,
        %get3A_1022 = arith.index_cast %scan3A_974 : i32 to index
        %get3A_1023 = arith.constant 80 : index
        %get3A_1024 = tpu.vector_load %arg15[%get3A_1022, %get3A_1023] {strides = array<i32>} : memref<128x128xf32, #tpu.memory_space<vmem>>, vector<16xf32>,
        %mul3A_1025 = arith.mulf %get3A_1024, %gather3A_1014 : vector<16xf32>
        %swap3A_1026 = arith.index_cast %scan3A_974 : i32 to index
        %swap3A_1027 = arith.constant 80 : index
        %swap3A_1028 = tpu.vector_load %arg15[%swap3A_1026, %swap3A_1027] {strides = array<i32>} : memref<128x128xf32, #tpu.memory_space<vmem>>, vector<16xf32>,
        tpu.vector_store %arg15[%swap3A_1026, %swap3A_1027], %mul3A_1025 {strides = array<i32>} : memref<128x128xf32, #tpu.memory_space<vmem>>, vector<16xf32>,
        %broadcast_in_dim3A_1029 = arith.constant 3 : i32
        %broadcast_in_dim3A_1030 = vector.broadcast %broadcast_in_dim3A_1029 : i32 to vector<16xi32>
        %gather3A_1031 = tpu.vector_load_idx %arg13[%broadcast_in_dim3A_1030, %add3A_978] : memref<4x128xf32, #tpu.memory_space<vmem>>[vector<16xi32>, vector<16xi32>], vector<16xf32>,
        %get3A_1032 = arith.index_cast %scan3A_974 : i32 to index
        %get3A_1033 = arith.constant 96 : index
        %get3A_1034 = tpu.vector_load %arg15[%get3A_1032, %get3A_1033] {strides = array<i32>} : memref<128x128xf32, #tpu.memory_space<vmem>>, vector<16xf32>,
        %mul3A_1035 = arith.mulf %get3A_1034, %gather3A_1031 : vector<16xf32>
        %swap3A_1036 = arith.index_cast %scan3A_974 : i32 to index
        %swap3A_1037 = arith.constant 96 : index
        %swap3A_1038 = tpu.vector_load %arg15[%swap3A_1036, %swap3A_1037] {strides = array<i32>} : memref<128x128xf32, #tpu.memory_space<vmem>>, vector<16xf32>,
        tpu.vector_store %arg15[%swap3A_1036, %swap3A_1037], %mul3A_1035 {strides = array<i32>} : memref<128x128xf32, #tpu.memory_space<vmem>>, vector<16xf32>,
        %get3A_1039 = arith.index_cast %scan3A_974 : i32 to index
        %get3A_1040 = arith.constant 112 : index
        %get3A_1041 = tpu.vector_load %arg15[%get3A_1039, %get3A_1040] {strides = array<i32>} : memref<128x128xf32, #tpu.memory_space<vmem>>, vector<16xf32>,
        %mul3A_1042 = arith.mulf %get3A_1041, %gather3A_1031 : vector<16xf32>
        %swap3A_1043 = arith.index_cast %scan3A_974 : i32 to index
        %swap3A_1044 = arith.constant 112 : index
        %swap3A_1045 = tpu.vector_load %arg15[%swap3A_1043, %swap3A_1044] {strides = array<i32>} : memref<128x128xf32, #tpu.memory_space<vmem>>, vector<16xf32>,
        tpu.vector_store %arg15[%swap3A_1043, %swap3A_1044], %mul3A_1042 {strides = array<i32>} : memref<128x128xf32, #tpu.memory_space<vmem>>, vector<16xf32>,
      }
      %scan3A_972 = arith.constant 128 : i32
      %run_scoped3A_973 = arith.constant 0 : i32
      "tpu.region"() ({
        %run_scoped3A_974 = tpu.sem_alloc : memref<!tpu.dma_semaphore, #tpu.memory_space<semaphore_mem>>
        %dma_start3A_975 = arith.constant 0 : i32
        %dma_start3A_976 = tpu.memref_slice %arg12[%run_scoped3A_973, %dma_start3A_975] : memref<1x128xi32, #tpu.memory_space<vmem>> -> memref<1x128xi32, #tpu.memory_space<vmem>>
        %dma_start3A_977 = tpu.memref_squeeze %dma_start3A_976 : memref<1x128xi32, #tpu.memory_space<vmem>> -> memref<128xi32, #tpu.memory_space<vmem>>
        %dma_start3A_978 = arith.constant 0 : i32
        %dma_start3A_979 = arith.constant 0 : i32
        %dma_start3A_980 = tpu.memref_slice %arg18[%dma_start3A_978, %dma_start3A_979] : memref<5120x128xf32, #tpu.memory_space<vmem_shared>> -> memref<5120x128xf32, #tpu.memory_space<vmem_shared>>
        tpu.enqueue_indirect_dma source(%arg15 : memref<128x128xf32, #tpu.memory_space<vmem>>) target(%dma_start3A_980 : memref<5120x128xf32, #tpu.memory_space<vmem_shared>>) offsets(%dma_start3A_977 : memref<128xi32, #tpu.memory_space<vmem>>) semaphore(%run_scoped3A_974 : memref<!tpu.dma_semaphore, #tpu.memory_space<semaphore_mem>>) {add = true}
        %dma_wait3A_981 = arith.constant 0 : i32
        %dma_wait3A_982 = tpu.memref_slice %arg12[%run_scoped3A_973, %dma_wait3A_981] : memref<1x128xi32, #tpu.memory_space<vmem>> -> memref<1x128xi32, #tpu.memory_space<vmem>>
        %dma_wait3A_983 = tpu.memref_squeeze %dma_wait3A_982 : memref<1x128xi32, #tpu.memory_space<vmem>> -> memref<128xi32, #tpu.memory_space<vmem>>
        %dma_wait3A_984 = arith.constant 0 : i32
        %dma_wait3A_985 = arith.constant 0 : i32
        %dma_wait3A_986 = tpu.memref_slice %arg18[%dma_wait3A_984, %dma_wait3A_985] : memref<5120x128xf32, #tpu.memory_space<vmem_shared>> -> memref<5120x128xf32, #tpu.memory_space<vmem_shared>>
        tpu.wait_indirect_dma semaphore(%run_scoped3A_974 : memref<!tpu.dma_semaphore, #tpu.memory_space<semaphore_mem>>) src(%arg15 : memref<128x128xf32, #tpu.memory_space<vmem>>) dst(%dma_wait3A_986 : memref<5120x128xf32, #tpu.memory_space<vmem_shared>>)
        tpu.yield
      }) : () -> ()
    }
    %scan3A_18 = arith.constant 81 : i32
    %barrier3A_19 = arith.constant 0 : index
    tpu.barrier barrier_id(%barrier3A_19)
    %run_scoped3A_20 = arith.constant 1 : i32
    "tpu.region"() ({
      %run_scoped3A_22 = tpu.sem_alloc : memref<!tpu.dma_semaphore, #tpu.memory_space<semaphore_mem>>
      %dma_start3A = arith.constant 0 : i32
      %dma_start3A_23 = tpu.memref_slice %arg9[%arg0, %run_scoped3A_20, %mul3A_2, %dma_start3A] : memref<2x2x5120x128xf32, #tpu.memory_space<hbm>> -> memref<1x1x320x128xf32, #tpu.memory_space<hbm>>
      %dma_start3A_24 = tpu.memref_squeeze %dma_start3A_23 : memref<1x1x320x128xf32, #tpu.memory_space<hbm>> -> memref<320x128xf32, #tpu.memory_space<hbm>>
      %dma_start3A_25 = arith.constant 0 : i32
      %dma_start3A_26 = tpu.memref_slice %arg18[%mul3A_2, %dma_start3A_25] : memref<5120x128xf32, #tpu.memory_space<vmem_shared>> -> memref<320x128xf32, #tpu.memory_space<vmem_shared>>
      tpu.enqueue_dma source(%dma_start3A_26 : memref<320x128xf32, #tpu.memory_space<vmem_shared>>) target(%dma_start3A_24 : memref<320x128xf32, #tpu.memory_space<hbm>>) target_semaphore(%run_scoped3A_22 : memref<!tpu.dma_semaphore, #tpu.memory_space<semaphore_mem>>)
      %dma_wait3A = arith.constant 0 : i32
      %dma_wait3A_27 = tpu.memref_slice %arg9[%arg0, %run_scoped3A_20, %mul3A_2, %dma_wait3A] : memref<2x2x5120x128xf32, #tpu.memory_space<hbm>> -> memref<1x1x320x128xf32, #tpu.memory_space<hbm>>
      %dma_wait3A_28 = tpu.memref_squeeze %dma_wait3A_27 : memref<1x1x320x128xf32, #tpu.memory_space<hbm>> -> memref<320x128xf32, #tpu.memory_space<hbm>>
      %dma_wait3A_29 = arith.constant 0 : i32
      %dma_wait3A_30 = tpu.memref_slice %arg18[%mul3A_2, %dma_wait3A_29] : memref<5120x128xf32, #tpu.memory_space<vmem_shared>> -> memref<320x128xf32, #tpu.memory_space<vmem_shared>>
      tpu.wait_dma2 semaphore(%run_scoped3A_22 : memref<!tpu.dma_semaphore, #tpu.memory_space<semaphore_mem>>) src(%dma_wait3A_30 : memref<320x128xf32, #tpu.memory_space<vmem_shared>>) dst(%dma_wait3A_28 : memref<320x128xf32, #tpu.memory_space<hbm>>)
      tpu.yield
    }) : () -> ()
    %run_scoped3A_21 = arith.constant 1 : i32
    "tpu.region"() ({
      %run_scoped3A_22 = tpu.sem_alloc : memref<!tpu.dma_semaphore, #tpu.memory_space<semaphore_mem>>
      %dma_start3A = tpu.memref_slice %arg10[%arg0, %run_scoped3A_21, %mul3A_4] : memref<2x2x20480xf32, #tpu.memory_space<hbm>> -> memref<1x1x1280xf32, #tpu.memory_space<hbm>>
      %dma_start3A_23 = tpu.memref_squeeze %dma_start3A : memref<1x1x1280xf32, #tpu.memory_space<hbm>> -> memref<1280xf32, #tpu.memory_space<hbm>>
      %dma_start3A_24 = tpu.memref_slice %arg19[%mul3A_4] : memref<20480xf32, #tpu.memory_space<vmem_shared>> -> memref<1280xf32, #tpu.memory_space<vmem_shared>>
      tpu.enqueue_dma source(%dma_start3A_24 : memref<1280xf32, #tpu.memory_space<vmem_shared>>) target(%dma_start3A_23 : memref<1280xf32, #tpu.memory_space<hbm>>) target_semaphore(%run_scoped3A_22 : memref<!tpu.dma_semaphore, #tpu.memory_space<semaphore_mem>>)
      %dma_wait3A = tpu.memref_slice %arg10[%arg0, %run_scoped3A_21, %mul3A_4] : memref<2x2x20480xf32, #tpu.memory_space<hbm>> -> memref<1x1x1280xf32, #tpu.memory_space<hbm>>
      %dma_wait3A_25 = tpu.memref_squeeze %dma_wait3A : memref<1x1x1280xf32, #tpu.memory_space<hbm>> -> memref<1280xf32, #tpu.memory_space<hbm>>
      %dma_wait3A_26 = tpu.memref_slice %arg19[%mul3A_4] : memref<20480xf32, #tpu.memory_space<vmem_shared>> -> memref<1280xf32, #tpu.memory_space<vmem_shared>>
      tpu.wait_dma2 semaphore(%run_scoped3A_22 : memref<!tpu.dma_semaphore, #tpu.memory_space<semaphore_mem>>) src(%dma_wait3A_26 : memref<1280xf32, #tpu.memory_space<vmem_shared>>) dst(%dma_wait3A_25 : memref<1280xf32, #tpu.memory_space<hbm>>)
      tpu.yield
    }) : () -> ()
    return
  }
}

module attributes {stable_mosaic.version = 14 : i64} {
  func.func @_pre_body(%arg0: i32, %arg1: memref<1280x128xf32, #tpu.memory_space<vmem>>, %arg2: memref<128x128xf32, #tpu.memory_space<vmem>>, %arg3: memref<128xf32, #tpu.memory_space<vmem>>, %arg4: memref<128xf32, #tpu.memory_space<vmem>>, %arg5: memref<128x128xf32, #tpu.memory_space<vmem>>, %arg6: memref<128xf32, #tpu.memory_space<vmem>>, %arg7: memref<1280x128xf32, #tpu.memory_space<vmem>>, %arg8: memref<1280x4xf32, #tpu.memory_space<vmem>>, %arg9: memref<1280x4xf32, #tpu.memory_space<vmem>>, %arg10: memref<1280x128xf32, #tpu.memory_space<vmem>>) attributes {dimension_semantics = [#tpu.dimension_semantics<arbitrary>], iteration_bounds = array<i64: 8>, scalar_prefetch = 0 : i64, scratch_operands = 0 : i64, tpu.core_type = #tpu.core_type<tc>, window_params = [{transform_indices = @transform_0, window_bounds = array<i64: 1280, 128>}, {pipeline_mode = #tpu.pipeline_mode<synchronous>, transform_indices = @transform_1, window_bounds = array<i64: 128, 128>}, {pipeline_mode = #tpu.pipeline_mode<synchronous>, transform_indices = @transform_2, window_bounds = array<i64: 128>}, {pipeline_mode = #tpu.pipeline_mode<synchronous>, transform_indices = @transform_3, window_bounds = array<i64: 128>}, {pipeline_mode = #tpu.pipeline_mode<synchronous>, transform_indices = @transform_4, window_bounds = array<i64: 128, 128>}, {pipeline_mode = #tpu.pipeline_mode<synchronous>, transform_indices = @transform_5, window_bounds = array<i64: 128>}, {transform_indices = @transform_6, window_bounds = array<i64: 1280, 128>}, {transform_indices = @transform_7, window_bounds = array<i64: 1280, 4>}, {transform_indices = @transform_8, window_bounds = array<i64: 1280, 4>}, {transform_indices = @transform_9, window_bounds = array<i64: 1280, 128>}]} {
    %get3A = arith.constant 0 : index
    %get3A_0 = arith.constant 0 : index
    %get3A_1 = vector.load %arg1[%get3A, %get3A_0] : memref<1280x128xf32, #tpu.memory_space<vmem>>, vector<1280x128xf32>
    %get3A_2 = arith.constant 0 : index
    %get3A_3 = arith.constant 0 : index
    %get3A_4 = vector.load %arg2[%get3A_2, %get3A_3] : memref<128x128xf32, #tpu.memory_space<vmem>>, vector<128x128xf32>
    %dot_general3A = arith.constant dense<0.000000e+00> : vector<1280x128xf32>
    %dot_general3A_5 = tpu.matmul %get3A_1, %get3A_4, %dot_general3A {dimension_numbers = #tpu.dot_dimension_numbers<[1], [0], [0], [1], [0, 0, 1, 1], [], []>, transpose_lhs_hint = false} : vector<1280x128xf32>, vector<128x128xf32>, vector<1280x128xf32> -> vector<1280x128xf32>
    %swap3A = arith.constant 0 : index
    %swap3A_6 = arith.constant 0 : index
    %swap3A_7 = vector.load %arg7[%swap3A, %swap3A_6] : memref<1280x128xf32, #tpu.memory_space<vmem>>, vector<1280x128xf32>
    tpu.vector_store %arg7[%swap3A, %swap3A_6], %dot_general3A_5 {strides = array<i32>} : memref<1280x128xf32, #tpu.memory_space<vmem>>, vector<1280x128xf32>,
    %get3A_8 = arith.constant 0 : index
    %get3A_9 = vector.load %arg3[%get3A_8] : memref<128xf32, #tpu.memory_space<vmem>>, vector<128xf32>
    %broadcast_in_dim3A = vector.shape_cast %get3A_9 : vector<128xf32> to vector<1x128xf32>
    %mul3A = vector.broadcast %broadcast_in_dim3A : vector<1x128xf32> to vector<1280x128xf32>
    %mul3A_10 = arith.mulf %dot_general3A_5, %mul3A : vector<1280x128xf32>
    %get3A_11 = arith.constant 0 : index
    %get3A_12 = vector.load %arg4[%get3A_11] : memref<128xf32, #tpu.memory_space<vmem>>, vector<128xf32>
    %broadcast_in_dim3A_13 = vector.shape_cast %get3A_12 : vector<128xf32> to vector<1x128xf32>
    %mul3A_14 = vector.broadcast %broadcast_in_dim3A_13 : vector<1x128xf32> to vector<1280x128xf32>
    %mul3A_15 = arith.mulf %dot_general3A_5, %mul3A_14 : vector<1280x128xf32>
    %slice3A = vector.extract_strided_slice %mul3A_10 {offsets = [0, 0], sizes = [1280, 32], strides = [1, 1]} : vector<1280x128xf32> to vector<1280x32xf32>
    %reduce_sum3A = arith.constant dense<0.000000e+00> : vector<1280xf32>
    %reduce_sum3A_16 = vector.multi_reduction <add>, %slice3A, %reduce_sum3A [1] : vector<1280x32xf32> to vector<1280xf32>
    %broadcast_in_dim3A_17 = vector.shape_cast %reduce_sum3A_16 : vector<1280xf32> to vector<1280x1xf32>
    %swap3A_18 = arith.constant 0 : index
    %swap3A_19 = arith.constant 0 : index
    %swap3A_20 = vector.load %arg8[%swap3A_18, %swap3A_19] : memref<1280x4xf32, #tpu.memory_space<vmem>>, vector<1280x1xf32>
    tpu.vector_store %arg8[%swap3A_18, %swap3A_19], %broadcast_in_dim3A_17 {strides = array<i32>} : memref<1280x4xf32, #tpu.memory_space<vmem>>, vector<1280x1xf32>,
    %slice3A_21 = vector.extract_strided_slice %mul3A_15 {offsets = [0, 0], sizes = [1280, 32], strides = [1, 1]} : vector<1280x128xf32> to vector<1280x32xf32>
    %reduce_sum3A_22 = arith.constant dense<0.000000e+00> : vector<1280xf32>
    %reduce_sum3A_23 = vector.multi_reduction <add>, %slice3A_21, %reduce_sum3A_22 [1] : vector<1280x32xf32> to vector<1280xf32>
    %broadcast_in_dim3A_24 = vector.shape_cast %reduce_sum3A_23 : vector<1280xf32> to vector<1280x1xf32>
    %swap3A_25 = arith.constant 0 : index
    %swap3A_26 = arith.constant 0 : index
    %swap3A_27 = vector.load %arg9[%swap3A_25, %swap3A_26] : memref<1280x4xf32, #tpu.memory_space<vmem>>, vector<1280x1xf32>
    tpu.vector_store %arg9[%swap3A_25, %swap3A_26], %broadcast_in_dim3A_24 {strides = array<i32>} : memref<1280x4xf32, #tpu.memory_space<vmem>>, vector<1280x1xf32>,
    %slice3A_28 = vector.extract_strided_slice %mul3A_10 {offsets = [0, 32], sizes = [1280, 32], strides = [1, 1]} : vector<1280x128xf32> to vector<1280x32xf32>
    %reduce_sum3A_29 = arith.constant dense<0.000000e+00> : vector<1280xf32>
    %reduce_sum3A_30 = vector.multi_reduction <add>, %slice3A_28, %reduce_sum3A_29 [1] : vector<1280x32xf32> to vector<1280xf32>
    %broadcast_in_dim3A_31 = vector.shape_cast %reduce_sum3A_30 : vector<1280xf32> to vector<1280x1xf32>
    %swap3A_32 = arith.constant 0 : index
    %swap3A_33 = arith.constant 1 : index
    %swap3A_34 = vector.load %arg8[%swap3A_32, %swap3A_33] : memref<1280x4xf32, #tpu.memory_space<vmem>>, vector<1280x1xf32>
    tpu.vector_store %arg8[%swap3A_32, %swap3A_33], %broadcast_in_dim3A_31 {strides = array<i32>} : memref<1280x4xf32, #tpu.memory_space<vmem>>, vector<1280x1xf32>,
    %slice3A_35 = vector.extract_strided_slice %mul3A_15 {offsets = [0, 32], sizes = [1280, 32], strides = [1, 1]} : vector<1280x128xf32> to vector<1280x32xf32>
    %reduce_sum3A_36 = arith.constant dense<0.000000e+00> : vector<1280xf32>
    %reduce_sum3A_37 = vector.multi_reduction <add>, %slice3A_35, %reduce_sum3A_36 [1] : vector<1280x32xf32> to vector<1280xf32>
    %broadcast_in_dim3A_38 = vector.shape_cast %reduce_sum3A_37 : vector<1280xf32> to vector<1280x1xf32>
    %swap3A_39 = arith.constant 0 : index
    %swap3A_40 = arith.constant 1 : index
    %swap3A_41 = vector.load %arg9[%swap3A_39, %swap3A_40] : memref<1280x4xf32, #tpu.memory_space<vmem>>, vector<1280x1xf32>
    tpu.vector_store %arg9[%swap3A_39, %swap3A_40], %broadcast_in_dim3A_38 {strides = array<i32>} : memref<1280x4xf32, #tpu.memory_space<vmem>>, vector<1280x1xf32>,
    %slice3A_42 = vector.extract_strided_slice %mul3A_10 {offsets = [0, 64], sizes = [1280, 32], strides = [1, 1]} : vector<1280x128xf32> to vector<1280x32xf32>
    %reduce_sum3A_43 = arith.constant dense<0.000000e+00> : vector<1280xf32>
    %reduce_sum3A_44 = vector.multi_reduction <add>, %slice3A_42, %reduce_sum3A_43 [1] : vector<1280x32xf32> to vector<1280xf32>
    %broadcast_in_dim3A_45 = vector.shape_cast %reduce_sum3A_44 : vector<1280xf32> to vector<1280x1xf32>
    %swap3A_46 = arith.constant 0 : index
    %swap3A_47 = arith.constant 2 : index
    %swap3A_48 = vector.load %arg8[%swap3A_46, %swap3A_47] : memref<1280x4xf32, #tpu.memory_space<vmem>>, vector<1280x1xf32>
    tpu.vector_store %arg8[%swap3A_46, %swap3A_47], %broadcast_in_dim3A_45 {strides = array<i32>} : memref<1280x4xf32, #tpu.memory_space<vmem>>, vector<1280x1xf32>,
    %slice3A_49 = vector.extract_strided_slice %mul3A_15 {offsets = [0, 64], sizes = [1280, 32], strides = [1, 1]} : vector<1280x128xf32> to vector<1280x32xf32>
    %reduce_sum3A_50 = arith.constant dense<0.000000e+00> : vector<1280xf32>
    %reduce_sum3A_51 = vector.multi_reduction <add>, %slice3A_49, %reduce_sum3A_50 [1] : vector<1280x32xf32> to vector<1280xf32>
    %broadcast_in_dim3A_52 = vector.shape_cast %reduce_sum3A_51 : vector<1280xf32> to vector<1280x1xf32>
    %swap3A_53 = arith.constant 0 : index
    %swap3A_54 = arith.constant 2 : index
    %swap3A_55 = vector.load %arg9[%swap3A_53, %swap3A_54] : memref<1280x4xf32, #tpu.memory_space<vmem>>, vector<1280x1xf32>
    tpu.vector_store %arg9[%swap3A_53, %swap3A_54], %broadcast_in_dim3A_52 {strides = array<i32>} : memref<1280x4xf32, #tpu.memory_space<vmem>>, vector<1280x1xf32>,
    %slice3A_56 = vector.extract_strided_slice %mul3A_10 {offsets = [0, 96], sizes = [1280, 32], strides = [1, 1]} : vector<1280x128xf32> to vector<1280x32xf32>
    %reduce_sum3A_57 = arith.constant dense<0.000000e+00> : vector<1280xf32>
    %reduce_sum3A_58 = vector.multi_reduction <add>, %slice3A_56, %reduce_sum3A_57 [1] : vector<1280x32xf32> to vector<1280xf32>
    %broadcast_in_dim3A_59 = vector.shape_cast %reduce_sum3A_58 : vector<1280xf32> to vector<1280x1xf32>
    %swap3A_60 = arith.constant 0 : index
    %swap3A_61 = arith.constant 3 : index
    %swap3A_62 = vector.load %arg8[%swap3A_60, %swap3A_61] : memref<1280x4xf32, #tpu.memory_space<vmem>>, vector<1280x1xf32>
    tpu.vector_store %arg8[%swap3A_60, %swap3A_61], %broadcast_in_dim3A_59 {strides = array<i32>} : memref<1280x4xf32, #tpu.memory_space<vmem>>, vector<1280x1xf32>,
    %slice3A_63 = vector.extract_strided_slice %mul3A_15 {offsets = [0, 96], sizes = [1280, 32], strides = [1, 1]} : vector<1280x128xf32> to vector<1280x32xf32>
    %reduce_sum3A_64 = arith.constant dense<0.000000e+00> : vector<1280xf32>
    %reduce_sum3A_65 = vector.multi_reduction <add>, %slice3A_63, %reduce_sum3A_64 [1] : vector<1280x32xf32> to vector<1280xf32>
    %broadcast_in_dim3A_66 = vector.shape_cast %reduce_sum3A_65 : vector<1280xf32> to vector<1280x1xf32>
    %swap3A_67 = arith.constant 0 : index
    %swap3A_68 = arith.constant 3 : index
    %swap3A_69 = vector.load %arg9[%swap3A_67, %swap3A_68] : memref<1280x4xf32, #tpu.memory_space<vmem>>, vector<1280x1xf32>
    tpu.vector_store %arg9[%swap3A_67, %swap3A_68], %broadcast_in_dim3A_66 {strides = array<i32>} : memref<1280x4xf32, #tpu.memory_space<vmem>>, vector<1280x1xf32>,
    %get3A_70 = arith.constant 0 : index
    %get3A_71 = arith.constant 0 : index
    %get3A_72 = vector.load %arg5[%get3A_70, %get3A_71] : memref<128x128xf32, #tpu.memory_space<vmem>>, vector<128x128xf32>
    %dot_general3A_73 = arith.constant dense<0.000000e+00> : vector<1280x128xf32>
    %dot_general3A_74 = tpu.matmul %get3A_1, %get3A_72, %dot_general3A_73 {dimension_numbers = #tpu.dot_dimension_numbers<[1], [0], [0], [1], [0, 0, 1, 1], [], []>, transpose_lhs_hint = false} : vector<1280x128xf32>, vector<128x128xf32>, vector<1280x128xf32> -> vector<1280x128xf32>
    %get3A_75 = arith.constant 0 : index
    %get3A_76 = vector.load %arg6[%get3A_75] : memref<128xf32, #tpu.memory_space<vmem>>, vector<128xf32>
    %broadcast_in_dim3A_77 = vector.shape_cast %get3A_76 : vector<128xf32> to vector<1x128xf32>
    %add3A = vector.broadcast %broadcast_in_dim3A_77 : vector<1x128xf32> to vector<1280x128xf32>
    %add3A_78 = arith.addf %dot_general3A_74, %add3A : vector<1280x128xf32>
    %swap3A_79 = arith.constant 0 : index
    %swap3A_80 = arith.constant 0 : index
    %swap3A_81 = vector.load %arg10[%swap3A_79, %swap3A_80] : memref<1280x128xf32, #tpu.memory_space<vmem>>, vector<1280x128xf32>
    tpu.vector_store %arg10[%swap3A_79, %swap3A_80], %add3A_78 {strides = array<i32>} : memref<1280x128xf32, #tpu.memory_space<vmem>>, vector<1280x128xf32>,
    return
  }
  func.func @transform_0(%arg0: i32) -> (i32, i32) {
    %c0_i32 = arith.constant 0 : i32
    %c0_i32_0 = arith.constant 0 : i32
    return %arg0, %c0_i32 : i32, i32
  }
  func.func @transform_1(%arg0: i32) -> (i32, i32) {
    %c0_i32 = arith.constant 0 : i32
    %c0_i32_0 = arith.constant 0 : i32
    %c0_i32_1 = arith.constant 0 : i32
    return %c0_i32, %c0_i32_0 : i32, i32
  }
  func.func @transform_2(%arg0: i32) -> i32 {
    %c0_i32 = arith.constant 0 : i32
    %c0_i32_0 = arith.constant 0 : i32
    return %c0_i32 : i32
  }
  func.func @transform_3(%arg0: i32) -> i32 {
    %c0_i32 = arith.constant 0 : i32
    %c0_i32_0 = arith.constant 0 : i32
    return %c0_i32 : i32
  }
  func.func @transform_4(%arg0: i32) -> (i32, i32) {
    %c0_i32 = arith.constant 0 : i32
    %c0_i32_0 = arith.constant 0 : i32
    %c0_i32_1 = arith.constant 0 : i32
    return %c0_i32, %c0_i32_0 : i32, i32
  }
  func.func @transform_5(%arg0: i32) -> i32 {
    %c0_i32 = arith.constant 0 : i32
    %c0_i32_0 = arith.constant 0 : i32
    return %c0_i32 : i32
  }
  func.func @transform_6(%arg0: i32) -> (i32, i32) {
    %c0_i32 = arith.constant 0 : i32
    %c0_i32_0 = arith.constant 0 : i32
    return %arg0, %c0_i32 : i32, i32
  }
  func.func @transform_7(%arg0: i32) -> (i32, i32) {
    %c0_i32 = arith.constant 0 : i32
    %c0_i32_0 = arith.constant 0 : i32
    return %arg0, %c0_i32 : i32, i32
  }
  func.func @transform_8(%arg0: i32) -> (i32, i32) {
    %c0_i32 = arith.constant 0 : i32
    %c0_i32_0 = arith.constant 0 : i32
    return %arg0, %c0_i32 : i32, i32
  }
  func.func @transform_9(%arg0: i32) -> (i32, i32) {
    %c0_i32 = arith.constant 0 : i32
    %c0_i32_0 = arith.constant 0 : i32
    return %arg0, %c0_i32 : i32, i32
  }
}

module attributes {stable_mosaic.version = 14 : i64} {
  func.func @_post_body(%arg0: i32, %arg1: memref<2x1000x128xf32, #tpu.memory_space<vmem>>, %arg2: memref<2x1000x4xf32, #tpu.memory_space<vmem>>, %arg3: memref<1000x128xf32, #tpu.memory_space<vmem>>, %arg4: memref<128xf32, #tpu.memory_space<vmem>>, %arg5: memref<128xf32, #tpu.memory_space<vmem>>, %arg6: memref<128xf32, #tpu.memory_space<vmem>>, %arg7: memref<1000x128xf32, #tpu.memory_space<vmem>>) attributes {dimension_semantics = [#tpu.dimension_semantics<arbitrary>], iteration_bounds = array<i64: 10>, scalar_prefetch = 0 : i64, scratch_operands = 0 : i64, tpu.core_type = #tpu.core_type<tc>, window_params = [{transform_indices = @transform_0, window_bounds = array<i64: 2, 1000, 128>}, {transform_indices = @transform_1, window_bounds = array<i64: 2, 1000, 4>}, {transform_indices = @transform_2, window_bounds = array<i64: 1000, 128>}, {pipeline_mode = #tpu.pipeline_mode<synchronous>, transform_indices = @transform_3, window_bounds = array<i64: 128>}, {pipeline_mode = #tpu.pipeline_mode<synchronous>, transform_indices = @transform_4, window_bounds = array<i64: 128>}, {pipeline_mode = #tpu.pipeline_mode<synchronous>, transform_indices = @transform_5, window_bounds = array<i64: 128>}, {transform_indices = @transform_6, window_bounds = array<i64: 1000, 128>}]} {
    %get3A = arith.constant 0 : index
    %get3A_0 = arith.constant 0 : index
    %get3A_1 = arith.constant 0 : index
    %get3A_2 = vector.load %arg1[%get3A, %get3A_0, %get3A_1] : memref<2x1000x128xf32, #tpu.memory_space<vmem>>, vector<1x1000x128xf32>
    %get3A_3 = vector.shape_cast %get3A_2 : vector<1x1000x128xf32> to vector<1000x128xf32>
    %get3A_4 = arith.constant 1 : index
    %get3A_5 = arith.constant 0 : index
    %get3A_6 = arith.constant 0 : index
    %get3A_7 = vector.load %arg1[%get3A_4, %get3A_5, %get3A_6] : memref<2x1000x128xf32, #tpu.memory_space<vmem>>, vector<1x1000x128xf32>
    %get3A_8 = vector.shape_cast %get3A_7 : vector<1x1000x128xf32> to vector<1000x128xf32>
    %add3A = arith.addf %get3A_3, %get3A_8 : vector<1000x128xf32>
    %get3A_9 = arith.constant 0 : index
    %get3A_10 = arith.constant 0 : index
    %get3A_11 = arith.constant 0 : index
    %get3A_12 = vector.load %arg2[%get3A_9, %get3A_10, %get3A_11] : memref<2x1000x4xf32, #tpu.memory_space<vmem>>, vector<1x1000x4xf32>
    %get3A_13 = vector.shape_cast %get3A_12 : vector<1x1000x4xf32> to vector<1000x4xf32>
    %get3A_14 = arith.constant 1 : index
    %get3A_15 = arith.constant 0 : index
    %get3A_16 = arith.constant 0 : index
    %get3A_17 = vector.load %arg2[%get3A_14, %get3A_15, %get3A_16] : memref<2x1000x4xf32, #tpu.memory_space<vmem>>, vector<1x1000x4xf32>
    %get3A_18 = vector.shape_cast %get3A_17 : vector<1x1000x4xf32> to vector<1000x4xf32>
    %add3A_19 = arith.addf %get3A_13, %get3A_18 : vector<1000x4xf32>
    %slice3A = vector.extract_strided_slice %add3A_19 {offsets = [0, 0], sizes = [1000, 1], strides = [1, 1]} : vector<1000x4xf32> to vector<1000x1xf32>
    %broadcast_in_dim3A = vector.shape_cast %slice3A : vector<1000x1xf32> to vector<1000x1xf32>
    %broadcast_in_dim3A_20 = vector.broadcast %broadcast_in_dim3A : vector<1000x1xf32> to vector<1000x32xf32>
    %slice3A_21 = vector.extract_strided_slice %add3A_19 {offsets = [0, 1], sizes = [1000, 1], strides = [1, 1]} : vector<1000x4xf32> to vector<1000x1xf32>
    %broadcast_in_dim3A_22 = vector.shape_cast %slice3A_21 : vector<1000x1xf32> to vector<1000x1xf32>
    %broadcast_in_dim3A_23 = vector.broadcast %broadcast_in_dim3A_22 : vector<1000x1xf32> to vector<1000x32xf32>
    %slice3A_24 = vector.extract_strided_slice %add3A_19 {offsets = [0, 2], sizes = [1000, 1], strides = [1, 1]} : vector<1000x4xf32> to vector<1000x1xf32>
    %broadcast_in_dim3A_25 = vector.shape_cast %slice3A_24 : vector<1000x1xf32> to vector<1000x1xf32>
    %broadcast_in_dim3A_26 = vector.broadcast %broadcast_in_dim3A_25 : vector<1000x1xf32> to vector<1000x32xf32>
    %slice3A_27 = vector.extract_strided_slice %add3A_19 {offsets = [0, 3], sizes = [1000, 1], strides = [1, 1]} : vector<1000x4xf32> to vector<1000x1xf32>
    %broadcast_in_dim3A_28 = vector.shape_cast %slice3A_27 : vector<1000x1xf32> to vector<1000x1xf32>
    %broadcast_in_dim3A_29 = vector.broadcast %broadcast_in_dim3A_28 : vector<1000x1xf32> to vector<1000x32xf32>
    %concatenate3A = tpu.concatenate %broadcast_in_dim3A_20, %broadcast_in_dim3A_23, %broadcast_in_dim3A_26, %broadcast_in_dim3A_29 in 1 : vector<1000x32xf32>, vector<1000x32xf32>, vector<1000x32xf32>, vector<1000x32xf32> -> vector<1000x128xf32>
    %div3A = arith.divf %add3A, %concatenate3A : vector<1000x128xf32>
    %get3A_30 = arith.constant 0 : index
    %get3A_31 = vector.load %arg4[%get3A_30] : memref<128xf32, #tpu.memory_space<vmem>>, vector<128xf32>
    %broadcast_in_dim3A_32 = vector.shape_cast %get3A_31 : vector<128xf32> to vector<1x128xf32>
    %add3A_33 = vector.broadcast %broadcast_in_dim3A_32 : vector<1x128xf32> to vector<1000x128xf32>
    %add3A_34 = arith.addf %div3A, %add3A_33 : vector<1000x128xf32>
    %get3A_35 = arith.constant 0 : index
    %get3A_36 = arith.constant 0 : index
    %get3A_37 = vector.load %arg3[%get3A_35, %get3A_36] : memref<1000x128xf32, #tpu.memory_space<vmem>>, vector<1000x128xf32>
    %add3A_38 = arith.addf %add3A_34, %get3A_37 : vector<1000x128xf32>
    %reduce_sum3A = arith.constant dense<0.000000e+00> : vector<1000xf32>
    %reduce_sum3A_39 = vector.multi_reduction <add>, %add3A_38, %reduce_sum3A [1] : vector<1000x128xf32> to vector<1000xf32>
    %broadcast_in_dim3A_40 = vector.shape_cast %reduce_sum3A_39 : vector<1000xf32> to vector<1000x1xf32>
    %div3A_41 = arith.constant 1.280000e+02 : f32
    %div3A_42 = vector.broadcast %div3A_41 : f32 to vector<1000x1xf32>
    %div3A_43 = arith.divf %broadcast_in_dim3A_40, %div3A_42 : vector<1000x1xf32>
    %sub3A = vector.broadcast %div3A_43 : vector<1000x1xf32> to vector<1000x128xf32>
    %sub3A_44 = arith.subf %add3A_38, %sub3A : vector<1000x128xf32>
    %mul3A = arith.mulf %sub3A_44, %sub3A_44 : vector<1000x128xf32>
    %reduce_sum3A_45 = arith.constant dense<0.000000e+00> : vector<1000xf32>
    %reduce_sum3A_46 = vector.multi_reduction <add>, %mul3A, %reduce_sum3A_45 [1] : vector<1000x128xf32> to vector<1000xf32>
    %broadcast_in_dim3A_47 = vector.shape_cast %reduce_sum3A_46 : vector<1000xf32> to vector<1000x1xf32>
    %div3A_48 = arith.constant 1.280000e+02 : f32
    %div3A_49 = vector.broadcast %div3A_48 : f32 to vector<1000x1xf32>
    %div3A_50 = arith.divf %broadcast_in_dim3A_47, %div3A_49 : vector<1000x1xf32>
    %get3A_51 = arith.constant 0 : index
    %get3A_52 = vector.load %arg5[%get3A_51] : memref<128xf32, #tpu.memory_space<vmem>>, vector<128xf32>
    %broadcast_in_dim3A_53 = vector.shape_cast %get3A_52 : vector<128xf32> to vector<1x128xf32>
    %mul3A_54 = vector.broadcast %broadcast_in_dim3A_53 : vector<1x128xf32> to vector<1000x128xf32>
    %mul3A_55 = arith.mulf %mul3A_54, %sub3A_44 : vector<1000x128xf32>
    %add3A_56 = arith.constant 9.99999974E-6 : f32
    %add3A_57 = vector.broadcast %add3A_56 : f32 to vector<1000x1xf32>
    %add3A_58 = arith.addf %div3A_50, %add3A_57 : vector<1000x1xf32>
    %rsqrt3A = math.rsqrt %add3A_58 : vector<1000x1xf32>
    %mul3A_59 = vector.broadcast %rsqrt3A : vector<1000x1xf32> to vector<1000x128xf32>
    %mul3A_60 = arith.mulf %mul3A_55, %mul3A_59 : vector<1000x128xf32>
    %get3A_61 = arith.constant 0 : index
    %get3A_62 = vector.load %arg6[%get3A_61] : memref<128xf32, #tpu.memory_space<vmem>>, vector<128xf32>
    %broadcast_in_dim3A_63 = vector.shape_cast %get3A_62 : vector<128xf32> to vector<1x128xf32>
    %add3A_64 = vector.broadcast %broadcast_in_dim3A_63 : vector<1x128xf32> to vector<1000x128xf32>
    %add3A_65 = arith.addf %mul3A_60, %add3A_64 : vector<1000x128xf32>
    %swap3A = arith.constant 0 : index
    %swap3A_66 = arith.constant 0 : index
    %swap3A_67 = vector.load %arg7[%swap3A, %swap3A_66] : memref<1000x128xf32, #tpu.memory_space<vmem>>, vector<1000x128xf32>
    tpu.vector_store %arg7[%swap3A, %swap3A_66], %add3A_65 {strides = array<i32>} : memref<1000x128xf32, #tpu.memory_space<vmem>>, vector<1000x128xf32>,
    return
  }
  func.func @transform_0(%arg0: i32) -> (i32, i32, i32) {
    %c0_i32 = arith.constant 0 : i32
    %c0_i32_0 = arith.constant 0 : i32
    %c0_i32_1 = arith.constant 0 : i32
    return %c0_i32, %arg0, %c0_i32_0 : i32, i32, i32
  }
  func.func @transform_1(%arg0: i32) -> (i32, i32, i32) {
    %c0_i32 = arith.constant 0 : i32
    %c0_i32_0 = arith.constant 0 : i32
    %c0_i32_1 = arith.constant 0 : i32
    return %c0_i32, %arg0, %c0_i32_0 : i32, i32, i32
  }
  func.func @transform_2(%arg0: i32) -> (i32, i32) {
    %c0_i32 = arith.constant 0 : i32
    %c0_i32_0 = arith.constant 0 : i32
    return %arg0, %c0_i32 : i32, i32
  }
  func.func @transform_3(%arg0: i32) -> i32 {
    %c0_i32 = arith.constant 0 : i32
    %c0_i32_0 = arith.constant 0 : i32
    return %c0_i32 : i32
  }
  func.func @transform_4(%arg0: i32) -> i32 {
    %c0_i32 = arith.constant 0 : i32
    %c0_i32_0 = arith.constant 0 : i32
    return %c0_i32 : i32
  }
  func.func @transform_5(%arg0: i32) -> i32 {
    %c0_i32 = arith.constant 0 : i32
    %c0_i32_0 = arith.constant 0 : i32
    return %c0_i32 : i32
  }
  func.func @transform_6(%arg0: i32) -> (i32, i32) {
    %c0_i32 = arith.constant 0 : i32
    %c0_i32_0 = arith.constant 0 : i32
    return %arg0, %c0_i32 : i32, i32
  }
}

</mosaic_0001>

<sc_bundles>
// kernel: kernel.5.cloned.1.call-start
scs
__scs_entry_jumppad:
0x0: {  	(pc) =	sbr.rel $0x88, $3  }
0x1: {  	(tag) =	ssettag $0x0;
	lr =	simm.s32 $0x1  }
0x2: {  	[smem:$0x3F97] =	sst lr;
	_ =	strace $0xD0000000  }
0x3: {  	_ = 	snop  }
0x4: {  	_ = 	snop  }
0x5: {  	_ = 	snop  }
0x6: {  	_ = 	snop  }
0x7: {  	_ = 	snop  }
__scs_overlays_trampoline_lowered:
0x8: {  	[smem:$0x3FA6] =	sst s0  }
0x9: {  	[smem:$0x3FA7] =	sst s1  }
0xa: {  	[smem:$0x3FA8] =	sst s2  }
0xb: {  	[smem:$0x3FA9] =	sst s3  }
0xc: {  	[smem:$0x3FAA] =	sst s4  }
0xd: {  	[smem:$0x3FAB] =	sst s5  }
0xe: {  	[smem:$0x3FAC] =	sst s6  }
0xf: {  	[smem:$0x3FAD] =	sst s7  }
0x10: {  	[smem:$0x3FAE] =	sst s8  }
0x11: {  	[smem:$0x3FAF] =	sst s9;
	s0 =	simm.s32 @!p0 $0x0  }
0x12: {  	s1 =	sld [smem:$0x3F95];
	s0 =	simm.s32 @p0 $0x1  }
0x13: {  	[smem:$0x3FB0] =	sst s0;
	s0 =	simm.s32 @!p1 $0x0  }
0x14: {  	s2 =	sld [smem:$0x3F94];
	s0 =	simm.s32 @p1 $0x1  }
0x15: {  	[smem:$0x3FB1] =	sst s0;
	s0 =	simm.s32 @!p2 $0x0  }
0x16: {  	s3 =	sld [smem:$0x3FDB];
	s0 =	simm.s32 @p2 $0x1  }
0x17: {  	s4 =	simm.s32 $0x1BF5;
	[smem:$0x3FB3] =	sst s0  }
0x18: {  	s0 =	sld [smem:$0x3F96];
	_ =	swait.ge [sflag:s4], $0x0  }
0x19: {  	s7 =	sld [smem:$0x3F97]  }
0x1a: {  	s8 =	sadd.s32 $0xFFFFE003, lr  }
0x1b: {  	s9 =	sadd.s32 $0xFFFFFEF7, lr;
	s5 =	simm.s32 $0xFFFFFFFF;
	p2 =	slt.u32 s8, $0xFFFFF086  }
0x1c: {  	p1 =	slt.u32 s9, $0xF7A;
	s5 =	simm.s32 @!p2 $0x0  }
0x1d: {  	s5 =	simm.s32 @p1 $0x1;
	p0 =	seq.s32 s7, s2  }
0x1e: {  	s7 =	smul.u32 @!p0 $0xF7A, s2;
	p2 =	seq.s32 @!p0 s5, $0x0  }
0x1f: {  	s9 =	smul.u32 $0xF7A, s1;
	s8 =	simm.s32 @!p0 $0x1BF5;
	p2 =	por !p2, p0  }
0x20: {  	[sflag:s8] =	ssyncset.s32 @!p0 $0xFFFFF086;
	s6 =	sadd.s32 @!p0 s3, s7;
	s7 =	simm.s32 @!p0 $0x108  }
0x21: {  	s3 =	sadd.s32 s3, s9;
	s6 =	sadd.s32 @!p0 $0x88, s6;
	s7 =	simm.s32 @p2 $0x1082  }
0x22: {  	[simem:s7], [sflag:s8] =	dma.local @!p0 [hbm:s6], $0xF7A  }
0x23: {  	s9 =	sor.u32 $0xD0000000, s2;
	s6 =	simm.s32 $0x108;
	_ =	swait.ge @!p0 [sflag:s8], $0x0  }
0x24: {  	s3 =	sadd.s32 $0x88, s3;
	s6 =	simm.s32 @!p1 $0x1082;
	[sflag:s4] =	ssyncset.s32 $0xFFFFF086  }
0x25: {  	[simem:s6], [sflag:s4] =	dma.local [hbm:s3], $0xF7A  }
0x26: {  	[smem:$0x3F97] =	sst s1;
	(tag) =	ssettag s2;
	_ =	strace s9  }
0x27: {  	s1 =	sld [smem:$0x3FA7]  }
0x28: {  	s2 =	sld [smem:$0x3FA8]  }
0x29: {  	s4 =	sld [smem:$0x3FAA]  }
0x2a: {  	p0 =	seq.s32 s5, $0x0;
	s5 =	sld [smem:$0x3FAB]  }
0x2b: {  	s6 =	sld [smem:$0x3FAC]  }
0x2c: {  	s7 =	sld [smem:$0x3FAD]  }
0x2d: {  	s3 =	simm.s32 $0x108;
	s8 =	sld [smem:$0x3FAE]  }
0x2e: {  	s3 =	simm.s32 @!p0 $0x1082;
	s9 =	sld [smem:$0x3FAF]  }
0x2f: {  	lr =	sadd.s32 s0, s3;
	s0 =	sld [smem:$0x3FA6]  }
0x30: {  	s3 =	sld [smem:$0x3FA9]  }
0x31: {  	[smem:$0x3FB2] =	sst s10  }
0x32: {  	s10 =	sld [smem:$0x3FB0];
	_ =	sdelay $0x3  }
0x33: {  	p0 =	seq.s32 s10, $0x1;
	s10 =	sld [smem:$0x3FB2];
	_ =	sdelay $0x3  }
0x34: {  	[smem:$0x3FB2] =	sst s10  }
0x35: {  	s10 =	sld [smem:$0x3FB1];
	_ =	sdelay $0x3  }
0x36: {  	p1 =	seq.s32 s10, $0x1;
	s10 =	sld [smem:$0x3FB2];
	_ =	sdelay $0x3  }
0x37: {  	[smem:$0x3FB2] =	sst s10  }
0x38: {  	s10 =	sld [smem:$0x3FB3]  }
0x39: {  	_ = 	snop;
	(pc) =	sbr.ind lr, $3  }
0x3a: {  	_ = 	snop  }
0x3b: {  	_ = 	snop  }
0x3c: {  	p2 =	seq.s32 s10, $0x1;
	s10 =	sld [smem:$0x3FB2]  }
0x3d: {  	_ =	shalt  }
0x3e: {  	_ =	shalt  }
0x3f: {  	_ =	shalt  }
0x40: {  	_ =	shalt  }
0x41: {  	_ =	shalt  }
0x42: {  	_ =	shalt  }
0x43: {  	_ =	shalt  }
0x44: {  	_ =	shalt  }
0x45: {  	_ =	shalt  }
0x46: {  	_ =	shalt  }
0x47: {  	_ =	shalt  }
0x48: {  	_ =	shalt  }
0x49: {  	_ =	shalt  }
0x4a: {  	_ =	shalt  }
0x4b: {  	_ =	shalt  }
0x4c: {  	_ =	shalt  }
0x4d: {  	_ =	shalt  }
0x4e: {  	_ =	shalt  }
0x4f: {  	_ =	shalt  }
0x50: {  	_ =	shalt  }
0x51: {  	_ =	shalt  }
0x52: {  	_ =	shalt  }
0x53: {  	_ =	shalt  }
0x54: {  	_ =	shalt  }
0x55: {  	_ =	shalt  }
0x56: {  	_ =	shalt  }
0x57: {  	_ =	shalt  }
0x58: {  	_ =	shalt  }
0x59: {  	_ =	shalt  }
0x5a: {  	_ =	shalt  }
0x5b: {  	_ =	shalt  }
0x5c: {  	_ =	shalt  }
0x5d: {  	_ =	shalt  }
0x5e: {  	_ =	shalt  }
0x5f: {  	_ =	shalt  }
0x60: {  	_ =	shalt  }
0x61: {  	_ =	shalt  }
0x62: {  	_ =	shalt  }
0x63: {  	_ =	shalt  }
0x64: {  	_ =	shalt  }
0x65: {  	_ =	shalt  }
0x66: {  	_ =	shalt  }
0x67: {  	_ =	shalt  }
0x68: {  	_ =	shalt  }
0x69: {  	_ =	shalt  }
0x6a: {  	_ =	shalt  }
0x6b: {  	_ =	shalt  }
0x6c: {  	_ =	shalt  }
0x6d: {  	_ =	shalt  }
0x6e: {  	_ =	shalt  }
0x6f: {  	_ =	shalt  }
0x70: {  	_ =	shalt  }
0x71: {  	_ =	shalt  }
0x72: {  	_ =	shalt  }
0x73: {  	_ =	shalt  }
0x74: {  	_ =	shalt  }
0x75: {  	_ =	shalt  }
0x76: {  	_ =	shalt  }
0x77: {  	_ =	shalt  }
0x78: {  	_ =	shalt  }
0x79: {  	_ =	shalt  }
0x7a: {  	_ =	shalt  }
0x7b: {  	_ =	shalt  }
0x7c: {  	_ =	shalt  }
0x7d: {  	_ =	shalt  }
0x7e: {  	_ =	shalt  }
0x7f: {  	_ =	shalt  }
0x80: {  	_ =	shalt  }
0x81: {  	_ =	shalt  }
0x82: {  	_ =	shalt  }
0x83: {  	_ =	shalt  }
0x84: {  	_ =	shalt  }
0x85: {  	_ =	shalt  }
0x86: {  	_ =	shalt  }
0x87: {  	_ =	shalt  }
.Lfunc_end0:
.L_simem_size_0:
called_computation_lowered:
.L_overlay_start_0:
0x88: {  	s2 =	sld [smem:$0x3FD9]  }
0x89: {  	s3 =	sld [smem:$0x3FFE];
	_ =	sdelay $0x1  }
0x8a: {  	s1 =	srdreg.scid  }
0x8b: {  	s0 =	sand.u32 $0x1, s1  }
0x8c: {  	s17 =	sshll.u32 s0, $0xA;
	s2 =	sadd.s32 s3, s2  }
0x8d: {  	s2 =	sadd.s32 s2, s17  }
0x8e: {  	[smem:$0x3FBE] =	sst s2  }
0x8f: {  	_ = 	snop  }
0x90: {  	s2 =	sld [smem:$0x3FD0];
	(tm) =	ssettm $0x1  }
0x91: {  	s18 =	sld [smem:$0x3FFB];
	_ =	sdelay $0x3  }
0x92: {  	_ =	strace s18  }
0x93: {  	s3 =	sld [smem:$0x3FFC];
	_ =	sdelay $0x3  }
0x94: {  	_ =	strace s3  }
0x95: {  	s3 =	sld [smem:$0x3FFD];
	_ =	sdelay $0x3  }
0x96: {  	_ =	strace s3  }
0x97: {  	_ =	strace $0x8FFFFFFF  }
0x98: {  	s19 =	sld [smem:$0x3FDB];
	_ =	sdelay $0x1  }
0x99: {  	s4 =	simm.s32 $_scs_section_size  }
0x9a: {  	s5 =	simm.s32 $_size__tile_overlayer_lowered;
	s6 =	simm.s32 $_tile_overlayer_lowered  }
0x9b: {  	s22 =	simm.s32 $0x1BFF;
	s21 =	sshll.u32 s6, $0x1;
	s3 =	sadd.s32 s4, s19  }
0x9c: {  	s7 =	simm.s32 $0x0;
	s20 =	sshll.u32 s5, $0x1;
	s5 =	sadd.s32 s21, s3  }
0x9d: {  	[timem:s7], [sflag:s22] =	dma.local [hbm:s5], s20  }
0x9e: {  	_ =	swait.ge [sflag:s22], s20  }
0x9f: {  	s4 =	ssub.s32 $0x0, s20;
	[sflag:s22] =	ssyncset.done $0x0  }
0xa0: {  	[sflag:s22] =	ssyncadd.s32 s4;
	_ =	sdelay $0x1  }
0xa1: {  	s23 =	simm.s32 $0x1B8B  }
0xa2: {  	_ =	swait.ge [sflag:s23], $0x1  }
0xa3: {  	[sflag:s23] =	ssyncset.done $0x0  }
0xa4: {  	s25 =	simm.s32 $0x1B8E;
	s24 =	sld [smem:$0x3FFE];
	[sflag:s23] =	ssyncadd.s32 $0xFFFFFFFF  }
0xa5: {  	s26 =	simm.s32 $execute0_lowered;
	[smem:$0x3FD2] =	sst s25  }
0xa6: {  	s5 =	sshll.u32 s26, $0x1;
	_ =	strace $0x80000046;
	[dreg:$0x1] =	wrdreg $0xFFFFFFFF  }
0xa7: {  	s28 =	simm.s32 $_size_execute0_lowered;
	s3 =	sadd.s32 s3, s5;
	[dreg:$0x0] =	wrdreg $0x0  }
0xa8: {  	s5 =	sshll.u32 s28, $0x1;
	[dreg:$0x2] =	wrdreg s3  }
0xa9: {  	[dreg:$0x3] =	wrdreg s5  }
0xaa: {  	[dreg:$0x4] =	wrdreg $0xC0  }
0xab: {  	_ =	task [dreg:s7], $0x5FFFF  }
0xac: {  	[dreg:$0x1] =	wrdreg $0xFFFFFFFF  }
0xad: {  	[dreg:$0x0] =	wrdreg $0x60  }
0xae: {  	[dreg:$0x2] =	wrdreg s24  }
0xaf: {  	[dreg:$0x3] =	wrdreg s2  }
0xb0: {  	[dreg:$0x4] =	wrdreg $0x136800  }
0xb1: {  	[dreg:$0x5] =	wrdreg $0x1D6800  }
0xb2: {  	[dreg:$0x6] =	wrdreg $0x9  }
0xb3: {  	_ =	task.clear_ibuf [dreg:s7], $0x7FFFF;
	_ =	strace $0x90000046  }
0xb4: {  	s29 =	simm.s32 $0x9;
	_ =	strace $0x80000048  }
0xb5: {  	_ =	swait.ge [sflag:s29], $0x1  }
0xb6: {  	[sflag:s29] =	ssyncadd.s32 $0xFFFFFFFF  }
0xb7: {  	_ =	strace $0x90000048  }
0xb8: {  	_ =	sfence  }
0xb9: {  	s30 =	sld [smem:$0x0];
	_ =	sdelay $0x2  }
0xba: {  	s31 =	sshll.u32 s1, $0xD;
	s1 =	sshrl.u32 s1, $0x2  }
0xbb: {  	s3 =	sand.u32 $0x4000, s31;
	s1 =	sadd.s32 s1, s30  }
0xbc: {  	s0 =	sor.u32 s3, s0;
	s1 =	sshll.u32 s1, $0x11  }
0xbd: {  	s0 =	sor.u32 s1, s0  }
0xbe: {  	s0 =	sadd.s32 $0x8F2B, s0  }
0xbf: {  	[sflag:s0] =	ssyncadd.remote.s32 $0x1  }
0xc0: {  	_ =	sfence.sel $0xFFFF  }
0xc1: {  	[dreg:$0x0] =	wrdreg $0xFFFFFFFF;
	(pc) =	sbr.abs _section_cstart, $3  }
0xc2: {  	[dreg:$0x1] =	wrdreg $0xFFFFFFFF  }
0xc3: {  	_ =	task.clear_ibuf [dreg:s7], $0x2FFFF;
	_ =	strace $0x9FFFFFFF  }
0xc4: {  	(tm) =	ssettm $0x7FFFFFFF  }
0xc5: {  	_ =	shalt  }
tec
execute0_lowered:
.L_overlay_start_1:
0x0: {  	(tag) =	ssettag $0x1  }
0x1: {  	s1 =	rddreg [dreg:$0x0]  }
0x2: {  	s13 =	rddreg [dreg:$0x1]  }
0x3: {  	s14 =	rddreg [dreg:$0x2]  }
0x4: {  	s5 =	rddreg [dreg:$0x3]  }
0x5: {  	s12 =	stileid.u32;
	s2 =	srdreg.scid  }
0x6: {  	s4 =	simm.s32 $0x0;
	s28 =	simm.s32 $0x200;
	s29 =	simm.s32 $0x280  }
0x7: {  	s30 =	simm.s32 $0x480;
	s31 =	simm.s32 $0x80;
	s0 =	smul.u32 $0xA000, s12  }
0x8: {  	s3 =	smul.u32 $0x500, s12;
	s2 =	sand.u32 $0x1, s2;
	[smem:$0x7FF] =	sst s4  }
0x9: {  	s6 =	sadd.s32 $0x28000, s1;
	s7 =	sadd.s32 $0x29400, s1;
	s8 =	smul.u32 $0xA00, s12  }
0xa: {  	s9 =	sadd.s32 $0x2A800, s1;
	s18 =	smul.u32 $0x28000, s12;
	s12 =	sshll.u32 s12, $0x1  }
0xb: {  	s11 =	smul.u32 $0x140000, s2;
	_ =	strace $0x80000047;
	[dreg:$0x5] =	wrdreg s6  }
0xc: {  	s24 =	sadd.s32 $0x29E00, s1;
	s15 =	smul.u32 $0xA000, s2;
	[dreg:$0x6] =	wrdreg s7  }
0xd: {  	s19 =	ssub.s32 $0x2, s2;
	s2 =	sor.u32 s2, s12;
	[dreg:$0xd] =	wrdreg s24  }
0xe: {  	s24 =	simm.s32 $0x4680;
	s12 =	simm.s32 $0x20;
	s16 =	sshrl.u32 s0, $0x3  }
0xf: {  	s10 =	sshrl.u32 s3, $0x3;
	s6 =	sshrl.u32 s18, $0x2;
	s20 =	smul.u32 $0xA200, s2  }
0x10: {  	s3 =	sadd.s32 s3, s5;
	s2 =	smul.u32 $0x2880, s2;
	s18 =	simm.s32 $0x100  }
0x11: {  	s7 =	sadd.s32 s16, s1;
	s10 =	sadd.s32 s10, s1;
	s0 =	sadd.s32 s0, s11  }
0x12: {  	s17 =	sadd.s32 s8, s15;
	s11 =	sshrl.u32 s19, $0x1;
	s6 =	sadd.s32 s6, s14  }
0x13: {  	[dreg:$0x9] =	wrdreg s3;
	s16 =	simm.s32 $0x680;
	s0 =	sshrl.u32 s0, $0x3  }
0x14: {  	s4 =	sshrl.u32 s17, $0x3;
	s8 =	ssub.s32 s19, s11;
	[dreg:$0x7] =	wrdreg s6  }
0x15: {  	v0 =	vlaneseq.u32;
	s15 =	sadd.s32 $0x7B800, s7;
	s21 =	sadd.s32 $0x8F800, s10;
	[dreg:$0x17] =	wrdreg s20  }
0x16: {  	v1 =	vor.u32 $0x80, v0;
	s3 =	sadd.s32 $0x144000, s20;
	s20 =	smov.u32 s2;
	s2 =	sadd.s32 $0x51000, s2  }
0x17: {  	v2 =	vor.u32 $0x100, v0;
	v3 =	vor.u32 $0x180, v0;
	v4 =	vor.u32 $0x10, v0;
	s6 =	simm.s32 $0x580;
	s7 =	simm.s32 $0x380;
	[dreg:$0xa] =	wrdreg s21  }
0x18: {  	v5 =	vor.u32 $0x90, v0;
	v6 =	vor.u32 $0x110, v0;
	v7 =	vor.u32 $0x190, v0;
	s10 =	simm.s32 $0x400;
	s17 =	simm.s32 $0x1680;
	[dreg:$0xe] =	wrdreg s3  }
0x19: {  	v8 =	vor.u32 $0x20, v0;
	v9 =	vor.u32 $0xA0, v0;
	v10 =	vor.u32 $0x120, v0;
	s11 =	simm.s32 $0x1;
	s0 =	sadd.s32 s0, s1;
	[dreg:$0xf] =	wrdreg s2  }
0x1a: {  	v11 =	vor.u32 $0x1A0, v0;
	v12 =	vor.u32 $0x30, v0;
	v13 =	vor.u32 $0xB0, v0;
	s4 =	sadd.s32 s4, s1;
	s26 =	smax.u32 s8, $0x1;
	[dreg:$0x8] =	wrdreg s15  }
0x1b: {  	v14 =	vor.u32 $0x130, v0;
	v15 =	vor.u32 $0x1B0, v0;
	v16 =	vor.u32 $0x40, v0;
	s2 =	simm.s32 $0x300;
	s22 =	sadd.s32 $0x92A00, s0;
	[dreg:$0x12] =	wrdreg s26  }
0x1c: {  	v17 =	vor.u32 $0xC0, v0;
	v18 =	vor.u32 $0x140, v0;
	v19 =	vor.u32 $0x1C0, v0;
	s8 =	simm.s32 $0x600;
	s23 =	sadd.s32 $0x90200, s4;
	[dreg:$0xb] =	wrdreg s22  }
0x1d: {  	v20 =	vor.u32 $0x50, v0;
	v21 =	vor.u32 $0xD0, v0;
	v22 =	vor.u32 $0x150, v0;
	s21 =	simm.s32 $0x2680;
	s0 =	sadd.s32 $0xA6A00, s0;
	[dreg:$0xc] =	wrdreg s23  }
0x1e: {  	v23 =	vor.u32 $0x1D0, v0;
	v24 =	vor.u32 $0x60, v0;
	v25 =	vor.u32 $0xE0, v0;
	s25 =	sadd.s32 $0x90210, s4;
	s26 =	simm.s32 $0xE680;
	[dreg:$0x10] =	wrdreg s0  }
0x1f: {  	v26 =	vor.u32 $0x160, v0;
	v27 =	vor.u32 $0x1E0, v0;
	v28 =	vor.u32 $0x70, v0;
	s4 =	simm.s32 $0x0;
	[dreg:$0x11] =	wrdreg s25;
	s25 =	simm.s32 $0x2  }
0x20: {  	v29 =	vor.u32 $0xF0, v0;
	v30 =	vor.u32 $0x170, v0;
	v31 =	vor.u32 $0x1F0, v0;
	s0 =	simm.s32 $0x500;
	s22 =	simm.s32 $0x180;
	s23 =	simm.s32 $0x3680  }
.LBB2_1:
0x21: {  	[dreg:$0x13] =	wrdreg s4  }
0x22: {  	s4 =	simm.s32 $0x0;
	s3 =	rddreg [dreg:$0x5]  }
0x23: {  	[tilespmem:s24], [sflag:$0x2] =	stream.linear.gather [hbm4b:s3+s4], $0xA000, $0x38;
	[tilespmem:$0x1DB80] =	vst v63  }
0x24: {  	s14 =	stileid.u32;
	_ =	swait.ge [sflag:s25], $0xA000  }
0x25: {  	s3 =	sshll.u32 s14, $0x6;
	s19 =	rddreg [dreg:$0x7]  }
0x26: {  	s14 =	sor.u32 $0x1C02, s3;
	[sflag:s25] =	ssyncset.done $0x0;
	s3 =	sshrl.u32 s19, $0x3  }
0x27: {  	[sflag:s25] =	ssyncadd.s32 $0xFFFF6000;
	[dreg:$0x15] =	wrdreg s3  }
0x28: {  	[spmem:s3], [sflag:s14] =	dma.local [hbm:s15], $0x1400  }
0x29: {  	_ =	swait.ge [sflag:s25], $0x1400;
	[dreg:$0x14] =	wrdreg s14  }
0x2a: {  	s19 =	rddreg [dreg:$0x9]  }
0x2b: {  	[sflag:s25] =	ssyncset.done $0x0;
	s3 =	sshrl.u32 s19, $0x3;
	s19 =	rddreg [dreg:$0xa]  }
0x2c: {  	[sflag:s25] =	ssyncadd.s32 $0xFFFFEC00;
	[dreg:$0x16] =	wrdreg s3  }
0x2d: {  	[spmem:s3], [sflag:s14] =	dma.local [hbm:s19], $0xA0  }
0x2e: {  	_ =	swait.ge [sflag:s25], $0xA0  }
0x2f: {  	[sflag:s25] =	ssyncset.done $0x0  }
0x30: {  	s19 =	rddreg [dreg:$0x6];
	[sflag:s25] =	ssyncadd.s32 $0xFFFFFF60  }
0x31: {  	[tilespmem:s26], [sflag:$0x2] =	stream.linear.gather [hbm4b:s19+s4], $0x5000, $0x38;
	[tilespmem:$0x1DB80] =	vst v63  }
0x32: {  	_ =	swait.ge [sflag:s25], $0x5000  }
0x33: {  	[sflag:s25] =	ssyncset.done $0x0  }
0x34: {  	[sflag:s25] =	ssyncadd.s32 $0xFFFFB000  }
0x35: {  	s14 =	simm.s32 $0x0;
	[bflag:$0x0] =	sbarrier.arrive $0xFFFF  }
.LBB2_2:
0x36: {  	s3 =	sshll.u32 s14, $0x9;
	s4 =	rddreg [dreg:$0x17]  }
0x37: {  	s3 =	sadd.s32 s4, s3  }
0x38: {  	s3 =	sshrl.u32 s3, $0x3  }
0x39: {  	s19 =	simm.s32 $0x0;
	s15 =	sadd.s32 s9, s3  }
0x3a: {  	[tilespmem:s19], [sflag:$0x2] =	stream.linear.gather [hbm4b:s15+s19], $0x200, $0x38;
	[tilespmem:$0x1DB80] =	vst v63  }
0x3b: {  	s15 =	sshll.u32 s14, $0x7  }
0x3c: {  	_ =	swait.ge [sflag:s25], $0x200;
	s4 =	sadd.s32 s20, s15  }
0x3d: {  	[sflag:s25] =	ssyncset.done $0x0;
	s4 =	sshrl.u32 s4, $0x3  }
0x3e: {  	[sflag:s25] =	ssyncadd.s32 $0xFFFFFE00;
	s4 =	sadd.s32 s13, s4  }
0x3f: {  	[tilespmem:s28], [sflag:$0x2] =	stream.linear.gather [hbm4b:s4+s19], $0x80, $0x38;
	[tilespmem:$0x1DB80] =	vst v63  }
0x40: {  	_ =	swait.ge [sflag:s25], $0x80  }
0x41: {  	[sflag:s25] =	ssyncset.done $0x0  }
0x42: {  	[sflag:s25] =	ssyncadd.s32 $0xFFFFFF80  }
0x43: {  	v32 =	vld [tilespmem:$0x0]  }
0x44: {  	v33 =	vld [tilespmem:$0x200];
	_ =	sdelay $0x3  }
0x45: {  	v34 =	vshll.u32 v32, $0x2  }
0x46: {  	v33 =	vshll.u32 v33, $0x2;
	_ =	sdelay $0x3  }
0x47: {  	v35 =	vld.idx.msk [tilespmem:v34+s24+$0x0], $0xffff  }
0x48: {  	v36 =	vld.idx.msk [tilespmem:v33+s26+$0x0], $0xffff;
	_ =	sdelay $0x4  }
0x49: {  	v35 =	vadd.f32 v36, v35;
	_ =	sdelay $0x1  }
0x4a: {  	v36 =	vmul.f32 $2.000000030e-01, v35;
	_ =	sdelay $0x1  }
0x4b: {  	v35 =	vmax.f32 v35, v36  }
0x4c: {  	v35 =	vmul.f32 $1.442695020e+00, v35;
	_ =	sdelay $0x1  }
0x4d: {  	(erf) = vpow2.f32 v35;
	_ =	sdelay $0x7  }
0x4e: {  	v40 =	vor.u32 $0x1, v34  }
0x4f: {  	vm0 =	vlt.s32 v32, $0x2710;
	v42 =	vor.u32 $0x1, v33;
	v41 =	vpop (erf)  }
0x50: {  	v32 =	vnsel vm0, $0x0, v41  }
0x51: {  	[tilespmem:v0+s29+$0x0] =	vst.idx.msk $0xffff, v32  }
0x52: {  	[tilespmem:v0+s30+$0x0] =	vst.idx.msk $0xffff, v33  }
0x53: {  	v32 =	vld.idx.msk [tilespmem:v40+s24+$0x0], $0xffff  }
0x54: {  	v43 =	vld.idx.msk [tilespmem:v42+s26+$0x0], $0xffff;
	_ =	sdelay $0x4  }
0x55: {  	v32 =	vadd.f32 v43, v32;
	_ =	sdelay $0x1  }
0x56: {  	v35 =	vmul.f32 $2.000000030e-01, v32;
	_ =	sdelay $0x1  }
0x57: {  	v32 =	vmax.f32 v32, v35  }
0x58: {  	v32 =	vmul.f32 $1.442695020e+00, v32;
	_ =	sdelay $0x1  }
0x59: {  	(erf) = vpow2.f32 v32;
	_ =	sdelay $0x7  }
0x5a: {  	v44 =	vor.u32 $0x2, v34  }
0x5b: {  	v37 =	vor.u32 $0x2, v33;
	v45 =	vpop (erf)  }
0x5c: {  	v35 =	vnsel vm0, $0x0, v45  }
0x5d: {  	[tilespmem:v1+s29+$0x0] =	vst.idx.msk $0xffff, v35  }
0x5e: {  	[tilespmem:v1+s30+$0x0] =	vst.idx.msk $0xffff, v42  }
0x5f: {  	v32 =	vld.idx.msk [tilespmem:v44+s24+$0x0], $0xffff  }
0x60: {  	v35 =	vld.idx.msk [tilespmem:v37+s26+$0x0], $0xffff;
	_ =	sdelay $0x4  }
0x61: {  	v32 =	vadd.f32 v35, v32;
	_ =	sdelay $0x1  }
0x62: {  	v35 =	vmul.f32 $2.000000030e-01, v32;
	_ =	sdelay $0x1  }
0x63: {  	v32 =	vmax.f32 v32, v35  }
0x64: {  	v32 =	vmul.f32 $1.442695020e+00, v32;
	_ =	sdelay $0x1  }
0x65: {  	(erf) = vpow2.f32 v32;
	_ =	sdelay $0x7  }
0x66: {  	v46 =	vor.u32 $0x3, v34  }
0x67: {  	v33 =	vor.u32 $0x3, v33;
	v47 =	vpop (erf)  }
0x68: {  	v34 =	vnsel vm0, $0x0, v47  }
0x69: {  	[tilespmem:v2+s29+$0x0] =	vst.idx.msk $0xffff, v34  }
0x6a: {  	[tilespmem:v2+s30+$0x0] =	vst.idx.msk $0xffff, v37  }
0x6b: {  	v32 =	vld.idx.msk [tilespmem:v46+s24+$0x0], $0xffff  }
0x6c: {  	v34 =	vld.idx.msk [tilespmem:v33+s26+$0x0], $0xffff;
	_ =	sdelay $0x4  }
0x6d: {  	v32 =	vadd.f32 v34, v32;
	_ =	sdelay $0x1  }
0x6e: {  	v34 =	vmul.f32 $2.000000030e-01, v32;
	_ =	sdelay $0x1  }
0x6f: {  	v32 =	vmax.f32 v32, v34  }
0x70: {  	v32 =	vmul.f32 $1.442695020e+00, v32;
	_ =	sdelay $0x1  }
0x71: {  	(erf) = vpow2.f32 v32;
	_ =	sdelay $0x8  }
0x72: {  	v32 =	vpop (erf)  }
0x73: {  	v32 =	vnsel vm0, $0x0, v32  }
0x74: {  	[tilespmem:v3+s29+$0x0] =	vst.idx.msk $0xffff, v32  }
0x75: {  	[tilespmem:v3+s30+$0x0] =	vst.idx.msk $0xffff, v33  }
0x76: {  	v32 =	vld [tilespmem:$0x10]  }
0x77: {  	v33 =	vld [tilespmem:$0x210];
	_ =	sdelay $0x3  }
0x78: {  	v48 =	vshll.u32 v32, $0x2  }
0x79: {  	v33 =	vshll.u32 v33, $0x2;
	_ =	sdelay $0x3  }
0x7a: {  	v49 =	vld.idx.msk [tilespmem:v48+s24+$0x0], $0xffff  }
0x7b: {  	v36 =	vld.idx.msk [tilespmem:v33+s26+$0x0], $0xffff;
	_ =	sdelay $0x4  }
0x7c: {  	v35 =	vadd.f32 v36, v49;
	_ =	sdelay $0x1  }
0x7d: {  	v36 =	vmul.f32 $2.000000030e-01, v35;
	_ =	sdelay $0x1  }
0x7e: {  	v35 =	vmax.f32 v35, v36  }
0x7f: {  	v35 =	vmul.f32 $1.442695020e+00, v35;
	_ =	sdelay $0x1  }
0x80: {  	(erf) = vpow2.f32 v35;
	_ =	sdelay $0x7  }
0x81: {  	v50 =	vor.u32 $0x1, v48  }
0x82: {  	vm9 =	vlt.s32 v32, $0x2710;
	v52 =	vor.u32 $0x1, v33;
	v51 =	vpop (erf)  }
0x83: {  	v32 =	vnsel vm9, $0x0, v51  }
0x84: {  	[tilespmem:v4+s29+$0x0] =	vst.idx.msk $0xffff, v32  }
0x85: {  	[tilespmem:v4+s30+$0x0] =	vst.idx.msk $0xffff, v33  }
0x86: {  	v32 =	vld.idx.msk [tilespmem:v50+s24+$0x0], $0xffff  }
0x87: {  	v53 =	vld.idx.msk [tilespmem:v52+s26+$0x0], $0xffff;
	_ =	sdelay $0x4  }
0x88: {  	v32 =	vadd.f32 v53, v32;
	_ =	sdelay $0x1  }
0x89: {  	v35 =	vmul.f32 $2.000000030e-01, v32;
	_ =	sdelay $0x1  }
0x8a: {  	v32 =	vmax.f32 v32, v35  }
0x8b: {  	v32 =	vmul.f32 $1.442695020e+00, v32;
	_ =	sdelay $0x1  }
0x8c: {  	(erf) = vpow2.f32 v32;
	_ =	sdelay $0x7  }
0x8d: {  	v54 =	vor.u32 $0x2, v48  }
0x8e: {  	v56 =	vor.u32 $0x2, v33;
	v55 =	vpop (erf)  }
0x8f: {  	v35 =	vnsel vm9, $0x0, v55  }
0x90: {  	[tilespmem:v5+s29+$0x0] =	vst.idx.msk $0xffff, v35  }
0x91: {  	[tilespmem:v5+s30+$0x0] =	vst.idx.msk $0xffff, v52  }
0x92: {  	v32 =	vld.idx.msk [tilespmem:v54+s24+$0x0], $0xffff  }
0x93: {  	v35 =	vld.idx.msk [tilespmem:v56+s26+$0x0], $0xffff;
	_ =	sdelay $0x4  }
0x94: {  	v32 =	vadd.f32 v35, v32;
	_ =	sdelay $0x1  }
0x95: {  	v35 =	vmul.f32 $2.000000030e-01, v32;
	_ =	sdelay $0x1  }
0x96: {  	v32 =	vmax.f32 v32, v35  }
0x97: {  	v32 =	vmul.f32 $1.442695020e+00, v32;
	_ =	sdelay $0x1  }
0x98: {  	(erf) = vpow2.f32 v32;
	_ =	sdelay $0x7  }
0x99: {  	v57 =	vor.u32 $0x3, v48  }
0x9a: {  	v33 =	vor.u32 $0x3, v33;
	v58 =	vpop (erf)  }
0x9b: {  	v34 =	vnsel vm9, $0x0, v58  }
0x9c: {  	[tilespmem:v6+s29+$0x0] =	vst.idx.msk $0xffff, v34  }
0x9d: {  	[tilespmem:v6+s30+$0x0] =	vst.idx.msk $0xffff, v56  }
0x9e: {  	v32 =	vld.idx.msk [tilespmem:v57+s24+$0x0], $0xffff  }
0x9f: {  	v34 =	vld.idx.msk [tilespmem:v33+s26+$0x0], $0xffff;
	_ =	sdelay $0x4  }
0xa0: {  	v32 =	vadd.f32 v34, v32;
	_ =	sdelay $0x1  }
0xa1: {  	v34 =	vmul.f32 $2.000000030e-01, v32;
	_ =	sdelay $0x1  }
0xa2: {  	v32 =	vmax.f32 v32, v34  }
0xa3: {  	v32 =	vmul.f32 $1.442695020e+00, v32;
	_ =	sdelay $0x1  }
0xa4: {  	(erf) = vpow2.f32 v32;
	_ =	sdelay $0x8  }
0xa5: {  	v32 =	vpop (erf)  }
0xa6: {  	v32 =	vnsel vm9, $0x0, v32  }
0xa7: {  	[tilespmem:v7+s29+$0x0] =	vst.idx.msk $0xffff, v32  }
0xa8: {  	[tilespmem:v7+s30+$0x0] =	vst.idx.msk $0xffff, v33  }
0xa9: {  	v32 =	vld [tilespmem:$0x80]  }
0xaa: {  	v33 =	vld [tilespmem:$0x220];
	_ =	sdelay $0x3  }
0xab: {  	v59 =	vshll.u32 v32, $0x2  }
0xac: {  	v33 =	vshll.u32 v33, $0x2;
	_ =	sdelay $0x3  }
0xad: {  	v60 =	vld.idx.msk [tilespmem:v59+s24+$0x0], $0xffff  }
0xae: {  	v36 =	vld.idx.msk [tilespmem:v33+s26+$0x0], $0xffff;
	_ =	sdelay $0x4  }
0xaf: {  	v35 =	vadd.f32 v36, v60;
	_ =	sdelay $0x1  }
0xb0: {  	v36 =	vmul.f32 $2.000000030e-01, v35;
	_ =	sdelay $0x1  }
0xb1: {  	v35 =	vmax.f32 v35, v36  }
0xb2: {  	v35 =	vmul.f32 $1.442695020e+00, v35;
	_ =	sdelay $0x1  }
0xb3: {  	(erf) = vpow2.f32 v35;
	_ =	sdelay $0x7  }
0xb4: {  	v61 =	vor.u32 $0x1, v59  }
0xb5: {  	vm10 =	vlt.s32 v32, $0x2710;
	v63 =	vor.u32 $0x1, v33;
	v62 =	vpop (erf)  }
0xb6: {  	v32 =	vnsel vm10, $0x0, v62  }
0xb7: {  	[tilespmem:v8+s29+$0x0] =	vst.idx.msk $0xffff, v32  }
0xb8: {  	[tilespmem:v8+s30+$0x0] =	vst.idx.msk $0xffff, v33  }
0xb9: {  	v32 =	vld.idx.msk [tilespmem:v61+s24+$0x0], $0xffff  }
0xba: {  	v40 =	vld.idx.msk [tilespmem:v63+s26+$0x0], $0xffff;
	_ =	sdelay $0x4  }
0xbb: {  	v32 =	vadd.f32 v40, v32;
	_ =	sdelay $0x1  }
0xbc: {  	v35 =	vmul.f32 $2.000000030e-01, v32;
	_ =	sdelay $0x1  }
0xbd: {  	v32 =	vmax.f32 v32, v35  }
0xbe: {  	v32 =	vmul.f32 $1.442695020e+00, v32;
	_ =	sdelay $0x1  }
0xbf: {  	(erf) = vpow2.f32 v32;
	_ =	sdelay $0x7  }
0xc0: {  	v41 =	vor.u32 $0x2, v59  }
0xc1: {  	v43 =	vor.u32 $0x2, v33;
	v42 =	vpop (erf)  }
0xc2: {  	v35 =	vnsel vm10, $0x0, v42  }
0xc3: {  	[tilespmem:v9+s29+$0x0] =	vst.idx.msk $0xffff, v35  }
0xc4: {  	[tilespmem:v9+s30+$0x0] =	vst.idx.msk $0xffff, v63  }
0xc5: {  	v32 =	vld.idx.msk [tilespmem:v41+s24+$0x0], $0xffff  }
0xc6: {  	v35 =	vld.idx.msk [tilespmem:v43+s26+$0x0], $0xffff;
	_ =	sdelay $0x4  }
0xc7: {  	v32 =	vadd.f32 v35, v32;
	_ =	sdelay $0x1  }
0xc8: {  	v35 =	vmul.f32 $2.000000030e-01, v32;
	_ =	sdelay $0x1  }
0xc9: {  	v32 =	vmax.f32 v32, v35  }
0xca: {  	v32 =	vmul.f32 $1.442695020e+00, v32;
	_ =	sdelay $0x1  }
0xcb: {  	(erf) = vpow2.f32 v32;
	_ =	sdelay $0x7  }
0xcc: {  	v44 =	vor.u32 $0x3, v59  }
0xcd: {  	v33 =	vor.u32 $0x3, v33;
	v45 =	vpop (erf)  }
0xce: {  	v34 =	vnsel vm10, $0x0, v45  }
0xcf: {  	[tilespmem:v10+s29+$0x0] =	vst.idx.msk $0xffff, v34  }
0xd0: {  	[tilespmem:v10+s30+$0x0] =	vst.idx.msk $0xffff, v43  }
0xd1: {  	v32 =	vld.idx.msk [tilespmem:v44+s24+$0x0], $0xffff  }
0xd2: {  	v34 =	vld.idx.msk [tilespmem:v33+s26+$0x0], $0xffff;
	_ =	sdelay $0x4  }
0xd3: {  	v32 =	vadd.f32 v34, v32;
	_ =	sdelay $0x1  }
0xd4: {  	v34 =	vmul.f32 $2.000000030e-01, v32;
	_ =	sdelay $0x1  }
0xd5: {  	v32 =	vmax.f32 v32, v34  }
0xd6: {  	v32 =	vmul.f32 $1.442695020e+00, v32;
	_ =	sdelay $0x1  }
0xd7: {  	(erf) = vpow2.f32 v32;
	_ =	sdelay $0x8  }
0xd8: {  	v32 =	vpop (erf)  }
0xd9: {  	v32 =	vnsel vm10, $0x0, v32  }
0xda: {  	[tilespmem:v11+s29+$0x0] =	vst.idx.msk $0xffff, v32  }
0xdb: {  	[tilespmem:v11+s30+$0x0] =	vst.idx.msk $0xffff, v33  }
0xdc: {  	v32 =	vld [tilespmem:$0x90]  }
0xdd: {  	v33 =	vld [tilespmem:$0x230];
	_ =	sdelay $0x3  }
0xde: {  	v46 =	vshll.u32 v32, $0x2  }
0xdf: {  	v33 =	vshll.u32 v33, $0x2;
	_ =	sdelay $0x3  }
0xe0: {  	v47 =	vld.idx.msk [tilespmem:v46+s24+$0x0], $0xffff  }
0xe1: {  	v36 =	vld.idx.msk [tilespmem:v33+s26+$0x0], $0xffff;
	_ =	sdelay $0x4  }
0xe2: {  	v35 =	vadd.f32 v36, v47;
	_ =	sdelay $0x1  }
0xe3: {  	v36 =	vmul.f32 $2.000000030e-01, v35;
	_ =	sdelay $0x1  }
0xe4: {  	v35 =	vmax.f32 v35, v36  }
0xe5: {  	v35 =	vmul.f32 $1.442695020e+00, v35;
	_ =	sdelay $0x1  }
0xe6: {  	(erf) = vpow2.f32 v35;
	_ =	sdelay $0x7  }
0xe7: {  	v48 =	vor.u32 $0x1, v46  }
0xe8: {  	vm11 =	vlt.s32 v32, $0x2710;
	v50 =	vor.u32 $0x1, v33;
	v49 =	vpop (erf)  }
0xe9: {  	v32 =	vnsel vm11, $0x0, v49  }
0xea: {  	[tilespmem:v12+s29+$0x0] =	vst.idx.msk $0xffff, v32  }
0xeb: {  	[tilespmem:v12+s30+$0x0] =	vst.idx.msk $0xffff, v33  }
0xec: {  	v32 =	vld.idx.msk [tilespmem:v48+s24+$0x0], $0xffff  }
0xed: {  	v51 =	vld.idx.msk [tilespmem:v50+s26+$0x0], $0xffff;
	_ =	sdelay $0x4  }
0xee: {  	v32 =	vadd.f32 v51, v32;
	_ =	sdelay $0x1  }
0xef: {  	v35 =	vmul.f32 $2.000000030e-01, v32;
	_ =	sdelay $0x1  }
0xf0: {  	v32 =	vmax.f32 v32, v35  }
0xf1: {  	v32 =	vmul.f32 $1.442695020e+00, v32;
	_ =	sdelay $0x1  }
0xf2: {  	(erf) = vpow2.f32 v32;
	_ =	sdelay $0x7  }
0xf3: {  	v52 =	vor.u32 $0x2, v46  }
0xf4: {  	v54 =	vor.u32 $0x2, v33;
	v53 =	vpop (erf)  }
0xf5: {  	v35 =	vnsel vm11, $0x0, v53  }
0xf6: {  	[tilespmem:v13+s29+$0x0] =	vst.idx.msk $0xffff, v35  }
0xf7: {  	[tilespmem:v13+s30+$0x0] =	vst.idx.msk $0xffff, v50  }
0xf8: {  	v32 =	vld.idx.msk [tilespmem:v52+s24+$0x0], $0xffff  }
0xf9: {  	v35 =	vld.idx.msk [tilespmem:v54+s26+$0x0], $0xffff;
	_ =	sdelay $0x4  }
0xfa: {  	v32 =	vadd.f32 v35, v32;
	_ =	sdelay $0x1  }
0xfb: {  	v35 =	vmul.f32 $2.000000030e-01, v32;
	_ =	sdelay $0x1  }
0xfc: {  	v32 =	vmax.f32 v32, v35  }
0xfd: {  	v32 =	vmul.f32 $1.442695020e+00, v32;
	_ =	sdelay $0x1  }
0xfe: {  	(erf) = vpow2.f32 v32;
	_ =	sdelay $0x7  }
0xff: {  	v55 =	vor.u32 $0x3, v46  }
0x100: {  	v33 =	vor.u32 $0x3, v33;
	v56 =	vpop (erf)  }
0x101: {  	v34 =	vnsel vm11, $0x0, v56  }
0x102: {  	[tilespmem:v14+s29+$0x0] =	vst.idx.msk $0xffff, v34  }
0x103: {  	[tilespmem:v14+s30+$0x0] =	vst.idx.msk $0xffff, v54  }
0x104: {  	v32 =	vld.idx.msk [tilespmem:v55+s24+$0x0], $0xffff  }
0x105: {  	v34 =	vld.idx.msk [tilespmem:v33+s26+$0x0], $0xffff;
	_ =	sdelay $0x4  }
0x106: {  	v32 =	vadd.f32 v34, v32;
	_ =	sdelay $0x1  }
0x107: {  	v34 =	vmul.f32 $2.000000030e-01, v32;
	_ =	sdelay $0x1  }
0x108: {  	v32 =	vmax.f32 v32, v34  }
0x109: {  	v32 =	vmul.f32 $1.442695020e+00, v32;
	_ =	sdelay $0x1  }
0x10a: {  	(erf) = vpow2.f32 v32;
	_ =	sdelay $0x8  }
0x10b: {  	v32 =	vpop (erf)  }
0x10c: {  	v32 =	vnsel vm11, $0x0, v32  }
0x10d: {  	[tilespmem:v15+s29+$0x0] =	vst.idx.msk $0xffff, v32  }
0x10e: {  	[tilespmem:v15+s30+$0x0] =	vst.idx.msk $0xffff, v33  }
0x10f: {  	v32 =	vld [tilespmem:$0x100]  }
0x110: {  	v33 =	vld [tilespmem:$0x240];
	_ =	sdelay $0x3  }
0x111: {  	v57 =	vshll.u32 v32, $0x2  }
0x112: {  	v33 =	vshll.u32 v33, $0x2;
	_ =	sdelay $0x3  }
0x113: {  	v58 =	vld.idx.msk [tilespmem:v57+s24+$0x0], $0xffff  }
0x114: {  	v36 =	vld.idx.msk [tilespmem:v33+s26+$0x0], $0xffff;
	_ =	sdelay $0x4  }
0x115: {  	v35 =	vadd.f32 v36, v58;
	_ =	sdelay $0x1  }
0x116: {  	v36 =	vmul.f32 $2.000000030e-01, v35;
	_ =	sdelay $0x1  }
0x117: {  	v35 =	vmax.f32 v35, v36  }
0x118: {  	v35 =	vmul.f32 $1.442695020e+00, v35;
	_ =	sdelay $0x1  }
0x119: {  	(erf) = vpow2.f32 v35;
	_ =	sdelay $0x7  }
0x11a: {  	v59 =	vor.u32 $0x1, v57  }
0x11b: {  	vm12 =	vlt.s32 v32, $0x2710;
	v61 =	vor.u32 $0x1, v33;
	v60 =	vpop (erf)  }
0x11c: {  	v32 =	vnsel vm12, $0x0, v60  }
0x11d: {  	[tilespmem:v16+s29+$0x0] =	vst.idx.msk $0xffff, v32  }
0x11e: {  	[tilespmem:v16+s30+$0x0] =	vst.idx.msk $0xffff, v33  }
0x11f: {  	v32 =	vld.idx.msk [tilespmem:v59+s24+$0x0], $0xffff  }
0x120: {  	v62 =	vld.idx.msk [tilespmem:v61+s26+$0x0], $0xffff;
	_ =	sdelay $0x4  }
0x121: {  	v32 =	vadd.f32 v62, v32;
	_ =	sdelay $0x1  }
0x122: {  	v35 =	vmul.f32 $2.000000030e-01, v32;
	_ =	sdelay $0x1  }
0x123: {  	v32 =	vmax.f32 v32, v35  }
0x124: {  	v32 =	vmul.f32 $1.442695020e+00, v32;
	_ =	sdelay $0x1  }
0x125: {  	(erf) = vpow2.f32 v32;
	_ =	sdelay $0x7  }
0x126: {  	v63 =	vor.u32 $0x2, v57  }
0x127: {  	v41 =	vor.u32 $0x2, v33;
	v40 =	vpop (erf)  }
0x128: {  	v35 =	vnsel vm12, $0x0, v40  }
0x129: {  	[tilespmem:v17+s29+$0x0] =	vst.idx.msk $0xffff, v35  }
0x12a: {  	[tilespmem:v17+s30+$0x0] =	vst.idx.msk $0xffff, v61  }
0x12b: {  	v32 =	vld.idx.msk [tilespmem:v63+s24+$0x0], $0xffff  }
0x12c: {  	v35 =	vld.idx.msk [tilespmem:v41+s26+$0x0], $0xffff;
	_ =	sdelay $0x4  }
0x12d: {  	v32 =	vadd.f32 v35, v32;
	_ =	sdelay $0x1  }
0x12e: {  	v35 =	vmul.f32 $2.000000030e-01, v32;
	_ =	sdelay $0x1  }
0x12f: {  	v32 =	vmax.f32 v32, v35  }
0x130: {  	v32 =	vmul.f32 $1.442695020e+00, v32;
	_ =	sdelay $0x1  }
0x131: {  	(erf) = vpow2.f32 v32;
	_ =	sdelay $0x7  }
0x132: {  	v42 =	vor.u32 $0x3, v57  }
0x133: {  	v33 =	vor.u32 $0x3, v33;
	v43 =	vpop (erf)  }
0x134: {  	v34 =	vnsel vm12, $0x0, v43  }
0x135: {  	[tilespmem:v18+s29+$0x0] =	vst.idx.msk $0xffff, v34  }
0x136: {  	[tilespmem:v18+s30+$0x0] =	vst.idx.msk $0xffff, v41  }
0x137: {  	v32 =	vld.idx.msk [tilespmem:v42+s24+$0x0], $0xffff  }
0x138: {  	v34 =	vld.idx.msk [tilespmem:v33+s26+$0x0], $0xffff;
	_ =	sdelay $0x4  }
0x139: {  	v32 =	vadd.f32 v34, v32;
	_ =	sdelay $0x1  }
0x13a: {  	v34 =	vmul.f32 $2.000000030e-01, v32;
	_ =	sdelay $0x1  }
0x13b: {  	v32 =	vmax.f32 v32, v34  }
0x13c: {  	v32 =	vmul.f32 $1.442695020e+00, v32;
	_ =	sdelay $0x1  }
0x13d: {  	(erf) = vpow2.f32 v32;
	_ =	sdelay $0x8  }
0x13e: {  	v32 =	vpop (erf)  }
0x13f: {  	v32 =	vnsel vm12, $0x0, v32  }
0x140: {  	[tilespmem:v19+s29+$0x0] =	vst.idx.msk $0xffff, v32  }
0x141: {  	[tilespmem:v19+s30+$0x0] =	vst.idx.msk $0xffff, v33  }
0x142: {  	v32 =	vld [tilespmem:$0x110]  }
0x143: {  	v33 =	vld [tilespmem:$0x250];
	_ =	sdelay $0x3  }
0x144: {  	v44 =	vshll.u32 v32, $0x2  }
0x145: {  	v33 =	vshll.u32 v33, $0x2;
	_ =	sdelay $0x3  }
0x146: {  	v45 =	vld.idx.msk [tilespmem:v44+s24+$0x0], $0xffff  }
0x147: {  	v36 =	vld.idx.msk [tilespmem:v33+s26+$0x0], $0xffff;
	_ =	sdelay $0x4  }
0x148: {  	v35 =	vadd.f32 v36, v45;
	_ =	sdelay $0x1  }
0x149: {  	v36 =	vmul.f32 $2.000000030e-01, v35;
	_ =	sdelay $0x1  }
0x14a: {  	v35 =	vmax.f32 v35, v36  }
0x14b: {  	v35 =	vmul.f32 $1.442695020e+00, v35;
	_ =	sdelay $0x1  }
0x14c: {  	(erf) = vpow2.f32 v35;
	_ =	sdelay $0x7  }
0x14d: {  	v46 =	vor.u32 $0x1, v44  }
0x14e: {  	vm13 =	vlt.s32 v32, $0x2710;
	v48 =	vor.u32 $0x1, v33;
	v47 =	vpop (erf)  }
0x14f: {  	v32 =	vnsel vm13, $0x0, v47  }
0x150: {  	[tilespmem:v20+s29+$0x0] =	vst.idx.msk $0xffff, v32  }
0x151: {  	[tilespmem:v20+s30+$0x0] =	vst.idx.msk $0xffff, v33  }
0x152: {  	v32 =	vld.idx.msk [tilespmem:v46+s24+$0x0], $0xffff  }
0x153: {  	v49 =	vld.idx.msk [tilespmem:v48+s26+$0x0], $0xffff;
	_ =	sdelay $0x4  }
0x154: {  	v32 =	vadd.f32 v49, v32;
	_ =	sdelay $0x1  }
0x155: {  	v35 =	vmul.f32 $2.000000030e-01, v32;
	_ =	sdelay $0x1  }
0x156: {  	v32 =	vmax.f32 v32, v35  }
0x157: {  	v32 =	vmul.f32 $1.442695020e+00, v32;
	_ =	sdelay $0x1  }
0x158: {  	(erf) = vpow2.f32 v32;
	_ =	sdelay $0x7  }
0x159: {  	v50 =	vor.u32 $0x2, v44  }
0x15a: {  	v52 =	vor.u32 $0x2, v33;
	v51 =	vpop (erf)  }
0x15b: {  	v35 =	vnsel vm13, $0x0, v51  }
0x15c: {  	[tilespmem:v21+s29+$0x0] =	vst.idx.msk $0xffff, v35  }
0x15d: {  	[tilespmem:v21+s30+$0x0] =	vst.idx.msk $0xffff, v48  }
0x15e: {  	v32 =	vld.idx.msk [tilespmem:v50+s24+$0x0], $0xffff  }
0x15f: {  	v35 =	vld.idx.msk [tilespmem:v52+s26+$0x0], $0xffff;
	_ =	sdelay $0x4  }
0x160: {  	v32 =	vadd.f32 v35, v32;
	_ =	sdelay $0x1  }
0x161: {  	v35 =	vmul.f32 $2.000000030e-01, v32;
	_ =	sdelay $0x1  }
0x162: {  	v32 =	vmax.f32 v32, v35  }
0x163: {  	v32 =	vmul.f32 $1.442695020e+00, v32;
	_ =	sdelay $0x1  }
0x164: {  	(erf) = vpow2.f32 v32;
	_ =	sdelay $0x7  }
0x165: {  	v53 =	vor.u32 $0x3, v44  }
0x166: {  	v33 =	vor.u32 $0x3, v33;
	v54 =	vpop (erf)  }
0x167: {  	v34 =	vnsel vm13, $0x0, v54  }
0x168: {  	[tilespmem:v22+s29+$0x0] =	vst.idx.msk $0xffff, v34  }
0x169: {  	[tilespmem:v22+s30+$0x0] =	vst.idx.msk $0xffff, v52  }
0x16a: {  	v32 =	vld.idx.msk [tilespmem:v53+s24+$0x0], $0xffff  }
0x16b: {  	v34 =	vld.idx.msk [tilespmem:v33+s26+$0x0], $0xffff;
	_ =	sdelay $0x4  }
0x16c: {  	v32 =	vadd.f32 v34, v32;
	_ =	sdelay $0x1  }
0x16d: {  	v34 =	vmul.f32 $2.000000030e-01, v32;
	_ =	sdelay $0x1  }
0x16e: {  	v32 =	vmax.f32 v32, v34  }
0x16f: {  	v32 =	vmul.f32 $1.442695020e+00, v32;
	_ =	sdelay $0x1  }
0x170: {  	(erf) = vpow2.f32 v32;
	_ =	sdelay $0x8  }
0x171: {  	v32 =	vpop (erf)  }
0x172: {  	v32 =	vnsel vm13, $0x0, v32  }
0x173: {  	[tilespmem:v23+s29+$0x0] =	vst.idx.msk $0xffff, v32  }
0x174: {  	[tilespmem:v23+s30+$0x0] =	vst.idx.msk $0xffff, v33  }
0x175: {  	v32 =	vld [tilespmem:$0x180]  }
0x176: {  	v33 =	vld [tilespmem:$0x260];
	_ =	sdelay $0x3  }
0x177: {  	v55 =	vshll.u32 v32, $0x2  }
0x178: {  	v33 =	vshll.u32 v33, $0x2;
	_ =	sdelay $0x3  }
0x179: {  	v56 =	vld.idx.msk [tilespmem:v55+s24+$0x0], $0xffff  }
0x17a: {  	v36 =	vld.idx.msk [tilespmem:v33+s26+$0x0], $0xffff;
	_ =	sdelay $0x4  }
0x17b: {  	v35 =	vadd.f32 v36, v56;
	_ =	sdelay $0x1  }
0x17c: {  	v36 =	vmul.f32 $2.000000030e-01, v35;
	_ =	sdelay $0x1  }
0x17d: {  	v35 =	vmax.f32 v35, v36  }
0x17e: {  	v35 =	vmul.f32 $1.442695020e+00, v35;
	_ =	sdelay $0x1  }
0x17f: {  	(erf) = vpow2.f32 v35;
	_ =	sdelay $0x7  }
0x180: {  	v57 =	vor.u32 $0x1, v55  }
0x181: {  	vm14 =	vlt.s32 v32, $0x2710;
	v59 =	vor.u32 $0x1, v33;
	v58 =	vpop (erf)  }
0x182: {  	v32 =	vnsel vm14, $0x0, v58  }
0x183: {  	[tilespmem:v24+s29+$0x0] =	vst.idx.msk $0xffff, v32  }
0x184: {  	[tilespmem:v24+s30+$0x0] =	vst.idx.msk $0xffff, v33  }
0x185: {  	v32 =	vld.idx.msk [tilespmem:v57+s24+$0x0], $0xffff  }
0x186: {  	v60 =	vld.idx.msk [tilespmem:v59+s26+$0x0], $0xffff;
	_ =	sdelay $0x4  }
0x187: {  	v32 =	vadd.f32 v60, v32;
	_ =	sdelay $0x1  }
0x188: {  	v35 =	vmul.f32 $2.000000030e-01, v32;
	_ =	sdelay $0x1  }
0x189: {  	v32 =	vmax.f32 v32, v35  }
0x18a: {  	v32 =	vmul.f32 $1.442695020e+00, v32;
	_ =	sdelay $0x1  }
0x18b: {  	(erf) = vpow2.f32 v32;
	_ =	sdelay $0x7  }
0x18c: {  	v61 =	vor.u32 $0x2, v55  }
0x18d: {  	v63 =	vor.u32 $0x2, v33;
	v62 =	vpop (erf)  }
0x18e: {  	v35 =	vnsel vm14, $0x0, v62  }
0x18f: {  	[tilespmem:v25+s29+$0x0] =	vst.idx.msk $0xffff, v35  }
0x190: {  	[tilespmem:v25+s30+$0x0] =	vst.idx.msk $0xffff, v59  }
0x191: {  	v32 =	vld.idx.msk [tilespmem:v61+s24+$0x0], $0xffff  }
0x192: {  	v35 =	vld.idx.msk [tilespmem:v63+s26+$0x0], $0xffff;
	_ =	sdelay $0x4  }
0x193: {  	v32 =	vadd.f32 v35, v32;
	_ =	sdelay $0x1  }
0x194: {  	v35 =	vmul.f32 $2.000000030e-01, v32;
	_ =	sdelay $0x1  }
0x195: {  	v32 =	vmax.f32 v32, v35  }
0x196: {  	v32 =	vmul.f32 $1.442695020e+00, v32;
	_ =	sdelay $0x1  }
0x197: {  	(erf) = vpow2.f32 v32;
	_ =	sdelay $0x7  }
0x198: {  	v38 =	vor.u32 $0x3, v55  }
0x199: {  	v33 =	vor.u32 $0x3, v33;
	v39 =	vpop (erf)  }
0x19a: {  	v34 =	vnsel vm14, $0x0, v39  }
0x19b: {  	[tilespmem:v26+s29+$0x0] =	vst.idx.msk $0xffff, v34  }
0x19c: {  	[tilespmem:v26+s30+$0x0] =	vst.idx.msk $0xffff, v63  }
0x19d: {  	v32 =	vld.idx.msk [tilespmem:v38+s24+$0x0], $0xffff  }
0x19e: {  	v34 =	vld.idx.msk [tilespmem:v33+s26+$0x0], $0xffff;
	_ =	sdelay $0x4  }
0x19f: {  	v32 =	vadd.f32 v34, v32;
	_ =	sdelay $0x1  }
0x1a0: {  	v34 =	vmul.f32 $2.000000030e-01, v32;
	_ =	sdelay $0x1  }
0x1a1: {  	v32 =	vmax.f32 v32, v34  }
0x1a2: {  	v32 =	vmul.f32 $1.442695020e+00, v32;
	_ =	sdelay $0x1  }
0x1a3: {  	(erf) = vpow2.f32 v32;
	_ =	sdelay $0x8  }
0x1a4: {  	v32 =	vpop (erf)  }
0x1a5: {  	v32 =	vnsel vm14, $0x0, v32  }
0x1a6: {  	[tilespmem:v27+s29+$0x0] =	vst.idx.msk $0xffff, v32  }
0x1a7: {  	[tilespmem:v27+s30+$0x0] =	vst.idx.msk $0xffff, v33  }
0x1a8: {  	v32 =	vld [tilespmem:$0x190]  }
0x1a9: {  	v33 =	vld [tilespmem:$0x270];
	_ =	sdelay $0x3  }
0x1aa: {  	v40 =	vshll.u32 v32, $0x2  }
0x1ab: {  	v33 =	vshll.u32 v33, $0x2;
	_ =	sdelay $0x3  }
0x1ac: {  	v41 =	vld.idx.msk [tilespmem:v40+s24+$0x0], $0xffff  }
0x1ad: {  	v36 =	vld.idx.msk [tilespmem:v33+s26+$0x0], $0xffff;
	_ =	sdelay $0x4  }
0x1ae: {  	v35 =	vadd.f32 v36, v41;
	_ =	sdelay $0x1  }
0x1af: {  	v36 =	vmul.f32 $2.000000030e-01, v35;
	_ =	sdelay $0x1  }
0x1b0: {  	v35 =	vmax.f32 v35, v36  }
0x1b1: {  	v35 =	vmul.f32 $1.442695020e+00, v35;
	_ =	sdelay $0x1  }
0x1b2: {  	(erf) = vpow2.f32 v35;
	_ =	sdelay $0x7  }
0x1b3: {  	v42 =	vor.u32 $0x1, v40  }
0x1b4: {  	vm15 =	vlt.s32 v32, $0x2710;
	v44 =	vor.u32 $0x1, v33;
	v43 =	vpop (erf)  }
0x1b5: {  	v32 =	vnsel vm15, $0x0, v43  }
0x1b6: {  	[tilespmem:v28+s29+$0x0] =	vst.idx.msk $0xffff, v32  }
0x1b7: {  	[tilespmem:v28+s30+$0x0] =	vst.idx.msk $0xffff, v33  }
0x1b8: {  	v32 =	vld.idx.msk [tilespmem:v42+s24+$0x0], $0xffff  }
0x1b9: {  	v45 =	vld.idx.msk [tilespmem:v44+s26+$0x0], $0xffff;
	_ =	sdelay $0x4  }
0x1ba: {  	v32 =	vadd.f32 v45, v32;
	_ =	sdelay $0x1  }
0x1bb: {  	v35 =	vmul.f32 $2.000000030e-01, v32;
	_ =	sdelay $0x1  }
0x1bc: {  	v32 =	vmax.f32 v32, v35  }
0x1bd: {  	v32 =	vmul.f32 $1.442695020e+00, v32;
	_ =	sdelay $0x1  }
0x1be: {  	(erf) = vpow2.f32 v32;
	_ =	sdelay $0x7  }
0x1bf: {  	v46 =	vor.u32 $0x2, v40  }
0x1c0: {  	v48 =	vor.u32 $0x2, v33;
	v47 =	vpop (erf)  }
0x1c1: {  	v35 =	vnsel vm15, $0x0, v47  }
0x1c2: {  	[tilespmem:v29+s29+$0x0] =	vst.idx.msk $0xffff, v35  }
0x1c3: {  	[tilespmem:v29+s30+$0x0] =	vst.idx.msk $0xffff, v44  }
0x1c4: {  	v32 =	vld.idx.msk [tilespmem:v46+s24+$0x0], $0xffff  }
0x1c5: {  	v35 =	vld.idx.msk [tilespmem:v48+s26+$0x0], $0xffff;
	_ =	sdelay $0x4  }
0x1c6: {  	v32 =	vadd.f32 v35, v32;
	_ =	sdelay $0x1  }
0x1c7: {  	v35 =	vmul.f32 $2.000000030e-01, v32;
	_ =	sdelay $0x1  }
0x1c8: {  	v32 =	vmax.f32 v32, v35  }
0x1c9: {  	v32 =	vmul.f32 $1.442695020e+00, v32;
	_ =	sdelay $0x1  }
0x1ca: {  	(erf) = vpow2.f32 v32;
	_ =	sdelay $0x7  }
0x1cb: {  	v49 =	vor.u32 $0x3, v40  }
0x1cc: {  	v33 =	vor.u32 $0x3, v33;
	v50 =	vpop (erf)  }
0x1cd: {  	v34 =	vnsel vm15, $0x0, v50  }
0x1ce: {  	[tilespmem:v30+s29+$0x0] =	vst.idx.msk $0xffff, v34  }
0x1cf: {  	[tilespmem:v30+s30+$0x0] =	vst.idx.msk $0xffff, v48  }
0x1d0: {  	v32 =	vld.idx.msk [tilespmem:v49+s24+$0x0], $0xffff  }
0x1d1: {  	v34 =	vld.idx.msk [tilespmem:v33+s26+$0x0], $0xffff;
	_ =	sdelay $0x4  }
0x1d2: {  	v32 =	vadd.f32 v34, v32;
	_ =	sdelay $0x1  }
0x1d3: {  	v34 =	vmul.f32 $2.000000030e-01, v32;
	_ =	sdelay $0x1  }
0x1d4: {  	v32 =	vmax.f32 v32, v34  }
0x1d5: {  	v32 =	vmul.f32 $1.442695020e+00, v32;
	_ =	sdelay $0x1  }
0x1d6: {  	(erf) = vpow2.f32 v32;
	_ =	sdelay $0x8  }
0x1d7: {  	v32 =	vpop (erf)  }
0x1d8: {  	v32 =	vnsel vm15, $0x0, v32  }
0x1d9: {  	[tilespmem:v31+s29+$0x0] =	vst.idx.msk $0xffff, v32  }
0x1da: {  	[tilespmem:v31+s30+$0x0] =	vst.idx.msk $0xffff, v33  }
0x1db: {  	[spmem:s5] =	stream.indirect.scatter.add.f32 [tilespmem:s29], [sflag:$0x2], $0x1, s30, s31, $0xb8;
	[tilespmem:$0x1DB80] =	vst v63  }
0x1dc: {  	_ =	swait.ge [sflag:s25], $0x80  }
0x1dd: {  	[sflag:s25] =	ssyncset.done $0x0  }
0x1de: {  	[sflag:s25] =	ssyncadd.s32 $0xFFFFFF80  }
0x1df: {  	[spmem:s5] =	stream.indirect.scatter.add.f32 [tilespmem:s2], [sflag:$0x2], $0x1, s0, s31, $0xb8;
	[tilespmem:$0x1DB80] =	vst v63  }
0x1e0: {  	_ =	swait.ge [sflag:s25], $0x80  }
0x1e1: {  	[sflag:s25] =	ssyncset.done $0x0  }
0x1e2: {  	[sflag:s25] =	ssyncadd.s32 $0xFFFFFF80  }
0x1e3: {  	[spmem:s5] =	stream.indirect.scatter.add.f32 [tilespmem:s7], [sflag:$0x2], $0x1, s6, s31, $0xb8;
	[tilespmem:$0x1DB80] =	vst v63  }
0x1e4: {  	_ =	swait.ge [sflag:s25], $0x80  }
0x1e5: {  	[sflag:s25] =	ssyncset.done $0x0  }
0x1e6: {  	[sflag:s25] =	ssyncadd.s32 $0xFFFFFF80  }
0x1e7: {  	[spmem:s5] =	stream.indirect.scatter.add.f32 [tilespmem:s10], [sflag:$0x2], $0x1, s8, s31, $0xb8;
	[tilespmem:$0x1DB80] =	vst v63  }
0x1e8: {  	_ =	swait.ge [sflag:s25], $0x80  }
0x1e9: {  	[sflag:s25] =	ssyncset.done $0x0  }
0x1ea: {  	[sflag:s25] =	ssyncadd.s32 $0xFFFFFF80  }
0x1eb: {  	[tilespmem:s16], [sflag:$0x1] =	stream.indirect.gather [hbm4b:s1+s12], $0x80, s19, s12, $0xb8;
	[tilespmem:$0x1DB80] =	vst v63  }
0x1ec: {  	_ = 	snop  }
0x1ed: {  	[tilespmem:s17], [sflag:$0x1] =	stream.indirect.gather [hbm4b:s1+s12], $0x80, s31, s12, $0xb8;
	[tilespmem:$0x1DB80] =	vst v63  }
0x1ee: {  	_ = 	snop  }
0x1ef: {  	[tilespmem:s21], [sflag:$0x1] =	stream.indirect.gather [hbm4b:s1+s12], $0x80, s18, s12, $0xb8;
	[tilespmem:$0x1DB80] =	vst v63  }
0x1f0: {  	_ = 	snop  }
0x1f1: {  	[tilespmem:s23], [sflag:$0x1] =	stream.indirect.gather [hbm4b:s1+s12], $0x80, s22, s12, $0xb8;
	[tilespmem:$0x1DB80] =	vst v63  }
0x1f2: {  	_ =	swait.ge [sflag:s11], $0x1000  }
0x1f3: {  	[sflag:s11] =	ssyncset.done $0x0  }
0x1f4: {  	[sflag:s11] =	ssyncadd.s32 $0xFFFFF000  }
0x1f5: {  	_ =	swait.ge [sflag:s11], $0x1000  }
0x1f6: {  	[sflag:s11] =	ssyncset.done $0x0  }
0x1f7: {  	[sflag:s11] =	ssyncadd.s32 $0xFFFFF000  }
0x1f8: {  	_ =	swait.ge [sflag:s11], $0x1000  }
0x1f9: {  	v51 =	vmov s19;
	[sflag:s11] =	ssyncset.done $0x0  }
0x1fa: {  	[sflag:s11] =	ssyncadd.s32 $0xFFFFF000  }
0x1fb: {  	_ =	swait.ge [sflag:s11], $0x1000  }
0x1fc: {  	[sflag:s11] =	ssyncset.done $0x0  }
0x1fd: {  	[sflag:s11] =	ssyncadd.s32 $0xFFFFF000  }
0x1fe: {  	s3 =	simm.s32 $0x6C0;
	v52 =	vld.idx.msk [tilespmem:v51+s29+$0x0], $0xffff  }
0x1ff: {  	v53 =	vld [tilespmem:s3+$0xFFFFFFC0]  }
0x200: {  	v54 =	vld [tilespmem:s3+$0xFFFFFFD0];
	_ =	sdelay $0x2  }
0x201: {  	v55 =	vor.u32 $0x80, v51  }
0x202: {  	v34 =	vmul.f32 v53, v52  }
0x203: {  	v33 =	vmul.f32 v54, v52  }
0x204: {  	[tilespmem:s3+$0xFFFFFFC0] =	vst v34  }
0x205: {  	v56 =	vld [tilespmem:s3+$0xFFFFFFE0];
	[tilespmem:s3+$0xFFFFFFD0] =	vst v33  }
0x206: {  	v33 =	vld.idx.msk [tilespmem:v55+s29+$0x0], $0xffff  }
0x207: {  	v57 =	vld [tilespmem:s3+$0xFFFFFFF0];
	_ =	sdelay $0x2  }
0x208: {  	v58 =	vor.u32 $0x100, v51  }
0x209: {  	v34 =	vmul.f32 v56, v33  }
0x20a: {  	v33 =	vmul.f32 v57, v33  }
0x20b: {  	[tilespmem:s3+$0xFFFFFFE0] =	vst v34  }
0x20c: {  	v59 =	vld [tilespmem:s3+$0x10];
	[tilespmem:s3+$0xFFFFFFF0] =	vst v33  }
0x20d: {  	v34 =	vld.idx.msk [tilespmem:v58+s29+$0x0], $0xffff  }
0x20e: {  	v60 =	vld [tilespmem:s3+$0x0];
	_ =	sdelay $0x2  }
0x20f: {  	v32 =	vor.u32 $0x180, v51  }
0x210: {  	v33 =	vmul.f32 v59, v34  }
0x211: {  	v34 =	vmul.f32 v60, v34  }
0x212: {  	[tilespmem:s3+$0x10] =	vst v33  }
0x213: {  	v63 =	vld [tilespmem:s3+$0x20];
	[tilespmem:s3+$0x0] =	vst v34  }
0x214: {  	v62 =	vld.idx.msk [tilespmem:v32+s29+$0x0], $0xffff  }
0x215: {  	v61 =	vld [tilespmem:s3+$0x30];
	_ =	sdelay $0x1  }
0x216: {  	s19 =	simm.s32 $0x1  }
0x217: {  	v32 =	vmov s19  }
0x218: {  	v34 =	vmul.f32 v63, v62  }
0x219: {  	s4 =	simm.s32 $0x2;
	v33 =	vmul.f32 v61, v62  }
.LBB2_3:
0x21a: {  	p0 =	sne.s32 s4, $0x7F;
	[tilespmem:s3+$0x20] =	vst v34  }
0x21b: {  	[tilespmem:s3+$0x30] =	vst v33  }
0x21c: {  	s3 =	sadd.s32 $0x80, s3;
	v33 =	vld.idx.msk [tilespmem:v32+s29+$0x0], $0xffff  }
0x21d: {  	v34 =	vld [tilespmem:s3+$0xFFFFFFC0]  }
0x21e: {  	v35 =	vld [tilespmem:s3+$0xFFFFFFD0];
	_ =	sdelay $0x2  }
0x21f: {  	v36 =	vor.u32 $0x80, v32  }
0x220: {  	v34 =	vmul.f32 v34, v33  }
0x221: {  	v33 =	vmul.f32 v35, v33  }
0x222: {  	[tilespmem:s3+$0xFFFFFFC0] =	vst v34  }
0x223: {  	[tilespmem:s3+$0xFFFFFFD0] =	vst v33  }
0x224: {  	v33 =	vld.idx.msk [tilespmem:v36+s29+$0x0], $0xffff  }
0x225: {  	v34 =	vld [tilespmem:s3+$0xFFFFFFE0]  }
0x226: {  	v35 =	vld [tilespmem:s3+$0xFFFFFFF0];
	_ =	sdelay $0x2  }
0x227: {  	v36 =	vor.u32 $0x100, v32  }
0x228: {  	v34 =	vmul.f32 v34, v33  }
0x229: {  	v33 =	vmul.f32 v35, v33  }
0x22a: {  	[tilespmem:s3+$0xFFFFFFE0] =	vst v34  }
0x22b: {  	[tilespmem:s3+$0xFFFFFFF0] =	vst v33;
	v33 =	vld [tilespmem:s3+$0x10]  }
0x22c: {  	v34 =	vld.idx.msk [tilespmem:v36+s29+$0x0], $0xffff  }
0x22d: {  	v35 =	vld [tilespmem:s3+$0x0];
	_ =	sdelay $0x3  }
0x22e: {  	v32 =	vor.u32 $0x180, v32  }
0x22f: {  	v33 =	vmul.f32 v33, v34;
	v35 =	vmul.f32 v35, v34;
	_ =	sdelay $0x1  }
0x230: {  	[tilespmem:s3+$0x10] =	vst v33  }
0x231: {  	[tilespmem:s3+$0x0] =	vst v35;
	v33 =	vld [tilespmem:s3+$0x30]  }
0x232: {  	v35 =	vld.idx.msk [tilespmem:v32+s29+$0x0], $0xffff  }
0x233: {  	v34 =	vld [tilespmem:s3+$0x20];
	_ =	sdelay $0x1  }
.Ltmp0:
0x234: {  	(pc) =	sbr.rel @p0 .LBB2_3-.Ltmp0, $4  }
0x235: {  	_ = 	snop  }
0x236: {  	v32 =	vmov s4  }
0x237: {  	v33 =	vmul.f32 v33, v35;
	v34 =	vmul.f32 v34, v35  }
0x238: {  	s4 =	sadd.s32 $0x1, s4  }
0x239: {  	_ =	sdelay $0x1  }
0x23a: {  	[tilespmem:s3+$0x20] =	vst v34  }
0x23b: {  	[tilespmem:s3+$0x30] =	vst v33  }
0x23c: {  	s15 =	sadd.s32 $0x80, s3;
	v33 =	vld.idx.msk [tilespmem:v32+s29+$0x0], $0xffff  }
0x23d: {  	v55 =	vld [tilespmem:s15+$0xFFFFFFC0]  }
0x23e: {  	v35 =	vld [tilespmem:s15+$0xFFFFFFD0];
	_ =	sdelay $0x2  }
0x23f: {  	v36 =	vor.u32 $0x80, v32  }
0x240: {  	v34 =	vmul.f32 v55, v33  }
0x241: {  	v33 =	vmul.f32 v35, v33  }
0x242: {  	[tilespmem:s15+$0xFFFFFFC0] =	vst v34  }
0x243: {  	v56 =	vld [tilespmem:s15+$0xFFFFFFE0];
	[tilespmem:s15+$0xFFFFFFD0] =	vst v33  }
0x244: {  	v33 =	vld.idx.msk [tilespmem:v36+s29+$0x0], $0xffff  }
0x245: {  	v57 =	vld [tilespmem:s15+$0xFFFFFFF0];
	_ =	sdelay $0x2  }
0x246: {  	v58 =	vor.u32 $0x100, v32  }
0x247: {  	v34 =	vmul.f32 v56, v33  }
0x248: {  	v33 =	vmul.f32 v57, v33  }
0x249: {  	[tilespmem:s15+$0xFFFFFFE0] =	vst v34  }
0x24a: {  	v59 =	vld [tilespmem:s15+$0x10];
	[tilespmem:s15+$0xFFFFFFF0] =	vst v33  }
0x24b: {  	v34 =	vld.idx.msk [tilespmem:v58+s29+$0x0], $0xffff  }
0x24c: {  	v60 =	vld [tilespmem:s15+$0x0];
	_ =	sdelay $0x2  }
0x24d: {  	v61 =	vor.u32 $0x180, v32  }
0x24e: {  	v33 =	vmul.f32 v59, v34  }
0x24f: {  	v34 =	vmul.f32 v60, v34  }
0x250: {  	[tilespmem:s15+$0x10] =	vst v33  }
0x251: {  	v62 =	vld [tilespmem:s15+$0x20];
	[tilespmem:s15+$0x0] =	vst v34  }
0x252: {  	v32 =	vld.idx.msk [tilespmem:v61+s29+$0x0], $0xffff  }
0x253: {  	v63 =	vld [tilespmem:s15+$0x30];
	_ =	sdelay $0x3  }
0x254: {  	v33 =	vmul.f32 v62, v32  }
0x255: {  	s14 =	sadd.s32 $0x1, s14;
	v32 =	vmul.f32 v63, v32  }
0x256: {  	p0 =	sne.s32 s14, $0x51;
	[tilespmem:s15+$0x20] =	vst v33  }
.Ltmp1:
0x257: {  	s19 =	rddreg [dreg:$0x2];
	[tilespmem:s15+$0x30] =	vst v32;
	(pc) =	sbr.rel @p0 .LBB2_2-.Ltmp1, $4  }
0x258: {  	[spmem:s19] =	stream.indirect.scatter.add.f32 [tilespmem:s16], [sflag:$0x2], $0x80, s28, s31, $0xb8;
	[tilespmem:$0x1DB80] =	vst v63  }
0x259: {  	_ =	swait.ge [sflag:s25], $0x4000  }
0x25a: {  	[sflag:s25] =	ssyncset.done $0x0  }
0x25b: {  	[sflag:s25] =	ssyncadd.s32 $0xFFFFC000  }
0x25c: {  	[bflag:$0x0] =	sbarrier.arrive $0xFFFF  }
0x25d: {  	s3 =	rddreg [dreg:$0xb]  }
0x25e: {  	s14 =	rddreg [dreg:$0x14]  }
0x25f: {  	s15 =	rddreg [dreg:$0x15]  }
0x260: {  	[hbm:s3], [sflag:s14] =	dma.local [spmem:s15], $0x1400  }
0x261: {  	_ =	swait.ge [sflag:s25], $0x1400  }
0x262: {  	[sflag:s25] =	ssyncset.done $0x0;
	s3 =	rddreg [dreg:$0xc]  }
0x263: {  	s4 =	simm.s32 $0x10;
	s19 =	rddreg [dreg:$0x16];
	[sflag:s25] =	ssyncadd.s32 $0xFFFFEC00  }
0x264: {  	[hbm:s3@s12], [sflag:s14] =	dma.strided [spmem:s19@s4], $0xA0, s11, $0x10   }
0x265: {  	_ =	swait.ge [sflag:s25], $0xA0  }
0x266: {  	[sflag:s25] =	ssyncset.done $0x0  }
0x267: {  	s4 =	rddreg [dreg:$0x8];
	[sflag:s25] =	ssyncadd.s32 $0xFFFFFF60  }
0x268: {  	[spmem:s15], [sflag:s14] =	dma.local [hbm:s4], $0x1400  }
0x269: {  	_ =	swait.ge [sflag:s25], $0x1400  }
0x26a: {  	[sflag:s25] =	ssyncset.done $0x0  }
0x26b: {  	s15 =	rddreg [dreg:$0xa];
	[sflag:s25] =	ssyncadd.s32 $0xFFFFEC00  }
0x26c: {  	[spmem:s19], [sflag:s14] =	dma.local [hbm:s15], $0xA0  }
0x26d: {  	_ =	swait.ge [sflag:s25], $0xA0  }
0x26e: {  	[sflag:s25] =	ssyncset.done $0x0  }
0x26f: {  	s14 =	simm.s32 $0x0;
	s19 =	rddreg [dreg:$0xd];
	[sflag:s25] =	ssyncadd.s32 $0xFFFFFF60  }
0x270: {  	[tilespmem:s26], [sflag:$0x2] =	stream.linear.gather [hbm4b:s19+s14], $0x5000, $0x38;
	[tilespmem:$0x1DB80] =	vst v63  }
0x271: {  	_ =	swait.ge [sflag:s25], $0x5000  }
0x272: {  	[sflag:s25] =	ssyncset.done $0x0  }
0x273: {  	[sflag:s25] =	ssyncadd.s32 $0xFFFFB000  }
0x274: {  	s3 =	simm.s32 $0x0;
	[bflag:$0x0] =	sbarrier.arrive $0xFFFF  }
.LBB2_6:
0x275: {  	s4 =	sshll.u32 s3, $0x9;
	s15 =	rddreg [dreg:$0xe]  }
0x276: {  	s4 =	sadd.s32 s4, s15  }
0x277: {  	s4 =	sshrl.u32 s4, $0x3  }
0x278: {  	s4 =	sadd.s32 s9, s4  }
0x279: {  	[tilespmem:s14], [sflag:$0x2] =	stream.linear.gather [hbm4b:s4+s14], $0x200, $0x38;
	[tilespmem:$0x1DB80] =	vst v63  }
0x27a: {  	_ =	swait.ge [sflag:s25], $0x200  }
0x27b: {  	s15 =	sshll.u32 s3, $0x7;
	s19 =	rddreg [dreg:$0xf]  }
0x27c: {  	s4 =	sadd.s32 s15, s19  }
0x27d: {  	[sflag:s25] =	ssyncset.done $0x0;
	s4 =	sshrl.u32 s4, $0x3  }
0x27e: {  	[sflag:s25] =	ssyncadd.s32 $0xFFFFFE00;
	s4 =	sadd.s32 s13, s4  }
0x27f: {  	[tilespmem:s28], [sflag:$0x2] =	stream.linear.gather [hbm4b:s4+s14], $0x80, $0x38;
	[tilespmem:$0x1DB80] =	vst v63  }
0x280: {  	_ =	swait.ge [sflag:s25], $0x80  }
0x281: {  	[sflag:s25] =	ssyncset.done $0x0  }
0x282: {  	[sflag:s25] =	ssyncadd.s32 $0xFFFFFF80  }
0x283: {  	v32 =	vld [tilespmem:$0x0]  }
0x284: {  	v33 =	vld [tilespmem:$0x200];
	_ =	sdelay $0x3  }
0x285: {  	v34 =	vshll.u32 v32, $0x2  }
0x286: {  	v33 =	vshll.u32 v33, $0x2;
	_ =	sdelay $0x3  }
0x287: {  	v35 =	vld.idx.msk [tilespmem:v34+s24+$0x0], $0xffff  }
0x288: {  	v36 =	vld.idx.msk [tilespmem:v33+s26+$0x0], $0xffff;
	_ =	sdelay $0x4  }
0x289: {  	v35 =	vadd.f32 v36, v35;
	_ =	sdelay $0x1  }
0x28a: {  	v36 =	vmul.f32 $2.000000030e-01, v35;
	_ =	sdelay $0x1  }
0x28b: {  	v35 =	vmax.f32 v35, v36  }
0x28c: {  	v35 =	vmul.f32 $1.442695020e+00, v35;
	_ =	sdelay $0x1  }
0x28d: {  	(erf) = vpow2.f32 v35;
	_ =	sdelay $0x7  }
0x28e: {  	v40 =	vor.u32 $0x1, v34  }
0x28f: {  	vm0 =	vlt.s32 v32, $0x2710;
	v42 =	vor.u32 $0x1, v33;
	v41 =	vpop (erf)  }
0x290: {  	v32 =	vnsel vm0, $0x0, v41  }
0x291: {  	[tilespmem:v0+s29+$0x0] =	vst.idx.msk $0xffff, v32  }
0x292: {  	[tilespmem:v0+s30+$0x0] =	vst.idx.msk $0xffff, v33  }
0x293: {  	v32 =	vld.idx.msk [tilespmem:v40+s24+$0x0], $0xffff  }
0x294: {  	v43 =	vld.idx.msk [tilespmem:v42+s26+$0x0], $0xffff;
	_ =	sdelay $0x4  }
0x295: {  	v32 =	vadd.f32 v43, v32;
	_ =	sdelay $0x1  }
0x296: {  	v35 =	vmul.f32 $2.000000030e-01, v32;
	_ =	sdelay $0x1  }
0x297: {  	v32 =	vmax.f32 v32, v35  }
0x298: {  	v32 =	vmul.f32 $1.442695020e+00, v32;
	_ =	sdelay $0x1  }
0x299: {  	(erf) = vpow2.f32 v32;
	_ =	sdelay $0x7  }
0x29a: {  	v44 =	vor.u32 $0x2, v34  }
0x29b: {  	v37 =	vor.u32 $0x2, v33;
	v45 =	vpop (erf)  }
0x29c: {  	v35 =	vnsel vm0, $0x0, v45  }
0x29d: {  	[tilespmem:v1+s29+$0x0] =	vst.idx.msk $0xffff, v35  }
0x29e: {  	[tilespmem:v1+s30+$0x0] =	vst.idx.msk $0xffff, v42  }
0x29f: {  	v32 =	vld.idx.msk [tilespmem:v44+s24+$0x0], $0xffff  }
0x2a0: {  	v35 =	vld.idx.msk [tilespmem:v37+s26+$0x0], $0xffff;
	_ =	sdelay $0x4  }
0x2a1: {  	v32 =	vadd.f32 v35, v32;
	_ =	sdelay $0x1  }
0x2a2: {  	v35 =	vmul.f32 $2.000000030e-01, v32;
	_ =	sdelay $0x1  }
0x2a3: {  	v32 =	vmax.f32 v32, v35  }
0x2a4: {  	v32 =	vmul.f32 $1.442695020e+00, v32;
	_ =	sdelay $0x1  }
0x2a5: {  	(erf) = vpow2.f32 v32;
	_ =	sdelay $0x7  }
0x2a6: {  	v46 =	vor.u32 $0x3, v34  }
0x2a7: {  	v33 =	vor.u32 $0x3, v33;
	v47 =	vpop (erf)  }
0x2a8: {  	v34 =	vnsel vm0, $0x0, v47  }
0x2a9: {  	[tilespmem:v2+s29+$0x0] =	vst.idx.msk $0xffff, v34  }
0x2aa: {  	[tilespmem:v2+s30+$0x0] =	vst.idx.msk $0xffff, v37  }
0x2ab: {  	v32 =	vld.idx.msk [tilespmem:v46+s24+$0x0], $0xffff  }
0x2ac: {  	v34 =	vld.idx.msk [tilespmem:v33+s26+$0x0], $0xffff;
	_ =	sdelay $0x4  }
0x2ad: {  	v32 =	vadd.f32 v34, v32;
	_ =	sdelay $0x1  }
0x2ae: {  	v34 =	vmul.f32 $2.000000030e-01, v32;
	_ =	sdelay $0x1  }
0x2af: {  	v32 =	vmax.f32 v32, v34  }
0x2b0: {  	v32 =	vmul.f32 $1.442695020e+00, v32;
	_ =	sdelay $0x1  }
0x2b1: {  	(erf) = vpow2.f32 v32;
	_ =	sdelay $0x8  }
0x2b2: {  	v32 =	vpop (erf)  }
0x2b3: {  	v32 =	vnsel vm0, $0x0, v32  }
0x2b4: {  	[tilespmem:v3+s29+$0x0] =	vst.idx.msk $0xffff, v32  }
0x2b5: {  	[tilespmem:v3+s30+$0x0] =	vst.idx.msk $0xffff, v33  }
0x2b6: {  	v32 =	vld [tilespmem:$0x10]  }
0x2b7: {  	v33 =	vld [tilespmem:$0x210];
	_ =	sdelay $0x3  }
0x2b8: {  	v48 =	vshll.u32 v32, $0x2  }
0x2b9: {  	v33 =	vshll.u32 v33, $0x2;
	_ =	sdelay $0x3  }
0x2ba: {  	v49 =	vld.idx.msk [tilespmem:v48+s24+$0x0], $0xffff  }
0x2bb: {  	v36 =	vld.idx.msk [tilespmem:v33+s26+$0x0], $0xffff;
	_ =	sdelay $0x4  }
0x2bc: {  	v35 =	vadd.f32 v36, v49;
	_ =	sdelay $0x1  }
0x2bd: {  	v36 =	vmul.f32 $2.000000030e-01, v35;
	_ =	sdelay $0x1  }
0x2be: {  	v35 =	vmax.f32 v35, v36  }
0x2bf: {  	v35 =	vmul.f32 $1.442695020e+00, v35;
	_ =	sdelay $0x1  }
0x2c0: {  	(erf) = vpow2.f32 v35;
	_ =	sdelay $0x7  }
0x2c1: {  	v50 =	vor.u32 $0x1, v48  }
0x2c2: {  	vm9 =	vlt.s32 v32, $0x2710;
	v52 =	vor.u32 $0x1, v33;
	v51 =	vpop (erf)  }
0x2c3: {  	v32 =	vnsel vm9, $0x0, v51  }
0x2c4: {  	[tilespmem:v4+s29+$0x0] =	vst.idx.msk $0xffff, v32  }
0x2c5: {  	[tilespmem:v4+s30+$0x0] =	vst.idx.msk $0xffff, v33  }
0x2c6: {  	v32 =	vld.idx.msk [tilespmem:v50+s24+$0x0], $0xffff  }
0x2c7: {  	v53 =	vld.idx.msk [tilespmem:v52+s26+$0x0], $0xffff;
	_ =	sdelay $0x4  }
0x2c8: {  	v32 =	vadd.f32 v53, v32;
	_ =	sdelay $0x1  }
0x2c9: {  	v35 =	vmul.f32 $2.000000030e-01, v32;
	_ =	sdelay $0x1  }
0x2ca: {  	v32 =	vmax.f32 v32, v35  }
0x2cb: {  	v32 =	vmul.f32 $1.442695020e+00, v32;
	_ =	sdelay $0x1  }
0x2cc: {  	(erf) = vpow2.f32 v32;
	_ =	sdelay $0x7  }
0x2cd: {  	v54 =	vor.u32 $0x2, v48  }
0x2ce: {  	v56 =	vor.u32 $0x2, v33;
	v55 =	vpop (erf)  }
0x2cf: {  	v35 =	vnsel vm9, $0x0, v55  }
0x2d0: {  	[tilespmem:v5+s29+$0x0] =	vst.idx.msk $0xffff, v35  }
0x2d1: {  	[tilespmem:v5+s30+$0x0] =	vst.idx.msk $0xffff, v52  }
0x2d2: {  	v32 =	vld.idx.msk [tilespmem:v54+s24+$0x0], $0xffff  }
0x2d3: {  	v35 =	vld.idx.msk [tilespmem:v56+s26+$0x0], $0xffff;
	_ =	sdelay $0x4  }
0x2d4: {  	v32 =	vadd.f32 v35, v32;
	_ =	sdelay $0x1  }
0x2d5: {  	v35 =	vmul.f32 $2.000000030e-01, v32;
	_ =	sdelay $0x1  }
0x2d6: {  	v32 =	vmax.f32 v32, v35  }
0x2d7: {  	v32 =	vmul.f32 $1.442695020e+00, v32;
	_ =	sdelay $0x1  }
0x2d8: {  	(erf) = vpow2.f32 v32;
	_ =	sdelay $0x7  }
0x2d9: {  	v57 =	vor.u32 $0x3, v48  }
0x2da: {  	v33 =	vor.u32 $0x3, v33;
	v58 =	vpop (erf)  }
0x2db: {  	v34 =	vnsel vm9, $0x0, v58  }
0x2dc: {  	[tilespmem:v6+s29+$0x0] =	vst.idx.msk $0xffff, v34  }
0x2dd: {  	[tilespmem:v6+s30+$0x0] =	vst.idx.msk $0xffff, v56  }
0x2de: {  	v32 =	vld.idx.msk [tilespmem:v57+s24+$0x0], $0xffff  }
0x2df: {  	v34 =	vld.idx.msk [tilespmem:v33+s26+$0x0], $0xffff;
	_ =	sdelay $0x4  }
0x2e0: {  	v32 =	vadd.f32 v34, v32;
	_ =	sdelay $0x1  }
0x2e1: {  	v34 =	vmul.f32 $2.000000030e-01, v32;
	_ =	sdelay $0x1  }
0x2e2: {  	v32 =	vmax.f32 v32, v34  }
0x2e3: {  	v32 =	vmul.f32 $1.442695020e+00, v32;
	_ =	sdelay $0x1  }
0x2e4: {  	(erf) = vpow2.f32 v32;
	_ =	sdelay $0x8  }
0x2e5: {  	v32 =	vpop (erf)  }
0x2e6: {  	v32 =	vnsel vm9, $0x0, v32  }
0x2e7: {  	[tilespmem:v7+s29+$0x0] =	vst.idx.msk $0xffff, v32  }
0x2e8: {  	[tilespmem:v7+s30+$0x0] =	vst.idx.msk $0xffff, v33  }
0x2e9: {  	v32 =	vld [tilespmem:$0x80]  }
0x2ea: {  	v33 =	vld [tilespmem:$0x220];
	_ =	sdelay $0x3  }
0x2eb: {  	v59 =	vshll.u32 v32, $0x2  }
0x2ec: {  	v33 =	vshll.u32 v33, $0x2;
	_ =	sdelay $0x3  }
0x2ed: {  	v60 =	vld.idx.msk [tilespmem:v59+s24+$0x0], $0xffff  }
0x2ee: {  	v36 =	vld.idx.msk [tilespmem:v33+s26+$0x0], $0xffff;
	_ =	sdelay $0x4  }
0x2ef: {  	v35 =	vadd.f32 v36, v60;
	_ =	sdelay $0x1  }
0x2f0: {  	v36 =	vmul.f32 $2.000000030e-01, v35;
	_ =	sdelay $0x1  }
0x2f1: {  	v35 =	vmax.f32 v35, v36  }
0x2f2: {  	v35 =	vmul.f32 $1.442695020e+00, v35;
	_ =	sdelay $0x1  }
0x2f3: {  	(erf) = vpow2.f32 v35;
	_ =	sdelay $0x7  }
0x2f4: {  	v61 =	vor.u32 $0x1, v59  }
0x2f5: {  	vm10 =	vlt.s32 v32, $0x2710;
	v63 =	vor.u32 $0x1, v33;
	v62 =	vpop (erf)  }
0x2f6: {  	v32 =	vnsel vm10, $0x0, v62  }
0x2f7: {  	[tilespmem:v8+s29+$0x0] =	vst.idx.msk $0xffff, v32  }
0x2f8: {  	[tilespmem:v8+s30+$0x0] =	vst.idx.msk $0xffff, v33  }
0x2f9: {  	v32 =	vld.idx.msk [tilespmem:v61+s24+$0x0], $0xffff  }
0x2fa: {  	v40 =	vld.idx.msk [tilespmem:v63+s26+$0x0], $0xffff;
	_ =	sdelay $0x4  }
0x2fb: {  	v32 =	vadd.f32 v40, v32;
	_ =	sdelay $0x1  }
0x2fc: {  	v35 =	vmul.f32 $2.000000030e-01, v32;
	_ =	sdelay $0x1  }
0x2fd: {  	v32 =	vmax.f32 v32, v35  }
0x2fe: {  	v32 =	vmul.f32 $1.442695020e+00, v32;
	_ =	sdelay $0x1  }
0x2ff: {  	(erf) = vpow2.f32 v32;
	_ =	sdelay $0x7  }
0x300: {  	v41 =	vor.u32 $0x2, v59  }
0x301: {  	v43 =	vor.u32 $0x2, v33;
	v42 =	vpop (erf)  }
0x302: {  	v35 =	vnsel vm10, $0x0, v42  }
0x303: {  	[tilespmem:v9+s29+$0x0] =	vst.idx.msk $0xffff, v35  }
0x304: {  	[tilespmem:v9+s30+$0x0] =	vst.idx.msk $0xffff, v63  }
0x305: {  	v32 =	vld.idx.msk [tilespmem:v41+s24+$0x0], $0xffff  }
0x306: {  	v35 =	vld.idx.msk [tilespmem:v43+s26+$0x0], $0xffff;
	_ =	sdelay $0x4  }
0x307: {  	v32 =	vadd.f32 v35, v32;
	_ =	sdelay $0x1  }
0x308: {  	v35 =	vmul.f32 $2.000000030e-01, v32;
	_ =	sdelay $0x1  }
0x309: {  	v32 =	vmax.f32 v32, v35  }
0x30a: {  	v32 =	vmul.f32 $1.442695020e+00, v32;
	_ =	sdelay $0x1  }
0x30b: {  	(erf) = vpow2.f32 v32;
	_ =	sdelay $0x7  }
0x30c: {  	v44 =	vor.u32 $0x3, v59  }
0x30d: {  	v33 =	vor.u32 $0x3, v33;
	v45 =	vpop (erf)  }
0x30e: {  	v34 =	vnsel vm10, $0x0, v45  }
0x30f: {  	[tilespmem:v10+s29+$0x0] =	vst.idx.msk $0xffff, v34  }
0x310: {  	[tilespmem:v10+s30+$0x0] =	vst.idx.msk $0xffff, v43  }
0x311: {  	v32 =	vld.idx.msk [tilespmem:v44+s24+$0x0], $0xffff  }
0x312: {  	v34 =	vld.idx.msk [tilespmem:v33+s26+$0x0], $0xffff;
	_ =	sdelay $0x4  }
0x313: {  	v32 =	vadd.f32 v34, v32;
	_ =	sdelay $0x1  }
0x314: {  	v34 =	vmul.f32 $2.000000030e-01, v32;
	_ =	sdelay $0x1  }
0x315: {  	v32 =	vmax.f32 v32, v34  }
0x316: {  	v32 =	vmul.f32 $1.442695020e+00, v32;
	_ =	sdelay $0x1  }
0x317: {  	(erf) = vpow2.f32 v32;
	_ =	sdelay $0x8  }
0x318: {  	v32 =	vpop (erf)  }
0x319: {  	v32 =	vnsel vm10, $0x0, v32  }
0x31a: {  	[tilespmem:v11+s29+$0x0] =	vst.idx.msk $0xffff, v32  }
0x31b: {  	[tilespmem:v11+s30+$0x0] =	vst.idx.msk $0xffff, v33  }
0x31c: {  	v32 =	vld [tilespmem:$0x90]  }
0x31d: {  	v33 =	vld [tilespmem:$0x230];
	_ =	sdelay $0x3  }
0x31e: {  	v46 =	vshll.u32 v32, $0x2  }
0x31f: {  	v33 =	vshll.u32 v33, $0x2;
	_ =	sdelay $0x3  }
0x320: {  	v47 =	vld.idx.msk [tilespmem:v46+s24+$0x0], $0xffff  }
0x321: {  	v36 =	vld.idx.msk [tilespmem:v33+s26+$0x0], $0xffff;
	_ =	sdelay $0x4  }
0x322: {  	v35 =	vadd.f32 v36, v47;
	_ =	sdelay $0x1  }
0x323: {  	v36 =	vmul.f32 $2.000000030e-01, v35;
	_ =	sdelay $0x1  }
0x324: {  	v35 =	vmax.f32 v35, v36  }
0x325: {  	v35 =	vmul.f32 $1.442695020e+00, v35;
	_ =	sdelay $0x1  }
0x326: {  	(erf) = vpow2.f32 v35;
	_ =	sdelay $0x7  }
0x327: {  	v48 =	vor.u32 $0x1, v46  }
0x328: {  	vm11 =	vlt.s32 v32, $0x2710;
	v50 =	vor.u32 $0x1, v33;
	v49 =	vpop (erf)  }
0x329: {  	v32 =	vnsel vm11, $0x0, v49  }
0x32a: {  	[tilespmem:v12+s29+$0x0] =	vst.idx.msk $0xffff, v32  }
0x32b: {  	[tilespmem:v12+s30+$0x0] =	vst.idx.msk $0xffff, v33  }
0x32c: {  	v32 =	vld.idx.msk [tilespmem:v48+s24+$0x0], $0xffff  }
0x32d: {  	v51 =	vld.idx.msk [tilespmem:v50+s26+$0x0], $0xffff;
	_ =	sdelay $0x4  }
0x32e: {  	v32 =	vadd.f32 v51, v32;
	_ =	sdelay $0x1  }
0x32f: {  	v35 =	vmul.f32 $2.000000030e-01, v32;
	_ =	sdelay $0x1  }
0x330: {  	v32 =	vmax.f32 v32, v35  }
0x331: {  	v32 =	vmul.f32 $1.442695020e+00, v32;
	_ =	sdelay $0x1  }
0x332: {  	(erf) = vpow2.f32 v32;
	_ =	sdelay $0x7  }
0x333: {  	v52 =	vor.u32 $0x2, v46  }
0x334: {  	v54 =	vor.u32 $0x2, v33;
	v53 =	vpop (erf)  }
0x335: {  	v35 =	vnsel vm11, $0x0, v53  }
0x336: {  	[tilespmem:v13+s29+$0x0] =	vst.idx.msk $0xffff, v35  }
0x337: {  	[tilespmem:v13+s30+$0x0] =	vst.idx.msk $0xffff, v50  }
0x338: {  	v32 =	vld.idx.msk [tilespmem:v52+s24+$0x0], $0xffff  }
0x339: {  	v35 =	vld.idx.msk [tilespmem:v54+s26+$0x0], $0xffff;
	_ =	sdelay $0x4  }
0x33a: {  	v32 =	vadd.f32 v35, v32;
	_ =	sdelay $0x1  }
0x33b: {  	v35 =	vmul.f32 $2.000000030e-01, v32;
	_ =	sdelay $0x1  }
0x33c: {  	v32 =	vmax.f32 v32, v35  }
0x33d: {  	v32 =	vmul.f32 $1.442695020e+00, v32;
	_ =	sdelay $0x1  }
0x33e: {  	(erf) = vpow2.f32 v32;
	_ =	sdelay $0x7  }
0x33f: {  	v55 =	vor.u32 $0x3, v46  }
0x340: {  	v33 =	vor.u32 $0x3, v33;
	v56 =	vpop (erf)  }
0x341: {  	v34 =	vnsel vm11, $0x0, v56  }
0x342: {  	[tilespmem:v14+s29+$0x0] =	vst.idx.msk $0xffff, v34  }
0x343: {  	[tilespmem:v14+s30+$0x0] =	vst.idx.msk $0xffff, v54  }
0x344: {  	v32 =	vld.idx.msk [tilespmem:v55+s24+$0x0], $0xffff  }
0x345: {  	v34 =	vld.idx.msk [tilespmem:v33+s26+$0x0], $0xffff;
	_ =	sdelay $0x4  }
0x346: {  	v32 =	vadd.f32 v34, v32;
	_ =	sdelay $0x1  }
0x347: {  	v34 =	vmul.f32 $2.000000030e-01, v32;
	_ =	sdelay $0x1  }
0x348: {  	v32 =	vmax.f32 v32, v34  }
0x349: {  	v32 =	vmul.f32 $1.442695020e+00, v32;
	_ =	sdelay $0x1  }
0x34a: {  	(erf) = vpow2.f32 v32;
	_ =	sdelay $0x8  }
0x34b: {  	v32 =	vpop (erf)  }
0x34c: {  	v32 =	vnsel vm11, $0x0, v32  }
0x34d: {  	[tilespmem:v15+s29+$0x0] =	vst.idx.msk $0xffff, v32  }
0x34e: {  	[tilespmem:v15+s30+$0x0] =	vst.idx.msk $0xffff, v33  }
0x34f: {  	v32 =	vld [tilespmem:$0x100]  }
0x350: {  	v33 =	vld [tilespmem:$0x240];
	_ =	sdelay $0x3  }
0x351: {  	v57 =	vshll.u32 v32, $0x2  }
0x352: {  	v33 =	vshll.u32 v33, $0x2;
	_ =	sdelay $0x3  }
0x353: {  	v58 =	vld.idx.msk [tilespmem:v57+s24+$0x0], $0xffff  }
0x354: {  	v36 =	vld.idx.msk [tilespmem:v33+s26+$0x0], $0xffff;
	_ =	sdelay $0x4  }
0x355: {  	v35 =	vadd.f32 v36, v58;
	_ =	sdelay $0x1  }
0x356: {  	v36 =	vmul.f32 $2.000000030e-01, v35;
	_ =	sdelay $0x1  }
0x357: {  	v35 =	vmax.f32 v35, v36  }
0x358: {  	v35 =	vmul.f32 $1.442695020e+00, v35;
	_ =	sdelay $0x1  }
0x359: {  	(erf) = vpow2.f32 v35;
	_ =	sdelay $0x7  }
0x35a: {  	v59 =	vor.u32 $0x1, v57  }
0x35b: {  	vm12 =	vlt.s32 v32, $0x2710;
	v61 =	vor.u32 $0x1, v33;
	v60 =	vpop (erf)  }
0x35c: {  	v32 =	vnsel vm12, $0x0, v60  }
0x35d: {  	[tilespmem:v16+s29+$0x0] =	vst.idx.msk $0xffff, v32  }
0x35e: {  	[tilespmem:v16+s30+$0x0] =	vst.idx.msk $0xffff, v33  }
0x35f: {  	v32 =	vld.idx.msk [tilespmem:v59+s24+$0x0], $0xffff  }
0x360: {  	v62 =	vld.idx.msk [tilespmem:v61+s26+$0x0], $0xffff;
	_ =	sdelay $0x4  }
0x361: {  	v32 =	vadd.f32 v62, v32;
	_ =	sdelay $0x1  }
0x362: {  	v35 =	vmul.f32 $2.000000030e-01, v32;
	_ =	sdelay $0x1  }
0x363: {  	v32 =	vmax.f32 v32, v35  }
0x364: {  	v32 =	vmul.f32 $1.442695020e+00, v32;
	_ =	sdelay $0x1  }
0x365: {  	(erf) = vpow2.f32 v32;
	_ =	sdelay $0x7  }
0x366: {  	v63 =	vor.u32 $0x2, v57  }
0x367: {  	v41 =	vor.u32 $0x2, v33;
	v40 =	vpop (erf)  }
0x368: {  	v35 =	vnsel vm12, $0x0, v40  }
0x369: {  	[tilespmem:v17+s29+$0x0] =	vst.idx.msk $0xffff, v35  }
0x36a: {  	[tilespmem:v17+s30+$0x0] =	vst.idx.msk $0xffff, v61  }
0x36b: {  	v32 =	vld.idx.msk [tilespmem:v63+s24+$0x0], $0xffff  }
0x36c: {  	v35 =	vld.idx.msk [tilespmem:v41+s26+$0x0], $0xffff;
	_ =	sdelay $0x4  }
0x36d: {  	v32 =	vadd.f32 v35, v32;
	_ =	sdelay $0x1  }
0x36e: {  	v35 =	vmul.f32 $2.000000030e-01, v32;
	_ =	sdelay $0x1  }
0x36f: {  	v32 =	vmax.f32 v32, v35  }
0x370: {  	v32 =	vmul.f32 $1.442695020e+00, v32;
	_ =	sdelay $0x1  }
0x371: {  	(erf) = vpow2.f32 v32;
	_ =	sdelay $0x7  }
0x372: {  	v42 =	vor.u32 $0x3, v57  }
0x373: {  	v33 =	vor.u32 $0x3, v33;
	v43 =	vpop (erf)  }
0x374: {  	v34 =	vnsel vm12, $0x0, v43  }
0x375: {  	[tilespmem:v18+s29+$0x0] =	vst.idx.msk $0xffff, v34  }
0x376: {  	[tilespmem:v18+s30+$0x0] =	vst.idx.msk $0xffff, v41  }
0x377: {  	v32 =	vld.idx.msk [tilespmem:v42+s24+$0x0], $0xffff  }
0x378: {  	v34 =	vld.idx.msk [tilespmem:v33+s26+$0x0], $0xffff;
	_ =	sdelay $0x4  }
0x379: {  	v32 =	vadd.f32 v34, v32;
	_ =	sdelay $0x1  }
0x37a: {  	v34 =	vmul.f32 $2.000000030e-01, v32;
	_ =	sdelay $0x1  }
0x37b: {  	v32 =	vmax.f32 v32, v34  }
0x37c: {  	v32 =	vmul.f32 $1.442695020e+00, v32;
	_ =	sdelay $0x1  }
0x37d: {  	(erf) = vpow2.f32 v32;
	_ =	sdelay $0x8  }
0x37e: {  	v32 =	vpop (erf)  }
0x37f: {  	v32 =	vnsel vm12, $0x0, v32  }
0x380: {  	[tilespmem:v19+s29+$0x0] =	vst.idx.msk $0xffff, v32  }
0x381: {  	[tilespmem:v19+s30+$0x0] =	vst.idx.msk $0xffff, v33  }
0x382: {  	v32 =	vld [tilespmem:$0x110]  }
0x383: {  	v33 =	vld [tilespmem:$0x250];
	_ =	sdelay $0x3  }
0x384: {  	v44 =	vshll.u32 v32, $0x2  }
0x385: {  	v33 =	vshll.u32 v33, $0x2;
	_ =	sdelay $0x3  }
0x386: {  	v45 =	vld.idx.msk [tilespmem:v44+s24+$0x0], $0xffff  }
0x387: {  	v36 =	vld.idx.msk [tilespmem:v33+s26+$0x0], $0xffff;
	_ =	sdelay $0x4  }
0x388: {  	v35 =	vadd.f32 v36, v45;
	_ =	sdelay $0x1  }
0x389: {  	v36 =	vmul.f32 $2.000000030e-01, v35;
	_ =	sdelay $0x1  }
0x38a: {  	v35 =	vmax.f32 v35, v36  }
0x38b: {  	v35 =	vmul.f32 $1.442695020e+00, v35;
	_ =	sdelay $0x1  }
0x38c: {  	(erf) = vpow2.f32 v35;
	_ =	sdelay $0x7  }
0x38d: {  	v46 =	vor.u32 $0x1, v44  }
0x38e: {  	vm13 =	vlt.s32 v32, $0x2710;
	v48 =	vor.u32 $0x1, v33;
	v47 =	vpop (erf)  }
0x38f: {  	v32 =	vnsel vm13, $0x0, v47  }
0x390: {  	[tilespmem:v20+s29+$0x0] =	vst.idx.msk $0xffff, v32  }
0x391: {  	[tilespmem:v20+s30+$0x0] =	vst.idx.msk $0xffff, v33  }
0x392: {  	v32 =	vld.idx.msk [tilespmem:v46+s24+$0x0], $0xffff  }
0x393: {  	v49 =	vld.idx.msk [tilespmem:v48+s26+$0x0], $0xffff;
	_ =	sdelay $0x4  }
0x394: {  	v32 =	vadd.f32 v49, v32;
	_ =	sdelay $0x1  }
0x395: {  	v35 =	vmul.f32 $2.000000030e-01, v32;
	_ =	sdelay $0x1  }
0x396: {  	v32 =	vmax.f32 v32, v35  }
0x397: {  	v32 =	vmul.f32 $1.442695020e+00, v32;
	_ =	sdelay $0x1  }
0x398: {  	(erf) = vpow2.f32 v32;
	_ =	sdelay $0x7  }
0x399: {  	v50 =	vor.u32 $0x2, v44  }
0x39a: {  	v52 =	vor.u32 $0x2, v33;
	v51 =	vpop (erf)  }
0x39b: {  	v35 =	vnsel vm13, $0x0, v51  }
0x39c: {  	[tilespmem:v21+s29+$0x0] =	vst.idx.msk $0xffff, v35  }
0x39d: {  	[tilespmem:v21+s30+$0x0] =	vst.idx.msk $0xffff, v48  }
0x39e: {  	v32 =	vld.idx.msk [tilespmem:v50+s24+$0x0], $0xffff  }
0x39f: {  	v35 =	vld.idx.msk [tilespmem:v52+s26+$0x0], $0xffff;
	_ =	sdelay $0x4  }
0x3a0: {  	v32 =	vadd.f32 v35, v32;
	_ =	sdelay $0x1  }
0x3a1: {  	v35 =	vmul.f32 $2.000000030e-01, v32;
	_ =	sdelay $0x1  }
0x3a2: {  	v32 =	vmax.f32 v32, v35  }
0x3a3: {  	v32 =	vmul.f32 $1.442695020e+00, v32;
	_ =	sdelay $0x1  }
0x3a4: {  	(erf) = vpow2.f32 v32;
	_ =	sdelay $0x7  }
0x3a5: {  	v53 =	vor.u32 $0x3, v44  }
0x3a6: {  	v33 =	vor.u32 $0x3, v33;
	v54 =	vpop (erf)  }
0x3a7: {  	v34 =	vnsel vm13, $0x0, v54  }
0x3a8: {  	[tilespmem:v22+s29+$0x0] =	vst.idx.msk $0xffff, v34  }
0x3a9: {  	[tilespmem:v22+s30+$0x0] =	vst.idx.msk $0xffff, v52  }
0x3aa: {  	v32 =	vld.idx.msk [tilespmem:v53+s24+$0x0], $0xffff  }
0x3ab: {  	v34 =	vld.idx.msk [tilespmem:v33+s26+$0x0], $0xffff;
	_ =	sdelay $0x4  }
0x3ac: {  	v32 =	vadd.f32 v34, v32;
	_ =	sdelay $0x1  }
0x3ad: {  	v34 =	vmul.f32 $2.000000030e-01, v32;
	_ =	sdelay $0x1  }
0x3ae: {  	v32 =	vmax.f32 v32, v34  }
0x3af: {  	v32 =	vmul.f32 $1.442695020e+00, v32;
	_ =	sdelay $0x1  }
0x3b0: {  	(erf) = vpow2.f32 v32;
	_ =	sdelay $0x8  }
0x3b1: {  	v32 =	vpop (erf)  }
0x3b2: {  	v32 =	vnsel vm13, $0x0, v32  }
0x3b3: {  	[tilespmem:v23+s29+$0x0] =	vst.idx.msk $0xffff, v32  }
0x3b4: {  	[tilespmem:v23+s30+$0x0] =	vst.idx.msk $0xffff, v33  }
0x3b5: {  	v32 =	vld [tilespmem:$0x180]  }
0x3b6: {  	v33 =	vld [tilespmem:$0x260];
	_ =	sdelay $0x3  }
0x3b7: {  	v55 =	vshll.u32 v32, $0x2  }
0x3b8: {  	v33 =	vshll.u32 v33, $0x2;
	_ =	sdelay $0x3  }
0x3b9: {  	v56 =	vld.idx.msk [tilespmem:v55+s24+$0x0], $0xffff  }
0x3ba: {  	v36 =	vld.idx.msk [tilespmem:v33+s26+$0x0], $0xffff;
	_ =	sdelay $0x4  }
0x3bb: {  	v35 =	vadd.f32 v36, v56;
	_ =	sdelay $0x1  }
0x3bc: {  	v36 =	vmul.f32 $2.000000030e-01, v35;
	_ =	sdelay $0x1  }
0x3bd: {  	v35 =	vmax.f32 v35, v36  }
0x3be: {  	v35 =	vmul.f32 $1.442695020e+00, v35;
	_ =	sdelay $0x1  }
0x3bf: {  	(erf) = vpow2.f32 v35;
	_ =	sdelay $0x7  }
0x3c0: {  	v57 =	vor.u32 $0x1, v55  }
0x3c1: {  	vm14 =	vlt.s32 v32, $0x2710;
	v59 =	vor.u32 $0x1, v33;
	v58 =	vpop (erf)  }
0x3c2: {  	v32 =	vnsel vm14, $0x0, v58  }
0x3c3: {  	[tilespmem:v24+s29+$0x0] =	vst.idx.msk $0xffff, v32  }
0x3c4: {  	[tilespmem:v24+s30+$0x0] =	vst.idx.msk $0xffff, v33  }
0x3c5: {  	v32 =	vld.idx.msk [tilespmem:v57+s24+$0x0], $0xffff  }
0x3c6: {  	v60 =	vld.idx.msk [tilespmem:v59+s26+$0x0], $0xffff;
	_ =	sdelay $0x4  }
0x3c7: {  	v32 =	vadd.f32 v60, v32;
	_ =	sdelay $0x1  }
0x3c8: {  	v35 =	vmul.f32 $2.000000030e-01, v32;
	_ =	sdelay $0x1  }
0x3c9: {  	v32 =	vmax.f32 v32, v35  }
0x3ca: {  	v32 =	vmul.f32 $1.442695020e+00, v32;
	_ =	sdelay $0x1  }
0x3cb: {  	(erf) = vpow2.f32 v32;
	_ =	sdelay $0x7  }
0x3cc: {  	v61 =	vor.u32 $0x2, v55  }
0x3cd: {  	v63 =	vor.u32 $0x2, v33;
	v62 =	vpop (erf)  }
0x3ce: {  	v35 =	vnsel vm14, $0x0, v62  }
0x3cf: {  	[tilespmem:v25+s29+$0x0] =	vst.idx.msk $0xffff, v35  }
0x3d0: {  	[tilespmem:v25+s30+$0x0] =	vst.idx.msk $0xffff, v59  }
0x3d1: {  	v32 =	vld.idx.msk [tilespmem:v61+s24+$0x0], $0xffff  }
0x3d2: {  	v35 =	vld.idx.msk [tilespmem:v63+s26+$0x0], $0xffff;
	_ =	sdelay $0x4  }
0x3d3: {  	v32 =	vadd.f32 v35, v32;
	_ =	sdelay $0x1  }
0x3d4: {  	v35 =	vmul.f32 $2.000000030e-01, v32;
	_ =	sdelay $0x1  }
0x3d5: {  	v32 =	vmax.f32 v32, v35  }
0x3d6: {  	v32 =	vmul.f32 $1.442695020e+00, v32;
	_ =	sdelay $0x1  }
0x3d7: {  	(erf) = vpow2.f32 v32;
	_ =	sdelay $0x7  }
0x3d8: {  	v38 =	vor.u32 $0x3, v55  }
0x3d9: {  	v33 =	vor.u32 $0x3, v33;
	v39 =	vpop (erf)  }
0x3da: {  	v34 =	vnsel vm14, $0x0, v39  }
0x3db: {  	[tilespmem:v26+s29+$0x0] =	vst.idx.msk $0xffff, v34  }
0x3dc: {  	[tilespmem:v26+s30+$0x0] =	vst.idx.msk $0xffff, v63  }
0x3dd: {  	v32 =	vld.idx.msk [tilespmem:v38+s24+$0x0], $0xffff  }
0x3de: {  	v34 =	vld.idx.msk [tilespmem:v33+s26+$0x0], $0xffff;
	_ =	sdelay $0x4  }
0x3df: {  	v32 =	vadd.f32 v34, v32;
	_ =	sdelay $0x1  }
0x3e0: {  	v34 =	vmul.f32 $2.000000030e-01, v32;
	_ =	sdelay $0x1  }
0x3e1: {  	v32 =	vmax.f32 v32, v34  }
0x3e2: {  	v32 =	vmul.f32 $1.442695020e+00, v32;
	_ =	sdelay $0x1  }
0x3e3: {  	(erf) = vpow2.f32 v32;
	_ =	sdelay $0x8  }
0x3e4: {  	v32 =	vpop (erf)  }
0x3e5: {  	v32 =	vnsel vm14, $0x0, v32  }
0x3e6: {  	[tilespmem:v27+s29+$0x0] =	vst.idx.msk $0xffff, v32  }
0x3e7: {  	[tilespmem:v27+s30+$0x0] =	vst.idx.msk $0xffff, v33  }
0x3e8: {  	v32 =	vld [tilespmem:$0x190]  }
0x3e9: {  	v33 =	vld [tilespmem:$0x270];
	_ =	sdelay $0x3  }
0x3ea: {  	v40 =	vshll.u32 v32, $0x2  }
0x3eb: {  	v33 =	vshll.u32 v33, $0x2;
	_ =	sdelay $0x3  }
0x3ec: {  	v41 =	vld.idx.msk [tilespmem:v40+s24+$0x0], $0xffff  }
0x3ed: {  	v36 =	vld.idx.msk [tilespmem:v33+s26+$0x0], $0xffff;
	_ =	sdelay $0x4  }
0x3ee: {  	v35 =	vadd.f32 v36, v41;
	_ =	sdelay $0x1  }
0x3ef: {  	v36 =	vmul.f32 $2.000000030e-01, v35;
	_ =	sdelay $0x1  }
0x3f0: {  	v35 =	vmax.f32 v35, v36  }
0x3f1: {  	v35 =	vmul.f32 $1.442695020e+00, v35;
	_ =	sdelay $0x1  }
0x3f2: {  	(erf) = vpow2.f32 v35;
	_ =	sdelay $0x7  }
0x3f3: {  	v42 =	vor.u32 $0x1, v40  }
0x3f4: {  	vm15 =	vlt.s32 v32, $0x2710;
	v44 =	vor.u32 $0x1, v33;
	v43 =	vpop (erf)  }
0x3f5: {  	v32 =	vnsel vm15, $0x0, v43  }
0x3f6: {  	[tilespmem:v28+s29+$0x0] =	vst.idx.msk $0xffff, v32  }
0x3f7: {  	[tilespmem:v28+s30+$0x0] =	vst.idx.msk $0xffff, v33  }
0x3f8: {  	v32 =	vld.idx.msk [tilespmem:v42+s24+$0x0], $0xffff  }
0x3f9: {  	v45 =	vld.idx.msk [tilespmem:v44+s26+$0x0], $0xffff;
	_ =	sdelay $0x4  }
0x3fa: {  	v32 =	vadd.f32 v45, v32;
	_ =	sdelay $0x1  }
0x3fb: {  	v35 =	vmul.f32 $2.000000030e-01, v32;
	_ =	sdelay $0x1  }
0x3fc: {  	v32 =	vmax.f32 v32, v35  }
0x3fd: {  	v32 =	vmul.f32 $1.442695020e+00, v32;
	_ =	sdelay $0x1  }
0x3fe: {  	(erf) = vpow2.f32 v32;
	_ =	sdelay $0x7  }
0x3ff: {  	v46 =	vor.u32 $0x2, v40  }
0x400: {  	v48 =	vor.u32 $0x2, v33;
	v47 =	vpop (erf)  }
0x401: {  	v35 =	vnsel vm15, $0x0, v47  }
0x402: {  	[tilespmem:v29+s29+$0x0] =	vst.idx.msk $0xffff, v35  }
0x403: {  	[tilespmem:v29+s30+$0x0] =	vst.idx.msk $0xffff, v44  }
0x404: {  	v32 =	vld.idx.msk [tilespmem:v46+s24+$0x0], $0xffff  }
0x405: {  	v35 =	vld.idx.msk [tilespmem:v48+s26+$0x0], $0xffff;
	_ =	sdelay $0x4  }
0x406: {  	v32 =	vadd.f32 v35, v32;
	_ =	sdelay $0x1  }
0x407: {  	v35 =	vmul.f32 $2.000000030e-01, v32;
	_ =	sdelay $0x1  }
0x408: {  	v32 =	vmax.f32 v32, v35  }
0x409: {  	v32 =	vmul.f32 $1.442695020e+00, v32;
	_ =	sdelay $0x1  }
0x40a: {  	(erf) = vpow2.f32 v32;
	_ =	sdelay $0x7  }
0x40b: {  	v49 =	vor.u32 $0x3, v40  }
0x40c: {  	v33 =	vor.u32 $0x3, v33;
	v50 =	vpop (erf)  }
0x40d: {  	v34 =	vnsel vm15, $0x0, v50  }
0x40e: {  	[tilespmem:v30+s29+$0x0] =	vst.idx.msk $0xffff, v34  }
0x40f: {  	[tilespmem:v30+s30+$0x0] =	vst.idx.msk $0xffff, v48  }
0x410: {  	v32 =	vld.idx.msk [tilespmem:v49+s24+$0x0], $0xffff  }
0x411: {  	v34 =	vld.idx.msk [tilespmem:v33+s26+$0x0], $0xffff;
	_ =	sdelay $0x4  }
0x412: {  	v32 =	vadd.f32 v34, v32;
	_ =	sdelay $0x1  }
0x413: {  	v34 =	vmul.f32 $2.000000030e-01, v32;
	_ =	sdelay $0x1  }
0x414: {  	v32 =	vmax.f32 v32, v34  }
0x415: {  	v32 =	vmul.f32 $1.442695020e+00, v32;
	_ =	sdelay $0x1  }
0x416: {  	(erf) = vpow2.f32 v32;
	_ =	sdelay $0x8  }
0x417: {  	v32 =	vpop (erf)  }
0x418: {  	v32 =	vnsel vm15, $0x0, v32  }
0x419: {  	[tilespmem:v31+s29+$0x0] =	vst.idx.msk $0xffff, v32  }
0x41a: {  	[tilespmem:v31+s30+$0x0] =	vst.idx.msk $0xffff, v33  }
0x41b: {  	[spmem:s5] =	stream.indirect.scatter.add.f32 [tilespmem:s29], [sflag:$0x2], $0x1, s30, s31, $0xb8;
	[tilespmem:$0x1DB80] =	vst v63  }
0x41c: {  	_ =	swait.ge [sflag:s25], $0x80  }
0x41d: {  	[sflag:s25] =	ssyncset.done $0x0  }
0x41e: {  	[sflag:s25] =	ssyncadd.s32 $0xFFFFFF80  }
0x41f: {  	[spmem:s5] =	stream.indirect.scatter.add.f32 [tilespmem:s2], [sflag:$0x2], $0x1, s0, s31, $0xb8;
	[tilespmem:$0x1DB80] =	vst v63  }
0x420: {  	_ =	swait.ge [sflag:s25], $0x80  }
0x421: {  	[sflag:s25] =	ssyncset.done $0x0  }
0x422: {  	[sflag:s25] =	ssyncadd.s32 $0xFFFFFF80  }
0x423: {  	[spmem:s5] =	stream.indirect.scatter.add.f32 [tilespmem:s7], [sflag:$0x2], $0x1, s6, s31, $0xb8;
	[tilespmem:$0x1DB80] =	vst v63  }
0x424: {  	_ =	swait.ge [sflag:s25], $0x80  }
0x425: {  	[sflag:s25] =	ssyncset.done $0x0  }
0x426: {  	[sflag:s25] =	ssyncadd.s32 $0xFFFFFF80  }
0x427: {  	[spmem:s5] =	stream.indirect.scatter.add.f32 [tilespmem:s10], [sflag:$0x2], $0x1, s8, s31, $0xb8;
	[tilespmem:$0x1DB80] =	vst v63  }
0x428: {  	_ =	swait.ge [sflag:s25], $0x80  }
0x429: {  	[sflag:s25] =	ssyncset.done $0x0  }
0x42a: {  	[sflag:s25] =	ssyncadd.s32 $0xFFFFFF80  }
0x42b: {  	[tilespmem:s16], [sflag:$0x1] =	stream.indirect.gather [hbm4b:s1+s12], $0x80, s14, s12, $0xb8;
	[tilespmem:$0x1DB80] =	vst v63  }
0x42c: {  	_ = 	snop  }
0x42d: {  	[tilespmem:s17], [sflag:$0x1] =	stream.indirect.gather [hbm4b:s1+s12], $0x80, s31, s12, $0xb8;
	[tilespmem:$0x1DB80] =	vst v63  }
0x42e: {  	_ = 	snop  }
0x42f: {  	[tilespmem:s21], [sflag:$0x1] =	stream.indirect.gather [hbm4b:s1+s12], $0x80, s18, s12, $0xb8;
	[tilespmem:$0x1DB80] =	vst v63  }
0x430: {  	_ = 	snop  }
0x431: {  	[tilespmem:s23], [sflag:$0x1] =	stream.indirect.gather [hbm4b:s1+s12], $0x80, s22, s12, $0xb8;
	[tilespmem:$0x1DB80] =	vst v63  }
0x432: {  	_ =	swait.ge [sflag:s11], $0x1000  }
0x433: {  	[sflag:s11] =	ssyncset.done $0x0  }
0x434: {  	[sflag:s11] =	ssyncadd.s32 $0xFFFFF000  }
0x435: {  	_ =	swait.ge [sflag:s11], $0x1000  }
0x436: {  	[sflag:s11] =	ssyncset.done $0x0  }
0x437: {  	[sflag:s11] =	ssyncadd.s32 $0xFFFFF000  }
0x438: {  	_ =	swait.ge [sflag:s11], $0x1000  }
0x439: {  	v51 =	vmov s14;
	[sflag:s11] =	ssyncset.done $0x0  }
0x43a: {  	[sflag:s11] =	ssyncadd.s32 $0xFFFFF000  }
0x43b: {  	_ =	swait.ge [sflag:s11], $0x1000  }
0x43c: {  	[sflag:s11] =	ssyncset.done $0x0  }
0x43d: {  	[sflag:s11] =	ssyncadd.s32 $0xFFFFF000  }
0x43e: {  	s4 =	simm.s32 $0x6C0;
	v52 =	vld.idx.msk [tilespmem:v51+s29+$0x0], $0xffff  }
0x43f: {  	v53 =	vld [tilespmem:s4+$0xFFFFFFC0]  }
0x440: {  	v54 =	vld [tilespmem:s4+$0xFFFFFFD0];
	_ =	sdelay $0x2  }
0x441: {  	v55 =	vor.u32 $0x80, v51  }
0x442: {  	v34 =	vmul.f32 v53, v52  }
0x443: {  	v33 =	vmul.f32 v54, v52  }
0x444: {  	[tilespmem:s4+$0xFFFFFFC0] =	vst v34  }
0x445: {  	v56 =	vld [tilespmem:s4+$0xFFFFFFE0];
	[tilespmem:s4+$0xFFFFFFD0] =	vst v33  }
0x446: {  	v33 =	vld.idx.msk [tilespmem:v55+s29+$0x0], $0xffff  }
0x447: {  	v57 =	vld [tilespmem:s4+$0xFFFFFFF0];
	_ =	sdelay $0x2  }
0x448: {  	v58 =	vor.u32 $0x100, v51  }
0x449: {  	v34 =	vmul.f32 v56, v33  }
0x44a: {  	v33 =	vmul.f32 v57, v33  }
0x44b: {  	[tilespmem:s4+$0xFFFFFFE0] =	vst v34  }
0x44c: {  	v59 =	vld [tilespmem:s4+$0x10];
	[tilespmem:s4+$0xFFFFFFF0] =	vst v33  }
0x44d: {  	v34 =	vld.idx.msk [tilespmem:v58+s29+$0x0], $0xffff  }
0x44e: {  	v60 =	vld [tilespmem:s4+$0x0];
	_ =	sdelay $0x2  }
0x44f: {  	v32 =	vor.u32 $0x180, v51  }
0x450: {  	v33 =	vmul.f32 v59, v34  }
0x451: {  	v34 =	vmul.f32 v60, v34  }
0x452: {  	[tilespmem:s4+$0x10] =	vst v33  }
0x453: {  	v63 =	vld [tilespmem:s4+$0x20];
	[tilespmem:s4+$0x0] =	vst v34  }
0x454: {  	v62 =	vld.idx.msk [tilespmem:v32+s29+$0x0], $0xffff  }
0x455: {  	v61 =	vld [tilespmem:s4+$0x30];
	_ =	sdelay $0x1  }
0x456: {  	s19 =	simm.s32 $0x1  }
0x457: {  	v32 =	vmov s19  }
0x458: {  	v34 =	vmul.f32 v63, v62  }
0x459: {  	s15 =	smov.u32 s13;
	s13 =	simm.s32 $0x2;
	v33 =	vmul.f32 v61, v62  }
.LBB2_7:
0x45a: {  	p0 =	sne.s32 s13, $0x7F;
	[tilespmem:s4+$0x20] =	vst v34  }
0x45b: {  	[tilespmem:s4+$0x30] =	vst v33  }
0x45c: {  	s4 =	sadd.s32 $0x80, s4;
	v33 =	vld.idx.msk [tilespmem:v32+s29+$0x0], $0xffff  }
0x45d: {  	v34 =	vld [tilespmem:s4+$0xFFFFFFC0]  }
0x45e: {  	v35 =	vld [tilespmem:s4+$0xFFFFFFD0];
	_ =	sdelay $0x2  }
0x45f: {  	v36 =	vor.u32 $0x80, v32  }
0x460: {  	v34 =	vmul.f32 v34, v33  }
0x461: {  	v33 =	vmul.f32 v35, v33  }
0x462: {  	[tilespmem:s4+$0xFFFFFFC0] =	vst v34  }
0x463: {  	[tilespmem:s4+$0xFFFFFFD0] =	vst v33  }
0x464: {  	v33 =	vld.idx.msk [tilespmem:v36+s29+$0x0], $0xffff  }
0x465: {  	v34 =	vld [tilespmem:s4+$0xFFFFFFE0]  }
0x466: {  	v35 =	vld [tilespmem:s4+$0xFFFFFFF0];
	_ =	sdelay $0x2  }
0x467: {  	v36 =	vor.u32 $0x100, v32  }
0x468: {  	v34 =	vmul.f32 v34, v33  }
0x469: {  	v33 =	vmul.f32 v35, v33  }
0x46a: {  	[tilespmem:s4+$0xFFFFFFE0] =	vst v34  }
0x46b: {  	[tilespmem:s4+$0xFFFFFFF0] =	vst v33;
	v33 =	vld [tilespmem:s4+$0x10]  }
0x46c: {  	v34 =	vld.idx.msk [tilespmem:v36+s29+$0x0], $0xffff  }
0x46d: {  	v35 =	vld [tilespmem:s4+$0x0];
	_ =	sdelay $0x3  }
0x46e: {  	v32 =	vor.u32 $0x180, v32  }
0x46f: {  	v33 =	vmul.f32 v33, v34;
	v35 =	vmul.f32 v35, v34;
	_ =	sdelay $0x1  }
0x470: {  	[tilespmem:s4+$0x10] =	vst v33  }
0x471: {  	[tilespmem:s4+$0x0] =	vst v35;
	v33 =	vld [tilespmem:s4+$0x30]  }
0x472: {  	v35 =	vld.idx.msk [tilespmem:v32+s29+$0x0], $0xffff  }
0x473: {  	v34 =	vld [tilespmem:s4+$0x20];
	_ =	sdelay $0x1  }
.Ltmp2:
0x474: {  	(pc) =	sbr.rel @p0 .LBB2_7-.Ltmp2, $4  }
0x475: {  	_ = 	snop  }
0x476: {  	v32 =	vmov s13  }
0x477: {  	v33 =	vmul.f32 v33, v35;
	v34 =	vmul.f32 v34, v35  }
0x478: {  	s13 =	sadd.s32 $0x1, s13  }
0x479: {  	_ =	sdelay $0x1  }
0x47a: {  	[tilespmem:s4+$0x20] =	vst v34  }
0x47b: {  	[tilespmem:s4+$0x30] =	vst v33  }
0x47c: {  	s13 =	sadd.s32 $0x80, s4;
	v33 =	vld.idx.msk [tilespmem:v32+s29+$0x0], $0xffff  }
0x47d: {  	v55 =	vld [tilespmem:s13+$0xFFFFFFC0]  }
0x47e: {  	v35 =	vld [tilespmem:s13+$0xFFFFFFD0];
	_ =	sdelay $0x2  }
0x47f: {  	v36 =	vor.u32 $0x80, v32  }
0x480: {  	v34 =	vmul.f32 v55, v33  }
0x481: {  	v33 =	vmul.f32 v35, v33  }
0x482: {  	[tilespmem:s13+$0xFFFFFFC0] =	vst v34  }
0x483: {  	v56 =	vld [tilespmem:s13+$0xFFFFFFE0];
	[tilespmem:s13+$0xFFFFFFD0] =	vst v33  }
0x484: {  	v33 =	vld.idx.msk [tilespmem:v36+s29+$0x0], $0xffff  }
0x485: {  	v57 =	vld [tilespmem:s13+$0xFFFFFFF0];
	_ =	sdelay $0x2  }
0x486: {  	v58 =	vor.u32 $0x100, v32  }
0x487: {  	v34 =	vmul.f32 v56, v33  }
0x488: {  	v33 =	vmul.f32 v57, v33  }
0x489: {  	[tilespmem:s13+$0xFFFFFFE0] =	vst v34  }
0x48a: {  	v59 =	vld [tilespmem:s13+$0x10];
	[tilespmem:s13+$0xFFFFFFF0] =	vst v33  }
0x48b: {  	v34 =	vld.idx.msk [tilespmem:v58+s29+$0x0], $0xffff  }
0x48c: {  	v60 =	vld [tilespmem:s13+$0x0];
	_ =	sdelay $0x2  }
0x48d: {  	v61 =	vor.u32 $0x180, v32  }
0x48e: {  	v33 =	vmul.f32 v59, v34  }
0x48f: {  	v34 =	vmul.f32 v60, v34  }
0x490: {  	[tilespmem:s13+$0x10] =	vst v33  }
0x491: {  	v62 =	vld [tilespmem:s13+$0x20];
	[tilespmem:s13+$0x0] =	vst v34  }
0x492: {  	v32 =	vld.idx.msk [tilespmem:v61+s29+$0x0], $0xffff  }
0x493: {  	v63 =	vld [tilespmem:s13+$0x30];
	_ =	sdelay $0x3  }
0x494: {  	v33 =	vmul.f32 v62, v32  }
0x495: {  	s3 =	sadd.s32 $0x1, s3;
	v32 =	vmul.f32 v63, v32  }
0x496: {  	p0 =	sne.s32 s3, $0x51;
	[tilespmem:s13+$0x20] =	vst v33  }
.Ltmp3:
0x497: {  	s19 =	rddreg [dreg:$0x2];
	[tilespmem:s13+$0x30] =	vst v32;
	(pc) =	sbr.rel @p0 .LBB2_6-.Ltmp3, $4  }
0x498: {  	[spmem:s19] =	stream.indirect.scatter.add.f32 [tilespmem:s16], [sflag:$0x2], $0x80, s28, s31, $0xb8;
	[tilespmem:$0x1DB80] =	vst v63  }
0x499: {  	_ =	swait.ge [sflag:s25], $0x4000  }
0x49a: {  	[sflag:s25] =	ssyncset.done $0x0  }
0x49b: {  	s13 =	smov.u32 s15;
	[sflag:s25] =	ssyncadd.s32 $0xFFFFC000  }
0x49c: {  	[bflag:$0x0] =	sbarrier.arrive $0xFFFF  }
0x49d: {  	s3 =	rddreg [dreg:$0x10]  }
0x49e: {  	s14 =	rddreg [dreg:$0x14]  }
0x49f: {  	s4 =	rddreg [dreg:$0x15]  }
0x4a0: {  	[hbm:s3], [sflag:s14] =	dma.local [spmem:s4], $0x1400  }
0x4a1: {  	_ =	swait.ge [sflag:s25], $0x1400  }
0x4a2: {  	[sflag:s25] =	ssyncset.done $0x0;
	s4 =	rddreg [dreg:$0x11]  }
0x4a3: {  	s19 =	simm.s32 $0x10;
	s15 =	rddreg [dreg:$0x16];
	[sflag:s25] =	ssyncadd.s32 $0xFFFFEC00  }
0x4a4: {  	[hbm:s4@s12], [sflag:s14] =	dma.strided [spmem:s15@s19], $0xA0, s11, $0x10   }
0x4a5: {  	_ =	swait.ge [sflag:s25], $0xA0  }
0x4a6: {  	s15 =	rddreg [dreg:$0x13]  }
0x4a7: {  	s19 =	rddreg [dreg:$0x12];
	s4 =	sadd.s32 $0x1, s15  }
0x4a8: {  	p0 =	sne.s32 s4, s19  }
.Ltmp4:
0x4a9: {  	_ = 	snop;
	(pc) =	sbr.rel @p0 .LBB2_1-.Ltmp4, $3  }
0x4aa: {  	_ =	sdelay $0x1  }
0x4ab: {  	[sflag:s25] =	ssyncset.done $0x0  }
0x4ac: {  	[sflag:s25] =	ssyncadd.s32 $0xFFFFFF60;
	s15 =	rddreg [dreg:$0x8]  }
0x4ad: {  	_ =	sfence.sel $0x180000  }
0x4ae: {  	[bflag:$0x0] =	sbarrier.arrive $0xFFFF  }
0x4af: {  	_ =	strace $0x90000047  }
0x4b0: {  	s0 =	stileid.u32;
	[bflag:$0x2] =	sbarrier.arrive $0xFFFF  }
0x4b1: {  	p0 =	sne.s32 s0, $0x0;
	s0 =	rddreg [dreg:$0x4]  }
0x4b2: {  	s0 =	sadd.s32 @!p0 $0x100000, s0  }
0x4b3: {  	[sflag:s0] =	ssyncadd.tile.s32 @!p0 $0x1;
	_ =	shalt  }
.Lfunc_end2:
_tile_overlayer_lowered:
.L_overlay_start_2:
0x4b4: {  	(tag) =	ssettag $0x2  }
0x4b5: {  	s0 =	rddreg [dreg:$0x0];
	s2 =	stileid.u32  }
0x4b6: {  	s1 =	rddreg [dreg:$0x1];
	p0 =	sne.s32 s2, $0x0  }
0x4b7: {  	s3 =	rddreg [dreg:$0x2];
	[bflag:$0x3] =	sbarrier.arrive $0xFFFF;
	s2 =	simm.s32 @!p0 $0x1C02  }
0x4b8: {  	[timem:s3], [sflag:s2] =	dma.local @!p0 [hbm:s0], s1  }
0x4b9: {  	s0 =	simm.s32 @!p0 $0x2  }
0x4ba: {  	_ =	swait.ge @!p0 [sflag:s0], s1  }
0x4bb: {  	s1 =	ssub.s32 @!p0 $0x0, s1;
	[sflag:s0] =	ssyncset.done @!p0 $0x0  }
0x4bc: {  	[sflag:s0] =	ssyncadd.s32 @!p0 s1  }
0x4bd: {  	[bflag:$0x3] =	sbarrier.arrive $0xFFFF  }
0x4be: {  	_ =	shalt  }

</sc_bundles>
